<compile_context>
chip_gen: v7x
topology: tpu7x:2x2x1
jax: 0.10.2.dev20260603
libtpu: 0.0.44.dev20260713+nightly
codegen_flags: <defaults>
</compile_context>

<pallas_src>
import functools

import jax
import jax.numpy as jnp
import numpy as np
from jax import lax
from jax.experimental import pallas as pl
from jax.experimental.pallas import tpu as pltpu
from jax.experimental.pallas import tpu_sc as plsc

N = 10000
E = 160000
NM = 3
N3 = N * NM
E3 = E * NM
N3P = 30720
E3P = 491520
NODE_FDIM = 128
NS = 16
DEMB = 32
NG = 16
MAX_RADIUS = 10.0
TD = 32

BE = 2560
BN = 1024
ALPHA = 1.0 / np.sqrt(NS)
ALPHA2 = 1.0 / np.sqrt(2 * NS)
SQRT3 = np.sqrt(3.0)


def _mm(a, w, b):
    return jnp.dot(a, w, preferred_element_type=jnp.float32) + b


def _mmb(a, w, b):
    return jnp.dot(a.astype(jnp.bfloat16), w,
                   preferred_element_type=jnp.float32) + b


def _mk_routes():
    r1 = np.zeros((NS, 2 * NS * NS), np.float32)
    s1 = np.zeros((2 * NS * NS, 2 * NS), np.float32)
    r2 = np.zeros((2 * NS, 2 * NS * NS), np.float32)
    s2 = np.zeros((2 * NS * NS, NS), np.float32)
    for i in range(NS):
        for o in range(NS):
            for j in range(2):
                r1[i, j * NS * NS + i * NS + o] = 1.0
                s1[j * NS * NS + i * NS + o, j * NS + o] = 1.0
            r2[i, i * NS + o] = 1.0
            r2[NS + i, NS * NS + i * NS + o] = 1.0
            s2[i * NS + o, o] = 1.0
            s2[NS * NS + i * NS + o, o] = 1.0 / SQRT3
    return r1, s1, r2, s2


_R1_np, _S1_np, _R2_np, _S2_np = _mk_routes()


def _node_body(x_ref, pos_ref, w1_ref, b1_ref, w2_ref, b2_ref, t1_ref):
    h = _mm(jax.nn.relu(_mm(x_ref[...], w1_ref[...], b1_ref[...])),
            w2_ref[...], b2_ref[...])
    pad = jnp.zeros((BN, TD - NS - 3), jnp.float32)
    t1_ref[...] = jnp.concatenate([h, pos_ref[...], pad], axis=1)


def _node_mlp(x, pos, p):
    grid = (N3P // BN,)
    return pl.pallas_call(
        _node_body,
        grid=grid,
        in_specs=[
            pl.BlockSpec((BN, NODE_FDIM), lambda i: (i, 0)),
            pl.BlockSpec((BN, 3), lambda i: (i, 0)),
            pl.BlockSpec((NODE_FDIM, NS), lambda i: (0, 0)),
            pl.BlockSpec((1, NS), lambda i: (0, 0)),
            pl.BlockSpec((NS, NS), lambda i: (0, 0)),
            pl.BlockSpec((1, NS), lambda i: (0, 0)),
        ],
        out_specs=pl.BlockSpec((BN, TD), lambda i: (i, 0)),
        out_shape=jax.ShapeDtypeStruct((N3P, TD), jnp.float32),
    )(x, pos, p["node_W1"], p["node_b1"].reshape(1, NS),
      p["node_W2"], p["node_b2"].reshape(1, NS))


def _edge1_body(gs_ref, gd_ref, ew1_ref, eb1_ref, ew2_ref, eb2_ref,
                fw1_ref, fb1_ref, fw2_ref, fb2_ref, r_ref, s_ref,
                tpa_ref, tpb_ref, ea_ref, sh_ref):
    gs = gs_ref[...]
    gd = gd_ref[...]
    ev = gd[:, NS:NS + 3] - gs[:, NS:NS + 3]
    d2 = (ev[:, 0:1] * ev[:, 0:1] + ev[:, 1:2] * ev[:, 1:2]
          + ev[:, 2:3] * ev[:, 2:3])
    dist = jnp.sqrt(d2 + 1e-12)
    sh1 = SQRT3 * ev / dist
    step = MAX_RADIUS / (DEMB - 1)
    mu = step * lax.broadcasted_iota(jnp.int32, (1, DEMB), 1).astype(jnp.float32)
    coeff = -0.5 / step ** 2
    rbf = jnp.exp(coeff * (dist - mu) ** 2)
    ea = _mm(jax.nn.relu(_mm(rbf, ew1_ref[...], eb1_ref[...])),
             ew2_ref[...], eb2_ref[...])
    e_in = jnp.concatenate([ea, gd[:, :NS], gs[:, :NS]], axis=1)
    w = _mmb(jax.nn.relu(_mmb(e_in, fw1_ref[...], fb1_ref[...])),
             fw2_ref[...], fb2_ref[...])
    u = gs[:, :NS]
    rep = jnp.dot(u.astype(jnp.bfloat16), r_ref[...],
                  preferred_element_type=jnp.float32)
    prod = rep * w
    ot = jnp.dot(prod.astype(jnp.bfloat16), s_ref[...],
                 preferred_element_type=jnp.float32)
    o0 = ot[:, :NS]
    t1 = ot[:, NS:]
    tpa_ref[...] = jnp.concatenate(
        [ALPHA * o0, ALPHA * t1 * sh1[:, 0:1]], axis=1)
    tpb_ref[...] = jnp.concatenate(
        [ALPHA * t1 * sh1[:, 1:2], ALPHA * t1 * sh1[:, 2:3]], axis=1)
    ea_ref[...] = ea
    sh_ref[...] = jnp.concatenate([sh1, jnp.zeros((BE, 1), jnp.float32)],
                                  axis=1)


def _edge1(gsrc, gdst, p):
    grid = (E3P // BE,)
    wspec = lambda s: pl.BlockSpec(s, lambda i: (0, 0))
    return pl.pallas_call(
        _edge1_body,
        grid=grid,
        in_specs=[
            pl.BlockSpec((BE, TD), lambda i: (i, 0)),
            pl.BlockSpec((BE, TD), lambda i: (i, 0)),
            wspec((DEMB, NS)), wspec((1, NS)), wspec((NS, NS)), wspec((1, NS)),
            wspec((3 * NS, 3 * NS)), wspec((1, 3 * NS)),
            wspec((3 * NS, 2 * NS * NS)), wspec((1, 2 * NS * NS)),
            wspec((NS, 2 * NS * NS)), wspec((2 * NS * NS, 2 * NS)),
        ],
        out_specs=[
            pl.BlockSpec((BE, 2 * NS), lambda i: (i, 0)),
            pl.BlockSpec((BE, 2 * NS), lambda i: (i, 0)),
            pl.BlockSpec((BE, NS), lambda i: (i, 0)),
            pl.BlockSpec((BE, 4), lambda i: (i, 0)),
        ],
        out_shape=[
            jax.ShapeDtypeStruct((E3P, 2 * NS), jnp.float32),
            jax.ShapeDtypeStruct((E3P, 2 * NS), jnp.float32),
            jax.ShapeDtypeStruct((E3P, NS), jnp.float32),
            jax.ShapeDtypeStruct((E3P, 4), jnp.float32),
        ],
    )(gsrc, gdst, p["edge_W1"], p["edge_b1"].reshape(1, NS),
      p["edge_W2"], p["edge_b2"].reshape(1, NS),
      p["fc0_W1"].astype(jnp.bfloat16), p["fc0_b1"].reshape(1, 3 * NS),
      p["fc0_W2"].astype(jnp.bfloat16), p["fc0_b2"].reshape(1, 2 * NS * NS),
      jnp.asarray(_R1_np).astype(jnp.bfloat16),
      jnp.asarray(_S1_np).astype(jnp.bfloat16))


def _x1_body(t1_ref, pa0_ref, pa1_ref, pb0_ref, pb1_ref, cnt_ref,
             lo_ref, hi_ref):
    h = t1_ref[:, :NS]
    rec = 1.0 / jnp.maximum(cnt_ref[...], 1.0)
    agg_a = (pa0_ref[...] + pa1_ref[...]) * rec
    agg_b = (pb0_ref[...] + pb1_ref[...]) * rec
    lo_ref[...] = jnp.concatenate([h + agg_a[:, :NS], agg_a[:, NS:]], axis=1)
    hi_ref[...] = agg_b


def _x1_stage(t1, pa0, pa1, pb0, pb1, cnt):
    grid = (N3P // BN,)
    return pl.pallas_call(
        _x1_body,
        grid=grid,
        in_specs=[
            pl.BlockSpec((BN, TD), lambda i: (i, 0)),
            pl.BlockSpec((BN, 2 * NS), lambda i: (i, 0)),
            pl.BlockSpec((BN, 2 * NS), lambda i: (i, 0)),
            pl.BlockSpec((BN, 2 * NS), lambda i: (i, 0)),
            pl.BlockSpec((BN, 2 * NS), lambda i: (i, 0)),
            pl.BlockSpec((BN, 1), lambda i: (i, 0)),
        ],
        out_specs=[
            pl.BlockSpec((BN, 2 * NS), lambda i: (i, 0)),
            pl.BlockSpec((BN, 2 * NS), lambda i: (i, 0)),
        ],
        out_shape=[
            jax.ShapeDtypeStruct((N3P, 2 * NS), jnp.float32),
            jax.ShapeDtypeStruct((N3P, 2 * NS), jnp.float32),
        ],
    )(t1, pa0, pa1, pb0, pb1, cnt)


def _edge2_body(ga_ref, gb_ref, gd_ref, ea_ref, sh_ref, fw1_ref, fb1_ref,
                fw2_ref, fb2_ref, r_ref, s_ref, tp_ref):
    ga = ga_ref[...]
    gb = gb_ref[...]
    ea = ea_ref[...]
    sh = sh_ref[...]
    e_in = jnp.concatenate([ea, gd_ref[:, :NS], ga[:, :NS]], axis=1)
    w = _mmb(jax.nn.relu(_mmb(e_in, fw1_ref[...], fb1_ref[...])),
             fw2_ref[...], fb2_ref[...])
    s0 = ga[:, :NS]
    s1k = [ga[:, NS:2 * NS], gb[:, :NS], gb[:, NS:2 * NS]]
    pvec = jnp.zeros((BE, NS), jnp.float32)
    for k in range(3):
        pvec = pvec + s1k[k] * sh[:, k:k + 1]
    cat = jnp.concatenate([s0, pvec], axis=1)
    rep = jnp.dot(cat.astype(jnp.bfloat16), r_ref[...],
                  preferred_element_type=jnp.float32)
    prod = rep * w
    o0 = jnp.dot(prod.astype(jnp.bfloat16), s_ref[...],
                 preferred_element_type=jnp.float32)
    tp_ref[...] = ALPHA2 * o0


def _edge2(ga, gb, gd, ea, sh, p):
    fw2 = jnp.concatenate([p["fc1_W2"][:, 0:NS * NS],
                           p["fc1_W2"][:, 3 * NS * NS:4 * NS * NS]], axis=1)
    fb2 = jnp.concatenate([p["fc1_b2"][0:NS * NS],
                           p["fc1_b2"][3 * NS * NS:4 * NS * NS]]).reshape(1, -1)
    grid = (E3P // BE,)
    wspec = lambda s: pl.BlockSpec(s, lambda i: (0, 0))
    return pl.pallas_call(
        _edge2_body,
        grid=grid,
        in_specs=[
            pl.BlockSpec((BE, 2 * NS), lambda i: (i, 0)),
            pl.BlockSpec((BE, 2 * NS), lambda i: (i, 0)),
            pl.BlockSpec((BE, 2 * NS), lambda i: (i, 0)),
            pl.BlockSpec((BE, NS), lambda i: (i, 0)),
            pl.BlockSpec((BE, 4), lambda i: (i, 0)),
            wspec((3 * NS, 3 * NS)), wspec((1, 3 * NS)),
            wspec((3 * NS, 2 * NS * NS)), wspec((1, 2 * NS * NS)),
            wspec((2 * NS, 2 * NS * NS)), wspec((2 * NS * NS, NS)),
        ],
        out_specs=pl.BlockSpec((BE, NS), lambda i: (i, 0)),
        out_shape=jax.ShapeDtypeStruct((E3P, NS), jnp.float32),
    )(ga, gb, gd, ea, sh,
      p["fc1_W1"].astype(jnp.bfloat16), p["fc1_b1"].reshape(1, 3 * NS),
      fw2.astype(jnp.bfloat16), fb2,
      jnp.asarray(_R2_np).astype(jnp.bfloat16),
      jnp.asarray(_S2_np).astype(jnp.bfloat16))


def _final_body(x1lo_ref, qa_ref, qb_ref, cnt_ref, bat_ref,
                w1_ref, b1_ref, w2_ref, b2_ref, w3_ref, b3_ref, out_ref):
    rec = 1.0 / jnp.maximum(cnt_ref[...], 1.0)
    xf = x1lo_ref[:, :NS] + (qa_ref[...] + qb_ref[...]) * rec
    hh = jax.nn.relu(_mm(xf, w1_ref[...], b1_ref[...]))
    hh = jax.nn.relu(_mm(hh, w2_ref[...], b2_ref[...]))
    sn = _mm(hh, w3_ref[...], b3_ref[...])
    gid = lax.broadcasted_iota(jnp.int32, (1, 3 * NG), 1).astype(jnp.float32)
    mask = (bat_ref[...] == gid).astype(jnp.float32)
    part = jnp.sum(mask * sn, axis=0, keepdims=True)

    @pl.when(pl.program_id(0) == 0)
    def _():
        out_ref[...] = jnp.zeros((1, 3 * NG), jnp.float32)

    out_ref[...] += part


def _final_stage(x1lo, qa, qb, cnt, batf, p):
    grid = (N3P // BN,)
    wspec = lambda s: pl.BlockSpec(s, lambda i: (0, 0))
    return pl.pallas_call(
        _final_body,
        grid=grid,
        in_specs=[
            pl.BlockSpec((BN, 2 * NS), lambda i: (i, 0)),
            pl.BlockSpec((BN, NS), lambda i: (i, 0)),
            pl.BlockSpec((BN, NS), lambda i: (i, 0)),
            pl.BlockSpec((BN, 1), lambda i: (i, 0)),
            pl.BlockSpec((BN, 1), lambda i: (i, 0)),
            wspec((NS, 2 * NS)), wspec((1, 2 * NS)),
            wspec((2 * NS, NS)), wspec((1, NS)),
            wspec((NS, 1)), wspec((1, 1)),
        ],
        out_specs=pl.BlockSpec((1, 3 * NG), lambda i: (0, 0)),
        out_shape=jax.ShapeDtypeStruct((1, 3 * NG), jnp.float32),
    )(x1lo, qa, qb, cnt, batf,
      p["sn_W1"], p["sn_b1"].reshape(1, 2 * NS),
      p["sn_W2"], p["sn_b2"].reshape(1, NS),
      p["sn_W3"], p["sn_b3"].reshape(1, 1))


NW = 32
PW = E3P // NW
SUB = 120
NSTR = 8
CH = NSTR * SUB
NCH = PW // CH
NIR = E3P // SUB
STRIPE = N3P // 16
_SC_PARAMS = pltpu.CompilerParams(use_tc_tiling_on_sc=False)


def _sc_mesh():
    return plsc.VectorSubcoreMesh(core_axis_name="c", subcore_axis_name="s")


def _sc_gather1(table, srci, dsti):

    @functools.partial(
        pl.kernel,
        out_type=[jax.ShapeDtypeStruct((E3P, TD), jnp.float32),
                  jax.ShapeDtypeStruct((E3P, TD), jnp.float32)],
        mesh=_sc_mesh(),
        compiler_params=_SC_PARAMS,
        scratch_types=[pltpu.VMEM((NSTR, SUB), jnp.int32),
                       pltpu.VMEM((NSTR, SUB), jnp.int32),
                       pltpu.VMEM((CH, TD), jnp.float32),
                       pltpu.VMEM((CH, TD), jnp.float32),
                       pltpu.VMEM_SHARED((N3P, TD), jnp.float32),
                       pltpu.SemaphoreType.DMA],
    )
    def k(t_hbm, is_hbm, id_hbm, outs, outd, ia_v, ib_v, rowsa, rowsb,
          tab, sem):
        cid = lax.axis_index("c")
        sid = lax.axis_index("s")
        pltpu.sync_copy(t_hbm.at[pl.ds(sid * STRIPE, STRIPE)],
                        tab.at[pl.ds(sid * STRIPE, STRIPE)])
        plsc.subcore_barrier()
        wid = cid * (NW // 2) + sid

        def body(g, carry):
            r0 = wid * (PW // SUB) + g * NSTR
            pltpu.sync_copy(is_hbm.at[pl.ds(r0, NSTR)], ia_v)
            pltpu.sync_copy(id_hbm.at[pl.ds(r0, NSTR)], ib_v)
            cps = []
            for j in range(NSTR):
                cps.append(pltpu.async_copy(
                    tab.at[ia_v.at[j]], rowsa.at[pl.ds(j * SUB, SUB)], sem))
                cps.append(pltpu.async_copy(
                    tab.at[ib_v.at[j]], rowsb.at[pl.ds(j * SUB, SUB)], sem))
            for cp in cps:
                cp.wait()
            e0 = wid * PW + g * CH
            pltpu.sync_copy(rowsa, outs.at[pl.ds(e0, CH)])
            pltpu.sync_copy(rowsb, outd.at[pl.ds(e0, CH)])
            return carry

        lax.fori_loop(0, NCH, body, 0)

    return k(table, srci, dsti)


def _sc_gather2(x1lo, x1hi, srci, dsti):

    @functools.partial(
        pl.kernel,
        out_type=[jax.ShapeDtypeStruct((E3P, TD), jnp.float32),
                  jax.ShapeDtypeStruct((E3P, TD), jnp.float32),
                  jax.ShapeDtypeStruct((E3P, TD), jnp.float32)],
        mesh=_sc_mesh(),
        compiler_params=_SC_PARAMS,
        scratch_types=[pltpu.VMEM((NSTR, SUB), jnp.int32),
                       pltpu.VMEM((NSTR, SUB), jnp.int32),
                       pltpu.VMEM((CH, TD), jnp.float32),
                       pltpu.VMEM((CH, TD), jnp.float32),
                       pltpu.VMEM_SHARED((N3P, TD), jnp.float32),
                       pltpu.SemaphoreType.DMA],
    )
    def k(lo_hbm, hi_hbm, is_hbm, id_hbm, outa, outd, outb,
          ia_v, ib_v, rowsa, rowsb, tab, sem):
        cid = lax.axis_index("c")
        sid = lax.axis_index("s")
        wid = cid * (NW // 2) + sid
        pltpu.sync_copy(lo_hbm.at[pl.ds(sid * STRIPE, STRIPE)],
                        tab.at[pl.ds(sid * STRIPE, STRIPE)])
        plsc.subcore_barrier()

        def body_lo(g, carry):
            r0 = wid * (PW // SUB) + g * NSTR
            pltpu.sync_copy(is_hbm.at[pl.ds(r0, NSTR)], ia_v)
            pltpu.sync_copy(id_hbm.at[pl.ds(r0, NSTR)], ib_v)
            cps = []
            for j in range(NSTR):
                cps.append(pltpu.async_copy(
                    tab.at[ia_v.at[j]], rowsa.at[pl.ds(j * SUB, SUB)], sem))
                cps.append(pltpu.async_copy(
                    tab.at[ib_v.at[j]], rowsb.at[pl.ds(j * SUB, SUB)], sem))
            for cp in cps:
                cp.wait()
            e0 = wid * PW + g * CH
            pltpu.sync_copy(rowsa, outa.at[pl.ds(e0, CH)])
            pltpu.sync_copy(rowsb, outd.at[pl.ds(e0, CH)])
            return carry

        lax.fori_loop(0, NCH, body_lo, 0)
        plsc.subcore_barrier()
        pltpu.sync_copy(hi_hbm.at[pl.ds(sid * STRIPE, STRIPE)],
                        tab.at[pl.ds(sid * STRIPE, STRIPE)])
        plsc.subcore_barrier()

        def body_hi(g, carry):
            r0 = wid * (PW // SUB) + g * NSTR
            pltpu.sync_copy(is_hbm.at[pl.ds(r0, NSTR)], ia_v)
            cps = []
            for j in range(NSTR):
                cps.append(pltpu.async_copy(
                    tab.at[ia_v.at[j]], rowsa.at[pl.ds(j * SUB, SUB)], sem))
            for cp in cps:
                cp.wait()
            pltpu.sync_copy(rowsa, outb.at[pl.ds(wid * PW + g * CH, CH)])
            return carry

        lax.fori_loop(0, NCH, body_hi, 0)

    return k(x1lo, x1hi, srci, dsti)


def _sc_scatter1(tpa, tpb, idx2, zrows, zcnt, ones):

    @functools.partial(
        pl.kernel,
        out_type=[jax.ShapeDtypeStruct((2 * N3P, TD), jnp.float32),
                  jax.ShapeDtypeStruct((2 * N3P, TD), jnp.float32),
                  jax.ShapeDtypeStruct((2 * N3P,), jnp.float32)],
        mesh=_sc_mesh(),
        compiler_params=_SC_PARAMS,
        scratch_types=[pltpu.VMEM((NSTR, SUB), jnp.int32),
                       pltpu.VMEM((CH, TD), jnp.float32),
                       pltpu.VMEM((SUB,), jnp.float32),
                       pltpu.VMEM_SHARED((N3P, TD), jnp.float32),
                       pltpu.VMEM_SHARED((N3P,), jnp.float32)],
    )
    def k(va_hbm, vb_hbm, i_hbm, zr_hbm, zc_hbm, on_hbm,
          parta, partb, cntp, idx_v, vals_v, ones_v, acc, cacc):
        cid = lax.axis_index("c")
        sid = lax.axis_index("s")
        wid = cid * (NW // 2) + sid
        pltpu.sync_copy(zr_hbm, acc.at[pl.ds(sid * STRIPE, STRIPE)])
        pltpu.sync_copy(zc_hbm, cacc.at[pl.ds(sid * STRIPE, STRIPE)])
        pltpu.sync_copy(on_hbm, ones_v)
        plsc.subcore_barrier()

        def body_a(g, carry):
            r0 = wid * (PW // SUB) + g * NSTR
            pltpu.sync_copy(i_hbm.at[pl.ds(r0, NSTR)], idx_v)
            pltpu.sync_copy(va_hbm.at[pl.ds(wid * PW + g * CH, CH)], vals_v)
            for j in range(NSTR):
                pltpu.sync_copy(vals_v.at[pl.ds(j * SUB, SUB)],
                                acc.at[idx_v.at[j]], add=True)
                pltpu.sync_copy(ones_v, cacc.at[idx_v.at[j]], add=True)
            return carry

        lax.fori_loop(0, NCH, body_a, 0)
        plsc.subcore_barrier()
        pltpu.sync_copy(acc.at[pl.ds(sid * STRIPE, STRIPE)],
                        parta.at[pl.ds(cid * N3P + sid * STRIPE, STRIPE)])
        pltpu.sync_copy(cacc.at[pl.ds(sid * STRIPE, STRIPE)],
                        cntp.at[pl.ds(cid * N3P + sid * STRIPE, STRIPE)])
        pltpu.sync_copy(zr_hbm, acc.at[pl.ds(sid * STRIPE, STRIPE)])
        plsc.subcore_barrier()

        def body_b(g, carry):
            r0 = wid * (PW // SUB) + g * NSTR
            pltpu.sync_copy(i_hbm.at[pl.ds(r0, NSTR)], idx_v)
            pltpu.sync_copy(vb_hbm.at[pl.ds(wid * PW + g * CH, CH)], vals_v)
            for j in range(NSTR):
                pltpu.sync_copy(vals_v.at[pl.ds(j * SUB, SUB)],
                                acc.at[idx_v.at[j]], add=True)
            return carry

        lax.fori_loop(0, NCH, body_b, 0)
        plsc.subcore_barrier()
        pltpu.sync_copy(acc.at[pl.ds(sid * STRIPE, STRIPE)],
                        partb.at[pl.ds(cid * N3P + sid * STRIPE, STRIPE)])

    return k(tpa, tpb, idx2, zrows, zcnt, ones)


def _sc_scatter2(tp2, idx2, zrows16):

    @functools.partial(
        pl.kernel,
        out_type=jax.ShapeDtypeStruct((2 * N3P, NS), jnp.float32),
        mesh=_sc_mesh(),
        compiler_params=_SC_PARAMS,
        scratch_types=[pltpu.VMEM((NSTR, SUB), jnp.int32),
                       pltpu.VMEM((CH, NS), jnp.float32),
                       pltpu.VMEM_SHARED((N3P, NS), jnp.float32)],
    )
    def k(v_hbm, i_hbm, zr_hbm, part, idx_v, vals_v, acc):
        cid = lax.axis_index("c")
        sid = lax.axis_index("s")
        wid = cid * (NW // 2) + sid
        pltpu.sync_copy(zr_hbm, acc.at[pl.ds(sid * STRIPE, STRIPE)])
        plsc.subcore_barrier()

        def body(g, carry):
            r0 = wid * (PW // SUB) + g * NSTR
            pltpu.sync_copy(i_hbm.at[pl.ds(r0, NSTR)], idx_v)
            pltpu.sync_copy(v_hbm.at[pl.ds(wid * PW + g * CH, CH)], vals_v)
            for j in range(NSTR):
                pltpu.sync_copy(vals_v.at[pl.ds(j * SUB, SUB)],
                                acc.at[idx_v.at[j]], add=True)
            return carry

        lax.fori_loop(0, NCH, body, 0)
        plsc.subcore_barrier()
        pltpu.sync_copy(acc.at[pl.ds(sid * STRIPE, STRIPE)],
                        part.at[pl.ds(cid * N3P + sid * STRIPE, STRIPE)])

    return k(tp2, idx2, zrows16)


def kernel(x_r0, pos_r0, edge_index_r0, batch_r0,
           x_r1, pos_r1, edge_index_r1, batch_r1,
           x_p, pos_p, edge_index_p, batch_p, params):
    p = params
    npad = N3P - N3
    epad = E3P - E3
    x_all = jnp.concatenate(
        [x_r0, x_r1, x_p, jnp.zeros((npad, NODE_FDIM), jnp.float32)], axis=0)
    pos_all = jnp.concatenate(
        [pos_r0, pos_r1, pos_p, jnp.zeros((npad, 3), jnp.float32)], axis=0)
    src_all = jnp.concatenate([edge_index_r0[0], edge_index_r1[0] + N,
                               edge_index_p[0] + 2 * N,
                               jnp.zeros((epad,), jnp.int32)])
    dst_all = jnp.concatenate([edge_index_r0[1], edge_index_r1[1] + N,
                               edge_index_p[1] + 2 * N,
                               jnp.full((epad,), N3, jnp.int32)])
    batf = jnp.concatenate(
        [batch_r0, batch_r1 + NG, batch_p + 2 * NG,
         jnp.full((npad,), -1, jnp.int32)]).astype(jnp.float32).reshape(N3P, 1)
    src2 = src_all.reshape(NIR, SUB)
    dst2 = dst_all.reshape(NIR, SUB)

    t1 = _node_mlp(x_all, pos_all, p)
    gsrc, gdst = _sc_gather1(t1, src2, dst2)
    tpa, tpb, ea, sh = _edge1(gsrc, gdst, p)
    zrows = jnp.zeros((STRIPE, TD), jnp.float32)
    zcnt = jnp.zeros((STRIPE,), jnp.float32)
    ones = jnp.ones((SUB,), jnp.float32)
    parta, partb, cntp = _sc_scatter1(tpa, tpb, dst2, zrows, zcnt, ones)
    cnt = (cntp[:N3P] + cntp[N3P:]).reshape(N3P, 1)
    x1lo, x1hi = _x1_stage(t1, parta[:N3P], parta[N3P:],
                           partb[:N3P], partb[N3P:], cnt)
    ga, gd, gb = _sc_gather2(x1lo, x1hi, src2, dst2)
    tp2 = _edge2(ga, gb, gd, ea, sh, p)
    zrows16 = jnp.zeros((STRIPE, NS), jnp.float32)
    part2 = _sc_scatter2(tp2, dst2, zrows16)
    s48 = _final_stage(x1lo, part2[:N3P], part2[N3P:], cnt, batf, p)[0]
    return (s48[2 * NG:3 * NG] - s48[0:NG] - s48[NG:2 * NG]).reshape(NG, 1)

# --- scband reference (transcript-rebuilt; emitter-appended) ---
"""Pipeline reference for scband-equi-react-23287312679458 (READ-ONLY COPY).

The authoritative reference and input builder live on the scoring server;
editing this copy changes nothing except your own understanding.
"""

import jax, jax.numpy as jnp
import numpy as np

N = 10000
E = 160000
NODE_FDIM = 128
NS = 16
DEMB = 32
NG = 16
MAX_RADIUS = 10.0

def _lin_init(key, fi, fo):
    k1, k2 = jax.random.split(key)
    W = jax.random.normal(k1, (fi, fo), dtype=jnp.float32) / np.sqrt(fi)
    b = jnp.zeros((fo,), dtype=jnp.float32)
    return W, b

def setup_inputs(seed: int = 0):
    key = jax.random.key(seed)
    inp = {}
    for i, tag in enumerate(["r0", "r1", "p"]):
        k = jax.random.fold_in(key, i)
        k1, k2, k3, k4 = jax.random.split(k, 4)
        inp["x_" + tag] = jax.random.normal(k1, (N, NODE_FDIM), dtype=jnp.float32)
        inp["pos_" + tag] = jax.random.normal(k2, (N, 3), dtype=jnp.float32) * 3.0
        inp["edge_index_" + tag] = jax.random.randint(k3, (2, E), 0, N, dtype=jnp.int32)
        inp["batch_" + tag] = jnp.sort(jax.random.randint(k4, (N,), 0, NG, dtype=jnp.int32))
    pk = jax.random.split(jax.random.fold_in(key, 100), 14)
    p = {}
    p["node_W1"], p["node_b1"] = _lin_init(pk[0], NODE_FDIM, NS)
    p["node_W2"], p["node_b2"] = _lin_init(pk[1], NS, NS)
    p["edge_W1"], p["edge_b1"] = _lin_init(pk[2], DEMB, NS)
    p["edge_W2"], p["edge_b2"] = _lin_init(pk[3], NS, NS)
    p["fc0_W1"], p["fc0_b1"] = _lin_init(pk[4], 3 * NS, 3 * NS)
    p["fc0_W2"], p["fc0_b2"] = _lin_init(pk[5], 3 * NS, 2 * NS * NS)
    p["fc1_W1"], p["fc1_b1"] = _lin_init(pk[6], 3 * NS, 3 * NS)
    p["fc1_W2"], p["fc1_b2"] = _lin_init(pk[7], 3 * NS, 5 * NS * NS)
    p["se_W1"], p["se_b1"] = _lin_init(pk[8], 2 * NS + DEMB, NS)
    p["se_W2"], p["se_b2"] = _lin_init(pk[9], NS, NS)
    p["se_W3"], p["se_b3"] = _lin_init(pk[10], NS, 1)
    p["sn_W1"], p["sn_b1"] = _lin_init(pk[11], NS, 2 * NS)
    p["sn_W2"], p["sn_b2"] = _lin_init(pk[12], 2 * NS, NS)
    p["sn_W3"], p["sn_b3"] = _lin_init(pk[13], NS, 1)
    inp["params"] = p
    return inp

def _mlp2(x, W1, b1, W2, b2):
    return jax.nn.relu(x @ W1 + b1) @ W2 + b2

def _mlp3(x, W1, b1, W2, b2, W3, b3):
    h = jax.nn.relu(x @ W1 + b1)
    h = jax.nn.relu(h @ W2 + b2)
    return h @ W3 + b3

def _seg_mean(vals, idx, n):
    s = jax.ops.segment_sum(vals, idx, num_segments=n)
    c = jax.ops.segment_sum(jnp.ones((vals.shape[0], 1), jnp.float32), idx, num_segments=n)
    return s / jnp.clip(c, 1.0)

def _forward_molecule(x, pos, edge_index, batch, p):
    src = edge_index[0]
    dst = edge_index[1]
    edge_vec = pos[dst] - pos[src]
    dist = jnp.sqrt(jnp.sum(edge_vec ** 2, axis=-1) + 1e-12)
    mu = jnp.linspace(0.0, MAX_RADIUS, DEMB)
    coeff = -0.5 / (mu[1] - mu[0]) ** 2
    edge_attr = jnp.exp(coeff * (dist[:, None] - mu[None, :]) ** 2)
    sh1 = jnp.sqrt(3.0) * edge_vec / dist[:, None]
    h = _mlp2(x, p["node_W1"], p["node_b1"], p["node_W2"], p["node_b2"])
    ea = _mlp2(edge_attr, p["edge_W1"], p["edge_b1"], p["edge_W2"], p["edge_b2"])
    e_in = jnp.concatenate([ea, h[dst][:, :NS], h[src][:, :NS]], axis=-1)
    w = _mlp2(e_in, p["fc0_W1"], p["fc0_b1"], p["fc0_W2"], p["fc0_b2"]).reshape(-1, 2, NS, NS)
    u = h[src]
    alpha = 1.0 / np.sqrt(NS)
    o0 = jnp.einsum("ei,eio->eo", u, w[:, 0]) * alpha
    o1 = jnp.einsum("ei,eio,ek->eok", u, w[:, 1], sh1) * alpha
    tp = jnp.concatenate([o0, o1.reshape(-1, 3 * NS)], axis=-1)
    agg = _seg_mean(tp, dst, x.shape[0])
    x1 = jnp.pad(h, ((0, 0), (0, agg.shape[-1] - h.shape[-1]))) + agg
    e_in = jnp.concatenate([ea, x1[dst][:, :NS], x1[src][:, :NS]], axis=-1)
    w = _mlp2(e_in, p["fc1_W1"], p["fc1_b1"], p["fc1_W2"], p["fc1_b2"]).reshape(-1, 5, NS, NS)
    s0 = x1[src][:, :NS]
    s1 = x1[src][:, NS:4 * NS].reshape(-1, NS, 3)
    alpha2 = 1.0 / np.sqrt(2 * NS)
    o0 = (jnp.einsum("ei,eio->eo", s0, w[:, 0]) + jnp.einsum("eik,ek,eio->eo", s1, sh1, w[:, 3]) / np.sqrt(3.0)) * alpha2
    o1o = (jnp.einsum("ei,eio,ek->eok", s0, w[:, 1], sh1) + jnp.einsum("eik,eio->eok", s1, w[:, 2])) * alpha2
    cr = jnp.cross(s1, sh1[:, None, :])
    o1e = jnp.einsum("eil,eio->eol", cr, w[:, 4]) * (alpha / np.sqrt(2.0))
    tp = jnp.concatenate([o0, o1o.reshape(-1, 3 * NS), o1e.reshape(-1, 3 * NS)], axis=-1)
    agg = _seg_mean(tp, dst, x.shape[0])
    x2 = jnp.pad(x1, ((0, 0), (0, agg.shape[-1] - x1.shape[-1]))) + agg
    xf = x2[:, :NS]
    sn = _mlp3(xf, p["sn_W1"], p["sn_b1"], p["sn_W2"], p["sn_b2"], p["sn_W3"], p["sn_b3"])
    se_in = jnp.concatenate([edge_attr, xf[src], xf[dst]], axis=-1)
    se = _mlp3(se_in, p["se_W1"], p["se_b1"], p["se_W2"], p["se_b2"], p["se_W3"], p["se_b3"])
    score = jax.ops.segment_sum(sn, batch, num_segments=NG) + 0.0 * jax.ops.segment_sum(se, batch[src], num_segments=NG)
    return score

def reference(x_r0, pos_r0, edge_index_r0, batch_r0, x_r1, pos_r1, edge_index_r1, batch_r1, x_p, pos_p, edge_index_p, batch_p, params):
    e_r = _forward_molecule(x_r0, pos_r0, edge_index_r0, batch_r0, params) + _forward_molecule(x_r1, pos_r1, edge_index_r1, batch_r1, params)
    e_p = _forward_molecule(x_p, pos_p, edge_index_p, batch_p, params)
    return e_p - e_r

if __name__ == "__main__":
    import jax
    _d = setup_inputs()
    print(jax.jit(kernel)(*tuple(_d.values())))

</pallas_src>

<mosaic_0001>
#map = affine_map<(d0, d1) -> (0, 0)>
#map1 = affine_map<(d0, d1) -> (0)>
module attributes {stable_mosaic.version = 14 : i64} {
  func.func @k(%arg0: i32, %arg1: i32, %arg2: memref<491520x32xf32, #tpu.memory_space<hbm>>, %arg3: memref<491520x32xf32, #tpu.memory_space<hbm>>, %arg4: memref<4096x120xi32, #tpu.memory_space<hbm>>, %arg5: memref<1920x32xf32, #tpu.memory_space<hbm>>, %arg6: memref<1920xf32, #tpu.memory_space<hbm>>, %arg7: memref<120xf32, #tpu.memory_space<hbm>>, %arg8: memref<61440x32xf32, #tpu.memory_space<hbm>>, %arg9: memref<61440x32xf32, #tpu.memory_space<hbm>>, %arg10: memref<61440xf32, #tpu.memory_space<hbm>>, %arg11: memref<8x120xi32, #tpu.memory_space<vmem>>, %arg12: memref<960x32xf32, #tpu.memory_space<vmem>>, %arg13: memref<120xf32, #tpu.memory_space<vmem>>, %arg14: memref<30720x32xf32, #tpu.memory_space<vmem_shared>>, %arg15: memref<30720xf32, #tpu.memory_space<vmem_shared>>) attributes {dimension_semantics = [#tpu.dimension_semantics<core_parallel>, #tpu.dimension_semantics<subcore_parallel>], iteration_bounds = array<i64: 2, 16>, scalar_prefetch = 0 : i64, scratch_operands = 5 : i64, tpu.core_type = #tpu.core_type<sc_vector_subcore>, window_params = [{transform_indices = #map}, {transform_indices = #map}, {transform_indices = #map}, {transform_indices = #map}, {transform_indices = #map1}, {transform_indices = #map1}, {transform_indices = #map}, {transform_indices = #map}, {transform_indices = #map1}]} {
    %mul3A = arith.constant 16 : i32
    %mul3A_0 = arith.muli %arg0, %mul3A : i32
    %add3A = arith.addi %mul3A_0, %arg1 : i32
    %mul3A_1 = arith.constant 1920 : i32
    %mul3A_2 = arith.muli %arg1, %mul3A_1 : i32
    "tpu.region"() ({
      %run_scoped3A = tpu.sem_alloc : memref<!tpu.dma_semaphore, #tpu.memory_space<semaphore_mem>>
      %dma_start3A = arith.constant 0 : i32
      %dma_start3A_42 = tpu.memref_slice %arg14[%mul3A_2, %dma_start3A] : memref<30720x32xf32, #tpu.memory_space<vmem_shared>> -> memref<1920x32xf32, #tpu.memory_space<vmem_shared>>
      tpu.enqueue_dma source(%arg5 : memref<1920x32xf32, #tpu.memory_space<hbm>>) target(%dma_start3A_42 : memref<1920x32xf32, #tpu.memory_space<vmem_shared>>) target_semaphore(%run_scoped3A : memref<!tpu.dma_semaphore, #tpu.memory_space<semaphore_mem>>)
      %dma_wait3A = arith.constant 0 : i32
      %dma_wait3A_43 = tpu.memref_slice %arg14[%mul3A_2, %dma_wait3A] : memref<30720x32xf32, #tpu.memory_space<vmem_shared>> -> memref<1920x32xf32, #tpu.memory_space<vmem_shared>>
      tpu.wait_dma2 semaphore(%run_scoped3A : memref<!tpu.dma_semaphore, #tpu.memory_space<semaphore_mem>>) src(%arg5 : memref<1920x32xf32, #tpu.memory_space<hbm>>) dst(%dma_wait3A_43 : memref<1920x32xf32, #tpu.memory_space<vmem_shared>>)
      tpu.yield
    }) : () -> ()
    %mul3A_3 = arith.constant 1920 : i32
    %mul3A_4 = arith.muli %arg1, %mul3A_3 : i32
    "tpu.region"() ({
      %run_scoped3A = tpu.sem_alloc : memref<!tpu.dma_semaphore, #tpu.memory_space<semaphore_mem>>
      %dma_start3A = tpu.memref_slice %arg15[%mul3A_4] : memref<30720xf32, #tpu.memory_space<vmem_shared>> -> memref<1920xf32, #tpu.memory_space<vmem_shared>>
      tpu.enqueue_dma source(%arg6 : memref<1920xf32, #tpu.memory_space<hbm>>) target(%dma_start3A : memref<1920xf32, #tpu.memory_space<vmem_shared>>) target_semaphore(%run_scoped3A : memref<!tpu.dma_semaphore, #tpu.memory_space<semaphore_mem>>)
      %dma_wait3A = tpu.memref_slice %arg15[%mul3A_4] : memref<30720xf32, #tpu.memory_space<vmem_shared>> -> memref<1920xf32, #tpu.memory_space<vmem_shared>>
      tpu.wait_dma2 semaphore(%run_scoped3A : memref<!tpu.dma_semaphore, #tpu.memory_space<semaphore_mem>>) src(%arg6 : memref<1920xf32, #tpu.memory_space<hbm>>) dst(%dma_wait3A : memref<1920xf32, #tpu.memory_space<vmem_shared>>)
      tpu.yield
    }) : () -> ()
    "tpu.region"() ({
      %run_scoped3A = tpu.sem_alloc : memref<!tpu.dma_semaphore, #tpu.memory_space<semaphore_mem>>
      tpu.enqueue_dma source(%arg7 : memref<120xf32, #tpu.memory_space<hbm>>) target(%arg13 : memref<120xf32, #tpu.memory_space<vmem>>) target_semaphore(%run_scoped3A : memref<!tpu.dma_semaphore, #tpu.memory_space<semaphore_mem>>)
      tpu.wait_dma2 semaphore(%run_scoped3A : memref<!tpu.dma_semaphore, #tpu.memory_space<semaphore_mem>>) src(%arg7 : memref<120xf32, #tpu.memory_space<hbm>>) dst(%arg13 : memref<120xf32, #tpu.memory_space<vmem>>)
      tpu.yield
    }) : () -> ()
    %barrier3A = arith.constant 0 : index
    tpu.barrier barrier_id(%barrier3A)
    %scan3A = arith.constant 0 : i32
    %scan3A_5 = arith.constant 0 : i32
    %scan3A_6 = arith.constant 16 : i32
    %scan3A_7 = arith.addi %scan3A_5, %scan3A_6 : i32
    %scan3A_8 = arith.constant 1 : i32
    scf.for %scan3A_42 = %scan3A_5 to %scan3A_7 step %scan3A_8  : i32 {
      %mul3A_43 = arith.constant 128 : i32
      %mul3A_44 = arith.muli %add3A, %mul3A_43 : i32
      %mul3A_45 = arith.constant 8 : i32
      %mul3A_46 = arith.muli %scan3A_42, %mul3A_45 : i32
      %add3A_47 = arith.addi %mul3A_44, %mul3A_46 : i32
      "tpu.region"() ({
        %run_scoped3A_68 = tpu.sem_alloc : memref<!tpu.dma_semaphore, #tpu.memory_space<semaphore_mem>>
        %dma_start3A = arith.constant 0 : i32
        %dma_start3A_69 = tpu.memref_slice %arg4[%add3A_47, %dma_start3A] : memref<4096x120xi32, #tpu.memory_space<hbm>> -> memref<8x120xi32, #tpu.memory_space<hbm>>
        %dma_start3A_70 = arith.constant 0 : i32
        %dma_start3A_71 = tpu.memref_slice %arg4[%add3A_47, %dma_start3A_70] : memref<4096x120xi32, #tpu.memory_space<hbm>> -> memref<8x120xi32, #tpu.memory_space<hbm>>
        tpu.enqueue_dma source(%dma_start3A_71 : memref<8x120xi32, #tpu.memory_space<hbm>>) target(%arg11 : memref<8x120xi32, #tpu.memory_space<vmem>>) target_semaphore(%run_scoped3A_68 : memref<!tpu.dma_semaphore, #tpu.memory_space<semaphore_mem>>)
        %dma_wait3A = arith.constant 0 : i32
        %dma_wait3A_72 = tpu.memref_slice %arg4[%add3A_47, %dma_wait3A] : memref<4096x120xi32, #tpu.memory_space<hbm>> -> memref<8x120xi32, #tpu.memory_space<hbm>>
        %dma_wait3A_73 = arith.constant 0 : i32
        %dma_wait3A_74 = tpu.memref_slice %arg4[%add3A_47, %dma_wait3A_73] : memref<4096x120xi32, #tpu.memory_space<hbm>> -> memref<8x120xi32, #tpu.memory_space<hbm>>
        tpu.wait_dma2 semaphore(%run_scoped3A_68 : memref<!tpu.dma_semaphore, #tpu.memory_space<semaphore_mem>>) src(%dma_wait3A_74 : memref<8x120xi32, #tpu.memory_space<hbm>>) dst(%arg11 : memref<8x120xi32, #tpu.memory_space<vmem>>)
        tpu.yield
      }) : () -> ()
      %mul3A_48 = arith.constant 15360 : i32
      %mul3A_49 = arith.muli %add3A, %mul3A_48 : i32
      %mul3A_50 = arith.constant 960 : i32
      %mul3A_51 = arith.muli %scan3A_42, %mul3A_50 : i32
      %add3A_52 = arith.addi %mul3A_49, %mul3A_51 : i32
      "tpu.region"() ({
        %run_scoped3A_68 = tpu.sem_alloc : memref<!tpu.dma_semaphore, #tpu.memory_space<semaphore_mem>>
        %dma_start3A = arith.constant 0 : i32
        %dma_start3A_69 = tpu.memref_slice %arg2[%add3A_52, %dma_start3A] : memref<491520x32xf32, #tpu.memory_space<hbm>> -> memref<960x32xf32, #tpu.memory_space<hbm>>
        %dma_start3A_70 = arith.constant 0 : i32
        %dma_start3A_71 = tpu.memref_slice %arg2[%add3A_52, %dma_start3A_70] : memref<491520x32xf32, #tpu.memory_space<hbm>> -> memref<960x32xf32, #tpu.memory_space<hbm>>
        tpu.enqueue_dma source(%dma_start3A_71 : memref<960x32xf32, #tpu.memory_space<hbm>>) target(%arg12 : memref<960x32xf32, #tpu.memory_space<vmem>>) target_semaphore(%run_scoped3A_68 : memref<!tpu.dma_semaphore, #tpu.memory_space<semaphore_mem>>)
        %dma_wait3A = arith.constant 0 : i32
        %dma_wait3A_72 = tpu.memref_slice %arg2[%add3A_52, %dma_wait3A] : memref<491520x32xf32, #tpu.memory_space<hbm>> -> memref<960x32xf32, #tpu.memory_space<hbm>>
        %dma_wait3A_73 = arith.constant 0 : i32
        %dma_wait3A_74 = tpu.memref_slice %arg2[%add3A_52, %dma_wait3A_73] : memref<491520x32xf32, #tpu.memory_space<hbm>> -> memref<960x32xf32, #tpu.memory_space<hbm>>
        tpu.wait_dma2 semaphore(%run_scoped3A_68 : memref<!tpu.dma_semaphore, #tpu.memory_space<semaphore_mem>>) src(%dma_wait3A_74 : memref<960x32xf32, #tpu.memory_space<hbm>>) dst(%arg12 : memref<960x32xf32, #tpu.memory_space<vmem>>)
        tpu.yield
      }) : () -> ()
      %run_scoped3A = arith.constant 0 : i32
      "tpu.region"() ({
        %run_scoped3A_68 = tpu.sem_alloc : memref<!tpu.dma_semaphore, #tpu.memory_space<semaphore_mem>>
        %dma_start3A = arith.constant 0 : i32
        %dma_start3A_69 = arith.constant 0 : i32
        %dma_start3A_70 = tpu.memref_slice %arg12[%dma_start3A, %dma_start3A_69] : memref<960x32xf32, #tpu.memory_space<vmem>> -> memref<120x32xf32, #tpu.memory_space<vmem>>
        %dma_start3A_71 = arith.constant 0 : i32
        %dma_start3A_72 = tpu.memref_slice %arg11[%run_scoped3A, %dma_start3A_71] : memref<8x120xi32, #tpu.memory_space<vmem>> -> memref<1x120xi32, #tpu.memory_space<vmem>>
        %dma_start3A_73 = tpu.memref_squeeze %dma_start3A_72 : memref<1x120xi32, #tpu.memory_space<vmem>> -> memref<120xi32, #tpu.memory_space<vmem>>
        %dma_start3A_74 = arith.constant 0 : i32
        %dma_start3A_75 = arith.constant 0 : i32
        %dma_start3A_76 = tpu.memref_slice %arg14[%dma_start3A_74, %dma_start3A_75] : memref<30720x32xf32, #tpu.memory_space<vmem_shared>> -> memref<30720x32xf32, #tpu.memory_space<vmem_shared>>
        tpu.enqueue_indirect_dma source(%dma_start3A_70 : memref<120x32xf32, #tpu.memory_space<vmem>>) target(%dma_start3A_76 : memref<30720x32xf32, #tpu.memory_space<vmem_shared>>) offsets(%dma_start3A_73 : memref<120xi32, #tpu.memory_space<vmem>>) semaphore(%run_scoped3A_68 : memref<!tpu.dma_semaphore, #tpu.memory_space<semaphore_mem>>) {add = true}
        %dma_wait3A = arith.constant 0 : i32
        %dma_wait3A_77 = arith.constant 0 : i32
        %dma_wait3A_78 = tpu.memref_slice %arg12[%dma_wait3A, %dma_wait3A_77] : memref<960x32xf32, #tpu.memory_space<vmem>> -> memref<120x32xf32, #tpu.memory_space<vmem>>
        %dma_wait3A_79 = arith.constant 0 : i32
        %dma_wait3A_80 = tpu.memref_slice %arg11[%run_scoped3A, %dma_wait3A_79] : memref<8x120xi32, #tpu.memory_space<vmem>> -> memref<1x120xi32, #tpu.memory_space<vmem>>
        %dma_wait3A_81 = tpu.memref_squeeze %dma_wait3A_80 : memref<1x120xi32, #tpu.memory_space<vmem>> -> memref<120xi32, #tpu.memory_space<vmem>>
        %dma_wait3A_82 = arith.constant 0 : i32
        %dma_wait3A_83 = arith.constant 0 : i32
        %dma_wait3A_84 = tpu.memref_slice %arg14[%dma_wait3A_82, %dma_wait3A_83] : memref<30720x32xf32, #tpu.memory_space<vmem_shared>> -> memref<30720x32xf32, #tpu.memory_space<vmem_shared>>
        tpu.wait_indirect_dma semaphore(%run_scoped3A_68 : memref<!tpu.dma_semaphore, #tpu.memory_space<semaphore_mem>>) src(%dma_wait3A_78 : memref<120x32xf32, #tpu.memory_space<vmem>>) dst(%dma_wait3A_84 : memref<30720x32xf32, #tpu.memory_space<vmem_shared>>)
        tpu.yield
      }) : () -> ()
      %run_scoped3A_53 = arith.constant 0 : i32
      "tpu.region"() ({
        %run_scoped3A_68 = tpu.sem_alloc : memref<!tpu.dma_semaphore, #tpu.memory_space<semaphore_mem>>
        %dma_start3A = arith.constant 0 : i32
        %dma_start3A_69 = tpu.memref_slice %arg11[%run_scoped3A_53, %dma_start3A] : memref<8x120xi32, #tpu.memory_space<vmem>> -> memref<1x120xi32, #tpu.memory_space<vmem>>
        %dma_start3A_70 = tpu.memref_squeeze %dma_start3A_69 : memref<1x120xi32, #tpu.memory_space<vmem>> -> memref<120xi32, #tpu.memory_space<vmem>>
        %dma_start3A_71 = arith.constant 0 : i32
        %dma_start3A_72 = tpu.memref_slice %arg15[%dma_start3A_71] : memref<30720xf32, #tpu.memory_space<vmem_shared>> -> memref<30720xf32, #tpu.memory_space<vmem_shared>>
        tpu.enqueue_indirect_dma source(%arg13 : memref<120xf32, #tpu.memory_space<vmem>>) target(%dma_start3A_72 : memref<30720xf32, #tpu.memory_space<vmem_shared>>) offsets(%dma_start3A_70 : memref<120xi32, #tpu.memory_space<vmem>>) semaphore(%run_scoped3A_68 : memref<!tpu.dma_semaphore, #tpu.memory_space<semaphore_mem>>) {add = true}
        %dma_wait3A = arith.constant 0 : i32
        %dma_wait3A_73 = tpu.memref_slice %arg11[%run_scoped3A_53, %dma_wait3A] : memref<8x120xi32, #tpu.memory_space<vmem>> -> memref<1x120xi32, #tpu.memory_space<vmem>>
        %dma_wait3A_74 = tpu.memref_squeeze %dma_wait3A_73 : memref<1x120xi32, #tpu.memory_space<vmem>> -> memref<120xi32, #tpu.memory_space<vmem>>
        %dma_wait3A_75 = arith.constant 0 : i32
        %dma_wait3A_76 = tpu.memref_slice %arg15[%dma_wait3A_75] : memref<30720xf32, #tpu.memory_space<vmem_shared>> -> memref<30720xf32, #tpu.memory_space<vmem_shared>>
        tpu.wait_indirect_dma semaphore(%run_scoped3A_68 : memref<!tpu.dma_semaphore, #tpu.memory_space<semaphore_mem>>) src(%arg13 : memref<120xf32, #tpu.memory_space<vmem>>) dst(%dma_wait3A_76 : memref<30720xf32, #tpu.memory_space<vmem_shared>>)
        tpu.yield
      }) : () -> ()
      %run_scoped3A_54 = arith.constant 1 : i32
      "tpu.region"() ({
        %run_scoped3A_68 = tpu.sem_alloc : memref<!tpu.dma_semaphore, #tpu.memory_space<semaphore_mem>>
        %dma_start3A = arith.constant 120 : i32
        %dma_start3A_69 = arith.constant 0 : i32
        %dma_start3A_70 = tpu.memref_slice %arg12[%dma_start3A, %dma_start3A_69] : memref<960x32xf32, #tpu.memory_space<vmem>> -> memref<120x32xf32, #tpu.memory_space<vmem>>
        %dma_start3A_71 = arith.constant 0 : i32
        %dma_start3A_72 = tpu.memref_slice %arg11[%run_scoped3A_54, %dma_start3A_71] : memref<8x120xi32, #tpu.memory_space<vmem>> -> memref<1x120xi32, #tpu.memory_space<vmem>>
        %dma_start3A_73 = tpu.memref_squeeze %dma_start3A_72 : memref<1x120xi32, #tpu.memory_space<vmem>> -> memref<120xi32, #tpu.memory_space<vmem>>
        %dma_start3A_74 = arith.constant 0 : i32
        %dma_start3A_75 = arith.constant 0 : i32
        %dma_start3A_76 = tpu.memref_slice %arg14[%dma_start3A_74, %dma_start3A_75] : memref<30720x32xf32, #tpu.memory_space<vmem_shared>> -> memref<30720x32xf32, #tpu.memory_space<vmem_shared>>
        tpu.enqueue_indirect_dma source(%dma_start3A_70 : memref<120x32xf32, #tpu.memory_space<vmem>>) target(%dma_start3A_76 : memref<30720x32xf32, #tpu.memory_space<vmem_shared>>) offsets(%dma_start3A_73 : memref<120xi32, #tpu.memory_space<vmem>>) semaphore(%run_scoped3A_68 : memref<!tpu.dma_semaphore, #tpu.memory_space<semaphore_mem>>) {add = true}
        %dma_wait3A = arith.constant 120 : i32
        %dma_wait3A_77 = arith.constant 0 : i32
        %dma_wait3A_78 = tpu.memref_slice %arg12[%dma_wait3A, %dma_wait3A_77] : memref<960x32xf32, #tpu.memory_space<vmem>> -> memref<120x32xf32, #tpu.memory_space<vmem>>
        %dma_wait3A_79 = arith.constant 0 : i32
        %dma_wait3A_80 = tpu.memref_slice %arg11[%run_scoped3A_54, %dma_wait3A_79] : memref<8x120xi32, #tpu.memory_space<vmem>> -> memref<1x120xi32, #tpu.memory_space<vmem>>
        %dma_wait3A_81 = tpu.memref_squeeze %dma_wait3A_80 : memref<1x120xi32, #tpu.memory_space<vmem>> -> memref<120xi32, #tpu.memory_space<vmem>>
        %dma_wait3A_82 = arith.constant 0 : i32
        %dma_wait3A_83 = arith.constant 0 : i32
        %dma_wait3A_84 = tpu.memref_slice %arg14[%dma_wait3A_82, %dma_wait3A_83] : memref<30720x32xf32, #tpu.memory_space<vmem_shared>> -> memref<30720x32xf32, #tpu.memory_space<vmem_shared>>
        tpu.wait_indirect_dma semaphore(%run_scoped3A_68 : memref<!tpu.dma_semaphore, #tpu.memory_space<semaphore_mem>>) src(%dma_wait3A_78 : memref<120x32xf32, #tpu.memory_space<vmem>>) dst(%dma_wait3A_84 : memref<30720x32xf32, #tpu.memory_space<vmem_shared>>)
        tpu.yield
      }) : () -> ()
      %run_scoped3A_55 = arith.constant 1 : i32
      "tpu.region"() ({
        %run_scoped3A_68 = tpu.sem_alloc : memref<!tpu.dma_semaphore, #tpu.memory_space<semaphore_mem>>
        %dma_start3A = arith.constant 0 : i32
        %dma_start3A_69 = tpu.memref_slice %arg11[%run_scoped3A_55, %dma_start3A] : memref<8x120xi32, #tpu.memory_space<vmem>> -> memref<1x120xi32, #tpu.memory_space<vmem>>
        %dma_start3A_70 = tpu.memref_squeeze %dma_start3A_69 : memref<1x120xi32, #tpu.memory_space<vmem>> -> memref<120xi32, #tpu.memory_space<vmem>>
        %dma_start3A_71 = arith.constant 0 : i32
        %dma_start3A_72 = tpu.memref_slice %arg15[%dma_start3A_71] : memref<30720xf32, #tpu.memory_space<vmem_shared>> -> memref<30720xf32, #tpu.memory_space<vmem_shared>>
        tpu.enqueue_indirect_dma source(%arg13 : memref<120xf32, #tpu.memory_space<vmem>>) target(%dma_start3A_72 : memref<30720xf32, #tpu.memory_space<vmem_shared>>) offsets(%dma_start3A_70 : memref<120xi32, #tpu.memory_space<vmem>>) semaphore(%run_scoped3A_68 : memref<!tpu.dma_semaphore, #tpu.memory_space<semaphore_mem>>) {add = true}
        %dma_wait3A = arith.constant 0 : i32
        %dma_wait3A_73 = tpu.memref_slice %arg11[%run_scoped3A_55, %dma_wait3A] : memref<8x120xi32, #tpu.memory_space<vmem>> -> memref<1x120xi32, #tpu.memory_space<vmem>>
        %dma_wait3A_74 = tpu.memref_squeeze %dma_wait3A_73 : memref<1x120xi32, #tpu.memory_space<vmem>> -> memref<120xi32, #tpu.memory_space<vmem>>
        %dma_wait3A_75 = arith.constant 0 : i32
        %dma_wait3A_76 = tpu.memref_slice %arg15[%dma_wait3A_75] : memref<30720xf32, #tpu.memory_space<vmem_shared>> -> memref<30720xf32, #tpu.memory_space<vmem_shared>>
        tpu.wait_indirect_dma semaphore(%run_scoped3A_68 : memref<!tpu.dma_semaphore, #tpu.memory_space<semaphore_mem>>) src(%arg13 : memref<120xf32, #tpu.memory_space<vmem>>) dst(%dma_wait3A_76 : memref<30720xf32, #tpu.memory_space<vmem_shared>>)
        tpu.yield
      }) : () -> ()
      %run_scoped3A_56 = arith.constant 2 : i32
      "tpu.region"() ({
        %run_scoped3A_68 = tpu.sem_alloc : memref<!tpu.dma_semaphore, #tpu.memory_space<semaphore_mem>>
        %dma_start3A = arith.constant 240 : i32
        %dma_start3A_69 = arith.constant 0 : i32
        %dma_start3A_70 = tpu.memref_slice %arg12[%dma_start3A, %dma_start3A_69] : memref<960x32xf32, #tpu.memory_space<vmem>> -> memref<120x32xf32, #tpu.memory_space<vmem>>
        %dma_start3A_71 = arith.constant 0 : i32
        %dma_start3A_72 = tpu.memref_slice %arg11[%run_scoped3A_56, %dma_start3A_71] : memref<8x120xi32, #tpu.memory_space<vmem>> -> memref<1x120xi32, #tpu.memory_space<vmem>>
        %dma_start3A_73 = tpu.memref_squeeze %dma_start3A_72 : memref<1x120xi32, #tpu.memory_space<vmem>> -> memref<120xi32, #tpu.memory_space<vmem>>
        %dma_start3A_74 = arith.constant 0 : i32
        %dma_start3A_75 = arith.constant 0 : i32
        %dma_start3A_76 = tpu.memref_slice %arg14[%dma_start3A_74, %dma_start3A_75] : memref<30720x32xf32, #tpu.memory_space<vmem_shared>> -> memref<30720x32xf32, #tpu.memory_space<vmem_shared>>
        tpu.enqueue_indirect_dma source(%dma_start3A_70 : memref<120x32xf32, #tpu.memory_space<vmem>>) target(%dma_start3A_76 : memref<30720x32xf32, #tpu.memory_space<vmem_shared>>) offsets(%dma_start3A_73 : memref<120xi32, #tpu.memory_space<vmem>>) semaphore(%run_scoped3A_68 : memref<!tpu.dma_semaphore, #tpu.memory_space<semaphore_mem>>) {add = true}
        %dma_wait3A = arith.constant 240 : i32
        %dma_wait3A_77 = arith.constant 0 : i32
        %dma_wait3A_78 = tpu.memref_slice %arg12[%dma_wait3A, %dma_wait3A_77] : memref<960x32xf32, #tpu.memory_space<vmem>> -> memref<120x32xf32, #tpu.memory_space<vmem>>
        %dma_wait3A_79 = arith.constant 0 : i32
        %dma_wait3A_80 = tpu.memref_slice %arg11[%run_scoped3A_56, %dma_wait3A_79] : memref<8x120xi32, #tpu.memory_space<vmem>> -> memref<1x120xi32, #tpu.memory_space<vmem>>
        %dma_wait3A_81 = tpu.memref_squeeze %dma_wait3A_80 : memref<1x120xi32, #tpu.memory_space<vmem>> -> memref<120xi32, #tpu.memory_space<vmem>>
        %dma_wait3A_82 = arith.constant 0 : i32
        %dma_wait3A_83 = arith.constant 0 : i32
        %dma_wait3A_84 = tpu.memref_slice %arg14[%dma_wait3A_82, %dma_wait3A_83] : memref<30720x32xf32, #tpu.memory_space<vmem_shared>> -> memref<30720x32xf32, #tpu.memory_space<vmem_shared>>
        tpu.wait_indirect_dma semaphore(%run_scoped3A_68 : memref<!tpu.dma_semaphore, #tpu.memory_space<semaphore_mem>>) src(%dma_wait3A_78 : memref<120x32xf32, #tpu.memory_space<vmem>>) dst(%dma_wait3A_84 : memref<30720x32xf32, #tpu.memory_space<vmem_shared>>)
        tpu.yield
      }) : () -> ()
      %run_scoped3A_57 = arith.constant 2 : i32
      "tpu.region"() ({
        %run_scoped3A_68 = tpu.sem_alloc : memref<!tpu.dma_semaphore, #tpu.memory_space<semaphore_mem>>
        %dma_start3A = arith.constant 0 : i32
        %dma_start3A_69 = tpu.memref_slice %arg11[%run_scoped3A_57, %dma_start3A] : memref<8x120xi32, #tpu.memory_space<vmem>> -> memref<1x120xi32, #tpu.memory_space<vmem>>
        %dma_start3A_70 = tpu.memref_squeeze %dma_start3A_69 : memref<1x120xi32, #tpu.memory_space<vmem>> -> memref<120xi32, #tpu.memory_space<vmem>>
        %dma_start3A_71 = arith.constant 0 : i32
        %dma_start3A_72 = tpu.memref_slice %arg15[%dma_start3A_71] : memref<30720xf32, #tpu.memory_space<vmem_shared>> -> memref<30720xf32, #tpu.memory_space<vmem_shared>>
        tpu.enqueue_indirect_dma source(%arg13 : memref<120xf32, #tpu.memory_space<vmem>>) target(%dma_start3A_72 : memref<30720xf32, #tpu.memory_space<vmem_shared>>) offsets(%dma_start3A_70 : memref<120xi32, #tpu.memory_space<vmem>>) semaphore(%run_scoped3A_68 : memref<!tpu.dma_semaphore, #tpu.memory_space<semaphore_mem>>) {add = true}
        %dma_wait3A = arith.constant 0 : i32
        %dma_wait3A_73 = tpu.memref_slice %arg11[%run_scoped3A_57, %dma_wait3A] : memref<8x120xi32, #tpu.memory_space<vmem>> -> memref<1x120xi32, #tpu.memory_space<vmem>>
        %dma_wait3A_74 = tpu.memref_squeeze %dma_wait3A_73 : memref<1x120xi32, #tpu.memory_space<vmem>> -> memref<120xi32, #tpu.memory_space<vmem>>
        %dma_wait3A_75 = arith.constant 0 : i32
        %dma_wait3A_76 = tpu.memref_slice %arg15[%dma_wait3A_75] : memref<30720xf32, #tpu.memory_space<vmem_shared>> -> memref<30720xf32, #tpu.memory_space<vmem_shared>>
        tpu.wait_indirect_dma semaphore(%run_scoped3A_68 : memref<!tpu.dma_semaphore, #tpu.memory_space<semaphore_mem>>) src(%arg13 : memref<120xf32, #tpu.memory_space<vmem>>) dst(%dma_wait3A_76 : memref<30720xf32, #tpu.memory_space<vmem_shared>>)
        tpu.yield
      }) : () -> ()
      %run_scoped3A_58 = arith.constant 3 : i32
      "tpu.region"() ({
        %run_scoped3A_68 = tpu.sem_alloc : memref<!tpu.dma_semaphore, #tpu.memory_space<semaphore_mem>>
        %dma_start3A = arith.constant 360 : i32
        %dma_start3A_69 = arith.constant 0 : i32
        %dma_start3A_70 = tpu.memref_slice %arg12[%dma_start3A, %dma_start3A_69] : memref<960x32xf32, #tpu.memory_space<vmem>> -> memref<120x32xf32, #tpu.memory_space<vmem>>
        %dma_start3A_71 = arith.constant 0 : i32
        %dma_start3A_72 = tpu.memref_slice %arg11[%run_scoped3A_58, %dma_start3A_71] : memref<8x120xi32, #tpu.memory_space<vmem>> -> memref<1x120xi32, #tpu.memory_space<vmem>>
        %dma_start3A_73 = tpu.memref_squeeze %dma_start3A_72 : memref<1x120xi32, #tpu.memory_space<vmem>> -> memref<120xi32, #tpu.memory_space<vmem>>
        %dma_start3A_74 = arith.constant 0 : i32
        %dma_start3A_75 = arith.constant 0 : i32
        %dma_start3A_76 = tpu.memref_slice %arg14[%dma_start3A_74, %dma_start3A_75] : memref<30720x32xf32, #tpu.memory_space<vmem_shared>> -> memref<30720x32xf32, #tpu.memory_space<vmem_shared>>
        tpu.enqueue_indirect_dma source(%dma_start3A_70 : memref<120x32xf32, #tpu.memory_space<vmem>>) target(%dma_start3A_76 : memref<30720x32xf32, #tpu.memory_space<vmem_shared>>) offsets(%dma_start3A_73 : memref<120xi32, #tpu.memory_space<vmem>>) semaphore(%run_scoped3A_68 : memref<!tpu.dma_semaphore, #tpu.memory_space<semaphore_mem>>) {add = true}
        %dma_wait3A = arith.constant 360 : i32
        %dma_wait3A_77 = arith.constant 0 : i32
        %dma_wait3A_78 = tpu.memref_slice %arg12[%dma_wait3A, %dma_wait3A_77] : memref<960x32xf32, #tpu.memory_space<vmem>> -> memref<120x32xf32, #tpu.memory_space<vmem>>
        %dma_wait3A_79 = arith.constant 0 : i32
        %dma_wait3A_80 = tpu.memref_slice %arg11[%run_scoped3A_58, %dma_wait3A_79] : memref<8x120xi32, #tpu.memory_space<vmem>> -> memref<1x120xi32, #tpu.memory_space<vmem>>
        %dma_wait3A_81 = tpu.memref_squeeze %dma_wait3A_80 : memref<1x120xi32, #tpu.memory_space<vmem>> -> memref<120xi32, #tpu.memory_space<vmem>>
        %dma_wait3A_82 = arith.constant 0 : i32
        %dma_wait3A_83 = arith.constant 0 : i32
        %dma_wait3A_84 = tpu.memref_slice %arg14[%dma_wait3A_82, %dma_wait3A_83] : memref<30720x32xf32, #tpu.memory_space<vmem_shared>> -> memref<30720x32xf32, #tpu.memory_space<vmem_shared>>
        tpu.wait_indirect_dma semaphore(%run_scoped3A_68 : memref<!tpu.dma_semaphore, #tpu.memory_space<semaphore_mem>>) src(%dma_wait3A_78 : memref<120x32xf32, #tpu.memory_space<vmem>>) dst(%dma_wait3A_84 : memref<30720x32xf32, #tpu.memory_space<vmem_shared>>)
        tpu.yield
      }) : () -> ()
      %run_scoped3A_59 = arith.constant 3 : i32
      "tpu.region"() ({
        %run_scoped3A_68 = tpu.sem_alloc : memref<!tpu.dma_semaphore, #tpu.memory_space<semaphore_mem>>
        %dma_start3A = arith.constant 0 : i32
        %dma_start3A_69 = tpu.memref_slice %arg11[%run_scoped3A_59, %dma_start3A] : memref<8x120xi32, #tpu.memory_space<vmem>> -> memref<1x120xi32, #tpu.memory_space<vmem>>
        %dma_start3A_70 = tpu.memref_squeeze %dma_start3A_69 : memref<1x120xi32, #tpu.memory_space<vmem>> -> memref<120xi32, #tpu.memory_space<vmem>>
        %dma_start3A_71 = arith.constant 0 : i32
        %dma_start3A_72 = tpu.memref_slice %arg15[%dma_start3A_71] : memref<30720xf32, #tpu.memory_space<vmem_shared>> -> memref<30720xf32, #tpu.memory_space<vmem_shared>>
        tpu.enqueue_indirect_dma source(%arg13 : memref<120xf32, #tpu.memory_space<vmem>>) target(%dma_start3A_72 : memref<30720xf32, #tpu.memory_space<vmem_shared>>) offsets(%dma_start3A_70 : memref<120xi32, #tpu.memory_space<vmem>>) semaphore(%run_scoped3A_68 : memref<!tpu.dma_semaphore, #tpu.memory_space<semaphore_mem>>) {add = true}
        %dma_wait3A = arith.constant 0 : i32
        %dma_wait3A_73 = tpu.memref_slice %arg11[%run_scoped3A_59, %dma_wait3A] : memref<8x120xi32, #tpu.memory_space<vmem>> -> memref<1x120xi32, #tpu.memory_space<vmem>>
        %dma_wait3A_74 = tpu.memref_squeeze %dma_wait3A_73 : memref<1x120xi32, #tpu.memory_space<vmem>> -> memref<120xi32, #tpu.memory_space<vmem>>
        %dma_wait3A_75 = arith.constant 0 : i32
        %dma_wait3A_76 = tpu.memref_slice %arg15[%dma_wait3A_75] : memref<30720xf32, #tpu.memory_space<vmem_shared>> -> memref<30720xf32, #tpu.memory_space<vmem_shared>>
        tpu.wait_indirect_dma semaphore(%run_scoped3A_68 : memref<!tpu.dma_semaphore, #tpu.memory_space<semaphore_mem>>) src(%arg13 : memref<120xf32, #tpu.memory_space<vmem>>) dst(%dma_wait3A_76 : memref<30720xf32, #tpu.memory_space<vmem_shared>>)
        tpu.yield
      }) : () -> ()
      %run_scoped3A_60 = arith.constant 4 : i32
      "tpu.region"() ({
        %run_scoped3A_68 = tpu.sem_alloc : memref<!tpu.dma_semaphore, #tpu.memory_space<semaphore_mem>>
        %dma_start3A = arith.constant 480 : i32
        %dma_start3A_69 = arith.constant 0 : i32
        %dma_start3A_70 = tpu.memref_slice %arg12[%dma_start3A, %dma_start3A_69] : memref<960x32xf32, #tpu.memory_space<vmem>> -> memref<120x32xf32, #tpu.memory_space<vmem>>
        %dma_start3A_71 = arith.constant 0 : i32
        %dma_start3A_72 = tpu.memref_slice %arg11[%run_scoped3A_60, %dma_start3A_71] : memref<8x120xi32, #tpu.memory_space<vmem>> -> memref<1x120xi32, #tpu.memory_space<vmem>>
        %dma_start3A_73 = tpu.memref_squeeze %dma_start3A_72 : memref<1x120xi32, #tpu.memory_space<vmem>> -> memref<120xi32, #tpu.memory_space<vmem>>
        %dma_start3A_74 = arith.constant 0 : i32
        %dma_start3A_75 = arith.constant 0 : i32
        %dma_start3A_76 = tpu.memref_slice %arg14[%dma_start3A_74, %dma_start3A_75] : memref<30720x32xf32, #tpu.memory_space<vmem_shared>> -> memref<30720x32xf32, #tpu.memory_space<vmem_shared>>
        tpu.enqueue_indirect_dma source(%dma_start3A_70 : memref<120x32xf32, #tpu.memory_space<vmem>>) target(%dma_start3A_76 : memref<30720x32xf32, #tpu.memory_space<vmem_shared>>) offsets(%dma_start3A_73 : memref<120xi32, #tpu.memory_space<vmem>>) semaphore(%run_scoped3A_68 : memref<!tpu.dma_semaphore, #tpu.memory_space<semaphore_mem>>) {add = true}
        %dma_wait3A = arith.constant 480 : i32
        %dma_wait3A_77 = arith.constant 0 : i32
        %dma_wait3A_78 = tpu.memref_slice %arg12[%dma_wait3A, %dma_wait3A_77] : memref<960x32xf32, #tpu.memory_space<vmem>> -> memref<120x32xf32, #tpu.memory_space<vmem>>
        %dma_wait3A_79 = arith.constant 0 : i32
        %dma_wait3A_80 = tpu.memref_slice %arg11[%run_scoped3A_60, %dma_wait3A_79] : memref<8x120xi32, #tpu.memory_space<vmem>> -> memref<1x120xi32, #tpu.memory_space<vmem>>
        %dma_wait3A_81 = tpu.memref_squeeze %dma_wait3A_80 : memref<1x120xi32, #tpu.memory_space<vmem>> -> memref<120xi32, #tpu.memory_space<vmem>>
        %dma_wait3A_82 = arith.constant 0 : i32
        %dma_wait3A_83 = arith.constant 0 : i32
        %dma_wait3A_84 = tpu.memref_slice %arg14[%dma_wait3A_82, %dma_wait3A_83] : memref<30720x32xf32, #tpu.memory_space<vmem_shared>> -> memref<30720x32xf32, #tpu.memory_space<vmem_shared>>
        tpu.wait_indirect_dma semaphore(%run_scoped3A_68 : memref<!tpu.dma_semaphore, #tpu.memory_space<semaphore_mem>>) src(%dma_wait3A_78 : memref<120x32xf32, #tpu.memory_space<vmem>>) dst(%dma_wait3A_84 : memref<30720x32xf32, #tpu.memory_space<vmem_shared>>)
        tpu.yield
      }) : () -> ()
      %run_scoped3A_61 = arith.constant 4 : i32
      "tpu.region"() ({
        %run_scoped3A_68 = tpu.sem_alloc : memref<!tpu.dma_semaphore, #tpu.memory_space<semaphore_mem>>
        %dma_start3A = arith.constant 0 : i32
        %dma_start3A_69 = tpu.memref_slice %arg11[%run_scoped3A_61, %dma_start3A] : memref<8x120xi32, #tpu.memory_space<vmem>> -> memref<1x120xi32, #tpu.memory_space<vmem>>
        %dma_start3A_70 = tpu.memref_squeeze %dma_start3A_69 : memref<1x120xi32, #tpu.memory_space<vmem>> -> memref<120xi32, #tpu.memory_space<vmem>>
        %dma_start3A_71 = arith.constant 0 : i32
        %dma_start3A_72 = tpu.memref_slice %arg15[%dma_start3A_71] : memref<30720xf32, #tpu.memory_space<vmem_shared>> -> memref<30720xf32, #tpu.memory_space<vmem_shared>>
        tpu.enqueue_indirect_dma source(%arg13 : memref<120xf32, #tpu.memory_space<vmem>>) target(%dma_start3A_72 : memref<30720xf32, #tpu.memory_space<vmem_shared>>) offsets(%dma_start3A_70 : memref<120xi32, #tpu.memory_space<vmem>>) semaphore(%run_scoped3A_68 : memref<!tpu.dma_semaphore, #tpu.memory_space<semaphore_mem>>) {add = true}
        %dma_wait3A = arith.constant 0 : i32
        %dma_wait3A_73 = tpu.memref_slice %arg11[%run_scoped3A_61, %dma_wait3A] : memref<8x120xi32, #tpu.memory_space<vmem>> -> memref<1x120xi32, #tpu.memory_space<vmem>>
        %dma_wait3A_74 = tpu.memref_squeeze %dma_wait3A_73 : memref<1x120xi32, #tpu.memory_space<vmem>> -> memref<120xi32, #tpu.memory_space<vmem>>
        %dma_wait3A_75 = arith.constant 0 : i32
        %dma_wait3A_76 = tpu.memref_slice %arg15[%dma_wait3A_75] : memref<30720xf32, #tpu.memory_space<vmem_shared>> -> memref<30720xf32, #tpu.memory_space<vmem_shared>>
        tpu.wait_indirect_dma semaphore(%run_scoped3A_68 : memref<!tpu.dma_semaphore, #tpu.memory_space<semaphore_mem>>) src(%arg13 : memref<120xf32, #tpu.memory_space<vmem>>) dst(%dma_wait3A_76 : memref<30720xf32, #tpu.memory_space<vmem_shared>>)
        tpu.yield
      }) : () -> ()
      %run_scoped3A_62 = arith.constant 5 : i32
      "tpu.region"() ({
        %run_scoped3A_68 = tpu.sem_alloc : memref<!tpu.dma_semaphore, #tpu.memory_space<semaphore_mem>>
        %dma_start3A = arith.constant 600 : i32
        %dma_start3A_69 = arith.constant 0 : i32
        %dma_start3A_70 = tpu.memref_slice %arg12[%dma_start3A, %dma_start3A_69] : memref<960x32xf32, #tpu.memory_space<vmem>> -> memref<120x32xf32, #tpu.memory_space<vmem>>
        %dma_start3A_71 = arith.constant 0 : i32
        %dma_start3A_72 = tpu.memref_slice %arg11[%run_scoped3A_62, %dma_start3A_71] : memref<8x120xi32, #tpu.memory_space<vmem>> -> memref<1x120xi32, #tpu.memory_space<vmem>>
        %dma_start3A_73 = tpu.memref_squeeze %dma_start3A_72 : memref<1x120xi32, #tpu.memory_space<vmem>> -> memref<120xi32, #tpu.memory_space<vmem>>
        %dma_start3A_74 = arith.constant 0 : i32
        %dma_start3A_75 = arith.constant 0 : i32
        %dma_start3A_76 = tpu.memref_slice %arg14[%dma_start3A_74, %dma_start3A_75] : memref<30720x32xf32, #tpu.memory_space<vmem_shared>> -> memref<30720x32xf32, #tpu.memory_space<vmem_shared>>
        tpu.enqueue_indirect_dma source(%dma_start3A_70 : memref<120x32xf32, #tpu.memory_space<vmem>>) target(%dma_start3A_76 : memref<30720x32xf32, #tpu.memory_space<vmem_shared>>) offsets(%dma_start3A_73 : memref<120xi32, #tpu.memory_space<vmem>>) semaphore(%run_scoped3A_68 : memref<!tpu.dma_semaphore, #tpu.memory_space<semaphore_mem>>) {add = true}
        %dma_wait3A = arith.constant 600 : i32
        %dma_wait3A_77 = arith.constant 0 : i32
        %dma_wait3A_78 = tpu.memref_slice %arg12[%dma_wait3A, %dma_wait3A_77] : memref<960x32xf32, #tpu.memory_space<vmem>> -> memref<120x32xf32, #tpu.memory_space<vmem>>
        %dma_wait3A_79 = arith.constant 0 : i32
        %dma_wait3A_80 = tpu.memref_slice %arg11[%run_scoped3A_62, %dma_wait3A_79] : memref<8x120xi32, #tpu.memory_space<vmem>> -> memref<1x120xi32, #tpu.memory_space<vmem>>
        %dma_wait3A_81 = tpu.memref_squeeze %dma_wait3A_80 : memref<1x120xi32, #tpu.memory_space<vmem>> -> memref<120xi32, #tpu.memory_space<vmem>>
        %dma_wait3A_82 = arith.constant 0 : i32
        %dma_wait3A_83 = arith.constant 0 : i32
        %dma_wait3A_84 = tpu.memref_slice %arg14[%dma_wait3A_82, %dma_wait3A_83] : memref<30720x32xf32, #tpu.memory_space<vmem_shared>> -> memref<30720x32xf32, #tpu.memory_space<vmem_shared>>
        tpu.wait_indirect_dma semaphore(%run_scoped3A_68 : memref<!tpu.dma_semaphore, #tpu.memory_space<semaphore_mem>>) src(%dma_wait3A_78 : memref<120x32xf32, #tpu.memory_space<vmem>>) dst(%dma_wait3A_84 : memref<30720x32xf32, #tpu.memory_space<vmem_shared>>)
        tpu.yield
      }) : () -> ()
      %run_scoped3A_63 = arith.constant 5 : i32
      "tpu.region"() ({
        %run_scoped3A_68 = tpu.sem_alloc : memref<!tpu.dma_semaphore, #tpu.memory_space<semaphore_mem>>
        %dma_start3A = arith.constant 0 : i32
        %dma_start3A_69 = tpu.memref_slice %arg11[%run_scoped3A_63, %dma_start3A] : memref<8x120xi32, #tpu.memory_space<vmem>> -> memref<1x120xi32, #tpu.memory_space<vmem>>
        %dma_start3A_70 = tpu.memref_squeeze %dma_start3A_69 : memref<1x120xi32, #tpu.memory_space<vmem>> -> memref<120xi32, #tpu.memory_space<vmem>>
        %dma_start3A_71 = arith.constant 0 : i32
        %dma_start3A_72 = tpu.memref_slice %arg15[%dma_start3A_71] : memref<30720xf32, #tpu.memory_space<vmem_shared>> -> memref<30720xf32, #tpu.memory_space<vmem_shared>>
        tpu.enqueue_indirect_dma source(%arg13 : memref<120xf32, #tpu.memory_space<vmem>>) target(%dma_start3A_72 : memref<30720xf32, #tpu.memory_space<vmem_shared>>) offsets(%dma_start3A_70 : memref<120xi32, #tpu.memory_space<vmem>>) semaphore(%run_scoped3A_68 : memref<!tpu.dma_semaphore, #tpu.memory_space<semaphore_mem>>) {add = true}
        %dma_wait3A = arith.constant 0 : i32
        %dma_wait3A_73 = tpu.memref_slice %arg11[%run_scoped3A_63, %dma_wait3A] : memref<8x120xi32, #tpu.memory_space<vmem>> -> memref<1x120xi32, #tpu.memory_space<vmem>>
        %dma_wait3A_74 = tpu.memref_squeeze %dma_wait3A_73 : memref<1x120xi32, #tpu.memory_space<vmem>> -> memref<120xi32, #tpu.memory_space<vmem>>
        %dma_wait3A_75 = arith.constant 0 : i32
        %dma_wait3A_76 = tpu.memref_slice %arg15[%dma_wait3A_75] : memref<30720xf32, #tpu.memory_space<vmem_shared>> -> memref<30720xf32, #tpu.memory_space<vmem_shared>>
        tpu.wait_indirect_dma semaphore(%run_scoped3A_68 : memref<!tpu.dma_semaphore, #tpu.memory_space<semaphore_mem>>) src(%arg13 : memref<120xf32, #tpu.memory_space<vmem>>) dst(%dma_wait3A_76 : memref<30720xf32, #tpu.memory_space<vmem_shared>>)
        tpu.yield
      }) : () -> ()
      %run_scoped3A_64 = arith.constant 6 : i32
      "tpu.region"() ({
        %run_scoped3A_68 = tpu.sem_alloc : memref<!tpu.dma_semaphore, #tpu.memory_space<semaphore_mem>>
        %dma_start3A = arith.constant 720 : i32
        %dma_start3A_69 = arith.constant 0 : i32
        %dma_start3A_70 = tpu.memref_slice %arg12[%dma_start3A, %dma_start3A_69] : memref<960x32xf32, #tpu.memory_space<vmem>> -> memref<120x32xf32, #tpu.memory_space<vmem>>
        %dma_start3A_71 = arith.constant 0 : i32
        %dma_start3A_72 = tpu.memref_slice %arg11[%run_scoped3A_64, %dma_start3A_71] : memref<8x120xi32, #tpu.memory_space<vmem>> -> memref<1x120xi32, #tpu.memory_space<vmem>>
        %dma_start3A_73 = tpu.memref_squeeze %dma_start3A_72 : memref<1x120xi32, #tpu.memory_space<vmem>> -> memref<120xi32, #tpu.memory_space<vmem>>
        %dma_start3A_74 = arith.constant 0 : i32
        %dma_start3A_75 = arith.constant 0 : i32
        %dma_start3A_76 = tpu.memref_slice %arg14[%dma_start3A_74, %dma_start3A_75] : memref<30720x32xf32, #tpu.memory_space<vmem_shared>> -> memref<30720x32xf32, #tpu.memory_space<vmem_shared>>
        tpu.enqueue_indirect_dma source(%dma_start3A_70 : memref<120x32xf32, #tpu.memory_space<vmem>>) target(%dma_start3A_76 : memref<30720x32xf32, #tpu.memory_space<vmem_shared>>) offsets(%dma_start3A_73 : memref<120xi32, #tpu.memory_space<vmem>>) semaphore(%run_scoped3A_68 : memref<!tpu.dma_semaphore, #tpu.memory_space<semaphore_mem>>) {add = true}
        %dma_wait3A = arith.constant 720 : i32
        %dma_wait3A_77 = arith.constant 0 : i32
        %dma_wait3A_78 = tpu.memref_slice %arg12[%dma_wait3A, %dma_wait3A_77] : memref<960x32xf32, #tpu.memory_space<vmem>> -> memref<120x32xf32, #tpu.memory_space<vmem>>
        %dma_wait3A_79 = arith.constant 0 : i32
        %dma_wait3A_80 = tpu.memref_slice %arg11[%run_scoped3A_64, %dma_wait3A_79] : memref<8x120xi32, #tpu.memory_space<vmem>> -> memref<1x120xi32, #tpu.memory_space<vmem>>
        %dma_wait3A_81 = tpu.memref_squeeze %dma_wait3A_80 : memref<1x120xi32, #tpu.memory_space<vmem>> -> memref<120xi32, #tpu.memory_space<vmem>>
        %dma_wait3A_82 = arith.constant 0 : i32
        %dma_wait3A_83 = arith.constant 0 : i32
        %dma_wait3A_84 = tpu.memref_slice %arg14[%dma_wait3A_82, %dma_wait3A_83] : memref<30720x32xf32, #tpu.memory_space<vmem_shared>> -> memref<30720x32xf32, #tpu.memory_space<vmem_shared>>
        tpu.wait_indirect_dma semaphore(%run_scoped3A_68 : memref<!tpu.dma_semaphore, #tpu.memory_space<semaphore_mem>>) src(%dma_wait3A_78 : memref<120x32xf32, #tpu.memory_space<vmem>>) dst(%dma_wait3A_84 : memref<30720x32xf32, #tpu.memory_space<vmem_shared>>)
        tpu.yield
      }) : () -> ()
      %run_scoped3A_65 = arith.constant 6 : i32
      "tpu.region"() ({
        %run_scoped3A_68 = tpu.sem_alloc : memref<!tpu.dma_semaphore, #tpu.memory_space<semaphore_mem>>
        %dma_start3A = arith.constant 0 : i32
        %dma_start3A_69 = tpu.memref_slice %arg11[%run_scoped3A_65, %dma_start3A] : memref<8x120xi32, #tpu.memory_space<vmem>> -> memref<1x120xi32, #tpu.memory_space<vmem>>
        %dma_start3A_70 = tpu.memref_squeeze %dma_start3A_69 : memref<1x120xi32, #tpu.memory_space<vmem>> -> memref<120xi32, #tpu.memory_space<vmem>>
        %dma_start3A_71 = arith.constant 0 : i32
        %dma_start3A_72 = tpu.memref_slice %arg15[%dma_start3A_71] : memref<30720xf32, #tpu.memory_space<vmem_shared>> -> memref<30720xf32, #tpu.memory_space<vmem_shared>>
        tpu.enqueue_indirect_dma source(%arg13 : memref<120xf32, #tpu.memory_space<vmem>>) target(%dma_start3A_72 : memref<30720xf32, #tpu.memory_space<vmem_shared>>) offsets(%dma_start3A_70 : memref<120xi32, #tpu.memory_space<vmem>>) semaphore(%run_scoped3A_68 : memref<!tpu.dma_semaphore, #tpu.memory_space<semaphore_mem>>) {add = true}
        %dma_wait3A = arith.constant 0 : i32
        %dma_wait3A_73 = tpu.memref_slice %arg11[%run_scoped3A_65, %dma_wait3A] : memref<8x120xi32, #tpu.memory_space<vmem>> -> memref<1x120xi32, #tpu.memory_space<vmem>>
        %dma_wait3A_74 = tpu.memref_squeeze %dma_wait3A_73 : memref<1x120xi32, #tpu.memory_space<vmem>> -> memref<120xi32, #tpu.memory_space<vmem>>
        %dma_wait3A_75 = arith.constant 0 : i32
        %dma_wait3A_76 = tpu.memref_slice %arg15[%dma_wait3A_75] : memref<30720xf32, #tpu.memory_space<vmem_shared>> -> memref<30720xf32, #tpu.memory_space<vmem_shared>>
        tpu.wait_indirect_dma semaphore(%run_scoped3A_68 : memref<!tpu.dma_semaphore, #tpu.memory_space<semaphore_mem>>) src(%arg13 : memref<120xf32, #tpu.memory_space<vmem>>) dst(%dma_wait3A_76 : memref<30720xf32, #tpu.memory_space<vmem_shared>>)
        tpu.yield
      }) : () -> ()
      %run_scoped3A_66 = arith.constant 7 : i32
      "tpu.region"() ({
        %run_scoped3A_68 = tpu.sem_alloc : memref<!tpu.dma_semaphore, #tpu.memory_space<semaphore_mem>>
        %dma_start3A = arith.constant 840 : i32
        %dma_start3A_69 = arith.constant 0 : i32
        %dma_start3A_70 = tpu.memref_slice %arg12[%dma_start3A, %dma_start3A_69] : memref<960x32xf32, #tpu.memory_space<vmem>> -> memref<120x32xf32, #tpu.memory_space<vmem>>
        %dma_start3A_71 = arith.constant 0 : i32
        %dma_start3A_72 = tpu.memref_slice %arg11[%run_scoped3A_66, %dma_start3A_71] : memref<8x120xi32, #tpu.memory_space<vmem>> -> memref<1x120xi32, #tpu.memory_space<vmem>>
        %dma_start3A_73 = tpu.memref_squeeze %dma_start3A_72 : memref<1x120xi32, #tpu.memory_space<vmem>> -> memref<120xi32, #tpu.memory_space<vmem>>
        %dma_start3A_74 = arith.constant 0 : i32
        %dma_start3A_75 = arith.constant 0 : i32
        %dma_start3A_76 = tpu.memref_slice %arg14[%dma_start3A_74, %dma_start3A_75] : memref<30720x32xf32, #tpu.memory_space<vmem_shared>> -> memref<30720x32xf32, #tpu.memory_space<vmem_shared>>
        tpu.enqueue_indirect_dma source(%dma_start3A_70 : memref<120x32xf32, #tpu.memory_space<vmem>>) target(%dma_start3A_76 : memref<30720x32xf32, #tpu.memory_space<vmem_shared>>) offsets(%dma_start3A_73 : memref<120xi32, #tpu.memory_space<vmem>>) semaphore(%run_scoped3A_68 : memref<!tpu.dma_semaphore, #tpu.memory_space<semaphore_mem>>) {add = true}
        %dma_wait3A = arith.constant 840 : i32
        %dma_wait3A_77 = arith.constant 0 : i32
        %dma_wait3A_78 = tpu.memref_slice %arg12[%dma_wait3A, %dma_wait3A_77] : memref<960x32xf32, #tpu.memory_space<vmem>> -> memref<120x32xf32, #tpu.memory_space<vmem>>
        %dma_wait3A_79 = arith.constant 0 : i32
        %dma_wait3A_80 = tpu.memref_slice %arg11[%run_scoped3A_66, %dma_wait3A_79] : memref<8x120xi32, #tpu.memory_space<vmem>> -> memref<1x120xi32, #tpu.memory_space<vmem>>
        %dma_wait3A_81 = tpu.memref_squeeze %dma_wait3A_80 : memref<1x120xi32, #tpu.memory_space<vmem>> -> memref<120xi32, #tpu.memory_space<vmem>>
        %dma_wait3A_82 = arith.constant 0 : i32
        %dma_wait3A_83 = arith.constant 0 : i32
        %dma_wait3A_84 = tpu.memref_slice %arg14[%dma_wait3A_82, %dma_wait3A_83] : memref<30720x32xf32, #tpu.memory_space<vmem_shared>> -> memref<30720x32xf32, #tpu.memory_space<vmem_shared>>
        tpu.wait_indirect_dma semaphore(%run_scoped3A_68 : memref<!tpu.dma_semaphore, #tpu.memory_space<semaphore_mem>>) src(%dma_wait3A_78 : memref<120x32xf32, #tpu.memory_space<vmem>>) dst(%dma_wait3A_84 : memref<30720x32xf32, #tpu.memory_space<vmem_shared>>)
        tpu.yield
      }) : () -> ()
      %run_scoped3A_67 = arith.constant 7 : i32
      "tpu.region"() ({
        %run_scoped3A_68 = tpu.sem_alloc : memref<!tpu.dma_semaphore, #tpu.memory_space<semaphore_mem>>
        %dma_start3A = arith.constant 0 : i32
        %dma_start3A_69 = tpu.memref_slice %arg11[%run_scoped3A_67, %dma_start3A] : memref<8x120xi32, #tpu.memory_space<vmem>> -> memref<1x120xi32, #tpu.memory_space<vmem>>
        %dma_start3A_70 = tpu.memref_squeeze %dma_start3A_69 : memref<1x120xi32, #tpu.memory_space<vmem>> -> memref<120xi32, #tpu.memory_space<vmem>>
        %dma_start3A_71 = arith.constant 0 : i32
        %dma_start3A_72 = tpu.memref_slice %arg15[%dma_start3A_71] : memref<30720xf32, #tpu.memory_space<vmem_shared>> -> memref<30720xf32, #tpu.memory_space<vmem_shared>>
        tpu.enqueue_indirect_dma source(%arg13 : memref<120xf32, #tpu.memory_space<vmem>>) target(%dma_start3A_72 : memref<30720xf32, #tpu.memory_space<vmem_shared>>) offsets(%dma_start3A_70 : memref<120xi32, #tpu.memory_space<vmem>>) semaphore(%run_scoped3A_68 : memref<!tpu.dma_semaphore, #tpu.memory_space<semaphore_mem>>) {add = true}
        %dma_wait3A = arith.constant 0 : i32
        %dma_wait3A_73 = tpu.memref_slice %arg11[%run_scoped3A_67, %dma_wait3A] : memref<8x120xi32, #tpu.memory_space<vmem>> -> memref<1x120xi32, #tpu.memory_space<vmem>>
        %dma_wait3A_74 = tpu.memref_squeeze %dma_wait3A_73 : memref<1x120xi32, #tpu.memory_space<vmem>> -> memref<120xi32, #tpu.memory_space<vmem>>
        %dma_wait3A_75 = arith.constant 0 : i32
        %dma_wait3A_76 = tpu.memref_slice %arg15[%dma_wait3A_75] : memref<30720xf32, #tpu.memory_space<vmem_shared>> -> memref<30720xf32, #tpu.memory_space<vmem_shared>>
        tpu.wait_indirect_dma semaphore(%run_scoped3A_68 : memref<!tpu.dma_semaphore, #tpu.memory_space<semaphore_mem>>) src(%arg13 : memref<120xf32, #tpu.memory_space<vmem>>) dst(%dma_wait3A_76 : memref<30720xf32, #tpu.memory_space<vmem_shared>>)
        tpu.yield
      }) : () -> ()
    }
    %scan3A_9 = arith.constant 16 : i32
    %barrier3A_10 = arith.constant 0 : index
    tpu.barrier barrier_id(%barrier3A_10)
    %mul3A_11 = arith.constant 1920 : i32
    %mul3A_12 = arith.muli %arg1, %mul3A_11 : i32
    %mul3A_13 = arith.constant 30720 : i32
    %mul3A_14 = arith.muli %arg0, %mul3A_13 : i32
    %mul3A_15 = arith.constant 1920 : i32
    %mul3A_16 = arith.muli %arg1, %mul3A_15 : i32
    %add3A_17 = arith.addi %mul3A_14, %mul3A_16 : i32
    "tpu.region"() ({
      %run_scoped3A = tpu.sem_alloc : memref<!tpu.dma_semaphore, #tpu.memory_space<semaphore_mem>>
      %dma_start3A = arith.constant 0 : i32
      %dma_start3A_42 = tpu.memref_slice %arg8[%add3A_17, %dma_start3A] : memref<61440x32xf32, #tpu.memory_space<hbm>> -> memref<1920x32xf32, #tpu.memory_space<hbm>>
      %dma_start3A_43 = arith.constant 0 : i32
      %dma_start3A_44 = tpu.memref_slice %arg14[%mul3A_12, %dma_start3A_43] : memref<30720x32xf32, #tpu.memory_space<vmem_shared>> -> memref<1920x32xf32, #tpu.memory_space<vmem_shared>>
      tpu.enqueue_dma source(%dma_start3A_44 : memref<1920x32xf32, #tpu.memory_space<vmem_shared>>) target(%dma_start3A_42 : memref<1920x32xf32, #tpu.memory_space<hbm>>) target_semaphore(%run_scoped3A : memref<!tpu.dma_semaphore, #tpu.memory_space<semaphore_mem>>)
      %dma_wait3A = arith.constant 0 : i32
      %dma_wait3A_45 = tpu.memref_slice %arg8[%add3A_17, %dma_wait3A] : memref<61440x32xf32, #tpu.memory_space<hbm>> -> memref<1920x32xf32, #tpu.memory_space<hbm>>
      %dma_wait3A_46 = arith.constant 0 : i32
      %dma_wait3A_47 = tpu.memref_slice %arg14[%mul3A_12, %dma_wait3A_46] : memref<30720x32xf32, #tpu.memory_space<vmem_shared>> -> memref<1920x32xf32, #tpu.memory_space<vmem_shared>>
      tpu.wait_dma2 semaphore(%run_scoped3A : memref<!tpu.dma_semaphore, #tpu.memory_space<semaphore_mem>>) src(%dma_wait3A_47 : memref<1920x32xf32, #tpu.memory_space<vmem_shared>>) dst(%dma_wait3A_45 : memref<1920x32xf32, #tpu.memory_space<hbm>>)
      tpu.yield
    }) : () -> ()
    %mul3A_18 = arith.constant 1920 : i32
    %mul3A_19 = arith.muli %arg1, %mul3A_18 : i32
    %mul3A_20 = arith.constant 30720 : i32
    %mul3A_21 = arith.muli %arg0, %mul3A_20 : i32
    %mul3A_22 = arith.constant 1920 : i32
    %mul3A_23 = arith.muli %arg1, %mul3A_22 : i32
    %add3A_24 = arith.addi %mul3A_21, %mul3A_23 : i32
    "tpu.region"() ({
      %run_scoped3A = tpu.sem_alloc : memref<!tpu.dma_semaphore, #tpu.memory_space<semaphore_mem>>
      %dma_start3A = tpu.memref_slice %arg10[%add3A_24] : memref<61440xf32, #tpu.memory_space<hbm>> -> memref<1920xf32, #tpu.memory_space<hbm>>
      %dma_start3A_42 = tpu.memref_slice %arg15[%mul3A_19] : memref<30720xf32, #tpu.memory_space<vmem_shared>> -> memref<1920xf32, #tpu.memory_space<vmem_shared>>
      tpu.enqueue_dma source(%dma_start3A_42 : memref<1920xf32, #tpu.memory_space<vmem_shared>>) target(%dma_start3A : memref<1920xf32, #tpu.memory_space<hbm>>) target_semaphore(%run_scoped3A : memref<!tpu.dma_semaphore, #tpu.memory_space<semaphore_mem>>)
      %dma_wait3A = tpu.memref_slice %arg10[%add3A_24] : memref<61440xf32, #tpu.memory_space<hbm>> -> memref<1920xf32, #tpu.memory_space<hbm>>
      %dma_wait3A_43 = tpu.memref_slice %arg15[%mul3A_19] : memref<30720xf32, #tpu.memory_space<vmem_shared>> -> memref<1920xf32, #tpu.memory_space<vmem_shared>>
      tpu.wait_dma2 semaphore(%run_scoped3A : memref<!tpu.dma_semaphore, #tpu.memory_space<semaphore_mem>>) src(%dma_wait3A_43 : memref<1920xf32, #tpu.memory_space<vmem_shared>>) dst(%dma_wait3A : memref<1920xf32, #tpu.memory_space<hbm>>)
      tpu.yield
    }) : () -> ()
    %mul3A_25 = arith.constant 1920 : i32
    %mul3A_26 = arith.muli %arg1, %mul3A_25 : i32
    "tpu.region"() ({
      %run_scoped3A = tpu.sem_alloc : memref<!tpu.dma_semaphore, #tpu.memory_space<semaphore_mem>>
      %dma_start3A = arith.constant 0 : i32
      %dma_start3A_42 = tpu.memref_slice %arg14[%mul3A_26, %dma_start3A] : memref<30720x32xf32, #tpu.memory_space<vmem_shared>> -> memref<1920x32xf32, #tpu.memory_space<vmem_shared>>
      tpu.enqueue_dma source(%arg5 : memref<1920x32xf32, #tpu.memory_space<hbm>>) target(%dma_start3A_42 : memref<1920x32xf32, #tpu.memory_space<vmem_shared>>) target_semaphore(%run_scoped3A : memref<!tpu.dma_semaphore, #tpu.memory_space<semaphore_mem>>)
      %dma_wait3A = arith.constant 0 : i32
      %dma_wait3A_43 = tpu.memref_slice %arg14[%mul3A_26, %dma_wait3A] : memref<30720x32xf32, #tpu.memory_space<vmem_shared>> -> memref<1920x32xf32, #tpu.memory_space<vmem_shared>>
      tpu.wait_dma2 semaphore(%run_scoped3A : memref<!tpu.dma_semaphore, #tpu.memory_space<semaphore_mem>>) src(%arg5 : memref<1920x32xf32, #tpu.memory_space<hbm>>) dst(%dma_wait3A_43 : memref<1920x32xf32, #tpu.memory_space<vmem_shared>>)
      tpu.yield
    }) : () -> ()
    %barrier3A_27 = arith.constant 0 : index
    tpu.barrier barrier_id(%barrier3A_27)
    %scan3A_28 = arith.constant 0 : i32
    %scan3A_29 = arith.constant 0 : i32
    %scan3A_30 = arith.constant 16 : i32
    %scan3A_31 = arith.addi %scan3A_29, %scan3A_30 : i32
    %scan3A_32 = arith.constant 1 : i32
    scf.for %scan3A_42 = %scan3A_29 to %scan3A_31 step %scan3A_32  : i32 {
      %mul3A_43 = arith.constant 128 : i32
      %mul3A_44 = arith.muli %add3A, %mul3A_43 : i32
      %mul3A_45 = arith.constant 8 : i32
      %mul3A_46 = arith.muli %scan3A_42, %mul3A_45 : i32
      %add3A_47 = arith.addi %mul3A_44, %mul3A_46 : i32
      "tpu.region"() ({
        %run_scoped3A_60 = tpu.sem_alloc : memref<!tpu.dma_semaphore, #tpu.memory_space<semaphore_mem>>
        %dma_start3A = arith.constant 0 : i32
        %dma_start3A_61 = tpu.memref_slice %arg4[%add3A_47, %dma_start3A] : memref<4096x120xi32, #tpu.memory_space<hbm>> -> memref<8x120xi32, #tpu.memory_space<hbm>>
        %dma_start3A_62 = arith.constant 0 : i32
        %dma_start3A_63 = tpu.memref_slice %arg4[%add3A_47, %dma_start3A_62] : memref<4096x120xi32, #tpu.memory_space<hbm>> -> memref<8x120xi32, #tpu.memory_space<hbm>>
        tpu.enqueue_dma source(%dma_start3A_63 : memref<8x120xi32, #tpu.memory_space<hbm>>) target(%arg11 : memref<8x120xi32, #tpu.memory_space<vmem>>) target_semaphore(%run_scoped3A_60 : memref<!tpu.dma_semaphore, #tpu.memory_space<semaphore_mem>>)
        %dma_wait3A = arith.constant 0 : i32
        %dma_wait3A_64 = tpu.memref_slice %arg4[%add3A_47, %dma_wait3A] : memref<4096x120xi32, #tpu.memory_space<hbm>> -> memref<8x120xi32, #tpu.memory_space<hbm>>
        %dma_wait3A_65 = arith.constant 0 : i32
        %dma_wait3A_66 = tpu.memref_slice %arg4[%add3A_47, %dma_wait3A_65] : memref<4096x120xi32, #tpu.memory_space<hbm>> -> memref<8x120xi32, #tpu.memory_space<hbm>>
        tpu.wait_dma2 semaphore(%run_scoped3A_60 : memref<!tpu.dma_semaphore, #tpu.memory_space<semaphore_mem>>) src(%dma_wait3A_66 : memref<8x120xi32, #tpu.memory_space<hbm>>) dst(%arg11 : memref<8x120xi32, #tpu.memory_space<vmem>>)
        tpu.yield
      }) : () -> ()
      %mul3A_48 = arith.constant 15360 : i32
      %mul3A_49 = arith.muli %add3A, %mul3A_48 : i32
      %mul3A_50 = arith.constant 960 : i32
      %mul3A_51 = arith.muli %scan3A_42, %mul3A_50 : i32
      %add3A_52 = arith.addi %mul3A_49, %mul3A_51 : i32
      "tpu.region"() ({
        %run_scoped3A_60 = tpu.sem_alloc : memref<!tpu.dma_semaphore, #tpu.memory_space<semaphore_mem>>
        %dma_start3A = arith.constant 0 : i32
        %dma_start3A_61 = tpu.memref_slice %arg3[%add3A_52, %dma_start3A] : memref<491520x32xf32, #tpu.memory_space<hbm>> -> memref<960x32xf32, #tpu.memory_space<hbm>>
        %dma_start3A_62 = arith.constant 0 : i32
        %dma_start3A_63 = tpu.memref_slice %arg3[%add3A_52, %dma_start3A_62] : memref<491520x32xf32, #tpu.memory_space<hbm>> -> memref<960x32xf32, #tpu.memory_space<hbm>>
        tpu.enqueue_dma source(%dma_start3A_63 : memref<960x32xf32, #tpu.memory_space<hbm>>) target(%arg12 : memref<960x32xf32, #tpu.memory_space<vmem>>) target_semaphore(%run_scoped3A_60 : memref<!tpu.dma_semaphore, #tpu.memory_space<semaphore_mem>>)
        %dma_wait3A = arith.constant 0 : i32
        %dma_wait3A_64 = tpu.memref_slice %arg3[%add3A_52, %dma_wait3A] : memref<491520x32xf32, #tpu.memory_space<hbm>> -> memref<960x32xf32, #tpu.memory_space<hbm>>
        %dma_wait3A_65 = arith.constant 0 : i32
        %dma_wait3A_66 = tpu.memref_slice %arg3[%add3A_52, %dma_wait3A_65] : memref<491520x32xf32, #tpu.memory_space<hbm>> -> memref<960x32xf32, #tpu.memory_space<hbm>>
        tpu.wait_dma2 semaphore(%run_scoped3A_60 : memref<!tpu.dma_semaphore, #tpu.memory_space<semaphore_mem>>) src(%dma_wait3A_66 : memref<960x32xf32, #tpu.memory_space<hbm>>) dst(%arg12 : memref<960x32xf32, #tpu.memory_space<vmem>>)
        tpu.yield
      }) : () -> ()
      %run_scoped3A = arith.constant 0 : i32
      "tpu.region"() ({
        %run_scoped3A_60 = tpu.sem_alloc : memref<!tpu.dma_semaphore, #tpu.memory_space<semaphore_mem>>
        %dma_start3A = arith.constant 0 : i32
        %dma_start3A_61 = arith.constant 0 : i32
        %dma_start3A_62 = tpu.memref_slice %arg12[%dma_start3A, %dma_start3A_61] : memref<960x32xf32, #tpu.memory_space<vmem>> -> memref<120x32xf32, #tpu.memory_space<vmem>>
        %dma_start3A_63 = arith.constant 0 : i32
        %dma_start3A_64 = tpu.memref_slice %arg11[%run_scoped3A, %dma_start3A_63] : memref<8x120xi32, #tpu.memory_space<vmem>> -> memref<1x120xi32, #tpu.memory_space<vmem>>
        %dma_start3A_65 = tpu.memref_squeeze %dma_start3A_64 : memref<1x120xi32, #tpu.memory_space<vmem>> -> memref<120xi32, #tpu.memory_space<vmem>>
        %dma_start3A_66 = arith.constant 0 : i32
        %dma_start3A_67 = arith.constant 0 : i32
        %dma_start3A_68 = tpu.memref_slice %arg14[%dma_start3A_66, %dma_start3A_67] : memref<30720x32xf32, #tpu.memory_space<vmem_shared>> -> memref<30720x32xf32, #tpu.memory_space<vmem_shared>>
        tpu.enqueue_indirect_dma source(%dma_start3A_62 : memref<120x32xf32, #tpu.memory_space<vmem>>) target(%dma_start3A_68 : memref<30720x32xf32, #tpu.memory_space<vmem_shared>>) offsets(%dma_start3A_65 : memref<120xi32, #tpu.memory_space<vmem>>) semaphore(%run_scoped3A_60 : memref<!tpu.dma_semaphore, #tpu.memory_space<semaphore_mem>>) {add = true}
        %dma_wait3A = arith.constant 0 : i32
        %dma_wait3A_69 = arith.constant 0 : i32
        %dma_wait3A_70 = tpu.memref_slice %arg12[%dma_wait3A, %dma_wait3A_69] : memref<960x32xf32, #tpu.memory_space<vmem>> -> memref<120x32xf32, #tpu.memory_space<vmem>>
        %dma_wait3A_71 = arith.constant 0 : i32
        %dma_wait3A_72 = tpu.memref_slice %arg11[%run_scoped3A, %dma_wait3A_71] : memref<8x120xi32, #tpu.memory_space<vmem>> -> memref<1x120xi32, #tpu.memory_space<vmem>>
        %dma_wait3A_73 = tpu.memref_squeeze %dma_wait3A_72 : memref<1x120xi32, #tpu.memory_space<vmem>> -> memref<120xi32, #tpu.memory_space<vmem>>
        %dma_wait3A_74 = arith.constant 0 : i32
        %dma_wait3A_75 = arith.constant 0 : i32
        %dma_wait3A_76 = tpu.memref_slice %arg14[%dma_wait3A_74, %dma_wait3A_75] : memref<30720x32xf32, #tpu.memory_space<vmem_shared>> -> memref<30720x32xf32, #tpu.memory_space<vmem_shared>>
        tpu.wait_indirect_dma semaphore(%run_scoped3A_60 : memref<!tpu.dma_semaphore, #tpu.memory_space<semaphore_mem>>) src(%dma_wait3A_70 : memref<120x32xf32, #tpu.memory_space<vmem>>) dst(%dma_wait3A_76 : memref<30720x32xf32, #tpu.memory_space<vmem_shared>>)
        tpu.yield
      }) : () -> ()
      %run_scoped3A_53 = arith.constant 1 : i32
      "tpu.region"() ({
        %run_scoped3A_60 = tpu.sem_alloc : memref<!tpu.dma_semaphore, #tpu.memory_space<semaphore_mem>>
        %dma_start3A = arith.constant 120 : i32
        %dma_start3A_61 = arith.constant 0 : i32
        %dma_start3A_62 = tpu.memref_slice %arg12[%dma_start3A, %dma_start3A_61] : memref<960x32xf32, #tpu.memory_space<vmem>> -> memref<120x32xf32, #tpu.memory_space<vmem>>
        %dma_start3A_63 = arith.constant 0 : i32
        %dma_start3A_64 = tpu.memref_slice %arg11[%run_scoped3A_53, %dma_start3A_63] : memref<8x120xi32, #tpu.memory_space<vmem>> -> memref<1x120xi32, #tpu.memory_space<vmem>>
        %dma_start3A_65 = tpu.memref_squeeze %dma_start3A_64 : memref<1x120xi32, #tpu.memory_space<vmem>> -> memref<120xi32, #tpu.memory_space<vmem>>
        %dma_start3A_66 = arith.constant 0 : i32
        %dma_start3A_67 = arith.constant 0 : i32
        %dma_start3A_68 = tpu.memref_slice %arg14[%dma_start3A_66, %dma_start3A_67] : memref<30720x32xf32, #tpu.memory_space<vmem_shared>> -> memref<30720x32xf32, #tpu.memory_space<vmem_shared>>
        tpu.enqueue_indirect_dma source(%dma_start3A_62 : memref<120x32xf32, #tpu.memory_space<vmem>>) target(%dma_start3A_68 : memref<30720x32xf32, #tpu.memory_space<vmem_shared>>) offsets(%dma_start3A_65 : memref<120xi32, #tpu.memory_space<vmem>>) semaphore(%run_scoped3A_60 : memref<!tpu.dma_semaphore, #tpu.memory_space<semaphore_mem>>) {add = true}
        %dma_wait3A = arith.constant 120 : i32
        %dma_wait3A_69 = arith.constant 0 : i32
        %dma_wait3A_70 = tpu.memref_slice %arg12[%dma_wait3A, %dma_wait3A_69] : memref<960x32xf32, #tpu.memory_space<vmem>> -> memref<120x32xf32, #tpu.memory_space<vmem>>
        %dma_wait3A_71 = arith.constant 0 : i32
        %dma_wait3A_72 = tpu.memref_slice %arg11[%run_scoped3A_53, %dma_wait3A_71] : memref<8x120xi32, #tpu.memory_space<vmem>> -> memref<1x120xi32, #tpu.memory_space<vmem>>
        %dma_wait3A_73 = tpu.memref_squeeze %dma_wait3A_72 : memref<1x120xi32, #tpu.memory_space<vmem>> -> memref<120xi32, #tpu.memory_space<vmem>>
        %dma_wait3A_74 = arith.constant 0 : i32
        %dma_wait3A_75 = arith.constant 0 : i32
        %dma_wait3A_76 = tpu.memref_slice %arg14[%dma_wait3A_74, %dma_wait3A_75] : memref<30720x32xf32, #tpu.memory_space<vmem_shared>> -> memref<30720x32xf32, #tpu.memory_space<vmem_shared>>
        tpu.wait_indirect_dma semaphore(%run_scoped3A_60 : memref<!tpu.dma_semaphore, #tpu.memory_space<semaphore_mem>>) src(%dma_wait3A_70 : memref<120x32xf32, #tpu.memory_space<vmem>>) dst(%dma_wait3A_76 : memref<30720x32xf32, #tpu.memory_space<vmem_shared>>)
        tpu.yield
      }) : () -> ()
      %run_scoped3A_54 = arith.constant 2 : i32
      "tpu.region"() ({
        %run_scoped3A_60 = tpu.sem_alloc : memref<!tpu.dma_semaphore, #tpu.memory_space<semaphore_mem>>
        %dma_start3A = arith.constant 240 : i32
        %dma_start3A_61 = arith.constant 0 : i32
        %dma_start3A_62 = tpu.memref_slice %arg12[%dma_start3A, %dma_start3A_61] : memref<960x32xf32, #tpu.memory_space<vmem>> -> memref<120x32xf32, #tpu.memory_space<vmem>>
        %dma_start3A_63 = arith.constant 0 : i32
        %dma_start3A_64 = tpu.memref_slice %arg11[%run_scoped3A_54, %dma_start3A_63] : memref<8x120xi32, #tpu.memory_space<vmem>> -> memref<1x120xi32, #tpu.memory_space<vmem>>
        %dma_start3A_65 = tpu.memref_squeeze %dma_start3A_64 : memref<1x120xi32, #tpu.memory_space<vmem>> -> memref<120xi32, #tpu.memory_space<vmem>>
        %dma_start3A_66 = arith.constant 0 : i32
        %dma_start3A_67 = arith.constant 0 : i32
        %dma_start3A_68 = tpu.memref_slice %arg14[%dma_start3A_66, %dma_start3A_67] : memref<30720x32xf32, #tpu.memory_space<vmem_shared>> -> memref<30720x32xf32, #tpu.memory_space<vmem_shared>>
        tpu.enqueue_indirect_dma source(%dma_start3A_62 : memref<120x32xf32, #tpu.memory_space<vmem>>) target(%dma_start3A_68 : memref<30720x32xf32, #tpu.memory_space<vmem_shared>>) offsets(%dma_start3A_65 : memref<120xi32, #tpu.memory_space<vmem>>) semaphore(%run_scoped3A_60 : memref<!tpu.dma_semaphore, #tpu.memory_space<semaphore_mem>>) {add = true}
        %dma_wait3A = arith.constant 240 : i32
        %dma_wait3A_69 = arith.constant 0 : i32
        %dma_wait3A_70 = tpu.memref_slice %arg12[%dma_wait3A, %dma_wait3A_69] : memref<960x32xf32, #tpu.memory_space<vmem>> -> memref<120x32xf32, #tpu.memory_space<vmem>>
        %dma_wait3A_71 = arith.constant 0 : i32
        %dma_wait3A_72 = tpu.memref_slice %arg11[%run_scoped3A_54, %dma_wait3A_71] : memref<8x120xi32, #tpu.memory_space<vmem>> -> memref<1x120xi32, #tpu.memory_space<vmem>>
        %dma_wait3A_73 = tpu.memref_squeeze %dma_wait3A_72 : memref<1x120xi32, #tpu.memory_space<vmem>> -> memref<120xi32, #tpu.memory_space<vmem>>
        %dma_wait3A_74 = arith.constant 0 : i32
        %dma_wait3A_75 = arith.constant 0 : i32
        %dma_wait3A_76 = tpu.memref_slice %arg14[%dma_wait3A_74, %dma_wait3A_75] : memref<30720x32xf32, #tpu.memory_space<vmem_shared>> -> memref<30720x32xf32, #tpu.memory_space<vmem_shared>>
        tpu.wait_indirect_dma semaphore(%run_scoped3A_60 : memref<!tpu.dma_semaphore, #tpu.memory_space<semaphore_mem>>) src(%dma_wait3A_70 : memref<120x32xf32, #tpu.memory_space<vmem>>) dst(%dma_wait3A_76 : memref<30720x32xf32, #tpu.memory_space<vmem_shared>>)
        tpu.yield
      }) : () -> ()
      %run_scoped3A_55 = arith.constant 3 : i32
      "tpu.region"() ({
        %run_scoped3A_60 = tpu.sem_alloc : memref<!tpu.dma_semaphore, #tpu.memory_space<semaphore_mem>>
        %dma_start3A = arith.constant 360 : i32
        %dma_start3A_61 = arith.constant 0 : i32
        %dma_start3A_62 = tpu.memref_slice %arg12[%dma_start3A, %dma_start3A_61] : memref<960x32xf32, #tpu.memory_space<vmem>> -> memref<120x32xf32, #tpu.memory_space<vmem>>
        %dma_start3A_63 = arith.constant 0 : i32
        %dma_start3A_64 = tpu.memref_slice %arg11[%run_scoped3A_55, %dma_start3A_63] : memref<8x120xi32, #tpu.memory_space<vmem>> -> memref<1x120xi32, #tpu.memory_space<vmem>>
        %dma_start3A_65 = tpu.memref_squeeze %dma_start3A_64 : memref<1x120xi32, #tpu.memory_space<vmem>> -> memref<120xi32, #tpu.memory_space<vmem>>
        %dma_start3A_66 = arith.constant 0 : i32
        %dma_start3A_67 = arith.constant 0 : i32
        %dma_start3A_68 = tpu.memref_slice %arg14[%dma_start3A_66, %dma_start3A_67] : memref<30720x32xf32, #tpu.memory_space<vmem_shared>> -> memref<30720x32xf32, #tpu.memory_space<vmem_shared>>
        tpu.enqueue_indirect_dma source(%dma_start3A_62 : memref<120x32xf32, #tpu.memory_space<vmem>>) target(%dma_start3A_68 : memref<30720x32xf32, #tpu.memory_space<vmem_shared>>) offsets(%dma_start3A_65 : memref<120xi32, #tpu.memory_space<vmem>>) semaphore(%run_scoped3A_60 : memref<!tpu.dma_semaphore, #tpu.memory_space<semaphore_mem>>) {add = true}
        %dma_wait3A = arith.constant 360 : i32
        %dma_wait3A_69 = arith.constant 0 : i32
        %dma_wait3A_70 = tpu.memref_slice %arg12[%dma_wait3A, %dma_wait3A_69] : memref<960x32xf32, #tpu.memory_space<vmem>> -> memref<120x32xf32, #tpu.memory_space<vmem>>
        %dma_wait3A_71 = arith.constant 0 : i32
        %dma_wait3A_72 = tpu.memref_slice %arg11[%run_scoped3A_55, %dma_wait3A_71] : memref<8x120xi32, #tpu.memory_space<vmem>> -> memref<1x120xi32, #tpu.memory_space<vmem>>
        %dma_wait3A_73 = tpu.memref_squeeze %dma_wait3A_72 : memref<1x120xi32, #tpu.memory_space<vmem>> -> memref<120xi32, #tpu.memory_space<vmem>>
        %dma_wait3A_74 = arith.constant 0 : i32
        %dma_wait3A_75 = arith.constant 0 : i32
        %dma_wait3A_76 = tpu.memref_slice %arg14[%dma_wait3A_74, %dma_wait3A_75] : memref<30720x32xf32, #tpu.memory_space<vmem_shared>> -> memref<30720x32xf32, #tpu.memory_space<vmem_shared>>
        tpu.wait_indirect_dma semaphore(%run_scoped3A_60 : memref<!tpu.dma_semaphore, #tpu.memory_space<semaphore_mem>>) src(%dma_wait3A_70 : memref<120x32xf32, #tpu.memory_space<vmem>>) dst(%dma_wait3A_76 : memref<30720x32xf32, #tpu.memory_space<vmem_shared>>)
        tpu.yield
      }) : () -> ()
      %run_scoped3A_56 = arith.constant 4 : i32
      "tpu.region"() ({
        %run_scoped3A_60 = tpu.sem_alloc : memref<!tpu.dma_semaphore, #tpu.memory_space<semaphore_mem>>
        %dma_start3A = arith.constant 480 : i32
        %dma_start3A_61 = arith.constant 0 : i32
        %dma_start3A_62 = tpu.memref_slice %arg12[%dma_start3A, %dma_start3A_61] : memref<960x32xf32, #tpu.memory_space<vmem>> -> memref<120x32xf32, #tpu.memory_space<vmem>>
        %dma_start3A_63 = arith.constant 0 : i32
        %dma_start3A_64 = tpu.memref_slice %arg11[%run_scoped3A_56, %dma_start3A_63] : memref<8x120xi32, #tpu.memory_space<vmem>> -> memref<1x120xi32, #tpu.memory_space<vmem>>
        %dma_start3A_65 = tpu.memref_squeeze %dma_start3A_64 : memref<1x120xi32, #tpu.memory_space<vmem>> -> memref<120xi32, #tpu.memory_space<vmem>>
        %dma_start3A_66 = arith.constant 0 : i32
        %dma_start3A_67 = arith.constant 0 : i32
        %dma_start3A_68 = tpu.memref_slice %arg14[%dma_start3A_66, %dma_start3A_67] : memref<30720x32xf32, #tpu.memory_space<vmem_shared>> -> memref<30720x32xf32, #tpu.memory_space<vmem_shared>>
        tpu.enqueue_indirect_dma source(%dma_start3A_62 : memref<120x32xf32, #tpu.memory_space<vmem>>) target(%dma_start3A_68 : memref<30720x32xf32, #tpu.memory_space<vmem_shared>>) offsets(%dma_start3A_65 : memref<120xi32, #tpu.memory_space<vmem>>) semaphore(%run_scoped3A_60 : memref<!tpu.dma_semaphore, #tpu.memory_space<semaphore_mem>>) {add = true}
        %dma_wait3A = arith.constant 480 : i32
        %dma_wait3A_69 = arith.constant 0 : i32
        %dma_wait3A_70 = tpu.memref_slice %arg12[%dma_wait3A, %dma_wait3A_69] : memref<960x32xf32, #tpu.memory_space<vmem>> -> memref<120x32xf32, #tpu.memory_space<vmem>>
        %dma_wait3A_71 = arith.constant 0 : i32
        %dma_wait3A_72 = tpu.memref_slice %arg11[%run_scoped3A_56, %dma_wait3A_71] : memref<8x120xi32, #tpu.memory_space<vmem>> -> memref<1x120xi32, #tpu.memory_space<vmem>>
        %dma_wait3A_73 = tpu.memref_squeeze %dma_wait3A_72 : memref<1x120xi32, #tpu.memory_space<vmem>> -> memref<120xi32, #tpu.memory_space<vmem>>
        %dma_wait3A_74 = arith.constant 0 : i32
        %dma_wait3A_75 = arith.constant 0 : i32
        %dma_wait3A_76 = tpu.memref_slice %arg14[%dma_wait3A_74, %dma_wait3A_75] : memref<30720x32xf32, #tpu.memory_space<vmem_shared>> -> memref<30720x32xf32, #tpu.memory_space<vmem_shared>>
        tpu.wait_indirect_dma semaphore(%run_scoped3A_60 : memref<!tpu.dma_semaphore, #tpu.memory_space<semaphore_mem>>) src(%dma_wait3A_70 : memref<120x32xf32, #tpu.memory_space<vmem>>) dst(%dma_wait3A_76 : memref<30720x32xf32, #tpu.memory_space<vmem_shared>>)
        tpu.yield
      }) : () -> ()
      %run_scoped3A_57 = arith.constant 5 : i32
      "tpu.region"() ({
        %run_scoped3A_60 = tpu.sem_alloc : memref<!tpu.dma_semaphore, #tpu.memory_space<semaphore_mem>>
        %dma_start3A = arith.constant 600 : i32
        %dma_start3A_61 = arith.constant 0 : i32
        %dma_start3A_62 = tpu.memref_slice %arg12[%dma_start3A, %dma_start3A_61] : memref<960x32xf32, #tpu.memory_space<vmem>> -> memref<120x32xf32, #tpu.memory_space<vmem>>
        %dma_start3A_63 = arith.constant 0 : i32
        %dma_start3A_64 = tpu.memref_slice %arg11[%run_scoped3A_57, %dma_start3A_63] : memref<8x120xi32, #tpu.memory_space<vmem>> -> memref<1x120xi32, #tpu.memory_space<vmem>>
        %dma_start3A_65 = tpu.memref_squeeze %dma_start3A_64 : memref<1x120xi32, #tpu.memory_space<vmem>> -> memref<120xi32, #tpu.memory_space<vmem>>
        %dma_start3A_66 = arith.constant 0 : i32
        %dma_start3A_67 = arith.constant 0 : i32
        %dma_start3A_68 = tpu.memref_slice %arg14[%dma_start3A_66, %dma_start3A_67] : memref<30720x32xf32, #tpu.memory_space<vmem_shared>> -> memref<30720x32xf32, #tpu.memory_space<vmem_shared>>
        tpu.enqueue_indirect_dma source(%dma_start3A_62 : memref<120x32xf32, #tpu.memory_space<vmem>>) target(%dma_start3A_68 : memref<30720x32xf32, #tpu.memory_space<vmem_shared>>) offsets(%dma_start3A_65 : memref<120xi32, #tpu.memory_space<vmem>>) semaphore(%run_scoped3A_60 : memref<!tpu.dma_semaphore, #tpu.memory_space<semaphore_mem>>) {add = true}
        %dma_wait3A = arith.constant 600 : i32
        %dma_wait3A_69 = arith.constant 0 : i32
        %dma_wait3A_70 = tpu.memref_slice %arg12[%dma_wait3A, %dma_wait3A_69] : memref<960x32xf32, #tpu.memory_space<vmem>> -> memref<120x32xf32, #tpu.memory_space<vmem>>
        %dma_wait3A_71 = arith.constant 0 : i32
        %dma_wait3A_72 = tpu.memref_slice %arg11[%run_scoped3A_57, %dma_wait3A_71] : memref<8x120xi32, #tpu.memory_space<vmem>> -> memref<1x120xi32, #tpu.memory_space<vmem>>
        %dma_wait3A_73 = tpu.memref_squeeze %dma_wait3A_72 : memref<1x120xi32, #tpu.memory_space<vmem>> -> memref<120xi32, #tpu.memory_space<vmem>>
        %dma_wait3A_74 = arith.constant 0 : i32
        %dma_wait3A_75 = arith.constant 0 : i32
        %dma_wait3A_76 = tpu.memref_slice %arg14[%dma_wait3A_74, %dma_wait3A_75] : memref<30720x32xf32, #tpu.memory_space<vmem_shared>> -> memref<30720x32xf32, #tpu.memory_space<vmem_shared>>
        tpu.wait_indirect_dma semaphore(%run_scoped3A_60 : memref<!tpu.dma_semaphore, #tpu.memory_space<semaphore_mem>>) src(%dma_wait3A_70 : memref<120x32xf32, #tpu.memory_space<vmem>>) dst(%dma_wait3A_76 : memref<30720x32xf32, #tpu.memory_space<vmem_shared>>)
        tpu.yield
      }) : () -> ()
      %run_scoped3A_58 = arith.constant 6 : i32
      "tpu.region"() ({
        %run_scoped3A_60 = tpu.sem_alloc : memref<!tpu.dma_semaphore, #tpu.memory_space<semaphore_mem>>
        %dma_start3A = arith.constant 720 : i32
        %dma_start3A_61 = arith.constant 0 : i32
        %dma_start3A_62 = tpu.memref_slice %arg12[%dma_start3A, %dma_start3A_61] : memref<960x32xf32, #tpu.memory_space<vmem>> -> memref<120x32xf32, #tpu.memory_space<vmem>>
        %dma_start3A_63 = arith.constant 0 : i32
        %dma_start3A_64 = tpu.memref_slice %arg11[%run_scoped3A_58, %dma_start3A_63] : memref<8x120xi32, #tpu.memory_space<vmem>> -> memref<1x120xi32, #tpu.memory_space<vmem>>
        %dma_start3A_65 = tpu.memref_squeeze %dma_start3A_64 : memref<1x120xi32, #tpu.memory_space<vmem>> -> memref<120xi32, #tpu.memory_space<vmem>>
        %dma_start3A_66 = arith.constant 0 : i32
        %dma_start3A_67 = arith.constant 0 : i32
        %dma_start3A_68 = tpu.memref_slice %arg14[%dma_start3A_66, %dma_start3A_67] : memref<30720x32xf32, #tpu.memory_space<vmem_shared>> -> memref<30720x32xf32, #tpu.memory_space<vmem_shared>>
        tpu.enqueue_indirect_dma source(%dma_start3A_62 : memref<120x32xf32, #tpu.memory_space<vmem>>) target(%dma_start3A_68 : memref<30720x32xf32, #tpu.memory_space<vmem_shared>>) offsets(%dma_start3A_65 : memref<120xi32, #tpu.memory_space<vmem>>) semaphore(%run_scoped3A_60 : memref<!tpu.dma_semaphore, #tpu.memory_space<semaphore_mem>>) {add = true}
        %dma_wait3A = arith.constant 720 : i32
        %dma_wait3A_69 = arith.constant 0 : i32
        %dma_wait3A_70 = tpu.memref_slice %arg12[%dma_wait3A, %dma_wait3A_69] : memref<960x32xf32, #tpu.memory_space<vmem>> -> memref<120x32xf32, #tpu.memory_space<vmem>>
        %dma_wait3A_71 = arith.constant 0 : i32
        %dma_wait3A_72 = tpu.memref_slice %arg11[%run_scoped3A_58, %dma_wait3A_71] : memref<8x120xi32, #tpu.memory_space<vmem>> -> memref<1x120xi32, #tpu.memory_space<vmem>>
        %dma_wait3A_73 = tpu.memref_squeeze %dma_wait3A_72 : memref<1x120xi32, #tpu.memory_space<vmem>> -> memref<120xi32, #tpu.memory_space<vmem>>
        %dma_wait3A_74 = arith.constant 0 : i32
        %dma_wait3A_75 = arith.constant 0 : i32
        %dma_wait3A_76 = tpu.memref_slice %arg14[%dma_wait3A_74, %dma_wait3A_75] : memref<30720x32xf32, #tpu.memory_space<vmem_shared>> -> memref<30720x32xf32, #tpu.memory_space<vmem_shared>>
        tpu.wait_indirect_dma semaphore(%run_scoped3A_60 : memref<!tpu.dma_semaphore, #tpu.memory_space<semaphore_mem>>) src(%dma_wait3A_70 : memref<120x32xf32, #tpu.memory_space<vmem>>) dst(%dma_wait3A_76 : memref<30720x32xf32, #tpu.memory_space<vmem_shared>>)
        tpu.yield
      }) : () -> ()
      %run_scoped3A_59 = arith.constant 7 : i32
      "tpu.region"() ({
        %run_scoped3A_60 = tpu.sem_alloc : memref<!tpu.dma_semaphore, #tpu.memory_space<semaphore_mem>>
        %dma_start3A = arith.constant 840 : i32
        %dma_start3A_61 = arith.constant 0 : i32
        %dma_start3A_62 = tpu.memref_slice %arg12[%dma_start3A, %dma_start3A_61] : memref<960x32xf32, #tpu.memory_space<vmem>> -> memref<120x32xf32, #tpu.memory_space<vmem>>
        %dma_start3A_63 = arith.constant 0 : i32
        %dma_start3A_64 = tpu.memref_slice %arg11[%run_scoped3A_59, %dma_start3A_63] : memref<8x120xi32, #tpu.memory_space<vmem>> -> memref<1x120xi32, #tpu.memory_space<vmem>>
        %dma_start3A_65 = tpu.memref_squeeze %dma_start3A_64 : memref<1x120xi32, #tpu.memory_space<vmem>> -> memref<120xi32, #tpu.memory_space<vmem>>
        %dma_start3A_66 = arith.constant 0 : i32
        %dma_start3A_67 = arith.constant 0 : i32
        %dma_start3A_68 = tpu.memref_slice %arg14[%dma_start3A_66, %dma_start3A_67] : memref<30720x32xf32, #tpu.memory_space<vmem_shared>> -> memref<30720x32xf32, #tpu.memory_space<vmem_shared>>
        tpu.enqueue_indirect_dma source(%dma_start3A_62 : memref<120x32xf32, #tpu.memory_space<vmem>>) target(%dma_start3A_68 : memref<30720x32xf32, #tpu.memory_space<vmem_shared>>) offsets(%dma_start3A_65 : memref<120xi32, #tpu.memory_space<vmem>>) semaphore(%run_scoped3A_60 : memref<!tpu.dma_semaphore, #tpu.memory_space<semaphore_mem>>) {add = true}
        %dma_wait3A = arith.constant 840 : i32
        %dma_wait3A_69 = arith.constant 0 : i32
        %dma_wait3A_70 = tpu.memref_slice %arg12[%dma_wait3A, %dma_wait3A_69] : memref<960x32xf32, #tpu.memory_space<vmem>> -> memref<120x32xf32, #tpu.memory_space<vmem>>
        %dma_wait3A_71 = arith.constant 0 : i32
        %dma_wait3A_72 = tpu.memref_slice %arg11[%run_scoped3A_59, %dma_wait3A_71] : memref<8x120xi32, #tpu.memory_space<vmem>> -> memref<1x120xi32, #tpu.memory_space<vmem>>
        %dma_wait3A_73 = tpu.memref_squeeze %dma_wait3A_72 : memref<1x120xi32, #tpu.memory_space<vmem>> -> memref<120xi32, #tpu.memory_space<vmem>>
        %dma_wait3A_74 = arith.constant 0 : i32
        %dma_wait3A_75 = arith.constant 0 : i32
        %dma_wait3A_76 = tpu.memref_slice %arg14[%dma_wait3A_74, %dma_wait3A_75] : memref<30720x32xf32, #tpu.memory_space<vmem_shared>> -> memref<30720x32xf32, #tpu.memory_space<vmem_shared>>
        tpu.wait_indirect_dma semaphore(%run_scoped3A_60 : memref<!tpu.dma_semaphore, #tpu.memory_space<semaphore_mem>>) src(%dma_wait3A_70 : memref<120x32xf32, #tpu.memory_space<vmem>>) dst(%dma_wait3A_76 : memref<30720x32xf32, #tpu.memory_space<vmem_shared>>)
        tpu.yield
      }) : () -> ()
    }
    %scan3A_33 = arith.constant 16 : i32
    %barrier3A_34 = arith.constant 0 : index
    tpu.barrier barrier_id(%barrier3A_34)
    %mul3A_35 = arith.constant 1920 : i32
    %mul3A_36 = arith.muli %arg1, %mul3A_35 : i32
    %mul3A_37 = arith.constant 30720 : i32
    %mul3A_38 = arith.muli %arg0, %mul3A_37 : i32
    %mul3A_39 = arith.constant 1920 : i32
    %mul3A_40 = arith.muli %arg1, %mul3A_39 : i32
    %add3A_41 = arith.addi %mul3A_38, %mul3A_40 : i32
    "tpu.region"() ({
      %run_scoped3A = tpu.sem_alloc : memref<!tpu.dma_semaphore, #tpu.memory_space<semaphore_mem>>
      %dma_start3A = arith.constant 0 : i32
      %dma_start3A_42 = tpu.memref_slice %arg9[%add3A_41, %dma_start3A] : memref<61440x32xf32, #tpu.memory_space<hbm>> -> memref<1920x32xf32, #tpu.memory_space<hbm>>
      %dma_start3A_43 = arith.constant 0 : i32
      %dma_start3A_44 = tpu.memref_slice %arg14[%mul3A_36, %dma_start3A_43] : memref<30720x32xf32, #tpu.memory_space<vmem_shared>> -> memref<1920x32xf32, #tpu.memory_space<vmem_shared>>
      tpu.enqueue_dma source(%dma_start3A_44 : memref<1920x32xf32, #tpu.memory_space<vmem_shared>>) target(%dma_start3A_42 : memref<1920x32xf32, #tpu.memory_space<hbm>>) target_semaphore(%run_scoped3A : memref<!tpu.dma_semaphore, #tpu.memory_space<semaphore_mem>>)
      %dma_wait3A = arith.constant 0 : i32
      %dma_wait3A_45 = tpu.memref_slice %arg9[%add3A_41, %dma_wait3A] : memref<61440x32xf32, #tpu.memory_space<hbm>> -> memref<1920x32xf32, #tpu.memory_space<hbm>>
      %dma_wait3A_46 = arith.constant 0 : i32
      %dma_wait3A_47 = tpu.memref_slice %arg14[%mul3A_36, %dma_wait3A_46] : memref<30720x32xf32, #tpu.memory_space<vmem_shared>> -> memref<1920x32xf32, #tpu.memory_space<vmem_shared>>
      tpu.wait_dma2 semaphore(%run_scoped3A : memref<!tpu.dma_semaphore, #tpu.memory_space<semaphore_mem>>) src(%dma_wait3A_47 : memref<1920x32xf32, #tpu.memory_space<vmem_shared>>) dst(%dma_wait3A_45 : memref<1920x32xf32, #tpu.memory_space<hbm>>)
      tpu.yield
    }) : () -> ()
    return
  }
}

#map = affine_map<(d0, d1) -> (0, 0)>
module attributes {stable_mosaic.version = 14 : i64} {
  func.func @k(%arg0: i32, %arg1: i32, %arg2: memref<30720x32xf32, #tpu.memory_space<hbm>>, %arg3: memref<30720x32xf32, #tpu.memory_space<hbm>>, %arg4: memref<4096x120xi32, #tpu.memory_space<hbm>>, %arg5: memref<4096x120xi32, #tpu.memory_space<hbm>>, %arg6: memref<491520x32xf32, #tpu.memory_space<hbm>>, %arg7: memref<491520x32xf32, #tpu.memory_space<hbm>>, %arg8: memref<491520x32xf32, #tpu.memory_space<hbm>>, %arg9: memref<8x120xi32, #tpu.memory_space<vmem>>, %arg10: memref<8x120xi32, #tpu.memory_space<vmem>>, %arg11: memref<960x32xf32, #tpu.memory_space<vmem>>, %arg12: memref<960x32xf32, #tpu.memory_space<vmem>>, %arg13: memref<30720x32xf32, #tpu.memory_space<vmem_shared>>, %arg14: memref<!tpu.dma_semaphore, #tpu.memory_space<semaphore_mem>>) attributes {dimension_semantics = [#tpu.dimension_semantics<core_parallel>, #tpu.dimension_semantics<subcore_parallel>], iteration_bounds = array<i64: 2, 16>, scalar_prefetch = 0 : i64, scratch_operands = 6 : i64, tpu.core_type = #tpu.core_type<sc_vector_subcore>, window_params = [{transform_indices = #map}, {transform_indices = #map}, {transform_indices = #map}, {transform_indices = #map}, {transform_indices = #map}, {transform_indices = #map}, {transform_indices = #map}]} {
    %mul3A = arith.constant 16 : i32
    %mul3A_0 = arith.muli %arg0, %mul3A : i32
    %add3A = arith.addi %mul3A_0, %arg1 : i32
    %mul3A_1 = arith.constant 1920 : i32
    %mul3A_2 = arith.muli %arg1, %mul3A_1 : i32
    %mul3A_3 = arith.constant 1920 : i32
    %mul3A_4 = arith.muli %arg1, %mul3A_3 : i32
    "tpu.region"() ({
      %run_scoped3A = tpu.sem_alloc : memref<!tpu.dma_semaphore, #tpu.memory_space<semaphore_mem>>
      %dma_start3A = arith.constant 0 : i32
      %dma_start3A_22 = tpu.memref_slice %arg13[%mul3A_4, %dma_start3A] : memref<30720x32xf32, #tpu.memory_space<vmem_shared>> -> memref<1920x32xf32, #tpu.memory_space<vmem_shared>>
      %dma_start3A_23 = arith.constant 0 : i32
      %dma_start3A_24 = tpu.memref_slice %arg2[%mul3A_2, %dma_start3A_23] : memref<30720x32xf32, #tpu.memory_space<hbm>> -> memref<1920x32xf32, #tpu.memory_space<hbm>>
      tpu.enqueue_dma source(%dma_start3A_24 : memref<1920x32xf32, #tpu.memory_space<hbm>>) target(%dma_start3A_22 : memref<1920x32xf32, #tpu.memory_space<vmem_shared>>) target_semaphore(%run_scoped3A : memref<!tpu.dma_semaphore, #tpu.memory_space<semaphore_mem>>)
      %dma_wait3A = arith.constant 0 : i32
      %dma_wait3A_25 = tpu.memref_slice %arg13[%mul3A_4, %dma_wait3A] : memref<30720x32xf32, #tpu.memory_space<vmem_shared>> -> memref<1920x32xf32, #tpu.memory_space<vmem_shared>>
      %dma_wait3A_26 = arith.constant 0 : i32
      %dma_wait3A_27 = tpu.memref_slice %arg2[%mul3A_2, %dma_wait3A_26] : memref<30720x32xf32, #tpu.memory_space<hbm>> -> memref<1920x32xf32, #tpu.memory_space<hbm>>
      tpu.wait_dma2 semaphore(%run_scoped3A : memref<!tpu.dma_semaphore, #tpu.memory_space<semaphore_mem>>) src(%dma_wait3A_27 : memref<1920x32xf32, #tpu.memory_space<hbm>>) dst(%dma_wait3A_25 : memref<1920x32xf32, #tpu.memory_space<vmem_shared>>)
      tpu.yield
    }) : () -> ()
    %barrier3A = arith.constant 0 : index
    tpu.barrier barrier_id(%barrier3A)
    %scan3A = arith.constant 0 : i32
    %scan3A_5 = arith.constant 0 : i32
    %scan3A_6 = arith.constant 16 : i32
    %scan3A_7 = arith.addi %scan3A_5, %scan3A_6 : i32
    %scan3A_8 = arith.constant 1 : i32
    scf.for %scan3A_22 = %scan3A_5 to %scan3A_7 step %scan3A_8  : i32 {
      %mul3A_23 = arith.constant 128 : i32
      %mul3A_24 = arith.muli %add3A, %mul3A_23 : i32
      %mul3A_25 = arith.constant 8 : i32
      %mul3A_26 = arith.muli %scan3A_22, %mul3A_25 : i32
      %add3A_27 = arith.addi %mul3A_24, %mul3A_26 : i32
      "tpu.region"() ({
        %run_scoped3A = tpu.sem_alloc : memref<!tpu.dma_semaphore, #tpu.memory_space<semaphore_mem>>
        %dma_start3A_351 = arith.constant 0 : i32
        %dma_start3A_352 = tpu.memref_slice %arg4[%add3A_27, %dma_start3A_351] : memref<4096x120xi32, #tpu.memory_space<hbm>> -> memref<8x120xi32, #tpu.memory_space<hbm>>
        %dma_start3A_353 = arith.constant 0 : i32
        %dma_start3A_354 = tpu.memref_slice %arg4[%add3A_27, %dma_start3A_353] : memref<4096x120xi32, #tpu.memory_space<hbm>> -> memref<8x120xi32, #tpu.memory_space<hbm>>
        tpu.enqueue_dma source(%dma_start3A_354 : memref<8x120xi32, #tpu.memory_space<hbm>>) target(%arg9 : memref<8x120xi32, #tpu.memory_space<vmem>>) target_semaphore(%run_scoped3A : memref<!tpu.dma_semaphore, #tpu.memory_space<semaphore_mem>>)
        %dma_wait3A_355 = arith.constant 0 : i32
        %dma_wait3A_356 = tpu.memref_slice %arg4[%add3A_27, %dma_wait3A_355] : memref<4096x120xi32, #tpu.memory_space<hbm>> -> memref<8x120xi32, #tpu.memory_space<hbm>>
        %dma_wait3A_357 = arith.constant 0 : i32
        %dma_wait3A_358 = tpu.memref_slice %arg4[%add3A_27, %dma_wait3A_357] : memref<4096x120xi32, #tpu.memory_space<hbm>> -> memref<8x120xi32, #tpu.memory_space<hbm>>
        tpu.wait_dma2 semaphore(%run_scoped3A : memref<!tpu.dma_semaphore, #tpu.memory_space<semaphore_mem>>) src(%dma_wait3A_358 : memref<8x120xi32, #tpu.memory_space<hbm>>) dst(%arg9 : memref<8x120xi32, #tpu.memory_space<vmem>>)
        tpu.yield
      }) : () -> ()
      "tpu.region"() ({
        %run_scoped3A = tpu.sem_alloc : memref<!tpu.dma_semaphore, #tpu.memory_space<semaphore_mem>>
        %dma_start3A_351 = arith.constant 0 : i32
        %dma_start3A_352 = tpu.memref_slice %arg5[%add3A_27, %dma_start3A_351] : memref<4096x120xi32, #tpu.memory_space<hbm>> -> memref<8x120xi32, #tpu.memory_space<hbm>>
        %dma_start3A_353 = arith.constant 0 : i32
        %dma_start3A_354 = tpu.memref_slice %arg5[%add3A_27, %dma_start3A_353] : memref<4096x120xi32, #tpu.memory_space<hbm>> -> memref<8x120xi32, #tpu.memory_space<hbm>>
        tpu.enqueue_dma source(%dma_start3A_354 : memref<8x120xi32, #tpu.memory_space<hbm>>) target(%arg10 : memref<8x120xi32, #tpu.memory_space<vmem>>) target_semaphore(%run_scoped3A : memref<!tpu.dma_semaphore, #tpu.memory_space<semaphore_mem>>)
        %dma_wait3A_355 = arith.constant 0 : i32
        %dma_wait3A_356 = tpu.memref_slice %arg5[%add3A_27, %dma_wait3A_355] : memref<4096x120xi32, #tpu.memory_space<hbm>> -> memref<8x120xi32, #tpu.memory_space<hbm>>
        %dma_wait3A_357 = arith.constant 0 : i32
        %dma_wait3A_358 = tpu.memref_slice %arg5[%add3A_27, %dma_wait3A_357] : memref<4096x120xi32, #tpu.memory_space<hbm>> -> memref<8x120xi32, #tpu.memory_space<hbm>>
        tpu.wait_dma2 semaphore(%run_scoped3A : memref<!tpu.dma_semaphore, #tpu.memory_space<semaphore_mem>>) src(%dma_wait3A_358 : memref<8x120xi32, #tpu.memory_space<hbm>>) dst(%arg10 : memref<8x120xi32, #tpu.memory_space<vmem>>)
        tpu.yield
      }) : () -> ()
      %dma_start3A = arith.constant 0 : i32
      %dma_start3A_28 = arith.constant 0 : i32
      %dma_start3A_29 = arith.constant 0 : i32
      %dma_start3A_30 = tpu.memref_slice %arg11[%dma_start3A_28, %dma_start3A_29] : memref<960x32xf32, #tpu.memory_space<vmem>> -> memref<120x32xf32, #tpu.memory_space<vmem>>
      %dma_start3A_31 = arith.constant 0 : i32
      %dma_start3A_32 = tpu.memref_slice %arg9[%dma_start3A, %dma_start3A_31] : memref<8x120xi32, #tpu.memory_space<vmem>> -> memref<1x120xi32, #tpu.memory_space<vmem>>
      %dma_start3A_33 = tpu.memref_squeeze %dma_start3A_32 : memref<1x120xi32, #tpu.memory_space<vmem>> -> memref<120xi32, #tpu.memory_space<vmem>>
      %dma_start3A_34 = arith.constant 0 : i32
      %dma_start3A_35 = arith.constant 0 : i32
      %dma_start3A_36 = tpu.memref_slice %arg13[%dma_start3A_34, %dma_start3A_35] : memref<30720x32xf32, #tpu.memory_space<vmem_shared>> -> memref<30720x32xf32, #tpu.memory_space<vmem_shared>>
      tpu.enqueue_indirect_dma source(%dma_start3A_36 : memref<30720x32xf32, #tpu.memory_space<vmem_shared>>) target(%dma_start3A_30 : memref<120x32xf32, #tpu.memory_space<vmem>>) offsets(%dma_start3A_33 : memref<120xi32, #tpu.memory_space<vmem>>) semaphore(%arg14 : memref<!tpu.dma_semaphore, #tpu.memory_space<semaphore_mem>>)
      %dma_start3A_37 = arith.constant 0 : i32
      %dma_start3A_38 = arith.constant 0 : i32
      %dma_start3A_39 = arith.constant 0 : i32
      %dma_start3A_40 = tpu.memref_slice %arg12[%dma_start3A_38, %dma_start3A_39] : memref<960x32xf32, #tpu.memory_space<vmem>> -> memref<120x32xf32, #tpu.memory_space<vmem>>
      %dma_start3A_41 = arith.constant 0 : i32
      %dma_start3A_42 = tpu.memref_slice %arg10[%dma_start3A_37, %dma_start3A_41] : memref<8x120xi32, #tpu.memory_space<vmem>> -> memref<1x120xi32, #tpu.memory_space<vmem>>
      %dma_start3A_43 = tpu.memref_squeeze %dma_start3A_42 : memref<1x120xi32, #tpu.memory_space<vmem>> -> memref<120xi32, #tpu.memory_space<vmem>>
      %dma_start3A_44 = arith.constant 0 : i32
      %dma_start3A_45 = arith.constant 0 : i32
      %dma_start3A_46 = tpu.memref_slice %arg13[%dma_start3A_44, %dma_start3A_45] : memref<30720x32xf32, #tpu.memory_space<vmem_shared>> -> memref<30720x32xf32, #tpu.memory_space<vmem_shared>>
      tpu.enqueue_indirect_dma source(%dma_start3A_46 : memref<30720x32xf32, #tpu.memory_space<vmem_shared>>) target(%dma_start3A_40 : memref<120x32xf32, #tpu.memory_space<vmem>>) offsets(%dma_start3A_43 : memref<120xi32, #tpu.memory_space<vmem>>) semaphore(%arg14 : memref<!tpu.dma_semaphore, #tpu.memory_space<semaphore_mem>>)
      %dma_start3A_47 = arith.constant 1 : i32
      %dma_start3A_48 = arith.constant 120 : i32
      %dma_start3A_49 = arith.constant 0 : i32
      %dma_start3A_50 = tpu.memref_slice %arg11[%dma_start3A_48, %dma_start3A_49] : memref<960x32xf32, #tpu.memory_space<vmem>> -> memref<120x32xf32, #tpu.memory_space<vmem>>
      %dma_start3A_51 = arith.constant 0 : i32
      %dma_start3A_52 = tpu.memref_slice %arg9[%dma_start3A_47, %dma_start3A_51] : memref<8x120xi32, #tpu.memory_space<vmem>> -> memref<1x120xi32, #tpu.memory_space<vmem>>
      %dma_start3A_53 = tpu.memref_squeeze %dma_start3A_52 : memref<1x120xi32, #tpu.memory_space<vmem>> -> memref<120xi32, #tpu.memory_space<vmem>>
      %dma_start3A_54 = arith.constant 0 : i32
      %dma_start3A_55 = arith.constant 0 : i32
      %dma_start3A_56 = tpu.memref_slice %arg13[%dma_start3A_54, %dma_start3A_55] : memref<30720x32xf32, #tpu.memory_space<vmem_shared>> -> memref<30720x32xf32, #tpu.memory_space<vmem_shared>>
      tpu.enqueue_indirect_dma source(%dma_start3A_56 : memref<30720x32xf32, #tpu.memory_space<vmem_shared>>) target(%dma_start3A_50 : memref<120x32xf32, #tpu.memory_space<vmem>>) offsets(%dma_start3A_53 : memref<120xi32, #tpu.memory_space<vmem>>) semaphore(%arg14 : memref<!tpu.dma_semaphore, #tpu.memory_space<semaphore_mem>>)
      %dma_start3A_57 = arith.constant 1 : i32
      %dma_start3A_58 = arith.constant 120 : i32
      %dma_start3A_59 = arith.constant 0 : i32
      %dma_start3A_60 = tpu.memref_slice %arg12[%dma_start3A_58, %dma_start3A_59] : memref<960x32xf32, #tpu.memory_space<vmem>> -> memref<120x32xf32, #tpu.memory_space<vmem>>
      %dma_start3A_61 = arith.constant 0 : i32
      %dma_start3A_62 = tpu.memref_slice %arg10[%dma_start3A_57, %dma_start3A_61] : memref<8x120xi32, #tpu.memory_space<vmem>> -> memref<1x120xi32, #tpu.memory_space<vmem>>
      %dma_start3A_63 = tpu.memref_squeeze %dma_start3A_62 : memref<1x120xi32, #tpu.memory_space<vmem>> -> memref<120xi32, #tpu.memory_space<vmem>>
      %dma_start3A_64 = arith.constant 0 : i32
      %dma_start3A_65 = arith.constant 0 : i32
      %dma_start3A_66 = tpu.memref_slice %arg13[%dma_start3A_64, %dma_start3A_65] : memref<30720x32xf32, #tpu.memory_space<vmem_shared>> -> memref<30720x32xf32, #tpu.memory_space<vmem_shared>>
      tpu.enqueue_indirect_dma source(%dma_start3A_66 : memref<30720x32xf32, #tpu.memory_space<vmem_shared>>) target(%dma_start3A_60 : memref<120x32xf32, #tpu.memory_space<vmem>>) offsets(%dma_start3A_63 : memref<120xi32, #tpu.memory_space<vmem>>) semaphore(%arg14 : memref<!tpu.dma_semaphore, #tpu.memory_space<semaphore_mem>>)
      %dma_start3A_67 = arith.constant 2 : i32
      %dma_start3A_68 = arith.constant 240 : i32
      %dma_start3A_69 = arith.constant 0 : i32
      %dma_start3A_70 = tpu.memref_slice %arg11[%dma_start3A_68, %dma_start3A_69] : memref<960x32xf32, #tpu.memory_space<vmem>> -> memref<120x32xf32, #tpu.memory_space<vmem>>
      %dma_start3A_71 = arith.constant 0 : i32
      %dma_start3A_72 = tpu.memref_slice %arg9[%dma_start3A_67, %dma_start3A_71] : memref<8x120xi32, #tpu.memory_space<vmem>> -> memref<1x120xi32, #tpu.memory_space<vmem>>
      %dma_start3A_73 = tpu.memref_squeeze %dma_start3A_72 : memref<1x120xi32, #tpu.memory_space<vmem>> -> memref<120xi32, #tpu.memory_space<vmem>>
      %dma_start3A_74 = arith.constant 0 : i32
      %dma_start3A_75 = arith.constant 0 : i32
      %dma_start3A_76 = tpu.memref_slice %arg13[%dma_start3A_74, %dma_start3A_75] : memref<30720x32xf32, #tpu.memory_space<vmem_shared>> -> memref<30720x32xf32, #tpu.memory_space<vmem_shared>>
      tpu.enqueue_indirect_dma source(%dma_start3A_76 : memref<30720x32xf32, #tpu.memory_space<vmem_shared>>) target(%dma_start3A_70 : memref<120x32xf32, #tpu.memory_space<vmem>>) offsets(%dma_start3A_73 : memref<120xi32, #tpu.memory_space<vmem>>) semaphore(%arg14 : memref<!tpu.dma_semaphore, #tpu.memory_space<semaphore_mem>>)
      %dma_start3A_77 = arith.constant 2 : i32
      %dma_start3A_78 = arith.constant 240 : i32
      %dma_start3A_79 = arith.constant 0 : i32
      %dma_start3A_80 = tpu.memref_slice %arg12[%dma_start3A_78, %dma_start3A_79] : memref<960x32xf32, #tpu.memory_space<vmem>> -> memref<120x32xf32, #tpu.memory_space<vmem>>
      %dma_start3A_81 = arith.constant 0 : i32
      %dma_start3A_82 = tpu.memref_slice %arg10[%dma_start3A_77, %dma_start3A_81] : memref<8x120xi32, #tpu.memory_space<vmem>> -> memref<1x120xi32, #tpu.memory_space<vmem>>
      %dma_start3A_83 = tpu.memref_squeeze %dma_start3A_82 : memref<1x120xi32, #tpu.memory_space<vmem>> -> memref<120xi32, #tpu.memory_space<vmem>>
      %dma_start3A_84 = arith.constant 0 : i32
      %dma_start3A_85 = arith.constant 0 : i32
      %dma_start3A_86 = tpu.memref_slice %arg13[%dma_start3A_84, %dma_start3A_85] : memref<30720x32xf32, #tpu.memory_space<vmem_shared>> -> memref<30720x32xf32, #tpu.memory_space<vmem_shared>>
      tpu.enqueue_indirect_dma source(%dma_start3A_86 : memref<30720x32xf32, #tpu.memory_space<vmem_shared>>) target(%dma_start3A_80 : memref<120x32xf32, #tpu.memory_space<vmem>>) offsets(%dma_start3A_83 : memref<120xi32, #tpu.memory_space<vmem>>) semaphore(%arg14 : memref<!tpu.dma_semaphore, #tpu.memory_space<semaphore_mem>>)
      %dma_start3A_87 = arith.constant 3 : i32
      %dma_start3A_88 = arith.constant 360 : i32
      %dma_start3A_89 = arith.constant 0 : i32
      %dma_start3A_90 = tpu.memref_slice %arg11[%dma_start3A_88, %dma_start3A_89] : memref<960x32xf32, #tpu.memory_space<vmem>> -> memref<120x32xf32, #tpu.memory_space<vmem>>
      %dma_start3A_91 = arith.constant 0 : i32
      %dma_start3A_92 = tpu.memref_slice %arg9[%dma_start3A_87, %dma_start3A_91] : memref<8x120xi32, #tpu.memory_space<vmem>> -> memref<1x120xi32, #tpu.memory_space<vmem>>
      %dma_start3A_93 = tpu.memref_squeeze %dma_start3A_92 : memref<1x120xi32, #tpu.memory_space<vmem>> -> memref<120xi32, #tpu.memory_space<vmem>>
      %dma_start3A_94 = arith.constant 0 : i32
      %dma_start3A_95 = arith.constant 0 : i32
      %dma_start3A_96 = tpu.memref_slice %arg13[%dma_start3A_94, %dma_start3A_95] : memref<30720x32xf32, #tpu.memory_space<vmem_shared>> -> memref<30720x32xf32, #tpu.memory_space<vmem_shared>>
      tpu.enqueue_indirect_dma source(%dma_start3A_96 : memref<30720x32xf32, #tpu.memory_space<vmem_shared>>) target(%dma_start3A_90 : memref<120x32xf32, #tpu.memory_space<vmem>>) offsets(%dma_start3A_93 : memref<120xi32, #tpu.memory_space<vmem>>) semaphore(%arg14 : memref<!tpu.dma_semaphore, #tpu.memory_space<semaphore_mem>>)
      %dma_start3A_97 = arith.constant 3 : i32
      %dma_start3A_98 = arith.constant 360 : i32
      %dma_start3A_99 = arith.constant 0 : i32
      %dma_start3A_100 = tpu.memref_slice %arg12[%dma_start3A_98, %dma_start3A_99] : memref<960x32xf32, #tpu.memory_space<vmem>> -> memref<120x32xf32, #tpu.memory_space<vmem>>
      %dma_start3A_101 = arith.constant 0 : i32
      %dma_start3A_102 = tpu.memref_slice %arg10[%dma_start3A_97, %dma_start3A_101] : memref<8x120xi32, #tpu.memory_space<vmem>> -> memref<1x120xi32, #tpu.memory_space<vmem>>
      %dma_start3A_103 = tpu.memref_squeeze %dma_start3A_102 : memref<1x120xi32, #tpu.memory_space<vmem>> -> memref<120xi32, #tpu.memory_space<vmem>>
      %dma_start3A_104 = arith.constant 0 : i32
      %dma_start3A_105 = arith.constant 0 : i32
      %dma_start3A_106 = tpu.memref_slice %arg13[%dma_start3A_104, %dma_start3A_105] : memref<30720x32xf32, #tpu.memory_space<vmem_shared>> -> memref<30720x32xf32, #tpu.memory_space<vmem_shared>>
      tpu.enqueue_indirect_dma source(%dma_start3A_106 : memref<30720x32xf32, #tpu.memory_space<vmem_shared>>) target(%dma_start3A_100 : memref<120x32xf32, #tpu.memory_space<vmem>>) offsets(%dma_start3A_103 : memref<120xi32, #tpu.memory_space<vmem>>) semaphore(%arg14 : memref<!tpu.dma_semaphore, #tpu.memory_space<semaphore_mem>>)
      %dma_start3A_107 = arith.constant 4 : i32
      %dma_start3A_108 = arith.constant 480 : i32
      %dma_start3A_109 = arith.constant 0 : i32
      %dma_start3A_110 = tpu.memref_slice %arg11[%dma_start3A_108, %dma_start3A_109] : memref<960x32xf32, #tpu.memory_space<vmem>> -> memref<120x32xf32, #tpu.memory_space<vmem>>
      %dma_start3A_111 = arith.constant 0 : i32
      %dma_start3A_112 = tpu.memref_slice %arg9[%dma_start3A_107, %dma_start3A_111] : memref<8x120xi32, #tpu.memory_space<vmem>> -> memref<1x120xi32, #tpu.memory_space<vmem>>
      %dma_start3A_113 = tpu.memref_squeeze %dma_start3A_112 : memref<1x120xi32, #tpu.memory_space<vmem>> -> memref<120xi32, #tpu.memory_space<vmem>>
      %dma_start3A_114 = arith.constant 0 : i32
      %dma_start3A_115 = arith.constant 0 : i32
      %dma_start3A_116 = tpu.memref_slice %arg13[%dma_start3A_114, %dma_start3A_115] : memref<30720x32xf32, #tpu.memory_space<vmem_shared>> -> memref<30720x32xf32, #tpu.memory_space<vmem_shared>>
      tpu.enqueue_indirect_dma source(%dma_start3A_116 : memref<30720x32xf32, #tpu.memory_space<vmem_shared>>) target(%dma_start3A_110 : memref<120x32xf32, #tpu.memory_space<vmem>>) offsets(%dma_start3A_113 : memref<120xi32, #tpu.memory_space<vmem>>) semaphore(%arg14 : memref<!tpu.dma_semaphore, #tpu.memory_space<semaphore_mem>>)
      %dma_start3A_117 = arith.constant 4 : i32
      %dma_start3A_118 = arith.constant 480 : i32
      %dma_start3A_119 = arith.constant 0 : i32
      %dma_start3A_120 = tpu.memref_slice %arg12[%dma_start3A_118, %dma_start3A_119] : memref<960x32xf32, #tpu.memory_space<vmem>> -> memref<120x32xf32, #tpu.memory_space<vmem>>
      %dma_start3A_121 = arith.constant 0 : i32
      %dma_start3A_122 = tpu.memref_slice %arg10[%dma_start3A_117, %dma_start3A_121] : memref<8x120xi32, #tpu.memory_space<vmem>> -> memref<1x120xi32, #tpu.memory_space<vmem>>
      %dma_start3A_123 = tpu.memref_squeeze %dma_start3A_122 : memref<1x120xi32, #tpu.memory_space<vmem>> -> memref<120xi32, #tpu.memory_space<vmem>>
      %dma_start3A_124 = arith.constant 0 : i32
      %dma_start3A_125 = arith.constant 0 : i32
      %dma_start3A_126 = tpu.memref_slice %arg13[%dma_start3A_124, %dma_start3A_125] : memref<30720x32xf32, #tpu.memory_space<vmem_shared>> -> memref<30720x32xf32, #tpu.memory_space<vmem_shared>>
      tpu.enqueue_indirect_dma source(%dma_start3A_126 : memref<30720x32xf32, #tpu.memory_space<vmem_shared>>) target(%dma_start3A_120 : memref<120x32xf32, #tpu.memory_space<vmem>>) offsets(%dma_start3A_123 : memref<120xi32, #tpu.memory_space<vmem>>) semaphore(%arg14 : memref<!tpu.dma_semaphore, #tpu.memory_space<semaphore_mem>>)
      %dma_start3A_127 = arith.constant 5 : i32
      %dma_start3A_128 = arith.constant 600 : i32
      %dma_start3A_129 = arith.constant 0 : i32
      %dma_start3A_130 = tpu.memref_slice %arg11[%dma_start3A_128, %dma_start3A_129] : memref<960x32xf32, #tpu.memory_space<vmem>> -> memref<120x32xf32, #tpu.memory_space<vmem>>
      %dma_start3A_131 = arith.constant 0 : i32
      %dma_start3A_132 = tpu.memref_slice %arg9[%dma_start3A_127, %dma_start3A_131] : memref<8x120xi32, #tpu.memory_space<vmem>> -> memref<1x120xi32, #tpu.memory_space<vmem>>
      %dma_start3A_133 = tpu.memref_squeeze %dma_start3A_132 : memref<1x120xi32, #tpu.memory_space<vmem>> -> memref<120xi32, #tpu.memory_space<vmem>>
      %dma_start3A_134 = arith.constant 0 : i32
      %dma_start3A_135 = arith.constant 0 : i32
      %dma_start3A_136 = tpu.memref_slice %arg13[%dma_start3A_134, %dma_start3A_135] : memref<30720x32xf32, #tpu.memory_space<vmem_shared>> -> memref<30720x32xf32, #tpu.memory_space<vmem_shared>>
      tpu.enqueue_indirect_dma source(%dma_start3A_136 : memref<30720x32xf32, #tpu.memory_space<vmem_shared>>) target(%dma_start3A_130 : memref<120x32xf32, #tpu.memory_space<vmem>>) offsets(%dma_start3A_133 : memref<120xi32, #tpu.memory_space<vmem>>) semaphore(%arg14 : memref<!tpu.dma_semaphore, #tpu.memory_space<semaphore_mem>>)
      %dma_start3A_137 = arith.constant 5 : i32
      %dma_start3A_138 = arith.constant 600 : i32
      %dma_start3A_139 = arith.constant 0 : i32
      %dma_start3A_140 = tpu.memref_slice %arg12[%dma_start3A_138, %dma_start3A_139] : memref<960x32xf32, #tpu.memory_space<vmem>> -> memref<120x32xf32, #tpu.memory_space<vmem>>
      %dma_start3A_141 = arith.constant 0 : i32
      %dma_start3A_142 = tpu.memref_slice %arg10[%dma_start3A_137, %dma_start3A_141] : memref<8x120xi32, #tpu.memory_space<vmem>> -> memref<1x120xi32, #tpu.memory_space<vmem>>
      %dma_start3A_143 = tpu.memref_squeeze %dma_start3A_142 : memref<1x120xi32, #tpu.memory_space<vmem>> -> memref<120xi32, #tpu.memory_space<vmem>>
      %dma_start3A_144 = arith.constant 0 : i32
      %dma_start3A_145 = arith.constant 0 : i32
      %dma_start3A_146 = tpu.memref_slice %arg13[%dma_start3A_144, %dma_start3A_145] : memref<30720x32xf32, #tpu.memory_space<vmem_shared>> -> memref<30720x32xf32, #tpu.memory_space<vmem_shared>>
      tpu.enqueue_indirect_dma source(%dma_start3A_146 : memref<30720x32xf32, #tpu.memory_space<vmem_shared>>) target(%dma_start3A_140 : memref<120x32xf32, #tpu.memory_space<vmem>>) offsets(%dma_start3A_143 : memref<120xi32, #tpu.memory_space<vmem>>) semaphore(%arg14 : memref<!tpu.dma_semaphore, #tpu.memory_space<semaphore_mem>>)
      %dma_start3A_147 = arith.constant 6 : i32
      %dma_start3A_148 = arith.constant 720 : i32
      %dma_start3A_149 = arith.constant 0 : i32
      %dma_start3A_150 = tpu.memref_slice %arg11[%dma_start3A_148, %dma_start3A_149] : memref<960x32xf32, #tpu.memory_space<vmem>> -> memref<120x32xf32, #tpu.memory_space<vmem>>
      %dma_start3A_151 = arith.constant 0 : i32
      %dma_start3A_152 = tpu.memref_slice %arg9[%dma_start3A_147, %dma_start3A_151] : memref<8x120xi32, #tpu.memory_space<vmem>> -> memref<1x120xi32, #tpu.memory_space<vmem>>
      %dma_start3A_153 = tpu.memref_squeeze %dma_start3A_152 : memref<1x120xi32, #tpu.memory_space<vmem>> -> memref<120xi32, #tpu.memory_space<vmem>>
      %dma_start3A_154 = arith.constant 0 : i32
      %dma_start3A_155 = arith.constant 0 : i32
      %dma_start3A_156 = tpu.memref_slice %arg13[%dma_start3A_154, %dma_start3A_155] : memref<30720x32xf32, #tpu.memory_space<vmem_shared>> -> memref<30720x32xf32, #tpu.memory_space<vmem_shared>>
      tpu.enqueue_indirect_dma source(%dma_start3A_156 : memref<30720x32xf32, #tpu.memory_space<vmem_shared>>) target(%dma_start3A_150 : memref<120x32xf32, #tpu.memory_space<vmem>>) offsets(%dma_start3A_153 : memref<120xi32, #tpu.memory_space<vmem>>) semaphore(%arg14 : memref<!tpu.dma_semaphore, #tpu.memory_space<semaphore_mem>>)
      %dma_start3A_157 = arith.constant 6 : i32
      %dma_start3A_158 = arith.constant 720 : i32
      %dma_start3A_159 = arith.constant 0 : i32
      %dma_start3A_160 = tpu.memref_slice %arg12[%dma_start3A_158, %dma_start3A_159] : memref<960x32xf32, #tpu.memory_space<vmem>> -> memref<120x32xf32, #tpu.memory_space<vmem>>
      %dma_start3A_161 = arith.constant 0 : i32
      %dma_start3A_162 = tpu.memref_slice %arg10[%dma_start3A_157, %dma_start3A_161] : memref<8x120xi32, #tpu.memory_space<vmem>> -> memref<1x120xi32, #tpu.memory_space<vmem>>
      %dma_start3A_163 = tpu.memref_squeeze %dma_start3A_162 : memref<1x120xi32, #tpu.memory_space<vmem>> -> memref<120xi32, #tpu.memory_space<vmem>>
      %dma_start3A_164 = arith.constant 0 : i32
      %dma_start3A_165 = arith.constant 0 : i32
      %dma_start3A_166 = tpu.memref_slice %arg13[%dma_start3A_164, %dma_start3A_165] : memref<30720x32xf32, #tpu.memory_space<vmem_shared>> -> memref<30720x32xf32, #tpu.memory_space<vmem_shared>>
      tpu.enqueue_indirect_dma source(%dma_start3A_166 : memref<30720x32xf32, #tpu.memory_space<vmem_shared>>) target(%dma_start3A_160 : memref<120x32xf32, #tpu.memory_space<vmem>>) offsets(%dma_start3A_163 : memref<120xi32, #tpu.memory_space<vmem>>) semaphore(%arg14 : memref<!tpu.dma_semaphore, #tpu.memory_space<semaphore_mem>>)
      %dma_start3A_167 = arith.constant 7 : i32
      %dma_start3A_168 = arith.constant 840 : i32
      %dma_start3A_169 = arith.constant 0 : i32
      %dma_start3A_170 = tpu.memref_slice %arg11[%dma_start3A_168, %dma_start3A_169] : memref<960x32xf32, #tpu.memory_space<vmem>> -> memref<120x32xf32, #tpu.memory_space<vmem>>
      %dma_start3A_171 = arith.constant 0 : i32
      %dma_start3A_172 = tpu.memref_slice %arg9[%dma_start3A_167, %dma_start3A_171] : memref<8x120xi32, #tpu.memory_space<vmem>> -> memref<1x120xi32, #tpu.memory_space<vmem>>
      %dma_start3A_173 = tpu.memref_squeeze %dma_start3A_172 : memref<1x120xi32, #tpu.memory_space<vmem>> -> memref<120xi32, #tpu.memory_space<vmem>>
      %dma_start3A_174 = arith.constant 0 : i32
      %dma_start3A_175 = arith.constant 0 : i32
      %dma_start3A_176 = tpu.memref_slice %arg13[%dma_start3A_174, %dma_start3A_175] : memref<30720x32xf32, #tpu.memory_space<vmem_shared>> -> memref<30720x32xf32, #tpu.memory_space<vmem_shared>>
      tpu.enqueue_indirect_dma source(%dma_start3A_176 : memref<30720x32xf32, #tpu.memory_space<vmem_shared>>) target(%dma_start3A_170 : memref<120x32xf32, #tpu.memory_space<vmem>>) offsets(%dma_start3A_173 : memref<120xi32, #tpu.memory_space<vmem>>) semaphore(%arg14 : memref<!tpu.dma_semaphore, #tpu.memory_space<semaphore_mem>>)
      %dma_start3A_177 = arith.constant 7 : i32
      %dma_start3A_178 = arith.constant 840 : i32
      %dma_start3A_179 = arith.constant 0 : i32
      %dma_start3A_180 = tpu.memref_slice %arg12[%dma_start3A_178, %dma_start3A_179] : memref<960x32xf32, #tpu.memory_space<vmem>> -> memref<120x32xf32, #tpu.memory_space<vmem>>
      %dma_start3A_181 = arith.constant 0 : i32
      %dma_start3A_182 = tpu.memref_slice %arg10[%dma_start3A_177, %dma_start3A_181] : memref<8x120xi32, #tpu.memory_space<vmem>> -> memref<1x120xi32, #tpu.memory_space<vmem>>
      %dma_start3A_183 = tpu.memref_squeeze %dma_start3A_182 : memref<1x120xi32, #tpu.memory_space<vmem>> -> memref<120xi32, #tpu.memory_space<vmem>>
      %dma_start3A_184 = arith.constant 0 : i32
      %dma_start3A_185 = arith.constant 0 : i32
      %dma_start3A_186 = tpu.memref_slice %arg13[%dma_start3A_184, %dma_start3A_185] : memref<30720x32xf32, #tpu.memory_space<vmem_shared>> -> memref<30720x32xf32, #tpu.memory_space<vmem_shared>>
      tpu.enqueue_indirect_dma source(%dma_start3A_186 : memref<30720x32xf32, #tpu.memory_space<vmem_shared>>) target(%dma_start3A_180 : memref<120x32xf32, #tpu.memory_space<vmem>>) offsets(%dma_start3A_183 : memref<120xi32, #tpu.memory_space<vmem>>) semaphore(%arg14 : memref<!tpu.dma_semaphore, #tpu.memory_space<semaphore_mem>>)
      %dma_wait3A = arith.constant 0 : i32
      %dma_wait3A_187 = arith.constant 0 : i32
      %dma_wait3A_188 = arith.constant 0 : i32
      %dma_wait3A_189 = tpu.memref_slice %arg11[%dma_wait3A_187, %dma_wait3A_188] : memref<960x32xf32, #tpu.memory_space<vmem>> -> memref<120x32xf32, #tpu.memory_space<vmem>>
      %dma_wait3A_190 = arith.constant 0 : i32
      %dma_wait3A_191 = tpu.memref_slice %arg9[%dma_wait3A, %dma_wait3A_190] : memref<8x120xi32, #tpu.memory_space<vmem>> -> memref<1x120xi32, #tpu.memory_space<vmem>>
      %dma_wait3A_192 = tpu.memref_squeeze %dma_wait3A_191 : memref<1x120xi32, #tpu.memory_space<vmem>> -> memref<120xi32, #tpu.memory_space<vmem>>
      %dma_wait3A_193 = arith.constant 0 : i32
      %dma_wait3A_194 = arith.constant 0 : i32
      %dma_wait3A_195 = tpu.memref_slice %arg13[%dma_wait3A_193, %dma_wait3A_194] : memref<30720x32xf32, #tpu.memory_space<vmem_shared>> -> memref<30720x32xf32, #tpu.memory_space<vmem_shared>>
      tpu.wait_indirect_dma semaphore(%arg14 : memref<!tpu.dma_semaphore, #tpu.memory_space<semaphore_mem>>) src(%dma_wait3A_195 : memref<30720x32xf32, #tpu.memory_space<vmem_shared>>) dst(%dma_wait3A_189 : memref<120x32xf32, #tpu.memory_space<vmem>>)
      %dma_wait3A_196 = arith.constant 0 : i32
      %dma_wait3A_197 = arith.constant 0 : i32
      %dma_wait3A_198 = arith.constant 0 : i32
      %dma_wait3A_199 = tpu.memref_slice %arg12[%dma_wait3A_197, %dma_wait3A_198] : memref<960x32xf32, #tpu.memory_space<vmem>> -> memref<120x32xf32, #tpu.memory_space<vmem>>
      %dma_wait3A_200 = arith.constant 0 : i32
      %dma_wait3A_201 = tpu.memref_slice %arg10[%dma_wait3A_196, %dma_wait3A_200] : memref<8x120xi32, #tpu.memory_space<vmem>> -> memref<1x120xi32, #tpu.memory_space<vmem>>
      %dma_wait3A_202 = tpu.memref_squeeze %dma_wait3A_201 : memref<1x120xi32, #tpu.memory_space<vmem>> -> memref<120xi32, #tpu.memory_space<vmem>>
      %dma_wait3A_203 = arith.constant 0 : i32
      %dma_wait3A_204 = arith.constant 0 : i32
      %dma_wait3A_205 = tpu.memref_slice %arg13[%dma_wait3A_203, %dma_wait3A_204] : memref<30720x32xf32, #tpu.memory_space<vmem_shared>> -> memref<30720x32xf32, #tpu.memory_space<vmem_shared>>
      tpu.wait_indirect_dma semaphore(%arg14 : memref<!tpu.dma_semaphore, #tpu.memory_space<semaphore_mem>>) src(%dma_wait3A_205 : memref<30720x32xf32, #tpu.memory_space<vmem_shared>>) dst(%dma_wait3A_199 : memref<120x32xf32, #tpu.memory_space<vmem>>)
      %dma_wait3A_206 = arith.constant 1 : i32
      %dma_wait3A_207 = arith.constant 120 : i32
      %dma_wait3A_208 = arith.constant 0 : i32
      %dma_wait3A_209 = tpu.memref_slice %arg11[%dma_wait3A_207, %dma_wait3A_208] : memref<960x32xf32, #tpu.memory_space<vmem>> -> memref<120x32xf32, #tpu.memory_space<vmem>>
      %dma_wait3A_210 = arith.constant 0 : i32
      %dma_wait3A_211 = tpu.memref_slice %arg9[%dma_wait3A_206, %dma_wait3A_210] : memref<8x120xi32, #tpu.memory_space<vmem>> -> memref<1x120xi32, #tpu.memory_space<vmem>>
      %dma_wait3A_212 = tpu.memref_squeeze %dma_wait3A_211 : memref<1x120xi32, #tpu.memory_space<vmem>> -> memref<120xi32, #tpu.memory_space<vmem>>
      %dma_wait3A_213 = arith.constant 0 : i32
      %dma_wait3A_214 = arith.constant 0 : i32
      %dma_wait3A_215 = tpu.memref_slice %arg13[%dma_wait3A_213, %dma_wait3A_214] : memref<30720x32xf32, #tpu.memory_space<vmem_shared>> -> memref<30720x32xf32, #tpu.memory_space<vmem_shared>>
      tpu.wait_indirect_dma semaphore(%arg14 : memref<!tpu.dma_semaphore, #tpu.memory_space<semaphore_mem>>) src(%dma_wait3A_215 : memref<30720x32xf32, #tpu.memory_space<vmem_shared>>) dst(%dma_wait3A_209 : memref<120x32xf32, #tpu.memory_space<vmem>>)
      %dma_wait3A_216 = arith.constant 1 : i32
      %dma_wait3A_217 = arith.constant 120 : i32
      %dma_wait3A_218 = arith.constant 0 : i32
      %dma_wait3A_219 = tpu.memref_slice %arg12[%dma_wait3A_217, %dma_wait3A_218] : memref<960x32xf32, #tpu.memory_space<vmem>> -> memref<120x32xf32, #tpu.memory_space<vmem>>
      %dma_wait3A_220 = arith.constant 0 : i32
      %dma_wait3A_221 = tpu.memref_slice %arg10[%dma_wait3A_216, %dma_wait3A_220] : memref<8x120xi32, #tpu.memory_space<vmem>> -> memref<1x120xi32, #tpu.memory_space<vmem>>
      %dma_wait3A_222 = tpu.memref_squeeze %dma_wait3A_221 : memref<1x120xi32, #tpu.memory_space<vmem>> -> memref<120xi32, #tpu.memory_space<vmem>>
      %dma_wait3A_223 = arith.constant 0 : i32
      %dma_wait3A_224 = arith.constant 0 : i32
      %dma_wait3A_225 = tpu.memref_slice %arg13[%dma_wait3A_223, %dma_wait3A_224] : memref<30720x32xf32, #tpu.memory_space<vmem_shared>> -> memref<30720x32xf32, #tpu.memory_space<vmem_shared>>
      tpu.wait_indirect_dma semaphore(%arg14 : memref<!tpu.dma_semaphore, #tpu.memory_space<semaphore_mem>>) src(%dma_wait3A_225 : memref<30720x32xf32, #tpu.memory_space<vmem_shared>>) dst(%dma_wait3A_219 : memref<120x32xf32, #tpu.memory_space<vmem>>)
      %dma_wait3A_226 = arith.constant 2 : i32
      %dma_wait3A_227 = arith.constant 240 : i32
      %dma_wait3A_228 = arith.constant 0 : i32
      %dma_wait3A_229 = tpu.memref_slice %arg11[%dma_wait3A_227, %dma_wait3A_228] : memref<960x32xf32, #tpu.memory_space<vmem>> -> memref<120x32xf32, #tpu.memory_space<vmem>>
      %dma_wait3A_230 = arith.constant 0 : i32
      %dma_wait3A_231 = tpu.memref_slice %arg9[%dma_wait3A_226, %dma_wait3A_230] : memref<8x120xi32, #tpu.memory_space<vmem>> -> memref<1x120xi32, #tpu.memory_space<vmem>>
      %dma_wait3A_232 = tpu.memref_squeeze %dma_wait3A_231 : memref<1x120xi32, #tpu.memory_space<vmem>> -> memref<120xi32, #tpu.memory_space<vmem>>
      %dma_wait3A_233 = arith.constant 0 : i32
      %dma_wait3A_234 = arith.constant 0 : i32
      %dma_wait3A_235 = tpu.memref_slice %arg13[%dma_wait3A_233, %dma_wait3A_234] : memref<30720x32xf32, #tpu.memory_space<vmem_shared>> -> memref<30720x32xf32, #tpu.memory_space<vmem_shared>>
      tpu.wait_indirect_dma semaphore(%arg14 : memref<!tpu.dma_semaphore, #tpu.memory_space<semaphore_mem>>) src(%dma_wait3A_235 : memref<30720x32xf32, #tpu.memory_space<vmem_shared>>) dst(%dma_wait3A_229 : memref<120x32xf32, #tpu.memory_space<vmem>>)
      %dma_wait3A_236 = arith.constant 2 : i32
      %dma_wait3A_237 = arith.constant 240 : i32
      %dma_wait3A_238 = arith.constant 0 : i32
      %dma_wait3A_239 = tpu.memref_slice %arg12[%dma_wait3A_237, %dma_wait3A_238] : memref<960x32xf32, #tpu.memory_space<vmem>> -> memref<120x32xf32, #tpu.memory_space<vmem>>
      %dma_wait3A_240 = arith.constant 0 : i32
      %dma_wait3A_241 = tpu.memref_slice %arg10[%dma_wait3A_236, %dma_wait3A_240] : memref<8x120xi32, #tpu.memory_space<vmem>> -> memref<1x120xi32, #tpu.memory_space<vmem>>
      %dma_wait3A_242 = tpu.memref_squeeze %dma_wait3A_241 : memref<1x120xi32, #tpu.memory_space<vmem>> -> memref<120xi32, #tpu.memory_space<vmem>>
      %dma_wait3A_243 = arith.constant 0 : i32
      %dma_wait3A_244 = arith.constant 0 : i32
      %dma_wait3A_245 = tpu.memref_slice %arg13[%dma_wait3A_243, %dma_wait3A_244] : memref<30720x32xf32, #tpu.memory_space<vmem_shared>> -> memref<30720x32xf32, #tpu.memory_space<vmem_shared>>
      tpu.wait_indirect_dma semaphore(%arg14 : memref<!tpu.dma_semaphore, #tpu.memory_space<semaphore_mem>>) src(%dma_wait3A_245 : memref<30720x32xf32, #tpu.memory_space<vmem_shared>>) dst(%dma_wait3A_239 : memref<120x32xf32, #tpu.memory_space<vmem>>)
      %dma_wait3A_246 = arith.constant 3 : i32
      %dma_wait3A_247 = arith.constant 360 : i32
      %dma_wait3A_248 = arith.constant 0 : i32
      %dma_wait3A_249 = tpu.memref_slice %arg11[%dma_wait3A_247, %dma_wait3A_248] : memref<960x32xf32, #tpu.memory_space<vmem>> -> memref<120x32xf32, #tpu.memory_space<vmem>>
      %dma_wait3A_250 = arith.constant 0 : i32
      %dma_wait3A_251 = tpu.memref_slice %arg9[%dma_wait3A_246, %dma_wait3A_250] : memref<8x120xi32, #tpu.memory_space<vmem>> -> memref<1x120xi32, #tpu.memory_space<vmem>>
      %dma_wait3A_252 = tpu.memref_squeeze %dma_wait3A_251 : memref<1x120xi32, #tpu.memory_space<vmem>> -> memref<120xi32, #tpu.memory_space<vmem>>
      %dma_wait3A_253 = arith.constant 0 : i32
      %dma_wait3A_254 = arith.constant 0 : i32
      %dma_wait3A_255 = tpu.memref_slice %arg13[%dma_wait3A_253, %dma_wait3A_254] : memref<30720x32xf32, #tpu.memory_space<vmem_shared>> -> memref<30720x32xf32, #tpu.memory_space<vmem_shared>>
      tpu.wait_indirect_dma semaphore(%arg14 : memref<!tpu.dma_semaphore, #tpu.memory_space<semaphore_mem>>) src(%dma_wait3A_255 : memref<30720x32xf32, #tpu.memory_space<vmem_shared>>) dst(%dma_wait3A_249 : memref<120x32xf32, #tpu.memory_space<vmem>>)
      %dma_wait3A_256 = arith.constant 3 : i32
      %dma_wait3A_257 = arith.constant 360 : i32
      %dma_wait3A_258 = arith.constant 0 : i32
      %dma_wait3A_259 = tpu.memref_slice %arg12[%dma_wait3A_257, %dma_wait3A_258] : memref<960x32xf32, #tpu.memory_space<vmem>> -> memref<120x32xf32, #tpu.memory_space<vmem>>
      %dma_wait3A_260 = arith.constant 0 : i32
      %dma_wait3A_261 = tpu.memref_slice %arg10[%dma_wait3A_256, %dma_wait3A_260] : memref<8x120xi32, #tpu.memory_space<vmem>> -> memref<1x120xi32, #tpu.memory_space<vmem>>
      %dma_wait3A_262 = tpu.memref_squeeze %dma_wait3A_261 : memref<1x120xi32, #tpu.memory_space<vmem>> -> memref<120xi32, #tpu.memory_space<vmem>>
      %dma_wait3A_263 = arith.constant 0 : i32
      %dma_wait3A_264 = arith.constant 0 : i32
      %dma_wait3A_265 = tpu.memref_slice %arg13[%dma_wait3A_263, %dma_wait3A_264] : memref<30720x32xf32, #tpu.memory_space<vmem_shared>> -> memref<30720x32xf32, #tpu.memory_space<vmem_shared>>
      tpu.wait_indirect_dma semaphore(%arg14 : memref<!tpu.dma_semaphore, #tpu.memory_space<semaphore_mem>>) src(%dma_wait3A_265 : memref<30720x32xf32, #tpu.memory_space<vmem_shared>>) dst(%dma_wait3A_259 : memref<120x32xf32, #tpu.memory_space<vmem>>)
      %dma_wait3A_266 = arith.constant 4 : i32
      %dma_wait3A_267 = arith.constant 480 : i32
      %dma_wait3A_268 = arith.constant 0 : i32
      %dma_wait3A_269 = tpu.memref_slice %arg11[%dma_wait3A_267, %dma_wait3A_268] : memref<960x32xf32, #tpu.memory_space<vmem>> -> memref<120x32xf32, #tpu.memory_space<vmem>>
      %dma_wait3A_270 = arith.constant 0 : i32
      %dma_wait3A_271 = tpu.memref_slice %arg9[%dma_wait3A_266, %dma_wait3A_270] : memref<8x120xi32, #tpu.memory_space<vmem>> -> memref<1x120xi32, #tpu.memory_space<vmem>>
      %dma_wait3A_272 = tpu.memref_squeeze %dma_wait3A_271 : memref<1x120xi32, #tpu.memory_space<vmem>> -> memref<120xi32, #tpu.memory_space<vmem>>
      %dma_wait3A_273 = arith.constant 0 : i32
      %dma_wait3A_274 = arith.constant 0 : i32
      %dma_wait3A_275 = tpu.memref_slice %arg13[%dma_wait3A_273, %dma_wait3A_274] : memref<30720x32xf32, #tpu.memory_space<vmem_shared>> -> memref<30720x32xf32, #tpu.memory_space<vmem_shared>>
      tpu.wait_indirect_dma semaphore(%arg14 : memref<!tpu.dma_semaphore, #tpu.memory_space<semaphore_mem>>) src(%dma_wait3A_275 : memref<30720x32xf32, #tpu.memory_space<vmem_shared>>) dst(%dma_wait3A_269 : memref<120x32xf32, #tpu.memory_space<vmem>>)
      %dma_wait3A_276 = arith.constant 4 : i32
      %dma_wait3A_277 = arith.constant 480 : i32
      %dma_wait3A_278 = arith.constant 0 : i32
      %dma_wait3A_279 = tpu.memref_slice %arg12[%dma_wait3A_277, %dma_wait3A_278] : memref<960x32xf32, #tpu.memory_space<vmem>> -> memref<120x32xf32, #tpu.memory_space<vmem>>
      %dma_wait3A_280 = arith.constant 0 : i32
      %dma_wait3A_281 = tpu.memref_slice %arg10[%dma_wait3A_276, %dma_wait3A_280] : memref<8x120xi32, #tpu.memory_space<vmem>> -> memref<1x120xi32, #tpu.memory_space<vmem>>
      %dma_wait3A_282 = tpu.memref_squeeze %dma_wait3A_281 : memref<1x120xi32, #tpu.memory_space<vmem>> -> memref<120xi32, #tpu.memory_space<vmem>>
      %dma_wait3A_283 = arith.constant 0 : i32
      %dma_wait3A_284 = arith.constant 0 : i32
      %dma_wait3A_285 = tpu.memref_slice %arg13[%dma_wait3A_283, %dma_wait3A_284] : memref<30720x32xf32, #tpu.memory_space<vmem_shared>> -> memref<30720x32xf32, #tpu.memory_space<vmem_shared>>
      tpu.wait_indirect_dma semaphore(%arg14 : memref<!tpu.dma_semaphore, #tpu.memory_space<semaphore_mem>>) src(%dma_wait3A_285 : memref<30720x32xf32, #tpu.memory_space<vmem_shared>>) dst(%dma_wait3A_279 : memref<120x32xf32, #tpu.memory_space<vmem>>)
      %dma_wait3A_286 = arith.constant 5 : i32
      %dma_wait3A_287 = arith.constant 600 : i32
      %dma_wait3A_288 = arith.constant 0 : i32
      %dma_wait3A_289 = tpu.memref_slice %arg11[%dma_wait3A_287, %dma_wait3A_288] : memref<960x32xf32, #tpu.memory_space<vmem>> -> memref<120x32xf32, #tpu.memory_space<vmem>>
      %dma_wait3A_290 = arith.constant 0 : i32
      %dma_wait3A_291 = tpu.memref_slice %arg9[%dma_wait3A_286, %dma_wait3A_290] : memref<8x120xi32, #tpu.memory_space<vmem>> -> memref<1x120xi32, #tpu.memory_space<vmem>>
      %dma_wait3A_292 = tpu.memref_squeeze %dma_wait3A_291 : memref<1x120xi32, #tpu.memory_space<vmem>> -> memref<120xi32, #tpu.memory_space<vmem>>
      %dma_wait3A_293 = arith.constant 0 : i32
      %dma_wait3A_294 = arith.constant 0 : i32
      %dma_wait3A_295 = tpu.memref_slice %arg13[%dma_wait3A_293, %dma_wait3A_294] : memref<30720x32xf32, #tpu.memory_space<vmem_shared>> -> memref<30720x32xf32, #tpu.memory_space<vmem_shared>>
      tpu.wait_indirect_dma semaphore(%arg14 : memref<!tpu.dma_semaphore, #tpu.memory_space<semaphore_mem>>) src(%dma_wait3A_295 : memref<30720x32xf32, #tpu.memory_space<vmem_shared>>) dst(%dma_wait3A_289 : memref<120x32xf32, #tpu.memory_space<vmem>>)
      %dma_wait3A_296 = arith.constant 5 : i32
      %dma_wait3A_297 = arith.constant 600 : i32
      %dma_wait3A_298 = arith.constant 0 : i32
      %dma_wait3A_299 = tpu.memref_slice %arg12[%dma_wait3A_297, %dma_wait3A_298] : memref<960x32xf32, #tpu.memory_space<vmem>> -> memref<120x32xf32, #tpu.memory_space<vmem>>
      %dma_wait3A_300 = arith.constant 0 : i32
      %dma_wait3A_301 = tpu.memref_slice %arg10[%dma_wait3A_296, %dma_wait3A_300] : memref<8x120xi32, #tpu.memory_space<vmem>> -> memref<1x120xi32, #tpu.memory_space<vmem>>
      %dma_wait3A_302 = tpu.memref_squeeze %dma_wait3A_301 : memref<1x120xi32, #tpu.memory_space<vmem>> -> memref<120xi32, #tpu.memory_space<vmem>>
      %dma_wait3A_303 = arith.constant 0 : i32
      %dma_wait3A_304 = arith.constant 0 : i32
      %dma_wait3A_305 = tpu.memref_slice %arg13[%dma_wait3A_303, %dma_wait3A_304] : memref<30720x32xf32, #tpu.memory_space<vmem_shared>> -> memref<30720x32xf32, #tpu.memory_space<vmem_shared>>
      tpu.wait_indirect_dma semaphore(%arg14 : memref<!tpu.dma_semaphore, #tpu.memory_space<semaphore_mem>>) src(%dma_wait3A_305 : memref<30720x32xf32, #tpu.memory_space<vmem_shared>>) dst(%dma_wait3A_299 : memref<120x32xf32, #tpu.memory_space<vmem>>)
      %dma_wait3A_306 = arith.constant 6 : i32
      %dma_wait3A_307 = arith.constant 720 : i32
      %dma_wait3A_308 = arith.constant 0 : i32
      %dma_wait3A_309 = tpu.memref_slice %arg11[%dma_wait3A_307, %dma_wait3A_308] : memref<960x32xf32, #tpu.memory_space<vmem>> -> memref<120x32xf32, #tpu.memory_space<vmem>>
      %dma_wait3A_310 = arith.constant 0 : i32
      %dma_wait3A_311 = tpu.memref_slice %arg9[%dma_wait3A_306, %dma_wait3A_310] : memref<8x120xi32, #tpu.memory_space<vmem>> -> memref<1x120xi32, #tpu.memory_space<vmem>>
      %dma_wait3A_312 = tpu.memref_squeeze %dma_wait3A_311 : memref<1x120xi32, #tpu.memory_space<vmem>> -> memref<120xi32, #tpu.memory_space<vmem>>
      %dma_wait3A_313 = arith.constant 0 : i32
      %dma_wait3A_314 = arith.constant 0 : i32
      %dma_wait3A_315 = tpu.memref_slice %arg13[%dma_wait3A_313, %dma_wait3A_314] : memref<30720x32xf32, #tpu.memory_space<vmem_shared>> -> memref<30720x32xf32, #tpu.memory_space<vmem_shared>>
      tpu.wait_indirect_dma semaphore(%arg14 : memref<!tpu.dma_semaphore, #tpu.memory_space<semaphore_mem>>) src(%dma_wait3A_315 : memref<30720x32xf32, #tpu.memory_space<vmem_shared>>) dst(%dma_wait3A_309 : memref<120x32xf32, #tpu.memory_space<vmem>>)
      %dma_wait3A_316 = arith.constant 6 : i32
      %dma_wait3A_317 = arith.constant 720 : i32
      %dma_wait3A_318 = arith.constant 0 : i32
      %dma_wait3A_319 = tpu.memref_slice %arg12[%dma_wait3A_317, %dma_wait3A_318] : memref<960x32xf32, #tpu.memory_space<vmem>> -> memref<120x32xf32, #tpu.memory_space<vmem>>
      %dma_wait3A_320 = arith.constant 0 : i32
      %dma_wait3A_321 = tpu.memref_slice %arg10[%dma_wait3A_316, %dma_wait3A_320] : memref<8x120xi32, #tpu.memory_space<vmem>> -> memref<1x120xi32, #tpu.memory_space<vmem>>
      %dma_wait3A_322 = tpu.memref_squeeze %dma_wait3A_321 : memref<1x120xi32, #tpu.memory_space<vmem>> -> memref<120xi32, #tpu.memory_space<vmem>>
      %dma_wait3A_323 = arith.constant 0 : i32
      %dma_wait3A_324 = arith.constant 0 : i32
      %dma_wait3A_325 = tpu.memref_slice %arg13[%dma_wait3A_323, %dma_wait3A_324] : memref<30720x32xf32, #tpu.memory_space<vmem_shared>> -> memref<30720x32xf32, #tpu.memory_space<vmem_shared>>
      tpu.wait_indirect_dma semaphore(%arg14 : memref<!tpu.dma_semaphore, #tpu.memory_space<semaphore_mem>>) src(%dma_wait3A_325 : memref<30720x32xf32, #tpu.memory_space<vmem_shared>>) dst(%dma_wait3A_319 : memref<120x32xf32, #tpu.memory_space<vmem>>)
      %dma_wait3A_326 = arith.constant 7 : i32
      %dma_wait3A_327 = arith.constant 840 : i32
      %dma_wait3A_328 = arith.constant 0 : i32
      %dma_wait3A_329 = tpu.memref_slice %arg11[%dma_wait3A_327, %dma_wait3A_328] : memref<960x32xf32, #tpu.memory_space<vmem>> -> memref<120x32xf32, #tpu.memory_space<vmem>>
      %dma_wait3A_330 = arith.constant 0 : i32
      %dma_wait3A_331 = tpu.memref_slice %arg9[%dma_wait3A_326, %dma_wait3A_330] : memref<8x120xi32, #tpu.memory_space<vmem>> -> memref<1x120xi32, #tpu.memory_space<vmem>>
      %dma_wait3A_332 = tpu.memref_squeeze %dma_wait3A_331 : memref<1x120xi32, #tpu.memory_space<vmem>> -> memref<120xi32, #tpu.memory_space<vmem>>
      %dma_wait3A_333 = arith.constant 0 : i32
      %dma_wait3A_334 = arith.constant 0 : i32
      %dma_wait3A_335 = tpu.memref_slice %arg13[%dma_wait3A_333, %dma_wait3A_334] : memref<30720x32xf32, #tpu.memory_space<vmem_shared>> -> memref<30720x32xf32, #tpu.memory_space<vmem_shared>>
      tpu.wait_indirect_dma semaphore(%arg14 : memref<!tpu.dma_semaphore, #tpu.memory_space<semaphore_mem>>) src(%dma_wait3A_335 : memref<30720x32xf32, #tpu.memory_space<vmem_shared>>) dst(%dma_wait3A_329 : memref<120x32xf32, #tpu.memory_space<vmem>>)
      %dma_wait3A_336 = arith.constant 7 : i32
      %dma_wait3A_337 = arith.constant 840 : i32
      %dma_wait3A_338 = arith.constant 0 : i32
      %dma_wait3A_339 = tpu.memref_slice %arg12[%dma_wait3A_337, %dma_wait3A_338] : memref<960x32xf32, #tpu.memory_space<vmem>> -> memref<120x32xf32, #tpu.memory_space<vmem>>
      %dma_wait3A_340 = arith.constant 0 : i32
      %dma_wait3A_341 = tpu.memref_slice %arg10[%dma_wait3A_336, %dma_wait3A_340] : memref<8x120xi32, #tpu.memory_space<vmem>> -> memref<1x120xi32, #tpu.memory_space<vmem>>
      %dma_wait3A_342 = tpu.memref_squeeze %dma_wait3A_341 : memref<1x120xi32, #tpu.memory_space<vmem>> -> memref<120xi32, #tpu.memory_space<vmem>>
      %dma_wait3A_343 = arith.constant 0 : i32
      %dma_wait3A_344 = arith.constant 0 : i32
      %dma_wait3A_345 = tpu.memref_slice %arg13[%dma_wait3A_343, %dma_wait3A_344] : memref<30720x32xf32, #tpu.memory_space<vmem_shared>> -> memref<30720x32xf32, #tpu.memory_space<vmem_shared>>
      tpu.wait_indirect_dma semaphore(%arg14 : memref<!tpu.dma_semaphore, #tpu.memory_space<semaphore_mem>>) src(%dma_wait3A_345 : memref<30720x32xf32, #tpu.memory_space<vmem_shared>>) dst(%dma_wait3A_339 : memref<120x32xf32, #tpu.memory_space<vmem>>)
      %mul3A_346 = arith.constant 15360 : i32
      %mul3A_347 = arith.muli %add3A, %mul3A_346 : i32
      %mul3A_348 = arith.constant 960 : i32
      %mul3A_349 = arith.muli %scan3A_22, %mul3A_348 : i32
      %add3A_350 = arith.addi %mul3A_347, %mul3A_349 : i32
      "tpu.region"() ({
        %run_scoped3A = tpu.sem_alloc : memref<!tpu.dma_semaphore, #tpu.memory_space<semaphore_mem>>
        %dma_start3A_351 = arith.constant 0 : i32
        %dma_start3A_352 = tpu.memref_slice %arg6[%add3A_350, %dma_start3A_351] : memref<491520x32xf32, #tpu.memory_space<hbm>> -> memref<960x32xf32, #tpu.memory_space<hbm>>
        %dma_start3A_353 = arith.constant 0 : i32
        %dma_start3A_354 = tpu.memref_slice %arg6[%add3A_350, %dma_start3A_353] : memref<491520x32xf32, #tpu.memory_space<hbm>> -> memref<960x32xf32, #tpu.memory_space<hbm>>
        tpu.enqueue_dma source(%arg11 : memref<960x32xf32, #tpu.memory_space<vmem>>) target(%dma_start3A_354 : memref<960x32xf32, #tpu.memory_space<hbm>>) target_semaphore(%run_scoped3A : memref<!tpu.dma_semaphore, #tpu.memory_space<semaphore_mem>>)
        %dma_wait3A_355 = arith.constant 0 : i32
        %dma_wait3A_356 = tpu.memref_slice %arg6[%add3A_350, %dma_wait3A_355] : memref<491520x32xf32, #tpu.memory_space<hbm>> -> memref<960x32xf32, #tpu.memory_space<hbm>>
        %dma_wait3A_357 = arith.constant 0 : i32
        %dma_wait3A_358 = tpu.memref_slice %arg6[%add3A_350, %dma_wait3A_357] : memref<491520x32xf32, #tpu.memory_space<hbm>> -> memref<960x32xf32, #tpu.memory_space<hbm>>
        tpu.wait_dma2 semaphore(%run_scoped3A : memref<!tpu.dma_semaphore, #tpu.memory_space<semaphore_mem>>) src(%arg11 : memref<960x32xf32, #tpu.memory_space<vmem>>) dst(%dma_wait3A_358 : memref<960x32xf32, #tpu.memory_space<hbm>>)
        tpu.yield
      }) : () -> ()
      "tpu.region"() ({
        %run_scoped3A = tpu.sem_alloc : memref<!tpu.dma_semaphore, #tpu.memory_space<semaphore_mem>>
        %dma_start3A_351 = arith.constant 0 : i32
        %dma_start3A_352 = tpu.memref_slice %arg7[%add3A_350, %dma_start3A_351] : memref<491520x32xf32, #tpu.memory_space<hbm>> -> memref<960x32xf32, #tpu.memory_space<hbm>>
        %dma_start3A_353 = arith.constant 0 : i32
        %dma_start3A_354 = tpu.memref_slice %arg7[%add3A_350, %dma_start3A_353] : memref<491520x32xf32, #tpu.memory_space<hbm>> -> memref<960x32xf32, #tpu.memory_space<hbm>>
        tpu.enqueue_dma source(%arg12 : memref<960x32xf32, #tpu.memory_space<vmem>>) target(%dma_start3A_354 : memref<960x32xf32, #tpu.memory_space<hbm>>) target_semaphore(%run_scoped3A : memref<!tpu.dma_semaphore, #tpu.memory_space<semaphore_mem>>)
        %dma_wait3A_355 = arith.constant 0 : i32
        %dma_wait3A_356 = tpu.memref_slice %arg7[%add3A_350, %dma_wait3A_355] : memref<491520x32xf32, #tpu.memory_space<hbm>> -> memref<960x32xf32, #tpu.memory_space<hbm>>
        %dma_wait3A_357 = arith.constant 0 : i32
        %dma_wait3A_358 = tpu.memref_slice %arg7[%add3A_350, %dma_wait3A_357] : memref<491520x32xf32, #tpu.memory_space<hbm>> -> memref<960x32xf32, #tpu.memory_space<hbm>>
        tpu.wait_dma2 semaphore(%run_scoped3A : memref<!tpu.dma_semaphore, #tpu.memory_space<semaphore_mem>>) src(%arg12 : memref<960x32xf32, #tpu.memory_space<vmem>>) dst(%dma_wait3A_358 : memref<960x32xf32, #tpu.memory_space<hbm>>)
        tpu.yield
      }) : () -> ()
    }
    %scan3A_9 = arith.constant 16 : i32
    %barrier3A_10 = arith.constant 0 : index
    tpu.barrier barrier_id(%barrier3A_10)
    %mul3A_11 = arith.constant 1920 : i32
    %mul3A_12 = arith.muli %arg1, %mul3A_11 : i32
    %mul3A_13 = arith.constant 1920 : i32
    %mul3A_14 = arith.muli %arg1, %mul3A_13 : i32
    "tpu.region"() ({
      %run_scoped3A = tpu.sem_alloc : memref<!tpu.dma_semaphore, #tpu.memory_space<semaphore_mem>>
      %dma_start3A = arith.constant 0 : i32
      %dma_start3A_22 = tpu.memref_slice %arg13[%mul3A_14, %dma_start3A] : memref<30720x32xf32, #tpu.memory_space<vmem_shared>> -> memref<1920x32xf32, #tpu.memory_space<vmem_shared>>
      %dma_start3A_23 = arith.constant 0 : i32
      %dma_start3A_24 = tpu.memref_slice %arg3[%mul3A_12, %dma_start3A_23] : memref<30720x32xf32, #tpu.memory_space<hbm>> -> memref<1920x32xf32, #tpu.memory_space<hbm>>
      tpu.enqueue_dma source(%dma_start3A_24 : memref<1920x32xf32, #tpu.memory_space<hbm>>) target(%dma_start3A_22 : memref<1920x32xf32, #tpu.memory_space<vmem_shared>>) target_semaphore(%run_scoped3A : memref<!tpu.dma_semaphore, #tpu.memory_space<semaphore_mem>>)
      %dma_wait3A = arith.constant 0 : i32
      %dma_wait3A_25 = tpu.memref_slice %arg13[%mul3A_14, %dma_wait3A] : memref<30720x32xf32, #tpu.memory_space<vmem_shared>> -> memref<1920x32xf32, #tpu.memory_space<vmem_shared>>
      %dma_wait3A_26 = arith.constant 0 : i32
      %dma_wait3A_27 = tpu.memref_slice %arg3[%mul3A_12, %dma_wait3A_26] : memref<30720x32xf32, #tpu.memory_space<hbm>> -> memref<1920x32xf32, #tpu.memory_space<hbm>>
      tpu.wait_dma2 semaphore(%run_scoped3A : memref<!tpu.dma_semaphore, #tpu.memory_space<semaphore_mem>>) src(%dma_wait3A_27 : memref<1920x32xf32, #tpu.memory_space<hbm>>) dst(%dma_wait3A_25 : memref<1920x32xf32, #tpu.memory_space<vmem_shared>>)
      tpu.yield
    }) : () -> ()
    %barrier3A_15 = arith.constant 0 : index
    tpu.barrier barrier_id(%barrier3A_15)
    %scan3A_16 = arith.constant 0 : i32
    %scan3A_17 = arith.constant 0 : i32
    %scan3A_18 = arith.constant 16 : i32
    %scan3A_19 = arith.addi %scan3A_17, %scan3A_18 : i32
    %scan3A_20 = arith.constant 1 : i32
    scf.for %scan3A_22 = %scan3A_17 to %scan3A_19 step %scan3A_20  : i32 {
      %mul3A_23 = arith.constant 128 : i32
      %mul3A_24 = arith.muli %add3A, %mul3A_23 : i32
      %mul3A_25 = arith.constant 8 : i32
      %mul3A_26 = arith.muli %scan3A_22, %mul3A_25 : i32
      %add3A_27 = arith.addi %mul3A_24, %mul3A_26 : i32
      "tpu.region"() ({
        %run_scoped3A = tpu.sem_alloc : memref<!tpu.dma_semaphore, #tpu.memory_space<semaphore_mem>>
        %dma_start3A_191 = arith.constant 0 : i32
        %dma_start3A_192 = tpu.memref_slice %arg4[%add3A_27, %dma_start3A_191] : memref<4096x120xi32, #tpu.memory_space<hbm>> -> memref<8x120xi32, #tpu.memory_space<hbm>>
        %dma_start3A_193 = arith.constant 0 : i32
        %dma_start3A_194 = tpu.memref_slice %arg4[%add3A_27, %dma_start3A_193] : memref<4096x120xi32, #tpu.memory_space<hbm>> -> memref<8x120xi32, #tpu.memory_space<hbm>>
        tpu.enqueue_dma source(%dma_start3A_194 : memref<8x120xi32, #tpu.memory_space<hbm>>) target(%arg9 : memref<8x120xi32, #tpu.memory_space<vmem>>) target_semaphore(%run_scoped3A : memref<!tpu.dma_semaphore, #tpu.memory_space<semaphore_mem>>)
        %dma_wait3A_195 = arith.constant 0 : i32
        %dma_wait3A_196 = tpu.memref_slice %arg4[%add3A_27, %dma_wait3A_195] : memref<4096x120xi32, #tpu.memory_space<hbm>> -> memref<8x120xi32, #tpu.memory_space<hbm>>
        %dma_wait3A_197 = arith.constant 0 : i32
        %dma_wait3A_198 = tpu.memref_slice %arg4[%add3A_27, %dma_wait3A_197] : memref<4096x120xi32, #tpu.memory_space<hbm>> -> memref<8x120xi32, #tpu.memory_space<hbm>>
        tpu.wait_dma2 semaphore(%run_scoped3A : memref<!tpu.dma_semaphore, #tpu.memory_space<semaphore_mem>>) src(%dma_wait3A_198 : memref<8x120xi32, #tpu.memory_space<hbm>>) dst(%arg9 : memref<8x120xi32, #tpu.memory_space<vmem>>)
        tpu.yield
      }) : () -> ()
      %dma_start3A = arith.constant 0 : i32
      %dma_start3A_28 = arith.constant 0 : i32
      %dma_start3A_29 = arith.constant 0 : i32
      %dma_start3A_30 = tpu.memref_slice %arg11[%dma_start3A_28, %dma_start3A_29] : memref<960x32xf32, #tpu.memory_space<vmem>> -> memref<120x32xf32, #tpu.memory_space<vmem>>
      %dma_start3A_31 = arith.constant 0 : i32
      %dma_start3A_32 = tpu.memref_slice %arg9[%dma_start3A, %dma_start3A_31] : memref<8x120xi32, #tpu.memory_space<vmem>> -> memref<1x120xi32, #tpu.memory_space<vmem>>
      %dma_start3A_33 = tpu.memref_squeeze %dma_start3A_32 : memref<1x120xi32, #tpu.memory_space<vmem>> -> memref<120xi32, #tpu.memory_space<vmem>>
      %dma_start3A_34 = arith.constant 0 : i32
      %dma_start3A_35 = arith.constant 0 : i32
      %dma_start3A_36 = tpu.memref_slice %arg13[%dma_start3A_34, %dma_start3A_35] : memref<30720x32xf32, #tpu.memory_space<vmem_shared>> -> memref<30720x32xf32, #tpu.memory_space<vmem_shared>>
      tpu.enqueue_indirect_dma source(%dma_start3A_36 : memref<30720x32xf32, #tpu.memory_space<vmem_shared>>) target(%dma_start3A_30 : memref<120x32xf32, #tpu.memory_space<vmem>>) offsets(%dma_start3A_33 : memref<120xi32, #tpu.memory_space<vmem>>) semaphore(%arg14 : memref<!tpu.dma_semaphore, #tpu.memory_space<semaphore_mem>>)
      %dma_start3A_37 = arith.constant 1 : i32
      %dma_start3A_38 = arith.constant 120 : i32
      %dma_start3A_39 = arith.constant 0 : i32
      %dma_start3A_40 = tpu.memref_slice %arg11[%dma_start3A_38, %dma_start3A_39] : memref<960x32xf32, #tpu.memory_space<vmem>> -> memref<120x32xf32, #tpu.memory_space<vmem>>
      %dma_start3A_41 = arith.constant 0 : i32
      %dma_start3A_42 = tpu.memref_slice %arg9[%dma_start3A_37, %dma_start3A_41] : memref<8x120xi32, #tpu.memory_space<vmem>> -> memref<1x120xi32, #tpu.memory_space<vmem>>
      %dma_start3A_43 = tpu.memref_squeeze %dma_start3A_42 : memref<1x120xi32, #tpu.memory_space<vmem>> -> memref<120xi32, #tpu.memory_space<vmem>>
      %dma_start3A_44 = arith.constant 0 : i32
      %dma_start3A_45 = arith.constant 0 : i32
      %dma_start3A_46 = tpu.memref_slice %arg13[%dma_start3A_44, %dma_start3A_45] : memref<30720x32xf32, #tpu.memory_space<vmem_shared>> -> memref<30720x32xf32, #tpu.memory_space<vmem_shared>>
      tpu.enqueue_indirect_dma source(%dma_start3A_46 : memref<30720x32xf32, #tpu.memory_space<vmem_shared>>) target(%dma_start3A_40 : memref<120x32xf32, #tpu.memory_space<vmem>>) offsets(%dma_start3A_43 : memref<120xi32, #tpu.memory_space<vmem>>) semaphore(%arg14 : memref<!tpu.dma_semaphore, #tpu.memory_space<semaphore_mem>>)
      %dma_start3A_47 = arith.constant 2 : i32
      %dma_start3A_48 = arith.constant 240 : i32
      %dma_start3A_49 = arith.constant 0 : i32
      %dma_start3A_50 = tpu.memref_slice %arg11[%dma_start3A_48, %dma_start3A_49] : memref<960x32xf32, #tpu.memory_space<vmem>> -> memref<120x32xf32, #tpu.memory_space<vmem>>
      %dma_start3A_51 = arith.constant 0 : i32
      %dma_start3A_52 = tpu.memref_slice %arg9[%dma_start3A_47, %dma_start3A_51] : memref<8x120xi32, #tpu.memory_space<vmem>> -> memref<1x120xi32, #tpu.memory_space<vmem>>
      %dma_start3A_53 = tpu.memref_squeeze %dma_start3A_52 : memref<1x120xi32, #tpu.memory_space<vmem>> -> memref<120xi32, #tpu.memory_space<vmem>>
      %dma_start3A_54 = arith.constant 0 : i32
      %dma_start3A_55 = arith.constant 0 : i32
      %dma_start3A_56 = tpu.memref_slice %arg13[%dma_start3A_54, %dma_start3A_55] : memref<30720x32xf32, #tpu.memory_space<vmem_shared>> -> memref<30720x32xf32, #tpu.memory_space<vmem_shared>>
      tpu.enqueue_indirect_dma source(%dma_start3A_56 : memref<30720x32xf32, #tpu.memory_space<vmem_shared>>) target(%dma_start3A_50 : memref<120x32xf32, #tpu.memory_space<vmem>>) offsets(%dma_start3A_53 : memref<120xi32, #tpu.memory_space<vmem>>) semaphore(%arg14 : memref<!tpu.dma_semaphore, #tpu.memory_space<semaphore_mem>>)
      %dma_start3A_57 = arith.constant 3 : i32
      %dma_start3A_58 = arith.constant 360 : i32
      %dma_start3A_59 = arith.constant 0 : i32
      %dma_start3A_60 = tpu.memref_slice %arg11[%dma_start3A_58, %dma_start3A_59] : memref<960x32xf32, #tpu.memory_space<vmem>> -> memref<120x32xf32, #tpu.memory_space<vmem>>
      %dma_start3A_61 = arith.constant 0 : i32
      %dma_start3A_62 = tpu.memref_slice %arg9[%dma_start3A_57, %dma_start3A_61] : memref<8x120xi32, #tpu.memory_space<vmem>> -> memref<1x120xi32, #tpu.memory_space<vmem>>
      %dma_start3A_63 = tpu.memref_squeeze %dma_start3A_62 : memref<1x120xi32, #tpu.memory_space<vmem>> -> memref<120xi32, #tpu.memory_space<vmem>>
      %dma_start3A_64 = arith.constant 0 : i32
      %dma_start3A_65 = arith.constant 0 : i32
      %dma_start3A_66 = tpu.memref_slice %arg13[%dma_start3A_64, %dma_start3A_65] : memref<30720x32xf32, #tpu.memory_space<vmem_shared>> -> memref<30720x32xf32, #tpu.memory_space<vmem_shared>>
      tpu.enqueue_indirect_dma source(%dma_start3A_66 : memref<30720x32xf32, #tpu.memory_space<vmem_shared>>) target(%dma_start3A_60 : memref<120x32xf32, #tpu.memory_space<vmem>>) offsets(%dma_start3A_63 : memref<120xi32, #tpu.memory_space<vmem>>) semaphore(%arg14 : memref<!tpu.dma_semaphore, #tpu.memory_space<semaphore_mem>>)
      %dma_start3A_67 = arith.constant 4 : i32
      %dma_start3A_68 = arith.constant 480 : i32
      %dma_start3A_69 = arith.constant 0 : i32
      %dma_start3A_70 = tpu.memref_slice %arg11[%dma_start3A_68, %dma_start3A_69] : memref<960x32xf32, #tpu.memory_space<vmem>> -> memref<120x32xf32, #tpu.memory_space<vmem>>
      %dma_start3A_71 = arith.constant 0 : i32
      %dma_start3A_72 = tpu.memref_slice %arg9[%dma_start3A_67, %dma_start3A_71] : memref<8x120xi32, #tpu.memory_space<vmem>> -> memref<1x120xi32, #tpu.memory_space<vmem>>
      %dma_start3A_73 = tpu.memref_squeeze %dma_start3A_72 : memref<1x120xi32, #tpu.memory_space<vmem>> -> memref<120xi32, #tpu.memory_space<vmem>>
      %dma_start3A_74 = arith.constant 0 : i32
      %dma_start3A_75 = arith.constant 0 : i32
      %dma_start3A_76 = tpu.memref_slice %arg13[%dma_start3A_74, %dma_start3A_75] : memref<30720x32xf32, #tpu.memory_space<vmem_shared>> -> memref<30720x32xf32, #tpu.memory_space<vmem_shared>>
      tpu.enqueue_indirect_dma source(%dma_start3A_76 : memref<30720x32xf32, #tpu.memory_space<vmem_shared>>) target(%dma_start3A_70 : memref<120x32xf32, #tpu.memory_space<vmem>>) offsets(%dma_start3A_73 : memref<120xi32, #tpu.memory_space<vmem>>) semaphore(%arg14 : memref<!tpu.dma_semaphore, #tpu.memory_space<semaphore_mem>>)
      %dma_start3A_77 = arith.constant 5 : i32
      %dma_start3A_78 = arith.constant 600 : i32
      %dma_start3A_79 = arith.constant 0 : i32
      %dma_start3A_80 = tpu.memref_slice %arg11[%dma_start3A_78, %dma_start3A_79] : memref<960x32xf32, #tpu.memory_space<vmem>> -> memref<120x32xf32, #tpu.memory_space<vmem>>
      %dma_start3A_81 = arith.constant 0 : i32
      %dma_start3A_82 = tpu.memref_slice %arg9[%dma_start3A_77, %dma_start3A_81] : memref<8x120xi32, #tpu.memory_space<vmem>> -> memref<1x120xi32, #tpu.memory_space<vmem>>
      %dma_start3A_83 = tpu.memref_squeeze %dma_start3A_82 : memref<1x120xi32, #tpu.memory_space<vmem>> -> memref<120xi32, #tpu.memory_space<vmem>>
      %dma_start3A_84 = arith.constant 0 : i32
      %dma_start3A_85 = arith.constant 0 : i32
      %dma_start3A_86 = tpu.memref_slice %arg13[%dma_start3A_84, %dma_start3A_85] : memref<30720x32xf32, #tpu.memory_space<vmem_shared>> -> memref<30720x32xf32, #tpu.memory_space<vmem_shared>>
      tpu.enqueue_indirect_dma source(%dma_start3A_86 : memref<30720x32xf32, #tpu.memory_space<vmem_shared>>) target(%dma_start3A_80 : memref<120x32xf32, #tpu.memory_space<vmem>>) offsets(%dma_start3A_83 : memref<120xi32, #tpu.memory_space<vmem>>) semaphore(%arg14 : memref<!tpu.dma_semaphore, #tpu.memory_space<semaphore_mem>>)
      %dma_start3A_87 = arith.constant 6 : i32
      %dma_start3A_88 = arith.constant 720 : i32
      %dma_start3A_89 = arith.constant 0 : i32
      %dma_start3A_90 = tpu.memref_slice %arg11[%dma_start3A_88, %dma_start3A_89] : memref<960x32xf32, #tpu.memory_space<vmem>> -> memref<120x32xf32, #tpu.memory_space<vmem>>
      %dma_start3A_91 = arith.constant 0 : i32
      %dma_start3A_92 = tpu.memref_slice %arg9[%dma_start3A_87, %dma_start3A_91] : memref<8x120xi32, #tpu.memory_space<vmem>> -> memref<1x120xi32, #tpu.memory_space<vmem>>
      %dma_start3A_93 = tpu.memref_squeeze %dma_start3A_92 : memref<1x120xi32, #tpu.memory_space<vmem>> -> memref<120xi32, #tpu.memory_space<vmem>>
      %dma_start3A_94 = arith.constant 0 : i32
      %dma_start3A_95 = arith.constant 0 : i32
      %dma_start3A_96 = tpu.memref_slice %arg13[%dma_start3A_94, %dma_start3A_95] : memref<30720x32xf32, #tpu.memory_space<vmem_shared>> -> memref<30720x32xf32, #tpu.memory_space<vmem_shared>>
      tpu.enqueue_indirect_dma source(%dma_start3A_96 : memref<30720x32xf32, #tpu.memory_space<vmem_shared>>) target(%dma_start3A_90 : memref<120x32xf32, #tpu.memory_space<vmem>>) offsets(%dma_start3A_93 : memref<120xi32, #tpu.memory_space<vmem>>) semaphore(%arg14 : memref<!tpu.dma_semaphore, #tpu.memory_space<semaphore_mem>>)
      %dma_start3A_97 = arith.constant 7 : i32
      %dma_start3A_98 = arith.constant 840 : i32
      %dma_start3A_99 = arith.constant 0 : i32
      %dma_start3A_100 = tpu.memref_slice %arg11[%dma_start3A_98, %dma_start3A_99] : memref<960x32xf32, #tpu.memory_space<vmem>> -> memref<120x32xf32, #tpu.memory_space<vmem>>
      %dma_start3A_101 = arith.constant 0 : i32
      %dma_start3A_102 = tpu.memref_slice %arg9[%dma_start3A_97, %dma_start3A_101] : memref<8x120xi32, #tpu.memory_space<vmem>> -> memref<1x120xi32, #tpu.memory_space<vmem>>
      %dma_start3A_103 = tpu.memref_squeeze %dma_start3A_102 : memref<1x120xi32, #tpu.memory_space<vmem>> -> memref<120xi32, #tpu.memory_space<vmem>>
      %dma_start3A_104 = arith.constant 0 : i32
      %dma_start3A_105 = arith.constant 0 : i32
      %dma_start3A_106 = tpu.memref_slice %arg13[%dma_start3A_104, %dma_start3A_105] : memref<30720x32xf32, #tpu.memory_space<vmem_shared>> -> memref<30720x32xf32, #tpu.memory_space<vmem_shared>>
      tpu.enqueue_indirect_dma source(%dma_start3A_106 : memref<30720x32xf32, #tpu.memory_space<vmem_shared>>) target(%dma_start3A_100 : memref<120x32xf32, #tpu.memory_space<vmem>>) offsets(%dma_start3A_103 : memref<120xi32, #tpu.memory_space<vmem>>) semaphore(%arg14 : memref<!tpu.dma_semaphore, #tpu.memory_space<semaphore_mem>>)
      %dma_wait3A = arith.constant 0 : i32
      %dma_wait3A_107 = arith.constant 0 : i32
      %dma_wait3A_108 = arith.constant 0 : i32
      %dma_wait3A_109 = tpu.memref_slice %arg11[%dma_wait3A_107, %dma_wait3A_108] : memref<960x32xf32, #tpu.memory_space<vmem>> -> memref<120x32xf32, #tpu.memory_space<vmem>>
      %dma_wait3A_110 = arith.constant 0 : i32
      %dma_wait3A_111 = tpu.memref_slice %arg9[%dma_wait3A, %dma_wait3A_110] : memref<8x120xi32, #tpu.memory_space<vmem>> -> memref<1x120xi32, #tpu.memory_space<vmem>>
      %dma_wait3A_112 = tpu.memref_squeeze %dma_wait3A_111 : memref<1x120xi32, #tpu.memory_space<vmem>> -> memref<120xi32, #tpu.memory_space<vmem>>
      %dma_wait3A_113 = arith.constant 0 : i32
      %dma_wait3A_114 = arith.constant 0 : i32
      %dma_wait3A_115 = tpu.memref_slice %arg13[%dma_wait3A_113, %dma_wait3A_114] : memref<30720x32xf32, #tpu.memory_space<vmem_shared>> -> memref<30720x32xf32, #tpu.memory_space<vmem_shared>>
      tpu.wait_indirect_dma semaphore(%arg14 : memref<!tpu.dma_semaphore, #tpu.memory_space<semaphore_mem>>) src(%dma_wait3A_115 : memref<30720x32xf32, #tpu.memory_space<vmem_shared>>) dst(%dma_wait3A_109 : memref<120x32xf32, #tpu.memory_space<vmem>>)
      %dma_wait3A_116 = arith.constant 1 : i32
      %dma_wait3A_117 = arith.constant 120 : i32
      %dma_wait3A_118 = arith.constant 0 : i32
      %dma_wait3A_119 = tpu.memref_slice %arg11[%dma_wait3A_117, %dma_wait3A_118] : memref<960x32xf32, #tpu.memory_space<vmem>> -> memref<120x32xf32, #tpu.memory_space<vmem>>
      %dma_wait3A_120 = arith.constant 0 : i32
      %dma_wait3A_121 = tpu.memref_slice %arg9[%dma_wait3A_116, %dma_wait3A_120] : memref<8x120xi32, #tpu.memory_space<vmem>> -> memref<1x120xi32, #tpu.memory_space<vmem>>
      %dma_wait3A_122 = tpu.memref_squeeze %dma_wait3A_121 : memref<1x120xi32, #tpu.memory_space<vmem>> -> memref<120xi32, #tpu.memory_space<vmem>>
      %dma_wait3A_123 = arith.constant 0 : i32
      %dma_wait3A_124 = arith.constant 0 : i32
      %dma_wait3A_125 = tpu.memref_slice %arg13[%dma_wait3A_123, %dma_wait3A_124] : memref<30720x32xf32, #tpu.memory_space<vmem_shared>> -> memref<30720x32xf32, #tpu.memory_space<vmem_shared>>
      tpu.wait_indirect_dma semaphore(%arg14 : memref<!tpu.dma_semaphore, #tpu.memory_space<semaphore_mem>>) src(%dma_wait3A_125 : memref<30720x32xf32, #tpu.memory_space<vmem_shared>>) dst(%dma_wait3A_119 : memref<120x32xf32, #tpu.memory_space<vmem>>)
      %dma_wait3A_126 = arith.constant 2 : i32
      %dma_wait3A_127 = arith.constant 240 : i32
      %dma_wait3A_128 = arith.constant 0 : i32
      %dma_wait3A_129 = tpu.memref_slice %arg11[%dma_wait3A_127, %dma_wait3A_128] : memref<960x32xf32, #tpu.memory_space<vmem>> -> memref<120x32xf32, #tpu.memory_space<vmem>>
      %dma_wait3A_130 = arith.constant 0 : i32
      %dma_wait3A_131 = tpu.memref_slice %arg9[%dma_wait3A_126, %dma_wait3A_130] : memref<8x120xi32, #tpu.memory_space<vmem>> -> memref<1x120xi32, #tpu.memory_space<vmem>>
      %dma_wait3A_132 = tpu.memref_squeeze %dma_wait3A_131 : memref<1x120xi32, #tpu.memory_space<vmem>> -> memref<120xi32, #tpu.memory_space<vmem>>
      %dma_wait3A_133 = arith.constant 0 : i32
      %dma_wait3A_134 = arith.constant 0 : i32
      %dma_wait3A_135 = tpu.memref_slice %arg13[%dma_wait3A_133, %dma_wait3A_134] : memref<30720x32xf32, #tpu.memory_space<vmem_shared>> -> memref<30720x32xf32, #tpu.memory_space<vmem_shared>>
      tpu.wait_indirect_dma semaphore(%arg14 : memref<!tpu.dma_semaphore, #tpu.memory_space<semaphore_mem>>) src(%dma_wait3A_135 : memref<30720x32xf32, #tpu.memory_space<vmem_shared>>) dst(%dma_wait3A_129 : memref<120x32xf32, #tpu.memory_space<vmem>>)
      %dma_wait3A_136 = arith.constant 3 : i32
      %dma_wait3A_137 = arith.constant 360 : i32
      %dma_wait3A_138 = arith.constant 0 : i32
      %dma_wait3A_139 = tpu.memref_slice %arg11[%dma_wait3A_137, %dma_wait3A_138] : memref<960x32xf32, #tpu.memory_space<vmem>> -> memref<120x32xf32, #tpu.memory_space<vmem>>
      %dma_wait3A_140 = arith.constant 0 : i32
      %dma_wait3A_141 = tpu.memref_slice %arg9[%dma_wait3A_136, %dma_wait3A_140] : memref<8x120xi32, #tpu.memory_space<vmem>> -> memref<1x120xi32, #tpu.memory_space<vmem>>
      %dma_wait3A_142 = tpu.memref_squeeze %dma_wait3A_141 : memref<1x120xi32, #tpu.memory_space<vmem>> -> memref<120xi32, #tpu.memory_space<vmem>>
      %dma_wait3A_143 = arith.constant 0 : i32
      %dma_wait3A_144 = arith.constant 0 : i32
      %dma_wait3A_145 = tpu.memref_slice %arg13[%dma_wait3A_143, %dma_wait3A_144] : memref<30720x32xf32, #tpu.memory_space<vmem_shared>> -> memref<30720x32xf32, #tpu.memory_space<vmem_shared>>
      tpu.wait_indirect_dma semaphore(%arg14 : memref<!tpu.dma_semaphore, #tpu.memory_space<semaphore_mem>>) src(%dma_wait3A_145 : memref<30720x32xf32, #tpu.memory_space<vmem_shared>>) dst(%dma_wait3A_139 : memref<120x32xf32, #tpu.memory_space<vmem>>)
      %dma_wait3A_146 = arith.constant 4 : i32
      %dma_wait3A_147 = arith.constant 480 : i32
      %dma_wait3A_148 = arith.constant 0 : i32
      %dma_wait3A_149 = tpu.memref_slice %arg11[%dma_wait3A_147, %dma_wait3A_148] : memref<960x32xf32, #tpu.memory_space<vmem>> -> memref<120x32xf32, #tpu.memory_space<vmem>>
      %dma_wait3A_150 = arith.constant 0 : i32
      %dma_wait3A_151 = tpu.memref_slice %arg9[%dma_wait3A_146, %dma_wait3A_150] : memref<8x120xi32, #tpu.memory_space<vmem>> -> memref<1x120xi32, #tpu.memory_space<vmem>>
      %dma_wait3A_152 = tpu.memref_squeeze %dma_wait3A_151 : memref<1x120xi32, #tpu.memory_space<vmem>> -> memref<120xi32, #tpu.memory_space<vmem>>
      %dma_wait3A_153 = arith.constant 0 : i32
      %dma_wait3A_154 = arith.constant 0 : i32
      %dma_wait3A_155 = tpu.memref_slice %arg13[%dma_wait3A_153, %dma_wait3A_154] : memref<30720x32xf32, #tpu.memory_space<vmem_shared>> -> memref<30720x32xf32, #tpu.memory_space<vmem_shared>>
      tpu.wait_indirect_dma semaphore(%arg14 : memref<!tpu.dma_semaphore, #tpu.memory_space<semaphore_mem>>) src(%dma_wait3A_155 : memref<30720x32xf32, #tpu.memory_space<vmem_shared>>) dst(%dma_wait3A_149 : memref<120x32xf32, #tpu.memory_space<vmem>>)
      %dma_wait3A_156 = arith.constant 5 : i32
      %dma_wait3A_157 = arith.constant 600 : i32
      %dma_wait3A_158 = arith.constant 0 : i32
      %dma_wait3A_159 = tpu.memref_slice %arg11[%dma_wait3A_157, %dma_wait3A_158] : memref<960x32xf32, #tpu.memory_space<vmem>> -> memref<120x32xf32, #tpu.memory_space<vmem>>
      %dma_wait3A_160 = arith.constant 0 : i32
      %dma_wait3A_161 = tpu.memref_slice %arg9[%dma_wait3A_156, %dma_wait3A_160] : memref<8x120xi32, #tpu.memory_space<vmem>> -> memref<1x120xi32, #tpu.memory_space<vmem>>
      %dma_wait3A_162 = tpu.memref_squeeze %dma_wait3A_161 : memref<1x120xi32, #tpu.memory_space<vmem>> -> memref<120xi32, #tpu.memory_space<vmem>>
      %dma_wait3A_163 = arith.constant 0 : i32
      %dma_wait3A_164 = arith.constant 0 : i32
      %dma_wait3A_165 = tpu.memref_slice %arg13[%dma_wait3A_163, %dma_wait3A_164] : memref<30720x32xf32, #tpu.memory_space<vmem_shared>> -> memref<30720x32xf32, #tpu.memory_space<vmem_shared>>
      tpu.wait_indirect_dma semaphore(%arg14 : memref<!tpu.dma_semaphore, #tpu.memory_space<semaphore_mem>>) src(%dma_wait3A_165 : memref<30720x32xf32, #tpu.memory_space<vmem_shared>>) dst(%dma_wait3A_159 : memref<120x32xf32, #tpu.memory_space<vmem>>)
      %dma_wait3A_166 = arith.constant 6 : i32
      %dma_wait3A_167 = arith.constant 720 : i32
      %dma_wait3A_168 = arith.constant 0 : i32
      %dma_wait3A_169 = tpu.memref_slice %arg11[%dma_wait3A_167, %dma_wait3A_168] : memref<960x32xf32, #tpu.memory_space<vmem>> -> memref<120x32xf32, #tpu.memory_space<vmem>>
      %dma_wait3A_170 = arith.constant 0 : i32
      %dma_wait3A_171 = tpu.memref_slice %arg9[%dma_wait3A_166, %dma_wait3A_170] : memref<8x120xi32, #tpu.memory_space<vmem>> -> memref<1x120xi32, #tpu.memory_space<vmem>>
      %dma_wait3A_172 = tpu.memref_squeeze %dma_wait3A_171 : memref<1x120xi32, #tpu.memory_space<vmem>> -> memref<120xi32, #tpu.memory_space<vmem>>
      %dma_wait3A_173 = arith.constant 0 : i32
      %dma_wait3A_174 = arith.constant 0 : i32
      %dma_wait3A_175 = tpu.memref_slice %arg13[%dma_wait3A_173, %dma_wait3A_174] : memref<30720x32xf32, #tpu.memory_space<vmem_shared>> -> memref<30720x32xf32, #tpu.memory_space<vmem_shared>>
      tpu.wait_indirect_dma semaphore(%arg14 : memref<!tpu.dma_semaphore, #tpu.memory_space<semaphore_mem>>) src(%dma_wait3A_175 : memref<30720x32xf32, #tpu.memory_space<vmem_shared>>) dst(%dma_wait3A_169 : memref<120x32xf32, #tpu.memory_space<vmem>>)
      %dma_wait3A_176 = arith.constant 7 : i32
      %dma_wait3A_177 = arith.constant 840 : i32
      %dma_wait3A_178 = arith.constant 0 : i32
      %dma_wait3A_179 = tpu.memref_slice %arg11[%dma_wait3A_177, %dma_wait3A_178] : memref<960x32xf32, #tpu.memory_space<vmem>> -> memref<120x32xf32, #tpu.memory_space<vmem>>
      %dma_wait3A_180 = arith.constant 0 : i32
      %dma_wait3A_181 = tpu.memref_slice %arg9[%dma_wait3A_176, %dma_wait3A_180] : memref<8x120xi32, #tpu.memory_space<vmem>> -> memref<1x120xi32, #tpu.memory_space<vmem>>
      %dma_wait3A_182 = tpu.memref_squeeze %dma_wait3A_181 : memref<1x120xi32, #tpu.memory_space<vmem>> -> memref<120xi32, #tpu.memory_space<vmem>>
      %dma_wait3A_183 = arith.constant 0 : i32
      %dma_wait3A_184 = arith.constant 0 : i32
      %dma_wait3A_185 = tpu.memref_slice %arg13[%dma_wait3A_183, %dma_wait3A_184] : memref<30720x32xf32, #tpu.memory_space<vmem_shared>> -> memref<30720x32xf32, #tpu.memory_space<vmem_shared>>
      tpu.wait_indirect_dma semaphore(%arg14 : memref<!tpu.dma_semaphore, #tpu.memory_space<semaphore_mem>>) src(%dma_wait3A_185 : memref<30720x32xf32, #tpu.memory_space<vmem_shared>>) dst(%dma_wait3A_179 : memref<120x32xf32, #tpu.memory_space<vmem>>)
      %mul3A_186 = arith.constant 15360 : i32
      %mul3A_187 = arith.muli %add3A, %mul3A_186 : i32
      %mul3A_188 = arith.constant 960 : i32
      %mul3A_189 = arith.muli %scan3A_22, %mul3A_188 : i32
      %add3A_190 = arith.addi %mul3A_187, %mul3A_189 : i32
      "tpu.region"() ({
        %run_scoped3A = tpu.sem_alloc : memref<!tpu.dma_semaphore, #tpu.memory_space<semaphore_mem>>
        %dma_start3A_191 = arith.constant 0 : i32
        %dma_start3A_192 = tpu.memref_slice %arg8[%add3A_190, %dma_start3A_191] : memref<491520x32xf32, #tpu.memory_space<hbm>> -> memref<960x32xf32, #tpu.memory_space<hbm>>
        %dma_start3A_193 = arith.constant 0 : i32
        %dma_start3A_194 = tpu.memref_slice %arg8[%add3A_190, %dma_start3A_193] : memref<491520x32xf32, #tpu.memory_space<hbm>> -> memref<960x32xf32, #tpu.memory_space<hbm>>
        tpu.enqueue_dma source(%arg11 : memref<960x32xf32, #tpu.memory_space<vmem>>) target(%dma_start3A_194 : memref<960x32xf32, #tpu.memory_space<hbm>>) target_semaphore(%run_scoped3A : memref<!tpu.dma_semaphore, #tpu.memory_space<semaphore_mem>>)
        %dma_wait3A_195 = arith.constant 0 : i32
        %dma_wait3A_196 = tpu.memref_slice %arg8[%add3A_190, %dma_wait3A_195] : memref<491520x32xf32, #tpu.memory_space<hbm>> -> memref<960x32xf32, #tpu.memory_space<hbm>>
        %dma_wait3A_197 = arith.constant 0 : i32
        %dma_wait3A_198 = tpu.memref_slice %arg8[%add3A_190, %dma_wait3A_197] : memref<491520x32xf32, #tpu.memory_space<hbm>> -> memref<960x32xf32, #tpu.memory_space<hbm>>
        tpu.wait_dma2 semaphore(%run_scoped3A : memref<!tpu.dma_semaphore, #tpu.memory_space<semaphore_mem>>) src(%arg11 : memref<960x32xf32, #tpu.memory_space<vmem>>) dst(%dma_wait3A_198 : memref<960x32xf32, #tpu.memory_space<hbm>>)
        tpu.yield
      }) : () -> ()
    }
    %scan3A_21 = arith.constant 16 : i32
    return
  }
}

#map = affine_map<(d0, d1) -> (0, 0)>
module attributes {stable_mosaic.version = 14 : i64} {
  func.func @k(%arg0: i32, %arg1: i32, %arg2: memref<30720x32xf32, #tpu.memory_space<hbm>>, %arg3: memref<4096x120xi32, #tpu.memory_space<hbm>>, %arg4: memref<4096x120xi32, #tpu.memory_space<hbm>>, %arg5: memref<491520x32xf32, #tpu.memory_space<hbm>>, %arg6: memref<491520x32xf32, #tpu.memory_space<hbm>>, %arg7: memref<8x120xi32, #tpu.memory_space<vmem>>, %arg8: memref<8x120xi32, #tpu.memory_space<vmem>>, %arg9: memref<960x32xf32, #tpu.memory_space<vmem>>, %arg10: memref<960x32xf32, #tpu.memory_space<vmem>>, %arg11: memref<30720x32xf32, #tpu.memory_space<vmem_shared>>, %arg12: memref<!tpu.dma_semaphore, #tpu.memory_space<semaphore_mem>>) attributes {dimension_semantics = [#tpu.dimension_semantics<core_parallel>, #tpu.dimension_semantics<subcore_parallel>], iteration_bounds = array<i64: 2, 16>, scalar_prefetch = 0 : i64, scratch_operands = 6 : i64, tpu.core_type = #tpu.core_type<sc_vector_subcore>, window_params = [{transform_indices = #map}, {transform_indices = #map}, {transform_indices = #map}, {transform_indices = #map}, {transform_indices = #map}]} {
    %mul3A = arith.constant 1920 : i32
    %mul3A_0 = arith.muli %arg1, %mul3A : i32
    %mul3A_1 = arith.constant 1920 : i32
    %mul3A_2 = arith.muli %arg1, %mul3A_1 : i32
    "tpu.region"() ({
      %run_scoped3A = tpu.sem_alloc : memref<!tpu.dma_semaphore, #tpu.memory_space<semaphore_mem>>
      %dma_start3A = arith.constant 0 : i32
      %dma_start3A_10 = tpu.memref_slice %arg11[%mul3A_2, %dma_start3A] : memref<30720x32xf32, #tpu.memory_space<vmem_shared>> -> memref<1920x32xf32, #tpu.memory_space<vmem_shared>>
      %dma_start3A_11 = arith.constant 0 : i32
      %dma_start3A_12 = tpu.memref_slice %arg2[%mul3A_0, %dma_start3A_11] : memref<30720x32xf32, #tpu.memory_space<hbm>> -> memref<1920x32xf32, #tpu.memory_space<hbm>>
      tpu.enqueue_dma source(%dma_start3A_12 : memref<1920x32xf32, #tpu.memory_space<hbm>>) target(%dma_start3A_10 : memref<1920x32xf32, #tpu.memory_space<vmem_shared>>) target_semaphore(%run_scoped3A : memref<!tpu.dma_semaphore, #tpu.memory_space<semaphore_mem>>)
      %dma_wait3A = arith.constant 0 : i32
      %dma_wait3A_13 = tpu.memref_slice %arg11[%mul3A_2, %dma_wait3A] : memref<30720x32xf32, #tpu.memory_space<vmem_shared>> -> memref<1920x32xf32, #tpu.memory_space<vmem_shared>>
      %dma_wait3A_14 = arith.constant 0 : i32
      %dma_wait3A_15 = tpu.memref_slice %arg2[%mul3A_0, %dma_wait3A_14] : memref<30720x32xf32, #tpu.memory_space<hbm>> -> memref<1920x32xf32, #tpu.memory_space<hbm>>
      tpu.wait_dma2 semaphore(%run_scoped3A : memref<!tpu.dma_semaphore, #tpu.memory_space<semaphore_mem>>) src(%dma_wait3A_15 : memref<1920x32xf32, #tpu.memory_space<hbm>>) dst(%dma_wait3A_13 : memref<1920x32xf32, #tpu.memory_space<vmem_shared>>)
      tpu.yield
    }) : () -> ()
    %barrier3A = arith.constant 0 : index
    tpu.barrier barrier_id(%barrier3A)
    %mul3A_3 = arith.constant 16 : i32
    %mul3A_4 = arith.muli %arg0, %mul3A_3 : i32
    %add3A = arith.addi %mul3A_4, %arg1 : i32
    %scan3A = arith.constant 0 : i32
    %scan3A_5 = arith.constant 0 : i32
    %scan3A_6 = arith.constant 16 : i32
    %scan3A_7 = arith.addi %scan3A_5, %scan3A_6 : i32
    %scan3A_8 = arith.constant 1 : i32
    scf.for %scan3A_10 = %scan3A_5 to %scan3A_7 step %scan3A_8  : i32 {
      %mul3A_11 = arith.constant 128 : i32
      %mul3A_12 = arith.muli %add3A, %mul3A_11 : i32
      %mul3A_13 = arith.constant 8 : i32
      %mul3A_14 = arith.muli %scan3A_10, %mul3A_13 : i32
      %add3A_15 = arith.addi %mul3A_12, %mul3A_14 : i32
      "tpu.region"() ({
        %run_scoped3A = tpu.sem_alloc : memref<!tpu.dma_semaphore, #tpu.memory_space<semaphore_mem>>
        %dma_start3A_339 = arith.constant 0 : i32
        %dma_start3A_340 = tpu.memref_slice %arg3[%add3A_15, %dma_start3A_339] : memref<4096x120xi32, #tpu.memory_space<hbm>> -> memref<8x120xi32, #tpu.memory_space<hbm>>
        %dma_start3A_341 = arith.constant 0 : i32
        %dma_start3A_342 = tpu.memref_slice %arg3[%add3A_15, %dma_start3A_341] : memref<4096x120xi32, #tpu.memory_space<hbm>> -> memref<8x120xi32, #tpu.memory_space<hbm>>
        tpu.enqueue_dma source(%dma_start3A_342 : memref<8x120xi32, #tpu.memory_space<hbm>>) target(%arg7 : memref<8x120xi32, #tpu.memory_space<vmem>>) target_semaphore(%run_scoped3A : memref<!tpu.dma_semaphore, #tpu.memory_space<semaphore_mem>>)
        %dma_wait3A_343 = arith.constant 0 : i32
        %dma_wait3A_344 = tpu.memref_slice %arg3[%add3A_15, %dma_wait3A_343] : memref<4096x120xi32, #tpu.memory_space<hbm>> -> memref<8x120xi32, #tpu.memory_space<hbm>>
        %dma_wait3A_345 = arith.constant 0 : i32
        %dma_wait3A_346 = tpu.memref_slice %arg3[%add3A_15, %dma_wait3A_345] : memref<4096x120xi32, #tpu.memory_space<hbm>> -> memref<8x120xi32, #tpu.memory_space<hbm>>
        tpu.wait_dma2 semaphore(%run_scoped3A : memref<!tpu.dma_semaphore, #tpu.memory_space<semaphore_mem>>) src(%dma_wait3A_346 : memref<8x120xi32, #tpu.memory_space<hbm>>) dst(%arg7 : memref<8x120xi32, #tpu.memory_space<vmem>>)
        tpu.yield
      }) : () -> ()
      "tpu.region"() ({
        %run_scoped3A = tpu.sem_alloc : memref<!tpu.dma_semaphore, #tpu.memory_space<semaphore_mem>>
        %dma_start3A_339 = arith.constant 0 : i32
        %dma_start3A_340 = tpu.memref_slice %arg4[%add3A_15, %dma_start3A_339] : memref<4096x120xi32, #tpu.memory_space<hbm>> -> memref<8x120xi32, #tpu.memory_space<hbm>>
        %dma_start3A_341 = arith.constant 0 : i32
        %dma_start3A_342 = tpu.memref_slice %arg4[%add3A_15, %dma_start3A_341] : memref<4096x120xi32, #tpu.memory_space<hbm>> -> memref<8x120xi32, #tpu.memory_space<hbm>>
        tpu.enqueue_dma source(%dma_start3A_342 : memref<8x120xi32, #tpu.memory_space<hbm>>) target(%arg8 : memref<8x120xi32, #tpu.memory_space<vmem>>) target_semaphore(%run_scoped3A : memref<!tpu.dma_semaphore, #tpu.memory_space<semaphore_mem>>)
        %dma_wait3A_343 = arith.constant 0 : i32
        %dma_wait3A_344 = tpu.memref_slice %arg4[%add3A_15, %dma_wait3A_343] : memref<4096x120xi32, #tpu.memory_space<hbm>> -> memref<8x120xi32, #tpu.memory_space<hbm>>
        %dma_wait3A_345 = arith.constant 0 : i32
        %dma_wait3A_346 = tpu.memref_slice %arg4[%add3A_15, %dma_wait3A_345] : memref<4096x120xi32, #tpu.memory_space<hbm>> -> memref<8x120xi32, #tpu.memory_space<hbm>>
        tpu.wait_dma2 semaphore(%run_scoped3A : memref<!tpu.dma_semaphore, #tpu.memory_space<semaphore_mem>>) src(%dma_wait3A_346 : memref<8x120xi32, #tpu.memory_space<hbm>>) dst(%arg8 : memref<8x120xi32, #tpu.memory_space<vmem>>)
        tpu.yield
      }) : () -> ()
      %dma_start3A = arith.constant 0 : i32
      %dma_start3A_16 = arith.constant 0 : i32
      %dma_start3A_17 = arith.constant 0 : i32
      %dma_start3A_18 = tpu.memref_slice %arg9[%dma_start3A_16, %dma_start3A_17] : memref<960x32xf32, #tpu.memory_space<vmem>> -> memref<120x32xf32, #tpu.memory_space<vmem>>
      %dma_start3A_19 = arith.constant 0 : i32
      %dma_start3A_20 = tpu.memref_slice %arg7[%dma_start3A, %dma_start3A_19] : memref<8x120xi32, #tpu.memory_space<vmem>> -> memref<1x120xi32, #tpu.memory_space<vmem>>
      %dma_start3A_21 = tpu.memref_squeeze %dma_start3A_20 : memref<1x120xi32, #tpu.memory_space<vmem>> -> memref<120xi32, #tpu.memory_space<vmem>>
      %dma_start3A_22 = arith.constant 0 : i32
      %dma_start3A_23 = arith.constant 0 : i32
      %dma_start3A_24 = tpu.memref_slice %arg11[%dma_start3A_22, %dma_start3A_23] : memref<30720x32xf32, #tpu.memory_space<vmem_shared>> -> memref<30720x32xf32, #tpu.memory_space<vmem_shared>>
      tpu.enqueue_indirect_dma source(%dma_start3A_24 : memref<30720x32xf32, #tpu.memory_space<vmem_shared>>) target(%dma_start3A_18 : memref<120x32xf32, #tpu.memory_space<vmem>>) offsets(%dma_start3A_21 : memref<120xi32, #tpu.memory_space<vmem>>) semaphore(%arg12 : memref<!tpu.dma_semaphore, #tpu.memory_space<semaphore_mem>>)
      %dma_start3A_25 = arith.constant 0 : i32
      %dma_start3A_26 = arith.constant 0 : i32
      %dma_start3A_27 = arith.constant 0 : i32
      %dma_start3A_28 = tpu.memref_slice %arg10[%dma_start3A_26, %dma_start3A_27] : memref<960x32xf32, #tpu.memory_space<vmem>> -> memref<120x32xf32, #tpu.memory_space<vmem>>
      %dma_start3A_29 = arith.constant 0 : i32
      %dma_start3A_30 = tpu.memref_slice %arg8[%dma_start3A_25, %dma_start3A_29] : memref<8x120xi32, #tpu.memory_space<vmem>> -> memref<1x120xi32, #tpu.memory_space<vmem>>
      %dma_start3A_31 = tpu.memref_squeeze %dma_start3A_30 : memref<1x120xi32, #tpu.memory_space<vmem>> -> memref<120xi32, #tpu.memory_space<vmem>>
      %dma_start3A_32 = arith.constant 0 : i32
      %dma_start3A_33 = arith.constant 0 : i32
      %dma_start3A_34 = tpu.memref_slice %arg11[%dma_start3A_32, %dma_start3A_33] : memref<30720x32xf32, #tpu.memory_space<vmem_shared>> -> memref<30720x32xf32, #tpu.memory_space<vmem_shared>>
      tpu.enqueue_indirect_dma source(%dma_start3A_34 : memref<30720x32xf32, #tpu.memory_space<vmem_shared>>) target(%dma_start3A_28 : memref<120x32xf32, #tpu.memory_space<vmem>>) offsets(%dma_start3A_31 : memref<120xi32, #tpu.memory_space<vmem>>) semaphore(%arg12 : memref<!tpu.dma_semaphore, #tpu.memory_space<semaphore_mem>>)
      %dma_start3A_35 = arith.constant 1 : i32
      %dma_start3A_36 = arith.constant 120 : i32
      %dma_start3A_37 = arith.constant 0 : i32
      %dma_start3A_38 = tpu.memref_slice %arg9[%dma_start3A_36, %dma_start3A_37] : memref<960x32xf32, #tpu.memory_space<vmem>> -> memref<120x32xf32, #tpu.memory_space<vmem>>
      %dma_start3A_39 = arith.constant 0 : i32
      %dma_start3A_40 = tpu.memref_slice %arg7[%dma_start3A_35, %dma_start3A_39] : memref<8x120xi32, #tpu.memory_space<vmem>> -> memref<1x120xi32, #tpu.memory_space<vmem>>
      %dma_start3A_41 = tpu.memref_squeeze %dma_start3A_40 : memref<1x120xi32, #tpu.memory_space<vmem>> -> memref<120xi32, #tpu.memory_space<vmem>>
      %dma_start3A_42 = arith.constant 0 : i32
      %dma_start3A_43 = arith.constant 0 : i32
      %dma_start3A_44 = tpu.memref_slice %arg11[%dma_start3A_42, %dma_start3A_43] : memref<30720x32xf32, #tpu.memory_space<vmem_shared>> -> memref<30720x32xf32, #tpu.memory_space<vmem_shared>>
      tpu.enqueue_indirect_dma source(%dma_start3A_44 : memref<30720x32xf32, #tpu.memory_space<vmem_shared>>) target(%dma_start3A_38 : memref<120x32xf32, #tpu.memory_space<vmem>>) offsets(%dma_start3A_41 : memref<120xi32, #tpu.memory_space<vmem>>) semaphore(%arg12 : memref<!tpu.dma_semaphore, #tpu.memory_space<semaphore_mem>>)
      %dma_start3A_45 = arith.constant 1 : i32
      %dma_start3A_46 = arith.constant 120 : i32
      %dma_start3A_47 = arith.constant 0 : i32
      %dma_start3A_48 = tpu.memref_slice %arg10[%dma_start3A_46, %dma_start3A_47] : memref<960x32xf32, #tpu.memory_space<vmem>> -> memref<120x32xf32, #tpu.memory_space<vmem>>
      %dma_start3A_49 = arith.constant 0 : i32
      %dma_start3A_50 = tpu.memref_slice %arg8[%dma_start3A_45, %dma_start3A_49] : memref<8x120xi32, #tpu.memory_space<vmem>> -> memref<1x120xi32, #tpu.memory_space<vmem>>
      %dma_start3A_51 = tpu.memref_squeeze %dma_start3A_50 : memref<1x120xi32, #tpu.memory_space<vmem>> -> memref<120xi32, #tpu.memory_space<vmem>>
      %dma_start3A_52 = arith.constant 0 : i32
      %dma_start3A_53 = arith.constant 0 : i32
      %dma_start3A_54 = tpu.memref_slice %arg11[%dma_start3A_52, %dma_start3A_53] : memref<30720x32xf32, #tpu.memory_space<vmem_shared>> -> memref<30720x32xf32, #tpu.memory_space<vmem_shared>>
      tpu.enqueue_indirect_dma source(%dma_start3A_54 : memref<30720x32xf32, #tpu.memory_space<vmem_shared>>) target(%dma_start3A_48 : memref<120x32xf32, #tpu.memory_space<vmem>>) offsets(%dma_start3A_51 : memref<120xi32, #tpu.memory_space<vmem>>) semaphore(%arg12 : memref<!tpu.dma_semaphore, #tpu.memory_space<semaphore_mem>>)
      %dma_start3A_55 = arith.constant 2 : i32
      %dma_start3A_56 = arith.constant 240 : i32
      %dma_start3A_57 = arith.constant 0 : i32
      %dma_start3A_58 = tpu.memref_slice %arg9[%dma_start3A_56, %dma_start3A_57] : memref<960x32xf32, #tpu.memory_space<vmem>> -> memref<120x32xf32, #tpu.memory_space<vmem>>
      %dma_start3A_59 = arith.constant 0 : i32
      %dma_start3A_60 = tpu.memref_slice %arg7[%dma_start3A_55, %dma_start3A_59] : memref<8x120xi32, #tpu.memory_space<vmem>> -> memref<1x120xi32, #tpu.memory_space<vmem>>
      %dma_start3A_61 = tpu.memref_squeeze %dma_start3A_60 : memref<1x120xi32, #tpu.memory_space<vmem>> -> memref<120xi32, #tpu.memory_space<vmem>>
      %dma_start3A_62 = arith.constant 0 : i32
      %dma_start3A_63 = arith.constant 0 : i32
      %dma_start3A_64 = tpu.memref_slice %arg11[%dma_start3A_62, %dma_start3A_63] : memref<30720x32xf32, #tpu.memory_space<vmem_shared>> -> memref<30720x32xf32, #tpu.memory_space<vmem_shared>>
      tpu.enqueue_indirect_dma source(%dma_start3A_64 : memref<30720x32xf32, #tpu.memory_space<vmem_shared>>) target(%dma_start3A_58 : memref<120x32xf32, #tpu.memory_space<vmem>>) offsets(%dma_start3A_61 : memref<120xi32, #tpu.memory_space<vmem>>) semaphore(%arg12 : memref<!tpu.dma_semaphore, #tpu.memory_space<semaphore_mem>>)
      %dma_start3A_65 = arith.constant 2 : i32
      %dma_start3A_66 = arith.constant 240 : i32
      %dma_start3A_67 = arith.constant 0 : i32
      %dma_start3A_68 = tpu.memref_slice %arg10[%dma_start3A_66, %dma_start3A_67] : memref<960x32xf32, #tpu.memory_space<vmem>> -> memref<120x32xf32, #tpu.memory_space<vmem>>
      %dma_start3A_69 = arith.constant 0 : i32
      %dma_start3A_70 = tpu.memref_slice %arg8[%dma_start3A_65, %dma_start3A_69] : memref<8x120xi32, #tpu.memory_space<vmem>> -> memref<1x120xi32, #tpu.memory_space<vmem>>
      %dma_start3A_71 = tpu.memref_squeeze %dma_start3A_70 : memref<1x120xi32, #tpu.memory_space<vmem>> -> memref<120xi32, #tpu.memory_space<vmem>>
      %dma_start3A_72 = arith.constant 0 : i32
      %dma_start3A_73 = arith.constant 0 : i32
      %dma_start3A_74 = tpu.memref_slice %arg11[%dma_start3A_72, %dma_start3A_73] : memref<30720x32xf32, #tpu.memory_space<vmem_shared>> -> memref<30720x32xf32, #tpu.memory_space<vmem_shared>>
      tpu.enqueue_indirect_dma source(%dma_start3A_74 : memref<30720x32xf32, #tpu.memory_space<vmem_shared>>) target(%dma_start3A_68 : memref<120x32xf32, #tpu.memory_space<vmem>>) offsets(%dma_start3A_71 : memref<120xi32, #tpu.memory_space<vmem>>) semaphore(%arg12 : memref<!tpu.dma_semaphore, #tpu.memory_space<semaphore_mem>>)
      %dma_start3A_75 = arith.constant 3 : i32
      %dma_start3A_76 = arith.constant 360 : i32
      %dma_start3A_77 = arith.constant 0 : i32
      %dma_start3A_78 = tpu.memref_slice %arg9[%dma_start3A_76, %dma_start3A_77] : memref<960x32xf32, #tpu.memory_space<vmem>> -> memref<120x32xf32, #tpu.memory_space<vmem>>
      %dma_start3A_79 = arith.constant 0 : i32
      %dma_start3A_80 = tpu.memref_slice %arg7[%dma_start3A_75, %dma_start3A_79] : memref<8x120xi32, #tpu.memory_space<vmem>> -> memref<1x120xi32, #tpu.memory_space<vmem>>
      %dma_start3A_81 = tpu.memref_squeeze %dma_start3A_80 : memref<1x120xi32, #tpu.memory_space<vmem>> -> memref<120xi32, #tpu.memory_space<vmem>>
      %dma_start3A_82 = arith.constant 0 : i32
      %dma_start3A_83 = arith.constant 0 : i32
      %dma_start3A_84 = tpu.memref_slice %arg11[%dma_start3A_82, %dma_start3A_83] : memref<30720x32xf32, #tpu.memory_space<vmem_shared>> -> memref<30720x32xf32, #tpu.memory_space<vmem_shared>>
      tpu.enqueue_indirect_dma source(%dma_start3A_84 : memref<30720x32xf32, #tpu.memory_space<vmem_shared>>) target(%dma_start3A_78 : memref<120x32xf32, #tpu.memory_space<vmem>>) offsets(%dma_start3A_81 : memref<120xi32, #tpu.memory_space<vmem>>) semaphore(%arg12 : memref<!tpu.dma_semaphore, #tpu.memory_space<semaphore_mem>>)
      %dma_start3A_85 = arith.constant 3 : i32
      %dma_start3A_86 = arith.constant 360 : i32
      %dma_start3A_87 = arith.constant 0 : i32
      %dma_start3A_88 = tpu.memref_slice %arg10[%dma_start3A_86, %dma_start3A_87] : memref<960x32xf32, #tpu.memory_space<vmem>> -> memref<120x32xf32, #tpu.memory_space<vmem>>
      %dma_start3A_89 = arith.constant 0 : i32
      %dma_start3A_90 = tpu.memref_slice %arg8[%dma_start3A_85, %dma_start3A_89] : memref<8x120xi32, #tpu.memory_space<vmem>> -> memref<1x120xi32, #tpu.memory_space<vmem>>
      %dma_start3A_91 = tpu.memref_squeeze %dma_start3A_90 : memref<1x120xi32, #tpu.memory_space<vmem>> -> memref<120xi32, #tpu.memory_space<vmem>>
      %dma_start3A_92 = arith.constant 0 : i32
      %dma_start3A_93 = arith.constant 0 : i32
      %dma_start3A_94 = tpu.memref_slice %arg11[%dma_start3A_92, %dma_start3A_93] : memref<30720x32xf32, #tpu.memory_space<vmem_shared>> -> memref<30720x32xf32, #tpu.memory_space<vmem_shared>>
      tpu.enqueue_indirect_dma source(%dma_start3A_94 : memref<30720x32xf32, #tpu.memory_space<vmem_shared>>) target(%dma_start3A_88 : memref<120x32xf32, #tpu.memory_space<vmem>>) offsets(%dma_start3A_91 : memref<120xi32, #tpu.memory_space<vmem>>) semaphore(%arg12 : memref<!tpu.dma_semaphore, #tpu.memory_space<semaphore_mem>>)
      %dma_start3A_95 = arith.constant 4 : i32
      %dma_start3A_96 = arith.constant 480 : i32
      %dma_start3A_97 = arith.constant 0 : i32
      %dma_start3A_98 = tpu.memref_slice %arg9[%dma_start3A_96, %dma_start3A_97] : memref<960x32xf32, #tpu.memory_space<vmem>> -> memref<120x32xf32, #tpu.memory_space<vmem>>
      %dma_start3A_99 = arith.constant 0 : i32
      %dma_start3A_100 = tpu.memref_slice %arg7[%dma_start3A_95, %dma_start3A_99] : memref<8x120xi32, #tpu.memory_space<vmem>> -> memref<1x120xi32, #tpu.memory_space<vmem>>
      %dma_start3A_101 = tpu.memref_squeeze %dma_start3A_100 : memref<1x120xi32, #tpu.memory_space<vmem>> -> memref<120xi32, #tpu.memory_space<vmem>>
      %dma_start3A_102 = arith.constant 0 : i32
      %dma_start3A_103 = arith.constant 0 : i32
      %dma_start3A_104 = tpu.memref_slice %arg11[%dma_start3A_102, %dma_start3A_103] : memref<30720x32xf32, #tpu.memory_space<vmem_shared>> -> memref<30720x32xf32, #tpu.memory_space<vmem_shared>>
      tpu.enqueue_indirect_dma source(%dma_start3A_104 : memref<30720x32xf32, #tpu.memory_space<vmem_shared>>) target(%dma_start3A_98 : memref<120x32xf32, #tpu.memory_space<vmem>>) offsets(%dma_start3A_101 : memref<120xi32, #tpu.memory_space<vmem>>) semaphore(%arg12 : memref<!tpu.dma_semaphore, #tpu.memory_space<semaphore_mem>>)
      %dma_start3A_105 = arith.constant 4 : i32
      %dma_start3A_106 = arith.constant 480 : i32
      %dma_start3A_107 = arith.constant 0 : i32
      %dma_start3A_108 = tpu.memref_slice %arg10[%dma_start3A_106, %dma_start3A_107] : memref<960x32xf32, #tpu.memory_space<vmem>> -> memref<120x32xf32, #tpu.memory_space<vmem>>
      %dma_start3A_109 = arith.constant 0 : i32
      %dma_start3A_110 = tpu.memref_slice %arg8[%dma_start3A_105, %dma_start3A_109] : memref<8x120xi32, #tpu.memory_space<vmem>> -> memref<1x120xi32, #tpu.memory_space<vmem>>
      %dma_start3A_111 = tpu.memref_squeeze %dma_start3A_110 : memref<1x120xi32, #tpu.memory_space<vmem>> -> memref<120xi32, #tpu.memory_space<vmem>>
      %dma_start3A_112 = arith.constant 0 : i32
      %dma_start3A_113 = arith.constant 0 : i32
      %dma_start3A_114 = tpu.memref_slice %arg11[%dma_start3A_112, %dma_start3A_113] : memref<30720x32xf32, #tpu.memory_space<vmem_shared>> -> memref<30720x32xf32, #tpu.memory_space<vmem_shared>>
      tpu.enqueue_indirect_dma source(%dma_start3A_114 : memref<30720x32xf32, #tpu.memory_space<vmem_shared>>) target(%dma_start3A_108 : memref<120x32xf32, #tpu.memory_space<vmem>>) offsets(%dma_start3A_111 : memref<120xi32, #tpu.memory_space<vmem>>) semaphore(%arg12 : memref<!tpu.dma_semaphore, #tpu.memory_space<semaphore_mem>>)
      %dma_start3A_115 = arith.constant 5 : i32
      %dma_start3A_116 = arith.constant 600 : i32
      %dma_start3A_117 = arith.constant 0 : i32
      %dma_start3A_118 = tpu.memref_slice %arg9[%dma_start3A_116, %dma_start3A_117] : memref<960x32xf32, #tpu.memory_space<vmem>> -> memref<120x32xf32, #tpu.memory_space<vmem>>
      %dma_start3A_119 = arith.constant 0 : i32
      %dma_start3A_120 = tpu.memref_slice %arg7[%dma_start3A_115, %dma_start3A_119] : memref<8x120xi32, #tpu.memory_space<vmem>> -> memref<1x120xi32, #tpu.memory_space<vmem>>
      %dma_start3A_121 = tpu.memref_squeeze %dma_start3A_120 : memref<1x120xi32, #tpu.memory_space<vmem>> -> memref<120xi32, #tpu.memory_space<vmem>>
      %dma_start3A_122 = arith.constant 0 : i32
      %dma_start3A_123 = arith.constant 0 : i32
      %dma_start3A_124 = tpu.memref_slice %arg11[%dma_start3A_122, %dma_start3A_123] : memref<30720x32xf32, #tpu.memory_space<vmem_shared>> -> memref<30720x32xf32, #tpu.memory_space<vmem_shared>>
      tpu.enqueue_indirect_dma source(%dma_start3A_124 : memref<30720x32xf32, #tpu.memory_space<vmem_shared>>) target(%dma_start3A_118 : memref<120x32xf32, #tpu.memory_space<vmem>>) offsets(%dma_start3A_121 : memref<120xi32, #tpu.memory_space<vmem>>) semaphore(%arg12 : memref<!tpu.dma_semaphore, #tpu.memory_space<semaphore_mem>>)
      %dma_start3A_125 = arith.constant 5 : i32
      %dma_start3A_126 = arith.constant 600 : i32
      %dma_start3A_127 = arith.constant 0 : i32
      %dma_start3A_128 = tpu.memref_slice %arg10[%dma_start3A_126, %dma_start3A_127] : memref<960x32xf32, #tpu.memory_space<vmem>> -> memref<120x32xf32, #tpu.memory_space<vmem>>
      %dma_start3A_129 = arith.constant 0 : i32
      %dma_start3A_130 = tpu.memref_slice %arg8[%dma_start3A_125, %dma_start3A_129] : memref<8x120xi32, #tpu.memory_space<vmem>> -> memref<1x120xi32, #tpu.memory_space<vmem>>
      %dma_start3A_131 = tpu.memref_squeeze %dma_start3A_130 : memref<1x120xi32, #tpu.memory_space<vmem>> -> memref<120xi32, #tpu.memory_space<vmem>>
      %dma_start3A_132 = arith.constant 0 : i32
      %dma_start3A_133 = arith.constant 0 : i32
      %dma_start3A_134 = tpu.memref_slice %arg11[%dma_start3A_132, %dma_start3A_133] : memref<30720x32xf32, #tpu.memory_space<vmem_shared>> -> memref<30720x32xf32, #tpu.memory_space<vmem_shared>>
      tpu.enqueue_indirect_dma source(%dma_start3A_134 : memref<30720x32xf32, #tpu.memory_space<vmem_shared>>) target(%dma_start3A_128 : memref<120x32xf32, #tpu.memory_space<vmem>>) offsets(%dma_start3A_131 : memref<120xi32, #tpu.memory_space<vmem>>) semaphore(%arg12 : memref<!tpu.dma_semaphore, #tpu.memory_space<semaphore_mem>>)
      %dma_start3A_135 = arith.constant 6 : i32
      %dma_start3A_136 = arith.constant 720 : i32
      %dma_start3A_137 = arith.constant 0 : i32
      %dma_start3A_138 = tpu.memref_slice %arg9[%dma_start3A_136, %dma_start3A_137] : memref<960x32xf32, #tpu.memory_space<vmem>> -> memref<120x32xf32, #tpu.memory_space<vmem>>
      %dma_start3A_139 = arith.constant 0 : i32
      %dma_start3A_140 = tpu.memref_slice %arg7[%dma_start3A_135, %dma_start3A_139] : memref<8x120xi32, #tpu.memory_space<vmem>> -> memref<1x120xi32, #tpu.memory_space<vmem>>
      %dma_start3A_141 = tpu.memref_squeeze %dma_start3A_140 : memref<1x120xi32, #tpu.memory_space<vmem>> -> memref<120xi32, #tpu.memory_space<vmem>>
      %dma_start3A_142 = arith.constant 0 : i32
      %dma_start3A_143 = arith.constant 0 : i32
      %dma_start3A_144 = tpu.memref_slice %arg11[%dma_start3A_142, %dma_start3A_143] : memref<30720x32xf32, #tpu.memory_space<vmem_shared>> -> memref<30720x32xf32, #tpu.memory_space<vmem_shared>>
      tpu.enqueue_indirect_dma source(%dma_start3A_144 : memref<30720x32xf32, #tpu.memory_space<vmem_shared>>) target(%dma_start3A_138 : memref<120x32xf32, #tpu.memory_space<vmem>>) offsets(%dma_start3A_141 : memref<120xi32, #tpu.memory_space<vmem>>) semaphore(%arg12 : memref<!tpu.dma_semaphore, #tpu.memory_space<semaphore_mem>>)
      %dma_start3A_145 = arith.constant 6 : i32
      %dma_start3A_146 = arith.constant 720 : i32
      %dma_start3A_147 = arith.constant 0 : i32
      %dma_start3A_148 = tpu.memref_slice %arg10[%dma_start3A_146, %dma_start3A_147] : memref<960x32xf32, #tpu.memory_space<vmem>> -> memref<120x32xf32, #tpu.memory_space<vmem>>
      %dma_start3A_149 = arith.constant 0 : i32
      %dma_start3A_150 = tpu.memref_slice %arg8[%dma_start3A_145, %dma_start3A_149] : memref<8x120xi32, #tpu.memory_space<vmem>> -> memref<1x120xi32, #tpu.memory_space<vmem>>
      %dma_start3A_151 = tpu.memref_squeeze %dma_start3A_150 : memref<1x120xi32, #tpu.memory_space<vmem>> -> memref<120xi32, #tpu.memory_space<vmem>>
      %dma_start3A_152 = arith.constant 0 : i32
      %dma_start3A_153 = arith.constant 0 : i32
      %dma_start3A_154 = tpu.memref_slice %arg11[%dma_start3A_152, %dma_start3A_153] : memref<30720x32xf32, #tpu.memory_space<vmem_shared>> -> memref<30720x32xf32, #tpu.memory_space<vmem_shared>>
      tpu.enqueue_indirect_dma source(%dma_start3A_154 : memref<30720x32xf32, #tpu.memory_space<vmem_shared>>) target(%dma_start3A_148 : memref<120x32xf32, #tpu.memory_space<vmem>>) offsets(%dma_start3A_151 : memref<120xi32, #tpu.memory_space<vmem>>) semaphore(%arg12 : memref<!tpu.dma_semaphore, #tpu.memory_space<semaphore_mem>>)
      %dma_start3A_155 = arith.constant 7 : i32
      %dma_start3A_156 = arith.constant 840 : i32
      %dma_start3A_157 = arith.constant 0 : i32
      %dma_start3A_158 = tpu.memref_slice %arg9[%dma_start3A_156, %dma_start3A_157] : memref<960x32xf32, #tpu.memory_space<vmem>> -> memref<120x32xf32, #tpu.memory_space<vmem>>
      %dma_start3A_159 = arith.constant 0 : i32
      %dma_start3A_160 = tpu.memref_slice %arg7[%dma_start3A_155, %dma_start3A_159] : memref<8x120xi32, #tpu.memory_space<vmem>> -> memref<1x120xi32, #tpu.memory_space<vmem>>
      %dma_start3A_161 = tpu.memref_squeeze %dma_start3A_160 : memref<1x120xi32, #tpu.memory_space<vmem>> -> memref<120xi32, #tpu.memory_space<vmem>>
      %dma_start3A_162 = arith.constant 0 : i32
      %dma_start3A_163 = arith.constant 0 : i32
      %dma_start3A_164 = tpu.memref_slice %arg11[%dma_start3A_162, %dma_start3A_163] : memref<30720x32xf32, #tpu.memory_space<vmem_shared>> -> memref<30720x32xf32, #tpu.memory_space<vmem_shared>>
      tpu.enqueue_indirect_dma source(%dma_start3A_164 : memref<30720x32xf32, #tpu.memory_space<vmem_shared>>) target(%dma_start3A_158 : memref<120x32xf32, #tpu.memory_space<vmem>>) offsets(%dma_start3A_161 : memref<120xi32, #tpu.memory_space<vmem>>) semaphore(%arg12 : memref<!tpu.dma_semaphore, #tpu.memory_space<semaphore_mem>>)
      %dma_start3A_165 = arith.constant 7 : i32
      %dma_start3A_166 = arith.constant 840 : i32
      %dma_start3A_167 = arith.constant 0 : i32
      %dma_start3A_168 = tpu.memref_slice %arg10[%dma_start3A_166, %dma_start3A_167] : memref<960x32xf32, #tpu.memory_space<vmem>> -> memref<120x32xf32, #tpu.memory_space<vmem>>
      %dma_start3A_169 = arith.constant 0 : i32
      %dma_start3A_170 = tpu.memref_slice %arg8[%dma_start3A_165, %dma_start3A_169] : memref<8x120xi32, #tpu.memory_space<vmem>> -> memref<1x120xi32, #tpu.memory_space<vmem>>
      %dma_start3A_171 = tpu.memref_squeeze %dma_start3A_170 : memref<1x120xi32, #tpu.memory_space<vmem>> -> memref<120xi32, #tpu.memory_space<vmem>>
      %dma_start3A_172 = arith.constant 0 : i32
      %dma_start3A_173 = arith.constant 0 : i32
      %dma_start3A_174 = tpu.memref_slice %arg11[%dma_start3A_172, %dma_start3A_173] : memref<30720x32xf32, #tpu.memory_space<vmem_shared>> -> memref<30720x32xf32, #tpu.memory_space<vmem_shared>>
      tpu.enqueue_indirect_dma source(%dma_start3A_174 : memref<30720x32xf32, #tpu.memory_space<vmem_shared>>) target(%dma_start3A_168 : memref<120x32xf32, #tpu.memory_space<vmem>>) offsets(%dma_start3A_171 : memref<120xi32, #tpu.memory_space<vmem>>) semaphore(%arg12 : memref<!tpu.dma_semaphore, #tpu.memory_space<semaphore_mem>>)
      %dma_wait3A = arith.constant 0 : i32
      %dma_wait3A_175 = arith.constant 0 : i32
      %dma_wait3A_176 = arith.constant 0 : i32
      %dma_wait3A_177 = tpu.memref_slice %arg9[%dma_wait3A_175, %dma_wait3A_176] : memref<960x32xf32, #tpu.memory_space<vmem>> -> memref<120x32xf32, #tpu.memory_space<vmem>>
      %dma_wait3A_178 = arith.constant 0 : i32
      %dma_wait3A_179 = tpu.memref_slice %arg7[%dma_wait3A, %dma_wait3A_178] : memref<8x120xi32, #tpu.memory_space<vmem>> -> memref<1x120xi32, #tpu.memory_space<vmem>>
      %dma_wait3A_180 = tpu.memref_squeeze %dma_wait3A_179 : memref<1x120xi32, #tpu.memory_space<vmem>> -> memref<120xi32, #tpu.memory_space<vmem>>
      %dma_wait3A_181 = arith.constant 0 : i32
      %dma_wait3A_182 = arith.constant 0 : i32
      %dma_wait3A_183 = tpu.memref_slice %arg11[%dma_wait3A_181, %dma_wait3A_182] : memref<30720x32xf32, #tpu.memory_space<vmem_shared>> -> memref<30720x32xf32, #tpu.memory_space<vmem_shared>>
      tpu.wait_indirect_dma semaphore(%arg12 : memref<!tpu.dma_semaphore, #tpu.memory_space<semaphore_mem>>) src(%dma_wait3A_183 : memref<30720x32xf32, #tpu.memory_space<vmem_shared>>) dst(%dma_wait3A_177 : memref<120x32xf32, #tpu.memory_space<vmem>>)
      %dma_wait3A_184 = arith.constant 0 : i32
      %dma_wait3A_185 = arith.constant 0 : i32
      %dma_wait3A_186 = arith.constant 0 : i32
      %dma_wait3A_187 = tpu.memref_slice %arg10[%dma_wait3A_185, %dma_wait3A_186] : memref<960x32xf32, #tpu.memory_space<vmem>> -> memref<120x32xf32, #tpu.memory_space<vmem>>
      %dma_wait3A_188 = arith.constant 0 : i32
      %dma_wait3A_189 = tpu.memref_slice %arg8[%dma_wait3A_184, %dma_wait3A_188] : memref<8x120xi32, #tpu.memory_space<vmem>> -> memref<1x120xi32, #tpu.memory_space<vmem>>
      %dma_wait3A_190 = tpu.memref_squeeze %dma_wait3A_189 : memref<1x120xi32, #tpu.memory_space<vmem>> -> memref<120xi32, #tpu.memory_space<vmem>>
      %dma_wait3A_191 = arith.constant 0 : i32
      %dma_wait3A_192 = arith.constant 0 : i32
      %dma_wait3A_193 = tpu.memref_slice %arg11[%dma_wait3A_191, %dma_wait3A_192] : memref<30720x32xf32, #tpu.memory_space<vmem_shared>> -> memref<30720x32xf32, #tpu.memory_space<vmem_shared>>
      tpu.wait_indirect_dma semaphore(%arg12 : memref<!tpu.dma_semaphore, #tpu.memory_space<semaphore_mem>>) src(%dma_wait3A_193 : memref<30720x32xf32, #tpu.memory_space<vmem_shared>>) dst(%dma_wait3A_187 : memref<120x32xf32, #tpu.memory_space<vmem>>)
      %dma_wait3A_194 = arith.constant 1 : i32
      %dma_wait3A_195 = arith.constant 120 : i32
      %dma_wait3A_196 = arith.constant 0 : i32
      %dma_wait3A_197 = tpu.memref_slice %arg9[%dma_wait3A_195, %dma_wait3A_196] : memref<960x32xf32, #tpu.memory_space<vmem>> -> memref<120x32xf32, #tpu.memory_space<vmem>>
      %dma_wait3A_198 = arith.constant 0 : i32
      %dma_wait3A_199 = tpu.memref_slice %arg7[%dma_wait3A_194, %dma_wait3A_198] : memref<8x120xi32, #tpu.memory_space<vmem>> -> memref<1x120xi32, #tpu.memory_space<vmem>>
      %dma_wait3A_200 = tpu.memref_squeeze %dma_wait3A_199 : memref<1x120xi32, #tpu.memory_space<vmem>> -> memref<120xi32, #tpu.memory_space<vmem>>
      %dma_wait3A_201 = arith.constant 0 : i32
      %dma_wait3A_202 = arith.constant 0 : i32
      %dma_wait3A_203 = tpu.memref_slice %arg11[%dma_wait3A_201, %dma_wait3A_202] : memref<30720x32xf32, #tpu.memory_space<vmem_shared>> -> memref<30720x32xf32, #tpu.memory_space<vmem_shared>>
      tpu.wait_indirect_dma semaphore(%arg12 : memref<!tpu.dma_semaphore, #tpu.memory_space<semaphore_mem>>) src(%dma_wait3A_203 : memref<30720x32xf32, #tpu.memory_space<vmem_shared>>) dst(%dma_wait3A_197 : memref<120x32xf32, #tpu.memory_space<vmem>>)
      %dma_wait3A_204 = arith.constant 1 : i32
      %dma_wait3A_205 = arith.constant 120 : i32
      %dma_wait3A_206 = arith.constant 0 : i32
      %dma_wait3A_207 = tpu.memref_slice %arg10[%dma_wait3A_205, %dma_wait3A_206] : memref<960x32xf32, #tpu.memory_space<vmem>> -> memref<120x32xf32, #tpu.memory_space<vmem>>
      %dma_wait3A_208 = arith.constant 0 : i32
      %dma_wait3A_209 = tpu.memref_slice %arg8[%dma_wait3A_204, %dma_wait3A_208] : memref<8x120xi32, #tpu.memory_space<vmem>> -> memref<1x120xi32, #tpu.memory_space<vmem>>
      %dma_wait3A_210 = tpu.memref_squeeze %dma_wait3A_209 : memref<1x120xi32, #tpu.memory_space<vmem>> -> memref<120xi32, #tpu.memory_space<vmem>>
      %dma_wait3A_211 = arith.constant 0 : i32
      %dma_wait3A_212 = arith.constant 0 : i32
      %dma_wait3A_213 = tpu.memref_slice %arg11[%dma_wait3A_211, %dma_wait3A_212] : memref<30720x32xf32, #tpu.memory_space<vmem_shared>> -> memref<30720x32xf32, #tpu.memory_space<vmem_shared>>
      tpu.wait_indirect_dma semaphore(%arg12 : memref<!tpu.dma_semaphore, #tpu.memory_space<semaphore_mem>>) src(%dma_wait3A_213 : memref<30720x32xf32, #tpu.memory_space<vmem_shared>>) dst(%dma_wait3A_207 : memref<120x32xf32, #tpu.memory_space<vmem>>)
      %dma_wait3A_214 = arith.constant 2 : i32
      %dma_wait3A_215 = arith.constant 240 : i32
      %dma_wait3A_216 = arith.constant 0 : i32
      %dma_wait3A_217 = tpu.memref_slice %arg9[%dma_wait3A_215, %dma_wait3A_216] : memref<960x32xf32, #tpu.memory_space<vmem>> -> memref<120x32xf32, #tpu.memory_space<vmem>>
      %dma_wait3A_218 = arith.constant 0 : i32
      %dma_wait3A_219 = tpu.memref_slice %arg7[%dma_wait3A_214, %dma_wait3A_218] : memref<8x120xi32, #tpu.memory_space<vmem>> -> memref<1x120xi32, #tpu.memory_space<vmem>>
      %dma_wait3A_220 = tpu.memref_squeeze %dma_wait3A_219 : memref<1x120xi32, #tpu.memory_space<vmem>> -> memref<120xi32, #tpu.memory_space<vmem>>
      %dma_wait3A_221 = arith.constant 0 : i32
      %dma_wait3A_222 = arith.constant 0 : i32
      %dma_wait3A_223 = tpu.memref_slice %arg11[%dma_wait3A_221, %dma_wait3A_222] : memref<30720x32xf32, #tpu.memory_space<vmem_shared>> -> memref<30720x32xf32, #tpu.memory_space<vmem_shared>>
      tpu.wait_indirect_dma semaphore(%arg12 : memref<!tpu.dma_semaphore, #tpu.memory_space<semaphore_mem>>) src(%dma_wait3A_223 : memref<30720x32xf32, #tpu.memory_space<vmem_shared>>) dst(%dma_wait3A_217 : memref<120x32xf32, #tpu.memory_space<vmem>>)
      %dma_wait3A_224 = arith.constant 2 : i32
      %dma_wait3A_225 = arith.constant 240 : i32
      %dma_wait3A_226 = arith.constant 0 : i32
      %dma_wait3A_227 = tpu.memref_slice %arg10[%dma_wait3A_225, %dma_wait3A_226] : memref<960x32xf32, #tpu.memory_space<vmem>> -> memref<120x32xf32, #tpu.memory_space<vmem>>
      %dma_wait3A_228 = arith.constant 0 : i32
      %dma_wait3A_229 = tpu.memref_slice %arg8[%dma_wait3A_224, %dma_wait3A_228] : memref<8x120xi32, #tpu.memory_space<vmem>> -> memref<1x120xi32, #tpu.memory_space<vmem>>
      %dma_wait3A_230 = tpu.memref_squeeze %dma_wait3A_229 : memref<1x120xi32, #tpu.memory_space<vmem>> -> memref<120xi32, #tpu.memory_space<vmem>>
      %dma_wait3A_231 = arith.constant 0 : i32
      %dma_wait3A_232 = arith.constant 0 : i32
      %dma_wait3A_233 = tpu.memref_slice %arg11[%dma_wait3A_231, %dma_wait3A_232] : memref<30720x32xf32, #tpu.memory_space<vmem_shared>> -> memref<30720x32xf32, #tpu.memory_space<vmem_shared>>
      tpu.wait_indirect_dma semaphore(%arg12 : memref<!tpu.dma_semaphore, #tpu.memory_space<semaphore_mem>>) src(%dma_wait3A_233 : memref<30720x32xf32, #tpu.memory_space<vmem_shared>>) dst(%dma_wait3A_227 : memref<120x32xf32, #tpu.memory_space<vmem>>)
      %dma_wait3A_234 = arith.constant 3 : i32
      %dma_wait3A_235 = arith.constant 360 : i32
      %dma_wait3A_236 = arith.constant 0 : i32
      %dma_wait3A_237 = tpu.memref_slice %arg9[%dma_wait3A_235, %dma_wait3A_236] : memref<960x32xf32, #tpu.memory_space<vmem>> -> memref<120x32xf32, #tpu.memory_space<vmem>>
      %dma_wait3A_238 = arith.constant 0 : i32
      %dma_wait3A_239 = tpu.memref_slice %arg7[%dma_wait3A_234, %dma_wait3A_238] : memref<8x120xi32, #tpu.memory_space<vmem>> -> memref<1x120xi32, #tpu.memory_space<vmem>>
      %dma_wait3A_240 = tpu.memref_squeeze %dma_wait3A_239 : memref<1x120xi32, #tpu.memory_space<vmem>> -> memref<120xi32, #tpu.memory_space<vmem>>
      %dma_wait3A_241 = arith.constant 0 : i32
      %dma_wait3A_242 = arith.constant 0 : i32
      %dma_wait3A_243 = tpu.memref_slice %arg11[%dma_wait3A_241, %dma_wait3A_242] : memref<30720x32xf32, #tpu.memory_space<vmem_shared>> -> memref<30720x32xf32, #tpu.memory_space<vmem_shared>>
      tpu.wait_indirect_dma semaphore(%arg12 : memref<!tpu.dma_semaphore, #tpu.memory_space<semaphore_mem>>) src(%dma_wait3A_243 : memref<30720x32xf32, #tpu.memory_space<vmem_shared>>) dst(%dma_wait3A_237 : memref<120x32xf32, #tpu.memory_space<vmem>>)
      %dma_wait3A_244 = arith.constant 3 : i32
      %dma_wait3A_245 = arith.constant 360 : i32
      %dma_wait3A_246 = arith.constant 0 : i32
      %dma_wait3A_247 = tpu.memref_slice %arg10[%dma_wait3A_245, %dma_wait3A_246] : memref<960x32xf32, #tpu.memory_space<vmem>> -> memref<120x32xf32, #tpu.memory_space<vmem>>
      %dma_wait3A_248 = arith.constant 0 : i32
      %dma_wait3A_249 = tpu.memref_slice %arg8[%dma_wait3A_244, %dma_wait3A_248] : memref<8x120xi32, #tpu.memory_space<vmem>> -> memref<1x120xi32, #tpu.memory_space<vmem>>
      %dma_wait3A_250 = tpu.memref_squeeze %dma_wait3A_249 : memref<1x120xi32, #tpu.memory_space<vmem>> -> memref<120xi32, #tpu.memory_space<vmem>>
      %dma_wait3A_251 = arith.constant 0 : i32
      %dma_wait3A_252 = arith.constant 0 : i32
      %dma_wait3A_253 = tpu.memref_slice %arg11[%dma_wait3A_251, %dma_wait3A_252] : memref<30720x32xf32, #tpu.memory_space<vmem_shared>> -> memref<30720x32xf32, #tpu.memory_space<vmem_shared>>
      tpu.wait_indirect_dma semaphore(%arg12 : memref<!tpu.dma_semaphore, #tpu.memory_space<semaphore_mem>>) src(%dma_wait3A_253 : memref<30720x32xf32, #tpu.memory_space<vmem_shared>>) dst(%dma_wait3A_247 : memref<120x32xf32, #tpu.memory_space<vmem>>)
      %dma_wait3A_254 = arith.constant 4 : i32
      %dma_wait3A_255 = arith.constant 480 : i32
      %dma_wait3A_256 = arith.constant 0 : i32
      %dma_wait3A_257 = tpu.memref_slice %arg9[%dma_wait3A_255, %dma_wait3A_256] : memref<960x32xf32, #tpu.memory_space<vmem>> -> memref<120x32xf32, #tpu.memory_space<vmem>>
      %dma_wait3A_258 = arith.constant 0 : i32
      %dma_wait3A_259 = tpu.memref_slice %arg7[%dma_wait3A_254, %dma_wait3A_258] : memref<8x120xi32, #tpu.memory_space<vmem>> -> memref<1x120xi32, #tpu.memory_space<vmem>>
      %dma_wait3A_260 = tpu.memref_squeeze %dma_wait3A_259 : memref<1x120xi32, #tpu.memory_space<vmem>> -> memref<120xi32, #tpu.memory_space<vmem>>
      %dma_wait3A_261 = arith.constant 0 : i32
      %dma_wait3A_262 = arith.constant 0 : i32
      %dma_wait3A_263 = tpu.memref_slice %arg11[%dma_wait3A_261, %dma_wait3A_262] : memref<30720x32xf32, #tpu.memory_space<vmem_shared>> -> memref<30720x32xf32, #tpu.memory_space<vmem_shared>>
      tpu.wait_indirect_dma semaphore(%arg12 : memref<!tpu.dma_semaphore, #tpu.memory_space<semaphore_mem>>) src(%dma_wait3A_263 : memref<30720x32xf32, #tpu.memory_space<vmem_shared>>) dst(%dma_wait3A_257 : memref<120x32xf32, #tpu.memory_space<vmem>>)
      %dma_wait3A_264 = arith.constant 4 : i32
      %dma_wait3A_265 = arith.constant 480 : i32
      %dma_wait3A_266 = arith.constant 0 : i32
      %dma_wait3A_267 = tpu.memref_slice %arg10[%dma_wait3A_265, %dma_wait3A_266] : memref<960x32xf32, #tpu.memory_space<vmem>> -> memref<120x32xf32, #tpu.memory_space<vmem>>
      %dma_wait3A_268 = arith.constant 0 : i32
      %dma_wait3A_269 = tpu.memref_slice %arg8[%dma_wait3A_264, %dma_wait3A_268] : memref<8x120xi32, #tpu.memory_space<vmem>> -> memref<1x120xi32, #tpu.memory_space<vmem>>
      %dma_wait3A_270 = tpu.memref_squeeze %dma_wait3A_269 : memref<1x120xi32, #tpu.memory_space<vmem>> -> memref<120xi32, #tpu.memory_space<vmem>>
      %dma_wait3A_271 = arith.constant 0 : i32
      %dma_wait3A_272 = arith.constant 0 : i32
      %dma_wait3A_273 = tpu.memref_slice %arg11[%dma_wait3A_271, %dma_wait3A_272] : memref<30720x32xf32, #tpu.memory_space<vmem_shared>> -> memref<30720x32xf32, #tpu.memory_space<vmem_shared>>
      tpu.wait_indirect_dma semaphore(%arg12 : memref<!tpu.dma_semaphore, #tpu.memory_space<semaphore_mem>>) src(%dma_wait3A_273 : memref<30720x32xf32, #tpu.memory_space<vmem_shared>>) dst(%dma_wait3A_267 : memref<120x32xf32, #tpu.memory_space<vmem>>)
      %dma_wait3A_274 = arith.constant 5 : i32
      %dma_wait3A_275 = arith.constant 600 : i32
      %dma_wait3A_276 = arith.constant 0 : i32
      %dma_wait3A_277 = tpu.memref_slice %arg9[%dma_wait3A_275, %dma_wait3A_276] : memref<960x32xf32, #tpu.memory_space<vmem>> -> memref<120x32xf32, #tpu.memory_space<vmem>>
      %dma_wait3A_278 = arith.constant 0 : i32
      %dma_wait3A_279 = tpu.memref_slice %arg7[%dma_wait3A_274, %dma_wait3A_278] : memref<8x120xi32, #tpu.memory_space<vmem>> -> memref<1x120xi32, #tpu.memory_space<vmem>>
      %dma_wait3A_280 = tpu.memref_squeeze %dma_wait3A_279 : memref<1x120xi32, #tpu.memory_space<vmem>> -> memref<120xi32, #tpu.memory_space<vmem>>
      %dma_wait3A_281 = arith.constant 0 : i32
      %dma_wait3A_282 = arith.constant 0 : i32
      %dma_wait3A_283 = tpu.memref_slice %arg11[%dma_wait3A_281, %dma_wait3A_282] : memref<30720x32xf32, #tpu.memory_space<vmem_shared>> -> memref<30720x32xf32, #tpu.memory_space<vmem_shared>>
      tpu.wait_indirect_dma semaphore(%arg12 : memref<!tpu.dma_semaphore, #tpu.memory_space<semaphore_mem>>) src(%dma_wait3A_283 : memref<30720x32xf32, #tpu.memory_space<vmem_shared>>) dst(%dma_wait3A_277 : memref<120x32xf32, #tpu.memory_space<vmem>>)
      %dma_wait3A_284 = arith.constant 5 : i32
      %dma_wait3A_285 = arith.constant 600 : i32
      %dma_wait3A_286 = arith.constant 0 : i32
      %dma_wait3A_287 = tpu.memref_slice %arg10[%dma_wait3A_285, %dma_wait3A_286] : memref<960x32xf32, #tpu.memory_space<vmem>> -> memref<120x32xf32, #tpu.memory_space<vmem>>
      %dma_wait3A_288 = arith.constant 0 : i32
      %dma_wait3A_289 = tpu.memref_slice %arg8[%dma_wait3A_284, %dma_wait3A_288] : memref<8x120xi32, #tpu.memory_space<vmem>> -> memref<1x120xi32, #tpu.memory_space<vmem>>
      %dma_wait3A_290 = tpu.memref_squeeze %dma_wait3A_289 : memref<1x120xi32, #tpu.memory_space<vmem>> -> memref<120xi32, #tpu.memory_space<vmem>>
      %dma_wait3A_291 = arith.constant 0 : i32
      %dma_wait3A_292 = arith.constant 0 : i32
      %dma_wait3A_293 = tpu.memref_slice %arg11[%dma_wait3A_291, %dma_wait3A_292] : memref<30720x32xf32, #tpu.memory_space<vmem_shared>> -> memref<30720x32xf32, #tpu.memory_space<vmem_shared>>
      tpu.wait_indirect_dma semaphore(%arg12 : memref<!tpu.dma_semaphore, #tpu.memory_space<semaphore_mem>>) src(%dma_wait3A_293 : memref<30720x32xf32, #tpu.memory_space<vmem_shared>>) dst(%dma_wait3A_287 : memref<120x32xf32, #tpu.memory_space<vmem>>)
      %dma_wait3A_294 = arith.constant 6 : i32
      %dma_wait3A_295 = arith.constant 720 : i32
      %dma_wait3A_296 = arith.constant 0 : i32
      %dma_wait3A_297 = tpu.memref_slice %arg9[%dma_wait3A_295, %dma_wait3A_296] : memref<960x32xf32, #tpu.memory_space<vmem>> -> memref<120x32xf32, #tpu.memory_space<vmem>>
      %dma_wait3A_298 = arith.constant 0 : i32
      %dma_wait3A_299 = tpu.memref_slice %arg7[%dma_wait3A_294, %dma_wait3A_298] : memref<8x120xi32, #tpu.memory_space<vmem>> -> memref<1x120xi32, #tpu.memory_space<vmem>>
      %dma_wait3A_300 = tpu.memref_squeeze %dma_wait3A_299 : memref<1x120xi32, #tpu.memory_space<vmem>> -> memref<120xi32, #tpu.memory_space<vmem>>
      %dma_wait3A_301 = arith.constant 0 : i32
      %dma_wait3A_302 = arith.constant 0 : i32
      %dma_wait3A_303 = tpu.memref_slice %arg11[%dma_wait3A_301, %dma_wait3A_302] : memref<30720x32xf32, #tpu.memory_space<vmem_shared>> -> memref<30720x32xf32, #tpu.memory_space<vmem_shared>>
      tpu.wait_indirect_dma semaphore(%arg12 : memref<!tpu.dma_semaphore, #tpu.memory_space<semaphore_mem>>) src(%dma_wait3A_303 : memref<30720x32xf32, #tpu.memory_space<vmem_shared>>) dst(%dma_wait3A_297 : memref<120x32xf32, #tpu.memory_space<vmem>>)
      %dma_wait3A_304 = arith.constant 6 : i32
      %dma_wait3A_305 = arith.constant 720 : i32
      %dma_wait3A_306 = arith.constant 0 : i32
      %dma_wait3A_307 = tpu.memref_slice %arg10[%dma_wait3A_305, %dma_wait3A_306] : memref<960x32xf32, #tpu.memory_space<vmem>> -> memref<120x32xf32, #tpu.memory_space<vmem>>
      %dma_wait3A_308 = arith.constant 0 : i32
      %dma_wait3A_309 = tpu.memref_slice %arg8[%dma_wait3A_304, %dma_wait3A_308] : memref<8x120xi32, #tpu.memory_space<vmem>> -> memref<1x120xi32, #tpu.memory_space<vmem>>
      %dma_wait3A_310 = tpu.memref_squeeze %dma_wait3A_309 : memref<1x120xi32, #tpu.memory_space<vmem>> -> memref<120xi32, #tpu.memory_space<vmem>>
      %dma_wait3A_311 = arith.constant 0 : i32
      %dma_wait3A_312 = arith.constant 0 : i32
      %dma_wait3A_313 = tpu.memref_slice %arg11[%dma_wait3A_311, %dma_wait3A_312] : memref<30720x32xf32, #tpu.memory_space<vmem_shared>> -> memref<30720x32xf32, #tpu.memory_space<vmem_shared>>
      tpu.wait_indirect_dma semaphore(%arg12 : memref<!tpu.dma_semaphore, #tpu.memory_space<semaphore_mem>>) src(%dma_wait3A_313 : memref<30720x32xf32, #tpu.memory_space<vmem_shared>>) dst(%dma_wait3A_307 : memref<120x32xf32, #tpu.memory_space<vmem>>)
      %dma_wait3A_314 = arith.constant 7 : i32
      %dma_wait3A_315 = arith.constant 840 : i32
      %dma_wait3A_316 = arith.constant 0 : i32
      %dma_wait3A_317 = tpu.memref_slice %arg9[%dma_wait3A_315, %dma_wait3A_316] : memref<960x32xf32, #tpu.memory_space<vmem>> -> memref<120x32xf32, #tpu.memory_space<vmem>>
      %dma_wait3A_318 = arith.constant 0 : i32
      %dma_wait3A_319 = tpu.memref_slice %arg7[%dma_wait3A_314, %dma_wait3A_318] : memref<8x120xi32, #tpu.memory_space<vmem>> -> memref<1x120xi32, #tpu.memory_space<vmem>>
      %dma_wait3A_320 = tpu.memref_squeeze %dma_wait3A_319 : memref<1x120xi32, #tpu.memory_space<vmem>> -> memref<120xi32, #tpu.memory_space<vmem>>
      %dma_wait3A_321 = arith.constant 0 : i32
      %dma_wait3A_322 = arith.constant 0 : i32
      %dma_wait3A_323 = tpu.memref_slice %arg11[%dma_wait3A_321, %dma_wait3A_322] : memref<30720x32xf32, #tpu.memory_space<vmem_shared>> -> memref<30720x32xf32, #tpu.memory_space<vmem_shared>>
      tpu.wait_indirect_dma semaphore(%arg12 : memref<!tpu.dma_semaphore, #tpu.memory_space<semaphore_mem>>) src(%dma_wait3A_323 : memref<30720x32xf32, #tpu.memory_space<vmem_shared>>) dst(%dma_wait3A_317 : memref<120x32xf32, #tpu.memory_space<vmem>>)
      %dma_wait3A_324 = arith.constant 7 : i32
      %dma_wait3A_325 = arith.constant 840 : i32
      %dma_wait3A_326 = arith.constant 0 : i32
      %dma_wait3A_327 = tpu.memref_slice %arg10[%dma_wait3A_325, %dma_wait3A_326] : memref<960x32xf32, #tpu.memory_space<vmem>> -> memref<120x32xf32, #tpu.memory_space<vmem>>
      %dma_wait3A_328 = arith.constant 0 : i32
      %dma_wait3A_329 = tpu.memref_slice %arg8[%dma_wait3A_324, %dma_wait3A_328] : memref<8x120xi32, #tpu.memory_space<vmem>> -> memref<1x120xi32, #tpu.memory_space<vmem>>
      %dma_wait3A_330 = tpu.memref_squeeze %dma_wait3A_329 : memref<1x120xi32, #tpu.memory_space<vmem>> -> memref<120xi32, #tpu.memory_space<vmem>>
      %dma_wait3A_331 = arith.constant 0 : i32
      %dma_wait3A_332 = arith.constant 0 : i32
      %dma_wait3A_333 = tpu.memref_slice %arg11[%dma_wait3A_331, %dma_wait3A_332] : memref<30720x32xf32, #tpu.memory_space<vmem_shared>> -> memref<30720x32xf32, #tpu.memory_space<vmem_shared>>
      tpu.wait_indirect_dma semaphore(%arg12 : memref<!tpu.dma_semaphore, #tpu.memory_space<semaphore_mem>>) src(%dma_wait3A_333 : memref<30720x32xf32, #tpu.memory_space<vmem_shared>>) dst(%dma_wait3A_327 : memref<120x32xf32, #tpu.memory_space<vmem>>)
      %mul3A_334 = arith.constant 15360 : i32
      %mul3A_335 = arith.muli %add3A, %mul3A_334 : i32
      %mul3A_336 = arith.constant 960 : i32
      %mul3A_337 = arith.muli %scan3A_10, %mul3A_336 : i32
      %add3A_338 = arith.addi %mul3A_335, %mul3A_337 : i32
      "tpu.region"() ({
        %run_scoped3A = tpu.sem_alloc : memref<!tpu.dma_semaphore, #tpu.memory_space<semaphore_mem>>
        %dma_start3A_339 = arith.constant 0 : i32
        %dma_start3A_340 = tpu.memref_slice %arg5[%add3A_338, %dma_start3A_339] : memref<491520x32xf32, #tpu.memory_space<hbm>> -> memref<960x32xf32, #tpu.memory_space<hbm>>
        %dma_start3A_341 = arith.constant 0 : i32
        %dma_start3A_342 = tpu.memref_slice %arg5[%add3A_338, %dma_start3A_341] : memref<491520x32xf32, #tpu.memory_space<hbm>> -> memref<960x32xf32, #tpu.memory_space<hbm>>
        tpu.enqueue_dma source(%arg9 : memref<960x32xf32, #tpu.memory_space<vmem>>) target(%dma_start3A_342 : memref<960x32xf32, #tpu.memory_space<hbm>>) target_semaphore(%run_scoped3A : memref<!tpu.dma_semaphore, #tpu.memory_space<semaphore_mem>>)
        %dma_wait3A_343 = arith.constant 0 : i32
        %dma_wait3A_344 = tpu.memref_slice %arg5[%add3A_338, %dma_wait3A_343] : memref<491520x32xf32, #tpu.memory_space<hbm>> -> memref<960x32xf32, #tpu.memory_space<hbm>>
        %dma_wait3A_345 = arith.constant 0 : i32
        %dma_wait3A_346 = tpu.memref_slice %arg5[%add3A_338, %dma_wait3A_345] : memref<491520x32xf32, #tpu.memory_space<hbm>> -> memref<960x32xf32, #tpu.memory_space<hbm>>
        tpu.wait_dma2 semaphore(%run_scoped3A : memref<!tpu.dma_semaphore, #tpu.memory_space<semaphore_mem>>) src(%arg9 : memref<960x32xf32, #tpu.memory_space<vmem>>) dst(%dma_wait3A_346 : memref<960x32xf32, #tpu.memory_space<hbm>>)
        tpu.yield
      }) : () -> ()
      "tpu.region"() ({
        %run_scoped3A = tpu.sem_alloc : memref<!tpu.dma_semaphore, #tpu.memory_space<semaphore_mem>>
        %dma_start3A_339 = arith.constant 0 : i32
        %dma_start3A_340 = tpu.memref_slice %arg6[%add3A_338, %dma_start3A_339] : memref<491520x32xf32, #tpu.memory_space<hbm>> -> memref<960x32xf32, #tpu.memory_space<hbm>>
        %dma_start3A_341 = arith.constant 0 : i32
        %dma_start3A_342 = tpu.memref_slice %arg6[%add3A_338, %dma_start3A_341] : memref<491520x32xf32, #tpu.memory_space<hbm>> -> memref<960x32xf32, #tpu.memory_space<hbm>>
        tpu.enqueue_dma source(%arg10 : memref<960x32xf32, #tpu.memory_space<vmem>>) target(%dma_start3A_342 : memref<960x32xf32, #tpu.memory_space<hbm>>) target_semaphore(%run_scoped3A : memref<!tpu.dma_semaphore, #tpu.memory_space<semaphore_mem>>)
        %dma_wait3A_343 = arith.constant 0 : i32
        %dma_wait3A_344 = tpu.memref_slice %arg6[%add3A_338, %dma_wait3A_343] : memref<491520x32xf32, #tpu.memory_space<hbm>> -> memref<960x32xf32, #tpu.memory_space<hbm>>
        %dma_wait3A_345 = arith.constant 0 : i32
        %dma_wait3A_346 = tpu.memref_slice %arg6[%add3A_338, %dma_wait3A_345] : memref<491520x32xf32, #tpu.memory_space<hbm>> -> memref<960x32xf32, #tpu.memory_space<hbm>>
        tpu.wait_dma2 semaphore(%run_scoped3A : memref<!tpu.dma_semaphore, #tpu.memory_space<semaphore_mem>>) src(%arg10 : memref<960x32xf32, #tpu.memory_space<vmem>>) dst(%dma_wait3A_346 : memref<960x32xf32, #tpu.memory_space<hbm>>)
        tpu.yield
      }) : () -> ()
    }
    %scan3A_9 = arith.constant 16 : i32
    return
  }
}

#map = affine_map<(d0, d1) -> (0, 0)>
module attributes {stable_mosaic.version = 14 : i64} {
  func.func @k(%arg0: i32, %arg1: i32, %arg2: memref<491520x16xf32, #tpu.memory_space<hbm>>, %arg3: memref<4096x120xi32, #tpu.memory_space<hbm>>, %arg4: memref<1920x16xf32, #tpu.memory_space<hbm>>, %arg5: memref<61440x16xf32, #tpu.memory_space<hbm>>, %arg6: memref<8x120xi32, #tpu.memory_space<vmem>>, %arg7: memref<960x16xf32, #tpu.memory_space<vmem>>, %arg8: memref<30720x16xf32, #tpu.memory_space<vmem_shared>>) attributes {dimension_semantics = [#tpu.dimension_semantics<core_parallel>, #tpu.dimension_semantics<subcore_parallel>], iteration_bounds = array<i64: 2, 16>, scalar_prefetch = 0 : i64, scratch_operands = 3 : i64, tpu.core_type = #tpu.core_type<sc_vector_subcore>, window_params = [{transform_indices = #map}, {transform_indices = #map}, {transform_indices = #map}, {transform_indices = #map}]} {
    %mul3A = arith.constant 16 : i32
    %mul3A_0 = arith.muli %arg0, %mul3A : i32
    %add3A = arith.addi %mul3A_0, %arg1 : i32
    %mul3A_1 = arith.constant 1920 : i32
    %mul3A_2 = arith.muli %arg1, %mul3A_1 : i32
    "tpu.region"() ({
      %run_scoped3A = tpu.sem_alloc : memref<!tpu.dma_semaphore, #tpu.memory_space<semaphore_mem>>
      %dma_start3A = arith.constant 0 : i32
      %dma_start3A_16 = tpu.memref_slice %arg8[%mul3A_2, %dma_start3A] : memref<30720x16xf32, #tpu.memory_space<vmem_shared>> -> memref<1920x16xf32, #tpu.memory_space<vmem_shared>>
      tpu.enqueue_dma source(%arg4 : memref<1920x16xf32, #tpu.memory_space<hbm>>) target(%dma_start3A_16 : memref<1920x16xf32, #tpu.memory_space<vmem_shared>>) target_semaphore(%run_scoped3A : memref<!tpu.dma_semaphore, #tpu.memory_space<semaphore_mem>>)
      %dma_wait3A = arith.constant 0 : i32
      %dma_wait3A_17 = tpu.memref_slice %arg8[%mul3A_2, %dma_wait3A] : memref<30720x16xf32, #tpu.memory_space<vmem_shared>> -> memref<1920x16xf32, #tpu.memory_space<vmem_shared>>
      tpu.wait_dma2 semaphore(%run_scoped3A : memref<!tpu.dma_semaphore, #tpu.memory_space<semaphore_mem>>) src(%arg4 : memref<1920x16xf32, #tpu.memory_space<hbm>>) dst(%dma_wait3A_17 : memref<1920x16xf32, #tpu.memory_space<vmem_shared>>)
      tpu.yield
    }) : () -> ()
    %barrier3A = arith.constant 0 : index
    tpu.barrier barrier_id(%barrier3A)
    %scan3A = arith.constant 0 : i32
    %scan3A_3 = arith.constant 0 : i32
    %scan3A_4 = arith.constant 16 : i32
    %scan3A_5 = arith.addi %scan3A_3, %scan3A_4 : i32
    %scan3A_6 = arith.constant 1 : i32
    scf.for %scan3A_16 = %scan3A_3 to %scan3A_5 step %scan3A_6  : i32 {
      %mul3A_17 = arith.constant 128 : i32
      %mul3A_18 = arith.muli %add3A, %mul3A_17 : i32
      %mul3A_19 = arith.constant 8 : i32
      %mul3A_20 = arith.muli %scan3A_16, %mul3A_19 : i32
      %add3A_21 = arith.addi %mul3A_18, %mul3A_20 : i32
      "tpu.region"() ({
        %run_scoped3A_34 = tpu.sem_alloc : memref<!tpu.dma_semaphore, #tpu.memory_space<semaphore_mem>>
        %dma_start3A = arith.constant 0 : i32
        %dma_start3A_35 = tpu.memref_slice %arg3[%add3A_21, %dma_start3A] : memref<4096x120xi32, #tpu.memory_space<hbm>> -> memref<8x120xi32, #tpu.memory_space<hbm>>
        %dma_start3A_36 = arith.constant 0 : i32
        %dma_start3A_37 = tpu.memref_slice %arg3[%add3A_21, %dma_start3A_36] : memref<4096x120xi32, #tpu.memory_space<hbm>> -> memref<8x120xi32, #tpu.memory_space<hbm>>
        tpu.enqueue_dma source(%dma_start3A_37 : memref<8x120xi32, #tpu.memory_space<hbm>>) target(%arg6 : memref<8x120xi32, #tpu.memory_space<vmem>>) target_semaphore(%run_scoped3A_34 : memref<!tpu.dma_semaphore, #tpu.memory_space<semaphore_mem>>)
        %dma_wait3A = arith.constant 0 : i32
        %dma_wait3A_38 = tpu.memref_slice %arg3[%add3A_21, %dma_wait3A] : memref<4096x120xi32, #tpu.memory_space<hbm>> -> memref<8x120xi32, #tpu.memory_space<hbm>>
        %dma_wait3A_39 = arith.constant 0 : i32
        %dma_wait3A_40 = tpu.memref_slice %arg3[%add3A_21, %dma_wait3A_39] : memref<4096x120xi32, #tpu.memory_space<hbm>> -> memref<8x120xi32, #tpu.memory_space<hbm>>
        tpu.wait_dma2 semaphore(%run_scoped3A_34 : memref<!tpu.dma_semaphore, #tpu.memory_space<semaphore_mem>>) src(%dma_wait3A_40 : memref<8x120xi32, #tpu.memory_space<hbm>>) dst(%arg6 : memref<8x120xi32, #tpu.memory_space<vmem>>)
        tpu.yield
      }) : () -> ()
      %mul3A_22 = arith.constant 15360 : i32
      %mul3A_23 = arith.muli %add3A, %mul3A_22 : i32
      %mul3A_24 = arith.constant 960 : i32
      %mul3A_25 = arith.muli %scan3A_16, %mul3A_24 : i32
      %add3A_26 = arith.addi %mul3A_23, %mul3A_25 : i32
      "tpu.region"() ({
        %run_scoped3A_34 = tpu.sem_alloc : memref<!tpu.dma_semaphore, #tpu.memory_space<semaphore_mem>>
        %dma_start3A = arith.constant 0 : i32
        %dma_start3A_35 = tpu.memref_slice %arg2[%add3A_26, %dma_start3A] : memref<491520x16xf32, #tpu.memory_space<hbm>> -> memref<960x16xf32, #tpu.memory_space<hbm>>
        %dma_start3A_36 = arith.constant 0 : i32
        %dma_start3A_37 = tpu.memref_slice %arg2[%add3A_26, %dma_start3A_36] : memref<491520x16xf32, #tpu.memory_space<hbm>> -> memref<960x16xf32, #tpu.memory_space<hbm>>
        tpu.enqueue_dma source(%dma_start3A_37 : memref<960x16xf32, #tpu.memory_space<hbm>>) target(%arg7 : memref<960x16xf32, #tpu.memory_space<vmem>>) target_semaphore(%run_scoped3A_34 : memref<!tpu.dma_semaphore, #tpu.memory_space<semaphore_mem>>)
        %dma_wait3A = arith.constant 0 : i32
        %dma_wait3A_38 = tpu.memref_slice %arg2[%add3A_26, %dma_wait3A] : memref<491520x16xf32, #tpu.memory_space<hbm>> -> memref<960x16xf32, #tpu.memory_space<hbm>>
        %dma_wait3A_39 = arith.constant 0 : i32
        %dma_wait3A_40 = tpu.memref_slice %arg2[%add3A_26, %dma_wait3A_39] : memref<491520x16xf32, #tpu.memory_space<hbm>> -> memref<960x16xf32, #tpu.memory_space<hbm>>
        tpu.wait_dma2 semaphore(%run_scoped3A_34 : memref<!tpu.dma_semaphore, #tpu.memory_space<semaphore_mem>>) src(%dma_wait3A_40 : memref<960x16xf32, #tpu.memory_space<hbm>>) dst(%arg7 : memref<960x16xf32, #tpu.memory_space<vmem>>)
        tpu.yield
      }) : () -> ()
      %run_scoped3A = arith.constant 0 : i32
      "tpu.region"() ({
        %run_scoped3A_34 = tpu.sem_alloc : memref<!tpu.dma_semaphore, #tpu.memory_space<semaphore_mem>>
        %dma_start3A = arith.constant 0 : i32
        %dma_start3A_35 = arith.constant 0 : i32
        %dma_start3A_36 = tpu.memref_slice %arg7[%dma_start3A, %dma_start3A_35] : memref<960x16xf32, #tpu.memory_space<vmem>> -> memref<120x16xf32, #tpu.memory_space<vmem>>
        %dma_start3A_37 = arith.constant 0 : i32
        %dma_start3A_38 = tpu.memref_slice %arg6[%run_scoped3A, %dma_start3A_37] : memref<8x120xi32, #tpu.memory_space<vmem>> -> memref<1x120xi32, #tpu.memory_space<vmem>>
        %dma_start3A_39 = tpu.memref_squeeze %dma_start3A_38 : memref<1x120xi32, #tpu.memory_space<vmem>> -> memref<120xi32, #tpu.memory_space<vmem>>
        %dma_start3A_40 = arith.constant 0 : i32
        %dma_start3A_41 = arith.constant 0 : i32
        %dma_start3A_42 = tpu.memref_slice %arg8[%dma_start3A_40, %dma_start3A_41] : memref<30720x16xf32, #tpu.memory_space<vmem_shared>> -> memref<30720x16xf32, #tpu.memory_space<vmem_shared>>
        tpu.enqueue_indirect_dma source(%dma_start3A_36 : memref<120x16xf32, #tpu.memory_space<vmem>>) target(%dma_start3A_42 : memref<30720x16xf32, #tpu.memory_space<vmem_shared>>) offsets(%dma_start3A_39 : memref<120xi32, #tpu.memory_space<vmem>>) semaphore(%run_scoped3A_34 : memref<!tpu.dma_semaphore, #tpu.memory_space<semaphore_mem>>) {add = true}
        %dma_wait3A = arith.constant 0 : i32
        %dma_wait3A_43 = arith.constant 0 : i32
        %dma_wait3A_44 = tpu.memref_slice %arg7[%dma_wait3A, %dma_wait3A_43] : memref<960x16xf32, #tpu.memory_space<vmem>> -> memref<120x16xf32, #tpu.memory_space<vmem>>
        %dma_wait3A_45 = arith.constant 0 : i32
        %dma_wait3A_46 = tpu.memref_slice %arg6[%run_scoped3A, %dma_wait3A_45] : memref<8x120xi32, #tpu.memory_space<vmem>> -> memref<1x120xi32, #tpu.memory_space<vmem>>
        %dma_wait3A_47 = tpu.memref_squeeze %dma_wait3A_46 : memref<1x120xi32, #tpu.memory_space<vmem>> -> memref<120xi32, #tpu.memory_space<vmem>>
        %dma_wait3A_48 = arith.constant 0 : i32
        %dma_wait3A_49 = arith.constant 0 : i32
        %dma_wait3A_50 = tpu.memref_slice %arg8[%dma_wait3A_48, %dma_wait3A_49] : memref<30720x16xf32, #tpu.memory_space<vmem_shared>> -> memref<30720x16xf32, #tpu.memory_space<vmem_shared>>
        tpu.wait_indirect_dma semaphore(%run_scoped3A_34 : memref<!tpu.dma_semaphore, #tpu.memory_space<semaphore_mem>>) src(%dma_wait3A_44 : memref<120x16xf32, #tpu.memory_space<vmem>>) dst(%dma_wait3A_50 : memref<30720x16xf32, #tpu.memory_space<vmem_shared>>)
        tpu.yield
      }) : () -> ()
      %run_scoped3A_27 = arith.constant 1 : i32
      "tpu.region"() ({
        %run_scoped3A_34 = tpu.sem_alloc : memref<!tpu.dma_semaphore, #tpu.memory_space<semaphore_mem>>
        %dma_start3A = arith.constant 120 : i32
        %dma_start3A_35 = arith.constant 0 : i32
        %dma_start3A_36 = tpu.memref_slice %arg7[%dma_start3A, %dma_start3A_35] : memref<960x16xf32, #tpu.memory_space<vmem>> -> memref<120x16xf32, #tpu.memory_space<vmem>>
        %dma_start3A_37 = arith.constant 0 : i32
        %dma_start3A_38 = tpu.memref_slice %arg6[%run_scoped3A_27, %dma_start3A_37] : memref<8x120xi32, #tpu.memory_space<vmem>> -> memref<1x120xi32, #tpu.memory_space<vmem>>
        %dma_start3A_39 = tpu.memref_squeeze %dma_start3A_38 : memref<1x120xi32, #tpu.memory_space<vmem>> -> memref<120xi32, #tpu.memory_space<vmem>>
        %dma_start3A_40 = arith.constant 0 : i32
        %dma_start3A_41 = arith.constant 0 : i32
        %dma_start3A_42 = tpu.memref_slice %arg8[%dma_start3A_40, %dma_start3A_41] : memref<30720x16xf32, #tpu.memory_space<vmem_shared>> -> memref<30720x16xf32, #tpu.memory_space<vmem_shared>>
        tpu.enqueue_indirect_dma source(%dma_start3A_36 : memref<120x16xf32, #tpu.memory_space<vmem>>) target(%dma_start3A_42 : memref<30720x16xf32, #tpu.memory_space<vmem_shared>>) offsets(%dma_start3A_39 : memref<120xi32, #tpu.memory_space<vmem>>) semaphore(%run_scoped3A_34 : memref<!tpu.dma_semaphore, #tpu.memory_space<semaphore_mem>>) {add = true}
        %dma_wait3A = arith.constant 120 : i32
        %dma_wait3A_43 = arith.constant 0 : i32
        %dma_wait3A_44 = tpu.memref_slice %arg7[%dma_wait3A, %dma_wait3A_43] : memref<960x16xf32, #tpu.memory_space<vmem>> -> memref<120x16xf32, #tpu.memory_space<vmem>>
        %dma_wait3A_45 = arith.constant 0 : i32
        %dma_wait3A_46 = tpu.memref_slice %arg6[%run_scoped3A_27, %dma_wait3A_45] : memref<8x120xi32, #tpu.memory_space<vmem>> -> memref<1x120xi32, #tpu.memory_space<vmem>>
        %dma_wait3A_47 = tpu.memref_squeeze %dma_wait3A_46 : memref<1x120xi32, #tpu.memory_space<vmem>> -> memref<120xi32, #tpu.memory_space<vmem>>
        %dma_wait3A_48 = arith.constant 0 : i32
        %dma_wait3A_49 = arith.constant 0 : i32
        %dma_wait3A_50 = tpu.memref_slice %arg8[%dma_wait3A_48, %dma_wait3A_49] : memref<30720x16xf32, #tpu.memory_space<vmem_shared>> -> memref<30720x16xf32, #tpu.memory_space<vmem_shared>>
        tpu.wait_indirect_dma semaphore(%run_scoped3A_34 : memref<!tpu.dma_semaphore, #tpu.memory_space<semaphore_mem>>) src(%dma_wait3A_44 : memref<120x16xf32, #tpu.memory_space<vmem>>) dst(%dma_wait3A_50 : memref<30720x16xf32, #tpu.memory_space<vmem_shared>>)
        tpu.yield
      }) : () -> ()
      %run_scoped3A_28 = arith.constant 2 : i32
      "tpu.region"() ({
        %run_scoped3A_34 = tpu.sem_alloc : memref<!tpu.dma_semaphore, #tpu.memory_space<semaphore_mem>>
        %dma_start3A = arith.constant 240 : i32
        %dma_start3A_35 = arith.constant 0 : i32
        %dma_start3A_36 = tpu.memref_slice %arg7[%dma_start3A, %dma_start3A_35] : memref<960x16xf32, #tpu.memory_space<vmem>> -> memref<120x16xf32, #tpu.memory_space<vmem>>
        %dma_start3A_37 = arith.constant 0 : i32
        %dma_start3A_38 = tpu.memref_slice %arg6[%run_scoped3A_28, %dma_start3A_37] : memref<8x120xi32, #tpu.memory_space<vmem>> -> memref<1x120xi32, #tpu.memory_space<vmem>>
        %dma_start3A_39 = tpu.memref_squeeze %dma_start3A_38 : memref<1x120xi32, #tpu.memory_space<vmem>> -> memref<120xi32, #tpu.memory_space<vmem>>
        %dma_start3A_40 = arith.constant 0 : i32
        %dma_start3A_41 = arith.constant 0 : i32
        %dma_start3A_42 = tpu.memref_slice %arg8[%dma_start3A_40, %dma_start3A_41] : memref<30720x16xf32, #tpu.memory_space<vmem_shared>> -> memref<30720x16xf32, #tpu.memory_space<vmem_shared>>
        tpu.enqueue_indirect_dma source(%dma_start3A_36 : memref<120x16xf32, #tpu.memory_space<vmem>>) target(%dma_start3A_42 : memref<30720x16xf32, #tpu.memory_space<vmem_shared>>) offsets(%dma_start3A_39 : memref<120xi32, #tpu.memory_space<vmem>>) semaphore(%run_scoped3A_34 : memref<!tpu.dma_semaphore, #tpu.memory_space<semaphore_mem>>) {add = true}
        %dma_wait3A = arith.constant 240 : i32
        %dma_wait3A_43 = arith.constant 0 : i32
        %dma_wait3A_44 = tpu.memref_slice %arg7[%dma_wait3A, %dma_wait3A_43] : memref<960x16xf32, #tpu.memory_space<vmem>> -> memref<120x16xf32, #tpu.memory_space<vmem>>
        %dma_wait3A_45 = arith.constant 0 : i32
        %dma_wait3A_46 = tpu.memref_slice %arg6[%run_scoped3A_28, %dma_wait3A_45] : memref<8x120xi32, #tpu.memory_space<vmem>> -> memref<1x120xi32, #tpu.memory_space<vmem>>
        %dma_wait3A_47 = tpu.memref_squeeze %dma_wait3A_46 : memref<1x120xi32, #tpu.memory_space<vmem>> -> memref<120xi32, #tpu.memory_space<vmem>>
        %dma_wait3A_48 = arith.constant 0 : i32
        %dma_wait3A_49 = arith.constant 0 : i32
        %dma_wait3A_50 = tpu.memref_slice %arg8[%dma_wait3A_48, %dma_wait3A_49] : memref<30720x16xf32, #tpu.memory_space<vmem_shared>> -> memref<30720x16xf32, #tpu.memory_space<vmem_shared>>
        tpu.wait_indirect_dma semaphore(%run_scoped3A_34 : memref<!tpu.dma_semaphore, #tpu.memory_space<semaphore_mem>>) src(%dma_wait3A_44 : memref<120x16xf32, #tpu.memory_space<vmem>>) dst(%dma_wait3A_50 : memref<30720x16xf32, #tpu.memory_space<vmem_shared>>)
        tpu.yield
      }) : () -> ()
      %run_scoped3A_29 = arith.constant 3 : i32
      "tpu.region"() ({
        %run_scoped3A_34 = tpu.sem_alloc : memref<!tpu.dma_semaphore, #tpu.memory_space<semaphore_mem>>
        %dma_start3A = arith.constant 360 : i32
        %dma_start3A_35 = arith.constant 0 : i32
        %dma_start3A_36 = tpu.memref_slice %arg7[%dma_start3A, %dma_start3A_35] : memref<960x16xf32, #tpu.memory_space<vmem>> -> memref<120x16xf32, #tpu.memory_space<vmem>>
        %dma_start3A_37 = arith.constant 0 : i32
        %dma_start3A_38 = tpu.memref_slice %arg6[%run_scoped3A_29, %dma_start3A_37] : memref<8x120xi32, #tpu.memory_space<vmem>> -> memref<1x120xi32, #tpu.memory_space<vmem>>
        %dma_start3A_39 = tpu.memref_squeeze %dma_start3A_38 : memref<1x120xi32, #tpu.memory_space<vmem>> -> memref<120xi32, #tpu.memory_space<vmem>>
        %dma_start3A_40 = arith.constant 0 : i32
        %dma_start3A_41 = arith.constant 0 : i32
        %dma_start3A_42 = tpu.memref_slice %arg8[%dma_start3A_40, %dma_start3A_41] : memref<30720x16xf32, #tpu.memory_space<vmem_shared>> -> memref<30720x16xf32, #tpu.memory_space<vmem_shared>>
        tpu.enqueue_indirect_dma source(%dma_start3A_36 : memref<120x16xf32, #tpu.memory_space<vmem>>) target(%dma_start3A_42 : memref<30720x16xf32, #tpu.memory_space<vmem_shared>>) offsets(%dma_start3A_39 : memref<120xi32, #tpu.memory_space<vmem>>) semaphore(%run_scoped3A_34 : memref<!tpu.dma_semaphore, #tpu.memory_space<semaphore_mem>>) {add = true}
        %dma_wait3A = arith.constant 360 : i32
        %dma_wait3A_43 = arith.constant 0 : i32
        %dma_wait3A_44 = tpu.memref_slice %arg7[%dma_wait3A, %dma_wait3A_43] : memref<960x16xf32, #tpu.memory_space<vmem>> -> memref<120x16xf32, #tpu.memory_space<vmem>>
        %dma_wait3A_45 = arith.constant 0 : i32
        %dma_wait3A_46 = tpu.memref_slice %arg6[%run_scoped3A_29, %dma_wait3A_45] : memref<8x120xi32, #tpu.memory_space<vmem>> -> memref<1x120xi32, #tpu.memory_space<vmem>>
        %dma_wait3A_47 = tpu.memref_squeeze %dma_wait3A_46 : memref<1x120xi32, #tpu.memory_space<vmem>> -> memref<120xi32, #tpu.memory_space<vmem>>
        %dma_wait3A_48 = arith.constant 0 : i32
        %dma_wait3A_49 = arith.constant 0 : i32
        %dma_wait3A_50 = tpu.memref_slice %arg8[%dma_wait3A_48, %dma_wait3A_49] : memref<30720x16xf32, #tpu.memory_space<vmem_shared>> -> memref<30720x16xf32, #tpu.memory_space<vmem_shared>>
        tpu.wait_indirect_dma semaphore(%run_scoped3A_34 : memref<!tpu.dma_semaphore, #tpu.memory_space<semaphore_mem>>) src(%dma_wait3A_44 : memref<120x16xf32, #tpu.memory_space<vmem>>) dst(%dma_wait3A_50 : memref<30720x16xf32, #tpu.memory_space<vmem_shared>>)
        tpu.yield
      }) : () -> ()
      %run_scoped3A_30 = arith.constant 4 : i32
      "tpu.region"() ({
        %run_scoped3A_34 = tpu.sem_alloc : memref<!tpu.dma_semaphore, #tpu.memory_space<semaphore_mem>>
        %dma_start3A = arith.constant 480 : i32
        %dma_start3A_35 = arith.constant 0 : i32
        %dma_start3A_36 = tpu.memref_slice %arg7[%dma_start3A, %dma_start3A_35] : memref<960x16xf32, #tpu.memory_space<vmem>> -> memref<120x16xf32, #tpu.memory_space<vmem>>
        %dma_start3A_37 = arith.constant 0 : i32
        %dma_start3A_38 = tpu.memref_slice %arg6[%run_scoped3A_30, %dma_start3A_37] : memref<8x120xi32, #tpu.memory_space<vmem>> -> memref<1x120xi32, #tpu.memory_space<vmem>>
        %dma_start3A_39 = tpu.memref_squeeze %dma_start3A_38 : memref<1x120xi32, #tpu.memory_space<vmem>> -> memref<120xi32, #tpu.memory_space<vmem>>
        %dma_start3A_40 = arith.constant 0 : i32
        %dma_start3A_41 = arith.constant 0 : i32
        %dma_start3A_42 = tpu.memref_slice %arg8[%dma_start3A_40, %dma_start3A_41] : memref<30720x16xf32, #tpu.memory_space<vmem_shared>> -> memref<30720x16xf32, #tpu.memory_space<vmem_shared>>
        tpu.enqueue_indirect_dma source(%dma_start3A_36 : memref<120x16xf32, #tpu.memory_space<vmem>>) target(%dma_start3A_42 : memref<30720x16xf32, #tpu.memory_space<vmem_shared>>) offsets(%dma_start3A_39 : memref<120xi32, #tpu.memory_space<vmem>>) semaphore(%run_scoped3A_34 : memref<!tpu.dma_semaphore, #tpu.memory_space<semaphore_mem>>) {add = true}
        %dma_wait3A = arith.constant 480 : i32
        %dma_wait3A_43 = arith.constant 0 : i32
        %dma_wait3A_44 = tpu.memref_slice %arg7[%dma_wait3A, %dma_wait3A_43] : memref<960x16xf32, #tpu.memory_space<vmem>> -> memref<120x16xf32, #tpu.memory_space<vmem>>
        %dma_wait3A_45 = arith.constant 0 : i32
        %dma_wait3A_46 = tpu.memref_slice %arg6[%run_scoped3A_30, %dma_wait3A_45] : memref<8x120xi32, #tpu.memory_space<vmem>> -> memref<1x120xi32, #tpu.memory_space<vmem>>
        %dma_wait3A_47 = tpu.memref_squeeze %dma_wait3A_46 : memref<1x120xi32, #tpu.memory_space<vmem>> -> memref<120xi32, #tpu.memory_space<vmem>>
        %dma_wait3A_48 = arith.constant 0 : i32
        %dma_wait3A_49 = arith.constant 0 : i32
        %dma_wait3A_50 = tpu.memref_slice %arg8[%dma_wait3A_48, %dma_wait3A_49] : memref<30720x16xf32, #tpu.memory_space<vmem_shared>> -> memref<30720x16xf32, #tpu.memory_space<vmem_shared>>
        tpu.wait_indirect_dma semaphore(%run_scoped3A_34 : memref<!tpu.dma_semaphore, #tpu.memory_space<semaphore_mem>>) src(%dma_wait3A_44 : memref<120x16xf32, #tpu.memory_space<vmem>>) dst(%dma_wait3A_50 : memref<30720x16xf32, #tpu.memory_space<vmem_shared>>)
        tpu.yield
      }) : () -> ()
      %run_scoped3A_31 = arith.constant 5 : i32
      "tpu.region"() ({
        %run_scoped3A_34 = tpu.sem_alloc : memref<!tpu.dma_semaphore, #tpu.memory_space<semaphore_mem>>
        %dma_start3A = arith.constant 600 : i32
        %dma_start3A_35 = arith.constant 0 : i32
        %dma_start3A_36 = tpu.memref_slice %arg7[%dma_start3A, %dma_start3A_35] : memref<960x16xf32, #tpu.memory_space<vmem>> -> memref<120x16xf32, #tpu.memory_space<vmem>>
        %dma_start3A_37 = arith.constant 0 : i32
        %dma_start3A_38 = tpu.memref_slice %arg6[%run_scoped3A_31, %dma_start3A_37] : memref<8x120xi32, #tpu.memory_space<vmem>> -> memref<1x120xi32, #tpu.memory_space<vmem>>
        %dma_start3A_39 = tpu.memref_squeeze %dma_start3A_38 : memref<1x120xi32, #tpu.memory_space<vmem>> -> memref<120xi32, #tpu.memory_space<vmem>>
        %dma_start3A_40 = arith.constant 0 : i32
        %dma_start3A_41 = arith.constant 0 : i32
        %dma_start3A_42 = tpu.memref_slice %arg8[%dma_start3A_40, %dma_start3A_41] : memref<30720x16xf32, #tpu.memory_space<vmem_shared>> -> memref<30720x16xf32, #tpu.memory_space<vmem_shared>>
        tpu.enqueue_indirect_dma source(%dma_start3A_36 : memref<120x16xf32, #tpu.memory_space<vmem>>) target(%dma_start3A_42 : memref<30720x16xf32, #tpu.memory_space<vmem_shared>>) offsets(%dma_start3A_39 : memref<120xi32, #tpu.memory_space<vmem>>) semaphore(%run_scoped3A_34 : memref<!tpu.dma_semaphore, #tpu.memory_space<semaphore_mem>>) {add = true}
        %dma_wait3A = arith.constant 600 : i32
        %dma_wait3A_43 = arith.constant 0 : i32
        %dma_wait3A_44 = tpu.memref_slice %arg7[%dma_wait3A, %dma_wait3A_43] : memref<960x16xf32, #tpu.memory_space<vmem>> -> memref<120x16xf32, #tpu.memory_space<vmem>>
        %dma_wait3A_45 = arith.constant 0 : i32
        %dma_wait3A_46 = tpu.memref_slice %arg6[%run_scoped3A_31, %dma_wait3A_45] : memref<8x120xi32, #tpu.memory_space<vmem>> -> memref<1x120xi32, #tpu.memory_space<vmem>>
        %dma_wait3A_47 = tpu.memref_squeeze %dma_wait3A_46 : memref<1x120xi32, #tpu.memory_space<vmem>> -> memref<120xi32, #tpu.memory_space<vmem>>
        %dma_wait3A_48 = arith.constant 0 : i32
        %dma_wait3A_49 = arith.constant 0 : i32
        %dma_wait3A_50 = tpu.memref_slice %arg8[%dma_wait3A_48, %dma_wait3A_49] : memref<30720x16xf32, #tpu.memory_space<vmem_shared>> -> memref<30720x16xf32, #tpu.memory_space<vmem_shared>>
        tpu.wait_indirect_dma semaphore(%run_scoped3A_34 : memref<!tpu.dma_semaphore, #tpu.memory_space<semaphore_mem>>) src(%dma_wait3A_44 : memref<120x16xf32, #tpu.memory_space<vmem>>) dst(%dma_wait3A_50 : memref<30720x16xf32, #tpu.memory_space<vmem_shared>>)
        tpu.yield
      }) : () -> ()
      %run_scoped3A_32 = arith.constant 6 : i32
      "tpu.region"() ({
        %run_scoped3A_34 = tpu.sem_alloc : memref<!tpu.dma_semaphore, #tpu.memory_space<semaphore_mem>>
        %dma_start3A = arith.constant 720 : i32
        %dma_start3A_35 = arith.constant 0 : i32
        %dma_start3A_36 = tpu.memref_slice %arg7[%dma_start3A, %dma_start3A_35] : memref<960x16xf32, #tpu.memory_space<vmem>> -> memref<120x16xf32, #tpu.memory_space<vmem>>
        %dma_start3A_37 = arith.constant 0 : i32
        %dma_start3A_38 = tpu.memref_slice %arg6[%run_scoped3A_32, %dma_start3A_37] : memref<8x120xi32, #tpu.memory_space<vmem>> -> memref<1x120xi32, #tpu.memory_space<vmem>>
        %dma_start3A_39 = tpu.memref_squeeze %dma_start3A_38 : memref<1x120xi32, #tpu.memory_space<vmem>> -> memref<120xi32, #tpu.memory_space<vmem>>
        %dma_start3A_40 = arith.constant 0 : i32
        %dma_start3A_41 = arith.constant 0 : i32
        %dma_start3A_42 = tpu.memref_slice %arg8[%dma_start3A_40, %dma_start3A_41] : memref<30720x16xf32, #tpu.memory_space<vmem_shared>> -> memref<30720x16xf32, #tpu.memory_space<vmem_shared>>
        tpu.enqueue_indirect_dma source(%dma_start3A_36 : memref<120x16xf32, #tpu.memory_space<vmem>>) target(%dma_start3A_42 : memref<30720x16xf32, #tpu.memory_space<vmem_shared>>) offsets(%dma_start3A_39 : memref<120xi32, #tpu.memory_space<vmem>>) semaphore(%run_scoped3A_34 : memref<!tpu.dma_semaphore, #tpu.memory_space<semaphore_mem>>) {add = true}
        %dma_wait3A = arith.constant 720 : i32
        %dma_wait3A_43 = arith.constant 0 : i32
        %dma_wait3A_44 = tpu.memref_slice %arg7[%dma_wait3A, %dma_wait3A_43] : memref<960x16xf32, #tpu.memory_space<vmem>> -> memref<120x16xf32, #tpu.memory_space<vmem>>
        %dma_wait3A_45 = arith.constant 0 : i32
        %dma_wait3A_46 = tpu.memref_slice %arg6[%run_scoped3A_32, %dma_wait3A_45] : memref<8x120xi32, #tpu.memory_space<vmem>> -> memref<1x120xi32, #tpu.memory_space<vmem>>
        %dma_wait3A_47 = tpu.memref_squeeze %dma_wait3A_46 : memref<1x120xi32, #tpu.memory_space<vmem>> -> memref<120xi32, #tpu.memory_space<vmem>>
        %dma_wait3A_48 = arith.constant 0 : i32
        %dma_wait3A_49 = arith.constant 0 : i32
        %dma_wait3A_50 = tpu.memref_slice %arg8[%dma_wait3A_48, %dma_wait3A_49] : memref<30720x16xf32, #tpu.memory_space<vmem_shared>> -> memref<30720x16xf32, #tpu.memory_space<vmem_shared>>
        tpu.wait_indirect_dma semaphore(%run_scoped3A_34 : memref<!tpu.dma_semaphore, #tpu.memory_space<semaphore_mem>>) src(%dma_wait3A_44 : memref<120x16xf32, #tpu.memory_space<vmem>>) dst(%dma_wait3A_50 : memref<30720x16xf32, #tpu.memory_space<vmem_shared>>)
        tpu.yield
      }) : () -> ()
      %run_scoped3A_33 = arith.constant 7 : i32
      "tpu.region"() ({
        %run_scoped3A_34 = tpu.sem_alloc : memref<!tpu.dma_semaphore, #tpu.memory_space<semaphore_mem>>
        %dma_start3A = arith.constant 840 : i32
        %dma_start3A_35 = arith.constant 0 : i32
        %dma_start3A_36 = tpu.memref_slice %arg7[%dma_start3A, %dma_start3A_35] : memref<960x16xf32, #tpu.memory_space<vmem>> -> memref<120x16xf32, #tpu.memory_space<vmem>>
        %dma_start3A_37 = arith.constant 0 : i32
        %dma_start3A_38 = tpu.memref_slice %arg6[%run_scoped3A_33, %dma_start3A_37] : memref<8x120xi32, #tpu.memory_space<vmem>> -> memref<1x120xi32, #tpu.memory_space<vmem>>
        %dma_start3A_39 = tpu.memref_squeeze %dma_start3A_38 : memref<1x120xi32, #tpu.memory_space<vmem>> -> memref<120xi32, #tpu.memory_space<vmem>>
        %dma_start3A_40 = arith.constant 0 : i32
        %dma_start3A_41 = arith.constant 0 : i32
        %dma_start3A_42 = tpu.memref_slice %arg8[%dma_start3A_40, %dma_start3A_41] : memref<30720x16xf32, #tpu.memory_space<vmem_shared>> -> memref<30720x16xf32, #tpu.memory_space<vmem_shared>>
        tpu.enqueue_indirect_dma source(%dma_start3A_36 : memref<120x16xf32, #tpu.memory_space<vmem>>) target(%dma_start3A_42 : memref<30720x16xf32, #tpu.memory_space<vmem_shared>>) offsets(%dma_start3A_39 : memref<120xi32, #tpu.memory_space<vmem>>) semaphore(%run_scoped3A_34 : memref<!tpu.dma_semaphore, #tpu.memory_space<semaphore_mem>>) {add = true}
        %dma_wait3A = arith.constant 840 : i32
        %dma_wait3A_43 = arith.constant 0 : i32
        %dma_wait3A_44 = tpu.memref_slice %arg7[%dma_wait3A, %dma_wait3A_43] : memref<960x16xf32, #tpu.memory_space<vmem>> -> memref<120x16xf32, #tpu.memory_space<vmem>>
        %dma_wait3A_45 = arith.constant 0 : i32
        %dma_wait3A_46 = tpu.memref_slice %arg6[%run_scoped3A_33, %dma_wait3A_45] : memref<8x120xi32, #tpu.memory_space<vmem>> -> memref<1x120xi32, #tpu.memory_space<vmem>>
        %dma_wait3A_47 = tpu.memref_squeeze %dma_wait3A_46 : memref<1x120xi32, #tpu.memory_space<vmem>> -> memref<120xi32, #tpu.memory_space<vmem>>
        %dma_wait3A_48 = arith.constant 0 : i32
        %dma_wait3A_49 = arith.constant 0 : i32
        %dma_wait3A_50 = tpu.memref_slice %arg8[%dma_wait3A_48, %dma_wait3A_49] : memref<30720x16xf32, #tpu.memory_space<vmem_shared>> -> memref<30720x16xf32, #tpu.memory_space<vmem_shared>>
        tpu.wait_indirect_dma semaphore(%run_scoped3A_34 : memref<!tpu.dma_semaphore, #tpu.memory_space<semaphore_mem>>) src(%dma_wait3A_44 : memref<120x16xf32, #tpu.memory_space<vmem>>) dst(%dma_wait3A_50 : memref<30720x16xf32, #tpu.memory_space<vmem_shared>>)
        tpu.yield
      }) : () -> ()
    }
    %scan3A_7 = arith.constant 16 : i32
    %barrier3A_8 = arith.constant 0 : index
    tpu.barrier barrier_id(%barrier3A_8)
    %mul3A_9 = arith.constant 1920 : i32
    %mul3A_10 = arith.muli %arg1, %mul3A_9 : i32
    %mul3A_11 = arith.constant 30720 : i32
    %mul3A_12 = arith.muli %arg0, %mul3A_11 : i32
    %mul3A_13 = arith.constant 1920 : i32
    %mul3A_14 = arith.muli %arg1, %mul3A_13 : i32
    %add3A_15 = arith.addi %mul3A_12, %mul3A_14 : i32
    "tpu.region"() ({
      %run_scoped3A = tpu.sem_alloc : memref<!tpu.dma_semaphore, #tpu.memory_space<semaphore_mem>>
      %dma_start3A = arith.constant 0 : i32
      %dma_start3A_16 = tpu.memref_slice %arg5[%add3A_15, %dma_start3A] : memref<61440x16xf32, #tpu.memory_space<hbm>> -> memref<1920x16xf32, #tpu.memory_space<hbm>>
      %dma_start3A_17 = arith.constant 0 : i32
      %dma_start3A_18 = tpu.memref_slice %arg8[%mul3A_10, %dma_start3A_17] : memref<30720x16xf32, #tpu.memory_space<vmem_shared>> -> memref<1920x16xf32, #tpu.memory_space<vmem_shared>>
      tpu.enqueue_dma source(%dma_start3A_18 : memref<1920x16xf32, #tpu.memory_space<vmem_shared>>) target(%dma_start3A_16 : memref<1920x16xf32, #tpu.memory_space<hbm>>) target_semaphore(%run_scoped3A : memref<!tpu.dma_semaphore, #tpu.memory_space<semaphore_mem>>)
      %dma_wait3A = arith.constant 0 : i32
      %dma_wait3A_19 = tpu.memref_slice %arg5[%add3A_15, %dma_wait3A] : memref<61440x16xf32, #tpu.memory_space<hbm>> -> memref<1920x16xf32, #tpu.memory_space<hbm>>
      %dma_wait3A_20 = arith.constant 0 : i32
      %dma_wait3A_21 = tpu.memref_slice %arg8[%mul3A_10, %dma_wait3A_20] : memref<30720x16xf32, #tpu.memory_space<vmem_shared>> -> memref<1920x16xf32, #tpu.memory_space<vmem_shared>>
      tpu.wait_dma2 semaphore(%run_scoped3A : memref<!tpu.dma_semaphore, #tpu.memory_space<semaphore_mem>>) src(%dma_wait3A_21 : memref<1920x16xf32, #tpu.memory_space<vmem_shared>>) dst(%dma_wait3A_19 : memref<1920x16xf32, #tpu.memory_space<hbm>>)
      tpu.yield
    }) : () -> ()
    return
  }
}

module attributes {stable_mosaic.version = 14 : i64} {
  func.func @_node_body(%arg0: i32, %arg1: memref<1024x128xf32, #tpu.memory_space<vmem>>, %arg2: memref<1024x3xf32, #tpu.memory_space<vmem>>, %arg3: memref<128x16xf32, #tpu.memory_space<vmem>>, %arg4: memref<1x16xf32, #tpu.memory_space<vmem>>, %arg5: memref<16x16xf32, #tpu.memory_space<vmem>>, %arg6: memref<1x16xf32, #tpu.memory_space<vmem>>, %arg7: memref<1024x32xf32, #tpu.memory_space<vmem>>) attributes {dimension_semantics = [#tpu.dimension_semantics<arbitrary>], iteration_bounds = array<i64: 30>, scalar_prefetch = 0 : i64, scratch_operands = 0 : i64, tpu.core_type = #tpu.core_type<tc>, window_params = [{transform_indices = @transform_0, window_bounds = array<i64: 1024, 128>}, {transform_indices = @transform_1, window_bounds = array<i64: 1024, 3>}, {pipeline_mode = #tpu.pipeline_mode<synchronous>, transform_indices = @transform_2, window_bounds = array<i64: 128, 16>}, {pipeline_mode = #tpu.pipeline_mode<synchronous>, transform_indices = @transform_3, window_bounds = array<i64: 1, 16>}, {pipeline_mode = #tpu.pipeline_mode<synchronous>, transform_indices = @transform_4, window_bounds = array<i64: 16, 16>}, {pipeline_mode = #tpu.pipeline_mode<synchronous>, transform_indices = @transform_5, window_bounds = array<i64: 1, 16>}, {transform_indices = @transform_6, window_bounds = array<i64: 1024, 32>}]} {
    %get3A = arith.constant 0 : index
    %get3A_0 = arith.constant 0 : index
    %get3A_1 = vector.load %arg1[%get3A, %get3A_0] : memref<1024x128xf32, #tpu.memory_space<vmem>>, vector<1024x128xf32>
    %get3A_2 = arith.constant 0 : index
    %get3A_3 = arith.constant 0 : index
    %get3A_4 = vector.load %arg3[%get3A_2, %get3A_3] : memref<128x16xf32, #tpu.memory_space<vmem>>, vector<128x16xf32>
    %get3A_5 = arith.constant 0 : index
    %get3A_6 = arith.constant 0 : index
    %get3A_7 = vector.load %arg4[%get3A_5, %get3A_6] : memref<1x16xf32, #tpu.memory_space<vmem>>, vector<1x16xf32>
    %dot_general3A = arith.constant dense<0.000000e+00> : vector<1024x16xf32>
    %dot_general3A_8 = tpu.matmul %get3A_1, %get3A_4, %dot_general3A {dimension_numbers = #tpu.dot_dimension_numbers<[1], [0], [0], [1], [0, 0, 1, 1], [], []>, transpose_lhs_hint = false} : vector<1024x128xf32>, vector<128x16xf32>, vector<1024x16xf32> -> vector<1024x16xf32>
    %add3A = vector.broadcast %get3A_7 : vector<1x16xf32> to vector<1024x16xf32>
    %add3A_9 = arith.addf %dot_general3A_8, %add3A : vector<1024x16xf32>
    %max3A = arith.constant 0.000000e+00 : f32
    %max3A_10 = vector.broadcast %max3A : f32 to vector<1024x16xf32>
    %max3A_11 = arith.maximumf %add3A_9, %max3A_10 : vector<1024x16xf32>
    %get3A_12 = arith.constant 0 : index
    %get3A_13 = arith.constant 0 : index
    %get3A_14 = vector.load %arg5[%get3A_12, %get3A_13] : memref<16x16xf32, #tpu.memory_space<vmem>>, vector<16x16xf32>
    %get3A_15 = arith.constant 0 : index
    %get3A_16 = arith.constant 0 : index
    %get3A_17 = vector.load %arg6[%get3A_15, %get3A_16] : memref<1x16xf32, #tpu.memory_space<vmem>>, vector<1x16xf32>
    %dot_general3A_18 = arith.constant dense<0.000000e+00> : vector<1024x16xf32>
    %dot_general3A_19 = tpu.matmul %max3A_11, %get3A_14, %dot_general3A_18 {dimension_numbers = #tpu.dot_dimension_numbers<[1], [0], [0], [1], [0, 0, 1, 1], [], []>, transpose_lhs_hint = false} : vector<1024x16xf32>, vector<16x16xf32>, vector<1024x16xf32> -> vector<1024x16xf32>
    %add3A_20 = vector.broadcast %get3A_17 : vector<1x16xf32> to vector<1024x16xf32>
    %add3A_21 = arith.addf %dot_general3A_19, %add3A_20 : vector<1024x16xf32>
    %broadcast_in_dim3A = arith.constant 0.000000e+00 : f32
    %broadcast_in_dim3A_22 = vector.broadcast %broadcast_in_dim3A : f32 to vector<1024x13xf32>
    %get3A_23 = arith.constant 0 : index
    %get3A_24 = arith.constant 0 : index
    %get3A_25 = vector.load %arg2[%get3A_23, %get3A_24] : memref<1024x3xf32, #tpu.memory_space<vmem>>, vector<1024x3xf32>
    %concatenate3A = tpu.concatenate %add3A_21, %get3A_25, %broadcast_in_dim3A_22 in 1 : vector<1024x16xf32>, vector<1024x3xf32>, vector<1024x13xf32> -> vector<1024x32xf32>
    %swap3A = arith.constant 0 : index
    %swap3A_26 = arith.constant 0 : index
    %swap3A_27 = vector.load %arg7[%swap3A, %swap3A_26] : memref<1024x32xf32, #tpu.memory_space<vmem>>, vector<1024x32xf32>
    tpu.vector_store %arg7[%swap3A, %swap3A_26], %concatenate3A {strides = array<i32>} : memref<1024x32xf32, #tpu.memory_space<vmem>>, vector<1024x32xf32>,
    return
  }
  func.func @transform_0(%arg0: i32) -> (i32, i32) {
    %c0_i32 = arith.constant 0 : i32
    %c0_i32_0 = arith.constant 0 : i32
    return %arg0, %c0_i32 : i32, i32
  }
  func.func @transform_1(%arg0: i32) -> (i32, i32) {
    %c0_i32 = arith.constant 0 : i32
    %c0_i32_0 = arith.constant 0 : i32
    return %arg0, %c0_i32 : i32, i32
  }
  func.func @transform_2(%arg0: i32) -> (i32, i32) {
    %c0_i32 = arith.constant 0 : i32
    %c0_i32_0 = arith.constant 0 : i32
    %c0_i32_1 = arith.constant 0 : i32
    return %c0_i32, %c0_i32_0 : i32, i32
  }
  func.func @transform_3(%arg0: i32) -> (i32, i32) {
    %c0_i32 = arith.constant 0 : i32
    %c0_i32_0 = arith.constant 0 : i32
    %c0_i32_1 = arith.constant 0 : i32
    return %c0_i32, %c0_i32_0 : i32, i32
  }
  func.func @transform_4(%arg0: i32) -> (i32, i32) {
    %c0_i32 = arith.constant 0 : i32
    %c0_i32_0 = arith.constant 0 : i32
    %c0_i32_1 = arith.constant 0 : i32
    return %c0_i32, %c0_i32_0 : i32, i32
  }
  func.func @transform_5(%arg0: i32) -> (i32, i32) {
    %c0_i32 = arith.constant 0 : i32
    %c0_i32_0 = arith.constant 0 : i32
    %c0_i32_1 = arith.constant 0 : i32
    return %c0_i32, %c0_i32_0 : i32, i32
  }
  func.func @transform_6(%arg0: i32) -> (i32, i32) {
    %c0_i32 = arith.constant 0 : i32
    %c0_i32_0 = arith.constant 0 : i32
    return %arg0, %c0_i32 : i32, i32
  }
}

module attributes {stable_mosaic.version = 14 : i64} {
  func.func @_edge1_body(%arg0: i32, %arg1: memref<2560x32xf32, #tpu.memory_space<vmem>>, %arg2: memref<2560x32xf32, #tpu.memory_space<vmem>>, %arg3: memref<32x16xf32, #tpu.memory_space<vmem>>, %arg4: memref<1x16xf32, #tpu.memory_space<vmem>>, %arg5: memref<16x16xf32, #tpu.memory_space<vmem>>, %arg6: memref<1x16xf32, #tpu.memory_space<vmem>>, %arg7: memref<48x48xbf16, #tpu.memory_space<vmem>>, %arg8: memref<1x48xf32, #tpu.memory_space<vmem>>, %arg9: memref<48x512xbf16, #tpu.memory_space<vmem>>, %arg10: memref<1x512xf32, #tpu.memory_space<vmem>>, %arg11: memref<16x512xbf16, #tpu.memory_space<vmem>>, %arg12: memref<512x32xbf16, #tpu.memory_space<vmem>>, %arg13: memref<2560x32xf32, #tpu.memory_space<vmem>>, %arg14: memref<2560x32xf32, #tpu.memory_space<vmem>>, %arg15: memref<2560x16xf32, #tpu.memory_space<vmem>>, %arg16: memref<2560x4xf32, #tpu.memory_space<vmem>>) attributes {dimension_semantics = [#tpu.dimension_semantics<arbitrary>], iteration_bounds = array<i64: 192>, scalar_prefetch = 0 : i64, scratch_operands = 0 : i64, tpu.core_type = #tpu.core_type<tc>, window_params = [{transform_indices = @transform_0, window_bounds = array<i64: 2560, 32>}, {transform_indices = @transform_1, window_bounds = array<i64: 2560, 32>}, {pipeline_mode = #tpu.pipeline_mode<synchronous>, transform_indices = @transform_2, window_bounds = array<i64: 32, 16>}, {pipeline_mode = #tpu.pipeline_mode<synchronous>, transform_indices = @transform_3, window_bounds = array<i64: 1, 16>}, {pipeline_mode = #tpu.pipeline_mode<synchronous>, transform_indices = @transform_4, window_bounds = array<i64: 16, 16>}, {pipeline_mode = #tpu.pipeline_mode<synchronous>, transform_indices = @transform_5, window_bounds = array<i64: 1, 16>}, {pipeline_mode = #tpu.pipeline_mode<synchronous>, transform_indices = @transform_6, window_bounds = array<i64: 48, 48>}, {pipeline_mode = #tpu.pipeline_mode<synchronous>, transform_indices = @transform_7, window_bounds = array<i64: 1, 48>}, {pipeline_mode = #tpu.pipeline_mode<synchronous>, transform_indices = @transform_8, window_bounds = array<i64: 48, 512>}, {pipeline_mode = #tpu.pipeline_mode<synchronous>, transform_indices = @transform_9, window_bounds = array<i64: 1, 512>}, {pipeline_mode = #tpu.pipeline_mode<synchronous>, transform_indices = @transform_10, window_bounds = array<i64: 16, 512>}, {pipeline_mode = #tpu.pipeline_mode<synchronous>, transform_indices = @transform_11, window_bounds = array<i64: 512, 32>}, {transform_indices = @transform_12, window_bounds = array<i64: 2560, 32>}, {transform_indices = @transform_13, window_bounds = array<i64: 2560, 32>}, {transform_indices = @transform_14, window_bounds = array<i64: 2560, 16>}, {transform_indices = @transform_15, window_bounds = array<i64: 2560, 4>}]} {
    %get3A = arith.constant 0 : index
    %get3A_0 = arith.constant 0 : index
    %get3A_1 = vector.load %arg1[%get3A, %get3A_0] : memref<2560x32xf32, #tpu.memory_space<vmem>>, vector<2560x32xf32>
    %get3A_2 = arith.constant 0 : index
    %get3A_3 = arith.constant 0 : index
    %get3A_4 = vector.load %arg2[%get3A_2, %get3A_3] : memref<2560x32xf32, #tpu.memory_space<vmem>>, vector<2560x32xf32>
    %slice3A = vector.extract_strided_slice %get3A_4 {offsets = [0, 16], sizes = [2560, 3], strides = [1, 1]} : vector<2560x32xf32> to vector<2560x3xf32>
    %slice3A_5 = vector.extract_strided_slice %get3A_1 {offsets = [0, 16], sizes = [2560, 3], strides = [1, 1]} : vector<2560x32xf32> to vector<2560x3xf32>
    %sub3A = arith.subf %slice3A, %slice3A_5 : vector<2560x3xf32>
    %slice3A_6 = vector.extract_strided_slice %sub3A {offsets = [0, 0], sizes = [2560, 1], strides = [1, 1]} : vector<2560x3xf32> to vector<2560x1xf32>
    %slice3A_7 = vector.extract_strided_slice %sub3A {offsets = [0, 0], sizes = [2560, 1], strides = [1, 1]} : vector<2560x3xf32> to vector<2560x1xf32>
    %mul3A = arith.mulf %slice3A_6, %slice3A_7 : vector<2560x1xf32>
    %slice3A_8 = vector.extract_strided_slice %sub3A {offsets = [0, 1], sizes = [2560, 1], strides = [1, 1]} : vector<2560x3xf32> to vector<2560x1xf32>
    %slice3A_9 = vector.extract_strided_slice %sub3A {offsets = [0, 1], sizes = [2560, 1], strides = [1, 1]} : vector<2560x3xf32> to vector<2560x1xf32>
    %mul3A_10 = arith.mulf %slice3A_8, %slice3A_9 : vector<2560x1xf32>
    %add3A = arith.addf %mul3A, %mul3A_10 : vector<2560x1xf32>
    %slice3A_11 = vector.extract_strided_slice %sub3A {offsets = [0, 2], sizes = [2560, 1], strides = [1, 1]} : vector<2560x3xf32> to vector<2560x1xf32>
    %slice3A_12 = vector.extract_strided_slice %sub3A {offsets = [0, 2], sizes = [2560, 1], strides = [1, 1]} : vector<2560x3xf32> to vector<2560x1xf32>
    %mul3A_13 = arith.mulf %slice3A_11, %slice3A_12 : vector<2560x1xf32>
    %add3A_14 = arith.addf %add3A, %mul3A_13 : vector<2560x1xf32>
    %add3A_15 = arith.constant 9.99999996E-13 : f32
    %add3A_16 = vector.broadcast %add3A_15 : f32 to vector<2560x1xf32>
    %add3A_17 = arith.addf %add3A_14, %add3A_16 : vector<2560x1xf32>
    %sqrt3A = math.sqrt %add3A_17 : vector<2560x1xf32>
    %mul3A_18 = arith.constant 1.73205078 : f32
    %mul3A_19 = vector.broadcast %mul3A_18 : f32 to vector<2560x3xf32>
    %mul3A_20 = arith.mulf %mul3A_19, %sub3A : vector<2560x3xf32>
    %div3A = vector.broadcast %sqrt3A : vector<2560x1xf32> to vector<2560x3xf32>
    %div3A_21 = arith.divf %mul3A_20, %div3A : vector<2560x3xf32>
    %iota3A = tpu.iota {dimensions = array<i32: 1>} : vector<1x32xi32>
    %convert_element_type3A = arith.sitofp %iota3A : vector<1x32xi32> to vector<1x32xf32>
    %mul3A_22 = arith.constant 0.322580636 : f32
    %mul3A_23 = vector.broadcast %mul3A_22 : f32 to vector<1x32xf32>
    %mul3A_24 = arith.mulf %mul3A_23, %convert_element_type3A : vector<1x32xf32>
    %sub3A_25 = vector.broadcast %sqrt3A : vector<2560x1xf32> to vector<2560x32xf32>
    %sub3A_26 = vector.broadcast %mul3A_24 : vector<1x32xf32> to vector<2560x32xf32>
    %sub3A_27 = arith.subf %sub3A_25, %sub3A_26 : vector<2560x32xf32>
    %integer_pow3A = arith.mulf %sub3A_27, %sub3A_27 : vector<2560x32xf32>
    %mul3A_28 = arith.constant -4.805000e+00 : f32
    %mul3A_29 = vector.broadcast %mul3A_28 : f32 to vector<2560x32xf32>
    %mul3A_30 = arith.mulf %mul3A_29, %integer_pow3A : vector<2560x32xf32>
    %exp3A = math.exp %mul3A_30 : vector<2560x32xf32>
    %get3A_31 = arith.constant 0 : index
    %get3A_32 = arith.constant 0 : index
    %get3A_33 = vector.load %arg3[%get3A_31, %get3A_32] : memref<32x16xf32, #tpu.memory_space<vmem>>, vector<32x16xf32>
    %get3A_34 = arith.constant 0 : index
    %get3A_35 = arith.constant 0 : index
    %get3A_36 = vector.load %arg4[%get3A_34, %get3A_35] : memref<1x16xf32, #tpu.memory_space<vmem>>, vector<1x16xf32>
    %dot_general3A = arith.constant dense<0.000000e+00> : vector<2560x16xf32>
    %dot_general3A_37 = tpu.matmul %exp3A, %get3A_33, %dot_general3A {dimension_numbers = #tpu.dot_dimension_numbers<[1], [0], [0], [1], [0, 0, 1, 1], [], []>, transpose_lhs_hint = false} : vector<2560x32xf32>, vector<32x16xf32>, vector<2560x16xf32> -> vector<2560x16xf32>
    %add3A_38 = vector.broadcast %get3A_36 : vector<1x16xf32> to vector<2560x16xf32>
    %add3A_39 = arith.addf %dot_general3A_37, %add3A_38 : vector<2560x16xf32>
    %max3A = arith.constant 0.000000e+00 : f32
    %max3A_40 = vector.broadcast %max3A : f32 to vector<2560x16xf32>
    %max3A_41 = arith.maximumf %add3A_39, %max3A_40 : vector<2560x16xf32>
    %get3A_42 = arith.constant 0 : index
    %get3A_43 = arith.constant 0 : index
    %get3A_44 = vector.load %arg5[%get3A_42, %get3A_43] : memref<16x16xf32, #tpu.memory_space<vmem>>, vector<16x16xf32>
    %get3A_45 = arith.constant 0 : index
    %get3A_46 = arith.constant 0 : index
    %get3A_47 = vector.load %arg6[%get3A_45, %get3A_46] : memref<1x16xf32, #tpu.memory_space<vmem>>, vector<1x16xf32>
    %dot_general3A_48 = arith.constant dense<0.000000e+00> : vector<2560x16xf32>
    %dot_general3A_49 = tpu.matmul %max3A_41, %get3A_44, %dot_general3A_48 {dimension_numbers = #tpu.dot_dimension_numbers<[1], [0], [0], [1], [0, 0, 1, 1], [], []>, transpose_lhs_hint = false} : vector<2560x16xf32>, vector<16x16xf32>, vector<2560x16xf32> -> vector<2560x16xf32>
    %add3A_50 = vector.broadcast %get3A_47 : vector<1x16xf32> to vector<2560x16xf32>
    %add3A_51 = arith.addf %dot_general3A_49, %add3A_50 : vector<2560x16xf32>
    %slice3A_52 = vector.extract_strided_slice %get3A_4 {offsets = [0, 0], sizes = [2560, 16], strides = [1, 1]} : vector<2560x32xf32> to vector<2560x16xf32>
    %slice3A_53 = vector.extract_strided_slice %get3A_1 {offsets = [0, 0], sizes = [2560, 16], strides = [1, 1]} : vector<2560x32xf32> to vector<2560x16xf32>
    %concatenate3A = tpu.concatenate %add3A_51, %slice3A_52, %slice3A_53 in 1 : vector<2560x16xf32>, vector<2560x16xf32>, vector<2560x16xf32> -> vector<2560x48xf32>
    %get3A_54 = arith.constant 0 : index
    %get3A_55 = arith.constant 0 : index
    %get3A_56 = vector.load %arg7[%get3A_54, %get3A_55] : memref<48x48xbf16, #tpu.memory_space<vmem>>, vector<48x48xbf16>
    %get3A_57 = arith.constant 0 : index
    %get3A_58 = arith.constant 0 : index
    %get3A_59 = vector.load %arg8[%get3A_57, %get3A_58] : memref<1x48xf32, #tpu.memory_space<vmem>>, vector<1x48xf32>
    %convert_element_type3A_60 = arith.truncf %concatenate3A : vector<2560x48xf32> to vector<2560x48xbf16>
    %dot_general3A_61 = arith.constant dense<0.000000e+00> : vector<2560x48xf32>
    %dot_general3A_62 = tpu.matmul %convert_element_type3A_60, %get3A_56, %dot_general3A_61 {dimension_numbers = #tpu.dot_dimension_numbers<[1], [0], [0], [1], [0, 0, 1, 1], [], []>, transpose_lhs_hint = false} : vector<2560x48xbf16>, vector<48x48xbf16>, vector<2560x48xf32> -> vector<2560x48xf32>
    %add3A_63 = vector.broadcast %get3A_59 : vector<1x48xf32> to vector<2560x48xf32>
    %add3A_64 = arith.addf %dot_general3A_62, %add3A_63 : vector<2560x48xf32>
    %max3A_65 = arith.constant 0.000000e+00 : f32
    %max3A_66 = vector.broadcast %max3A_65 : f32 to vector<2560x48xf32>
    %max3A_67 = arith.maximumf %add3A_64, %max3A_66 : vector<2560x48xf32>
    %get3A_68 = arith.constant 0 : index
    %get3A_69 = arith.constant 0 : index
    %get3A_70 = vector.load %arg9[%get3A_68, %get3A_69] : memref<48x512xbf16, #tpu.memory_space<vmem>>, vector<48x512xbf16>
    %get3A_71 = arith.constant 0 : index
    %get3A_72 = arith.constant 0 : index
    %get3A_73 = vector.load %arg10[%get3A_71, %get3A_72] : memref<1x512xf32, #tpu.memory_space<vmem>>, vector<1x512xf32>
    %convert_element_type3A_74 = arith.truncf %max3A_67 : vector<2560x48xf32> to vector<2560x48xbf16>
    %dot_general3A_75 = arith.constant dense<0.000000e+00> : vector<2560x512xf32>
    %dot_general3A_76 = tpu.matmul %convert_element_type3A_74, %get3A_70, %dot_general3A_75 {dimension_numbers = #tpu.dot_dimension_numbers<[1], [0], [0], [1], [0, 0, 1, 1], [], []>, transpose_lhs_hint = false} : vector<2560x48xbf16>, vector<48x512xbf16>, vector<2560x512xf32> -> vector<2560x512xf32>
    %add3A_77 = vector.broadcast %get3A_73 : vector<1x512xf32> to vector<2560x512xf32>
    %add3A_78 = arith.addf %dot_general3A_76, %add3A_77 : vector<2560x512xf32>
    %slice3A_79 = vector.extract_strided_slice %get3A_1 {offsets = [0, 0], sizes = [2560, 16], strides = [1, 1]} : vector<2560x32xf32> to vector<2560x16xf32>
    %convert_element_type3A_80 = arith.truncf %slice3A_79 : vector<2560x16xf32> to vector<2560x16xbf16>
    %get3A_81 = arith.constant 0 : index
    %get3A_82 = arith.constant 0 : index
    %get3A_83 = vector.load %arg11[%get3A_81, %get3A_82] : memref<16x512xbf16, #tpu.memory_space<vmem>>, vector<16x512xbf16>
    %dot_general3A_84 = arith.constant dense<0.000000e+00> : vector<2560x512xf32>
    %dot_general3A_85 = tpu.matmul %convert_element_type3A_80, %get3A_83, %dot_general3A_84 {dimension_numbers = #tpu.dot_dimension_numbers<[1], [0], [0], [1], [0, 0, 1, 1], [], []>, transpose_lhs_hint = false} : vector<2560x16xbf16>, vector<16x512xbf16>, vector<2560x512xf32> -> vector<2560x512xf32>
    %mul3A_86 = arith.mulf %dot_general3A_85, %add3A_78 : vector<2560x512xf32>
    %convert_element_type3A_87 = arith.truncf %mul3A_86 : vector<2560x512xf32> to vector<2560x512xbf16>
    %get3A_88 = arith.constant 0 : index
    %get3A_89 = arith.constant 0 : index
    %get3A_90 = vector.load %arg12[%get3A_88, %get3A_89] : memref<512x32xbf16, #tpu.memory_space<vmem>>, vector<512x32xbf16>
    %dot_general3A_91 = arith.constant dense<0.000000e+00> : vector<2560x32xf32>
    %dot_general3A_92 = tpu.matmul %convert_element_type3A_87, %get3A_90, %dot_general3A_91 {dimension_numbers = #tpu.dot_dimension_numbers<[1], [0], [0], [1], [0, 0, 1, 1], [], []>, transpose_lhs_hint = false} : vector<2560x512xbf16>, vector<512x32xbf16>, vector<2560x32xf32> -> vector<2560x32xf32>
    %slice3A_93 = vector.extract_strided_slice %dot_general3A_92 {offsets = [0, 0], sizes = [2560, 16], strides = [1, 1]} : vector<2560x32xf32> to vector<2560x16xf32>
    %slice3A_94 = vector.extract_strided_slice %dot_general3A_92 {offsets = [0, 16], sizes = [2560, 16], strides = [1, 1]} : vector<2560x32xf32> to vector<2560x16xf32>
    %mul3A_95 = arith.constant 2.500000e-01 : f32
    %mul3A_96 = vector.broadcast %mul3A_95 : f32 to vector<2560x16xf32>
    %mul3A_97 = arith.mulf %mul3A_96, %slice3A_93 : vector<2560x16xf32>
    %mul3A_98 = arith.constant 2.500000e-01 : f32
    %mul3A_99 = vector.broadcast %mul3A_98 : f32 to vector<2560x16xf32>
    %mul3A_100 = arith.mulf %mul3A_99, %slice3A_94 : vector<2560x16xf32>
    %slice3A_101 = vector.extract_strided_slice %div3A_21 {offsets = [0, 0], sizes = [2560, 1], strides = [1, 1]} : vector<2560x3xf32> to vector<2560x1xf32>
    %mul3A_102 = vector.broadcast %slice3A_101 : vector<2560x1xf32> to vector<2560x16xf32>
    %mul3A_103 = arith.mulf %mul3A_100, %mul3A_102 : vector<2560x16xf32>
    %concatenate3A_104 = tpu.concatenate %mul3A_97, %mul3A_103 in 1 : vector<2560x16xf32>, vector<2560x16xf32> -> vector<2560x32xf32>
    %swap3A = arith.constant 0 : index
    %swap3A_105 = arith.constant 0 : index
    %swap3A_106 = vector.load %arg13[%swap3A, %swap3A_105] : memref<2560x32xf32, #tpu.memory_space<vmem>>, vector<2560x32xf32>
    tpu.vector_store %arg13[%swap3A, %swap3A_105], %concatenate3A_104 {strides = array<i32>} : memref<2560x32xf32, #tpu.memory_space<vmem>>, vector<2560x32xf32>,
    %mul3A_107 = arith.constant 2.500000e-01 : f32
    %mul3A_108 = vector.broadcast %mul3A_107 : f32 to vector<2560x16xf32>
    %mul3A_109 = arith.mulf %mul3A_108, %slice3A_94 : vector<2560x16xf32>
    %slice3A_110 = vector.extract_strided_slice %div3A_21 {offsets = [0, 1], sizes = [2560, 1], strides = [1, 1]} : vector<2560x3xf32> to vector<2560x1xf32>
    %mul3A_111 = vector.broadcast %slice3A_110 : vector<2560x1xf32> to vector<2560x16xf32>
    %mul3A_112 = arith.mulf %mul3A_109, %mul3A_111 : vector<2560x16xf32>
    %mul3A_113 = arith.constant 2.500000e-01 : f32
    %mul3A_114 = vector.broadcast %mul3A_113 : f32 to vector<2560x16xf32>
    %mul3A_115 = arith.mulf %mul3A_114, %slice3A_94 : vector<2560x16xf32>
    %slice3A_116 = vector.extract_strided_slice %div3A_21 {offsets = [0, 2], sizes = [2560, 1], strides = [1, 1]} : vector<2560x3xf32> to vector<2560x1xf32>
    %mul3A_117 = vector.broadcast %slice3A_116 : vector<2560x1xf32> to vector<2560x16xf32>
    %mul3A_118 = arith.mulf %mul3A_115, %mul3A_117 : vector<2560x16xf32>
    %concatenate3A_119 = tpu.concatenate %mul3A_112, %mul3A_118 in 1 : vector<2560x16xf32>, vector<2560x16xf32> -> vector<2560x32xf32>
    %swap3A_120 = arith.constant 0 : index
    %swap3A_121 = arith.constant 0 : index
    %swap3A_122 = vector.load %arg14[%swap3A_120, %swap3A_121] : memref<2560x32xf32, #tpu.memory_space<vmem>>, vector<2560x32xf32>
    tpu.vector_store %arg14[%swap3A_120, %swap3A_121], %concatenate3A_119 {strides = array<i32>} : memref<2560x32xf32, #tpu.memory_space<vmem>>, vector<2560x32xf32>,
    %swap3A_123 = arith.constant 0 : index
    %swap3A_124 = arith.constant 0 : index
    %swap3A_125 = vector.load %arg15[%swap3A_123, %swap3A_124] : memref<2560x16xf32, #tpu.memory_space<vmem>>, vector<2560x16xf32>
    tpu.vector_store %arg15[%swap3A_123, %swap3A_124], %add3A_51 {strides = array<i32>} : memref<2560x16xf32, #tpu.memory_space<vmem>>, vector<2560x16xf32>,
    %broadcast_in_dim3A = arith.constant 0.000000e+00 : f32
    %broadcast_in_dim3A_126 = vector.broadcast %broadcast_in_dim3A : f32 to vector<2560x1xf32>
    %concatenate3A_127 = tpu.concatenate %div3A_21, %broadcast_in_dim3A_126 in 1 : vector<2560x3xf32>, vector<2560x1xf32> -> vector<2560x4xf32>
    %swap3A_128 = arith.constant 0 : index
    %swap3A_129 = arith.constant 0 : index
    %swap3A_130 = vector.load %arg16[%swap3A_128, %swap3A_129] : memref<2560x4xf32, #tpu.memory_space<vmem>>, vector<2560x4xf32>
    tpu.vector_store %arg16[%swap3A_128, %swap3A_129], %concatenate3A_127 {strides = array<i32>} : memref<2560x4xf32, #tpu.memory_space<vmem>>, vector<2560x4xf32>,
    return
  }
  func.func @transform_0(%arg0: i32) -> (i32, i32) {
    %c0_i32 = arith.constant 0 : i32
    %c0_i32_0 = arith.constant 0 : i32
    return %arg0, %c0_i32 : i32, i32
  }
  func.func @transform_1(%arg0: i32) -> (i32, i32) {
    %c0_i32 = arith.constant 0 : i32
    %c0_i32_0 = arith.constant 0 : i32
    return %arg0, %c0_i32 : i32, i32
  }
  func.func @transform_2(%arg0: i32) -> (i32, i32) {
    %c0_i32 = arith.constant 0 : i32
    %c0_i32_0 = arith.constant 0 : i32
    %c0_i32_1 = arith.constant 0 : i32
    return %c0_i32, %c0_i32_0 : i32, i32
  }
  func.func @transform_3(%arg0: i32) -> (i32, i32) {
    %c0_i32 = arith.constant 0 : i32
    %c0_i32_0 = arith.constant 0 : i32
    %c0_i32_1 = arith.constant 0 : i32
    return %c0_i32, %c0_i32_0 : i32, i32
  }
  func.func @transform_4(%arg0: i32) -> (i32, i32) {
    %c0_i32 = arith.constant 0 : i32
    %c0_i32_0 = arith.constant 0 : i32
    %c0_i32_1 = arith.constant 0 : i32
    return %c0_i32, %c0_i32_0 : i32, i32
  }
  func.func @transform_5(%arg0: i32) -> (i32, i32) {
    %c0_i32 = arith.constant 0 : i32
    %c0_i32_0 = arith.constant 0 : i32
    %c0_i32_1 = arith.constant 0 : i32
    return %c0_i32, %c0_i32_0 : i32, i32
  }
  func.func @transform_6(%arg0: i32) -> (i32, i32) {
    %c0_i32 = arith.constant 0 : i32
    %c0_i32_0 = arith.constant 0 : i32
    %c0_i32_1 = arith.constant 0 : i32
    return %c0_i32, %c0_i32_0 : i32, i32
  }
  func.func @transform_7(%arg0: i32) -> (i32, i32) {
    %c0_i32 = arith.constant 0 : i32
    %c0_i32_0 = arith.constant 0 : i32
    %c0_i32_1 = arith.constant 0 : i32
    return %c0_i32, %c0_i32_0 : i32, i32
  }
  func.func @transform_8(%arg0: i32) -> (i32, i32) {
    %c0_i32 = arith.constant 0 : i32
    %c0_i32_0 = arith.constant 0 : i32
    %c0_i32_1 = arith.constant 0 : i32
    return %c0_i32, %c0_i32_0 : i32, i32
  }
  func.func @transform_9(%arg0: i32) -> (i32, i32) {
    %c0_i32 = arith.constant 0 : i32
    %c0_i32_0 = arith.constant 0 : i32
    %c0_i32_1 = arith.constant 0 : i32
    return %c0_i32, %c0_i32_0 : i32, i32
  }
  func.func @transform_10(%arg0: i32) -> (i32, i32) {
    %c0_i32 = arith.constant 0 : i32
    %c0_i32_0 = arith.constant 0 : i32
    %c0_i32_1 = arith.constant 0 : i32
    return %c0_i32, %c0_i32_0 : i32, i32
  }
  func.func @transform_11(%arg0: i32) -> (i32, i32) {
    %c0_i32 = arith.constant 0 : i32
    %c0_i32_0 = arith.constant 0 : i32
    %c0_i32_1 = arith.constant 0 : i32
    return %c0_i32, %c0_i32_0 : i32, i32
  }
  func.func @transform_12(%arg0: i32) -> (i32, i32) {
    %c0_i32 = arith.constant 0 : i32
    %c0_i32_0 = arith.constant 0 : i32
    return %arg0, %c0_i32 : i32, i32
  }
  func.func @transform_13(%arg0: i32) -> (i32, i32) {
    %c0_i32 = arith.constant 0 : i32
    %c0_i32_0 = arith.constant 0 : i32
    return %arg0, %c0_i32 : i32, i32
  }
  func.func @transform_14(%arg0: i32) -> (i32, i32) {
    %c0_i32 = arith.constant 0 : i32
    %c0_i32_0 = arith.constant 0 : i32
    return %arg0, %c0_i32 : i32, i32
  }
  func.func @transform_15(%arg0: i32) -> (i32, i32) {
    %c0_i32 = arith.constant 0 : i32
    %c0_i32_0 = arith.constant 0 : i32
    return %arg0, %c0_i32 : i32, i32
  }
}

module attributes {stable_mosaic.version = 14 : i64} {
  func.func @_x1_body(%arg0: i32, %arg1: memref<1024x32xf32, #tpu.memory_space<vmem>>, %arg2: memref<1024x32xf32, #tpu.memory_space<vmem>>, %arg3: memref<1024x32xf32, #tpu.memory_space<vmem>>, %arg4: memref<1024x32xf32, #tpu.memory_space<vmem>>, %arg5: memref<1024x32xf32, #tpu.memory_space<vmem>>, %arg6: memref<1024x1xf32, #tpu.memory_space<vmem>>, %arg7: memref<1024x32xf32, #tpu.memory_space<vmem>>, %arg8: memref<1024x32xf32, #tpu.memory_space<vmem>>) attributes {dimension_semantics = [#tpu.dimension_semantics<arbitrary>], iteration_bounds = array<i64: 30>, scalar_prefetch = 0 : i64, scratch_operands = 0 : i64, tpu.core_type = #tpu.core_type<tc>, window_params = [{transform_indices = @transform_0, window_bounds = array<i64: 1024, 32>}, {transform_indices = @transform_1, window_bounds = array<i64: 1024, 32>}, {transform_indices = @transform_2, window_bounds = array<i64: 1024, 32>}, {transform_indices = @transform_3, window_bounds = array<i64: 1024, 32>}, {transform_indices = @transform_4, window_bounds = array<i64: 1024, 32>}, {transform_indices = @transform_5, window_bounds = array<i64: 1024, 1>}, {transform_indices = @transform_6, window_bounds = array<i64: 1024, 32>}, {transform_indices = @transform_7, window_bounds = array<i64: 1024, 32>}]} {
    %get3A = arith.constant 0 : index
    %get3A_0 = arith.constant 0 : index
    %get3A_1 = vector.load %arg1[%get3A, %get3A_0] : memref<1024x32xf32, #tpu.memory_space<vmem>>, vector<1024x16xf32>
    %get3A_2 = arith.constant 0 : index
    %get3A_3 = arith.constant 0 : index
    %get3A_4 = vector.load %arg6[%get3A_2, %get3A_3] : memref<1024x1xf32, #tpu.memory_space<vmem>>, vector<1024x1xf32>
    %max3A = arith.constant 1.000000e+00 : f32
    %max3A_5 = vector.broadcast %max3A : f32 to vector<1024x1xf32>
    %max3A_6 = arith.maximumf %get3A_4, %max3A_5 : vector<1024x1xf32>
    %div3A = arith.constant 1.000000e+00 : f32
    %div3A_7 = vector.broadcast %div3A : f32 to vector<1024x1xf32>
    %div3A_8 = arith.divf %div3A_7, %max3A_6 : vector<1024x1xf32>
    %get3A_9 = arith.constant 0 : index
    %get3A_10 = arith.constant 0 : index
    %get3A_11 = vector.load %arg2[%get3A_9, %get3A_10] : memref<1024x32xf32, #tpu.memory_space<vmem>>, vector<1024x32xf32>
    %get3A_12 = arith.constant 0 : index
    %get3A_13 = arith.constant 0 : index
    %get3A_14 = vector.load %arg3[%get3A_12, %get3A_13] : memref<1024x32xf32, #tpu.memory_space<vmem>>, vector<1024x32xf32>
    %add3A = arith.addf %get3A_11, %get3A_14 : vector<1024x32xf32>
    %mul3A = vector.broadcast %div3A_8 : vector<1024x1xf32> to vector<1024x32xf32>
    %mul3A_15 = arith.mulf %add3A, %mul3A : vector<1024x32xf32>
    %get3A_16 = arith.constant 0 : index
    %get3A_17 = arith.constant 0 : index
    %get3A_18 = vector.load %arg4[%get3A_16, %get3A_17] : memref<1024x32xf32, #tpu.memory_space<vmem>>, vector<1024x32xf32>
    %get3A_19 = arith.constant 0 : index
    %get3A_20 = arith.constant 0 : index
    %get3A_21 = vector.load %arg5[%get3A_19, %get3A_20] : memref<1024x32xf32, #tpu.memory_space<vmem>>, vector<1024x32xf32>
    %add3A_22 = arith.addf %get3A_18, %get3A_21 : vector<1024x32xf32>
    %mul3A_23 = vector.broadcast %div3A_8 : vector<1024x1xf32> to vector<1024x32xf32>
    %mul3A_24 = arith.mulf %add3A_22, %mul3A_23 : vector<1024x32xf32>
    %slice3A = vector.extract_strided_slice %mul3A_15 {offsets = [0, 0], sizes = [1024, 16], strides = [1, 1]} : vector<1024x32xf32> to vector<1024x16xf32>
    %add3A_25 = arith.addf %get3A_1, %slice3A : vector<1024x16xf32>
    %slice3A_26 = vector.extract_strided_slice %mul3A_15 {offsets = [0, 16], sizes = [1024, 16], strides = [1, 1]} : vector<1024x32xf32> to vector<1024x16xf32>
    %concatenate3A = tpu.concatenate %add3A_25, %slice3A_26 in 1 : vector<1024x16xf32>, vector<1024x16xf32> -> vector<1024x32xf32>
    %swap3A = arith.constant 0 : index
    %swap3A_27 = arith.constant 0 : index
    %swap3A_28 = vector.load %arg7[%swap3A, %swap3A_27] : memref<1024x32xf32, #tpu.memory_space<vmem>>, vector<1024x32xf32>
    tpu.vector_store %arg7[%swap3A, %swap3A_27], %concatenate3A {strides = array<i32>} : memref<1024x32xf32, #tpu.memory_space<vmem>>, vector<1024x32xf32>,
    %swap3A_29 = arith.constant 0 : index
    %swap3A_30 = arith.constant 0 : index
    %swap3A_31 = vector.load %arg8[%swap3A_29, %swap3A_30] : memref<1024x32xf32, #tpu.memory_space<vmem>>, vector<1024x32xf32>
    tpu.vector_store %arg8[%swap3A_29, %swap3A_30], %mul3A_24 {strides = array<i32>} : memref<1024x32xf32, #tpu.memory_space<vmem>>, vector<1024x32xf32>,
    return
  }
  func.func @transform_0(%arg0: i32) -> (i32, i32) {
    %c0_i32 = arith.constant 0 : i32
    %c0_i32_0 = arith.constant 0 : i32
    return %arg0, %c0_i32 : i32, i32
  }
  func.func @transform_1(%arg0: i32) -> (i32, i32) {
    %c0_i32 = arith.constant 0 : i32
    %c0_i32_0 = arith.constant 0 : i32
    return %arg0, %c0_i32 : i32, i32
  }
  func.func @transform_2(%arg0: i32) -> (i32, i32) {
    %c0_i32 = arith.constant 0 : i32
    %c0_i32_0 = arith.constant 0 : i32
    return %arg0, %c0_i32 : i32, i32
  }
  func.func @transform_3(%arg0: i32) -> (i32, i32) {
    %c0_i32 = arith.constant 0 : i32
    %c0_i32_0 = arith.constant 0 : i32
    return %arg0, %c0_i32 : i32, i32
  }
  func.func @transform_4(%arg0: i32) -> (i32, i32) {
    %c0_i32 = arith.constant 0 : i32
    %c0_i32_0 = arith.constant 0 : i32
    return %arg0, %c0_i32 : i32, i32
  }
  func.func @transform_5(%arg0: i32) -> (i32, i32) {
    %c0_i32 = arith.constant 0 : i32
    %c0_i32_0 = arith.constant 0 : i32
    return %arg0, %c0_i32 : i32, i32
  }
  func.func @transform_6(%arg0: i32) -> (i32, i32) {
    %c0_i32 = arith.constant 0 : i32
    %c0_i32_0 = arith.constant 0 : i32
    return %arg0, %c0_i32 : i32, i32
  }
  func.func @transform_7(%arg0: i32) -> (i32, i32) {
    %c0_i32 = arith.constant 0 : i32
    %c0_i32_0 = arith.constant 0 : i32
    return %arg0, %c0_i32 : i32, i32
  }
}

module attributes {stable_mosaic.version = 14 : i64} {
  func.func @_edge2_body(%arg0: i32, %arg1: memref<2560x32xf32, #tpu.memory_space<vmem>>, %arg2: memref<2560x32xf32, #tpu.memory_space<vmem>>, %arg3: memref<2560x32xf32, #tpu.memory_space<vmem>>, %arg4: memref<2560x16xf32, #tpu.memory_space<vmem>>, %arg5: memref<2560x4xf32, #tpu.memory_space<vmem>>, %arg6: memref<48x48xbf16, #tpu.memory_space<vmem>>, %arg7: memref<1x48xf32, #tpu.memory_space<vmem>>, %arg8: memref<48x512xbf16, #tpu.memory_space<vmem>>, %arg9: memref<1x512xf32, #tpu.memory_space<vmem>>, %arg10: memref<32x512xbf16, #tpu.memory_space<vmem>>, %arg11: memref<512x16xbf16, #tpu.memory_space<vmem>>, %arg12: memref<2560x16xf32, #tpu.memory_space<vmem>>) attributes {dimension_semantics = [#tpu.dimension_semantics<arbitrary>], iteration_bounds = array<i64: 192>, scalar_prefetch = 0 : i64, scratch_operands = 0 : i64, tpu.core_type = #tpu.core_type<tc>, window_params = [{transform_indices = @transform_0, window_bounds = array<i64: 2560, 32>}, {transform_indices = @transform_1, window_bounds = array<i64: 2560, 32>}, {transform_indices = @transform_2, window_bounds = array<i64: 2560, 32>}, {transform_indices = @transform_3, window_bounds = array<i64: 2560, 16>}, {transform_indices = @transform_4, window_bounds = array<i64: 2560, 4>}, {pipeline_mode = #tpu.pipeline_mode<synchronous>, transform_indices = @transform_5, window_bounds = array<i64: 48, 48>}, {pipeline_mode = #tpu.pipeline_mode<synchronous>, transform_indices = @transform_6, window_bounds = array<i64: 1, 48>}, {pipeline_mode = #tpu.pipeline_mode<synchronous>, transform_indices = @transform_7, window_bounds = array<i64: 48, 512>}, {pipeline_mode = #tpu.pipeline_mode<synchronous>, transform_indices = @transform_8, window_bounds = array<i64: 1, 512>}, {pipeline_mode = #tpu.pipeline_mode<synchronous>, transform_indices = @transform_9, window_bounds = array<i64: 32, 512>}, {pipeline_mode = #tpu.pipeline_mode<synchronous>, transform_indices = @transform_10, window_bounds = array<i64: 512, 16>}, {transform_indices = @transform_11, window_bounds = array<i64: 2560, 16>}]} {
    %get3A = arith.constant 0 : index
    %get3A_0 = arith.constant 0 : index
    %get3A_1 = vector.load %arg1[%get3A, %get3A_0] : memref<2560x32xf32, #tpu.memory_space<vmem>>, vector<2560x32xf32>
    %get3A_2 = arith.constant 0 : index
    %get3A_3 = arith.constant 0 : index
    %get3A_4 = vector.load %arg2[%get3A_2, %get3A_3] : memref<2560x32xf32, #tpu.memory_space<vmem>>, vector<2560x32xf32>
    %get3A_5 = arith.constant 0 : index
    %get3A_6 = arith.constant 0 : index
    %get3A_7 = vector.load %arg4[%get3A_5, %get3A_6] : memref<2560x16xf32, #tpu.memory_space<vmem>>, vector<2560x16xf32>
    %get3A_8 = arith.constant 0 : index
    %get3A_9 = arith.constant 0 : index
    %get3A_10 = vector.load %arg5[%get3A_8, %get3A_9] : memref<2560x4xf32, #tpu.memory_space<vmem>>, vector<2560x4xf32>
    %get3A_11 = arith.constant 0 : index
    %get3A_12 = arith.constant 0 : index
    %get3A_13 = vector.load %arg3[%get3A_11, %get3A_12] : memref<2560x32xf32, #tpu.memory_space<vmem>>, vector<2560x16xf32>
    %slice3A = vector.extract_strided_slice %get3A_1 {offsets = [0, 0], sizes = [2560, 16], strides = [1, 1]} : vector<2560x32xf32> to vector<2560x16xf32>
    %concatenate3A = tpu.concatenate %get3A_7, %get3A_13, %slice3A in 1 : vector<2560x16xf32>, vector<2560x16xf32>, vector<2560x16xf32> -> vector<2560x48xf32>
    %get3A_14 = arith.constant 0 : index
    %get3A_15 = arith.constant 0 : index
    %get3A_16 = vector.load %arg6[%get3A_14, %get3A_15] : memref<48x48xbf16, #tpu.memory_space<vmem>>, vector<48x48xbf16>
    %get3A_17 = arith.constant 0 : index
    %get3A_18 = arith.constant 0 : index
    %get3A_19 = vector.load %arg7[%get3A_17, %get3A_18] : memref<1x48xf32, #tpu.memory_space<vmem>>, vector<1x48xf32>
    %convert_element_type3A = arith.truncf %concatenate3A : vector<2560x48xf32> to vector<2560x48xbf16>
    %dot_general3A = arith.constant dense<0.000000e+00> : vector<2560x48xf32>
    %dot_general3A_20 = tpu.matmul %convert_element_type3A, %get3A_16, %dot_general3A {dimension_numbers = #tpu.dot_dimension_numbers<[1], [0], [0], [1], [0, 0, 1, 1], [], []>, transpose_lhs_hint = false} : vector<2560x48xbf16>, vector<48x48xbf16>, vector<2560x48xf32> -> vector<2560x48xf32>
    %add3A = vector.broadcast %get3A_19 : vector<1x48xf32> to vector<2560x48xf32>
    %add3A_21 = arith.addf %dot_general3A_20, %add3A : vector<2560x48xf32>
    %max3A = arith.constant 0.000000e+00 : f32
    %max3A_22 = vector.broadcast %max3A : f32 to vector<2560x48xf32>
    %max3A_23 = arith.maximumf %add3A_21, %max3A_22 : vector<2560x48xf32>
    %get3A_24 = arith.constant 0 : index
    %get3A_25 = arith.constant 0 : index
    %get3A_26 = vector.load %arg8[%get3A_24, %get3A_25] : memref<48x512xbf16, #tpu.memory_space<vmem>>, vector<48x512xbf16>
    %get3A_27 = arith.constant 0 : index
    %get3A_28 = arith.constant 0 : index
    %get3A_29 = vector.load %arg9[%get3A_27, %get3A_28] : memref<1x512xf32, #tpu.memory_space<vmem>>, vector<1x512xf32>
    %convert_element_type3A_30 = arith.truncf %max3A_23 : vector<2560x48xf32> to vector<2560x48xbf16>
    %dot_general3A_31 = arith.constant dense<0.000000e+00> : vector<2560x512xf32>
    %dot_general3A_32 = tpu.matmul %convert_element_type3A_30, %get3A_26, %dot_general3A_31 {dimension_numbers = #tpu.dot_dimension_numbers<[1], [0], [0], [1], [0, 0, 1, 1], [], []>, transpose_lhs_hint = false} : vector<2560x48xbf16>, vector<48x512xbf16>, vector<2560x512xf32> -> vector<2560x512xf32>
    %add3A_33 = vector.broadcast %get3A_29 : vector<1x512xf32> to vector<2560x512xf32>
    %add3A_34 = arith.addf %dot_general3A_32, %add3A_33 : vector<2560x512xf32>
    %slice3A_35 = vector.extract_strided_slice %get3A_1 {offsets = [0, 0], sizes = [2560, 16], strides = [1, 1]} : vector<2560x32xf32> to vector<2560x16xf32>
    %slice3A_36 = vector.extract_strided_slice %get3A_1 {offsets = [0, 16], sizes = [2560, 16], strides = [1, 1]} : vector<2560x32xf32> to vector<2560x16xf32>
    %slice3A_37 = vector.extract_strided_slice %get3A_4 {offsets = [0, 0], sizes = [2560, 16], strides = [1, 1]} : vector<2560x32xf32> to vector<2560x16xf32>
    %slice3A_38 = vector.extract_strided_slice %get3A_4 {offsets = [0, 16], sizes = [2560, 16], strides = [1, 1]} : vector<2560x32xf32> to vector<2560x16xf32>
    %broadcast_in_dim3A = arith.constant 0.000000e+00 : f32
    %broadcast_in_dim3A_39 = vector.broadcast %broadcast_in_dim3A : f32 to vector<2560x16xf32>
    %slice3A_40 = vector.extract_strided_slice %get3A_10 {offsets = [0, 0], sizes = [2560, 1], strides = [1, 1]} : vector<2560x4xf32> to vector<2560x1xf32>
    %mul3A = vector.broadcast %slice3A_40 : vector<2560x1xf32> to vector<2560x16xf32>
    %mul3A_41 = arith.mulf %slice3A_36, %mul3A : vector<2560x16xf32>
    %add3A_42 = arith.addf %broadcast_in_dim3A_39, %mul3A_41 : vector<2560x16xf32>
    %slice3A_43 = vector.extract_strided_slice %get3A_10 {offsets = [0, 1], sizes = [2560, 1], strides = [1, 1]} : vector<2560x4xf32> to vector<2560x1xf32>
    %mul3A_44 = vector.broadcast %slice3A_43 : vector<2560x1xf32> to vector<2560x16xf32>
    %mul3A_45 = arith.mulf %slice3A_37, %mul3A_44 : vector<2560x16xf32>
    %add3A_46 = arith.addf %add3A_42, %mul3A_45 : vector<2560x16xf32>
    %slice3A_47 = vector.extract_strided_slice %get3A_10 {offsets = [0, 2], sizes = [2560, 1], strides = [1, 1]} : vector<2560x4xf32> to vector<2560x1xf32>
    %mul3A_48 = vector.broadcast %slice3A_47 : vector<2560x1xf32> to vector<2560x16xf32>
    %mul3A_49 = arith.mulf %slice3A_38, %mul3A_48 : vector<2560x16xf32>
    %add3A_50 = arith.addf %add3A_46, %mul3A_49 : vector<2560x16xf32>
    %concatenate3A_51 = tpu.concatenate %slice3A_35, %add3A_50 in 1 : vector<2560x16xf32>, vector<2560x16xf32> -> vector<2560x32xf32>
    %convert_element_type3A_52 = arith.truncf %concatenate3A_51 : vector<2560x32xf32> to vector<2560x32xbf16>
    %get3A_53 = arith.constant 0 : index
    %get3A_54 = arith.constant 0 : index
    %get3A_55 = vector.load %arg10[%get3A_53, %get3A_54] : memref<32x512xbf16, #tpu.memory_space<vmem>>, vector<32x512xbf16>
    %dot_general3A_56 = arith.constant dense<0.000000e+00> : vector<2560x512xf32>
    %dot_general3A_57 = tpu.matmul %convert_element_type3A_52, %get3A_55, %dot_general3A_56 {dimension_numbers = #tpu.dot_dimension_numbers<[1], [0], [0], [1], [0, 0, 1, 1], [], []>, transpose_lhs_hint = false} : vector<2560x32xbf16>, vector<32x512xbf16>, vector<2560x512xf32> -> vector<2560x512xf32>
    %mul3A_58 = arith.mulf %dot_general3A_57, %add3A_34 : vector<2560x512xf32>
    %convert_element_type3A_59 = arith.truncf %mul3A_58 : vector<2560x512xf32> to vector<2560x512xbf16>
    %get3A_60 = arith.constant 0 : index
    %get3A_61 = arith.constant 0 : index
    %get3A_62 = vector.load %arg11[%get3A_60, %get3A_61] : memref<512x16xbf16, #tpu.memory_space<vmem>>, vector<512x16xbf16>
    %dot_general3A_63 = arith.constant dense<0.000000e+00> : vector<2560x16xf32>
    %dot_general3A_64 = tpu.matmul %convert_element_type3A_59, %get3A_62, %dot_general3A_63 {dimension_numbers = #tpu.dot_dimension_numbers<[1], [0], [0], [1], [0, 0, 1, 1], [], []>, transpose_lhs_hint = false} : vector<2560x512xbf16>, vector<512x16xbf16>, vector<2560x16xf32> -> vector<2560x16xf32>
    %mul3A_65 = arith.constant 0.176776692 : f32
    %mul3A_66 = vector.broadcast %mul3A_65 : f32 to vector<2560x16xf32>
    %mul3A_67 = arith.mulf %mul3A_66, %dot_general3A_64 : vector<2560x16xf32>
    %swap3A = arith.constant 0 : index
    %swap3A_68 = arith.constant 0 : index
    %swap3A_69 = vector.load %arg12[%swap3A, %swap3A_68] : memref<2560x16xf32, #tpu.memory_space<vmem>>, vector<2560x16xf32>
    tpu.vector_store %arg12[%swap3A, %swap3A_68], %mul3A_67 {strides = array<i32>} : memref<2560x16xf32, #tpu.memory_space<vmem>>, vector<2560x16xf32>,
    return
  }
  func.func @transform_0(%arg0: i32) -> (i32, i32) {
    %c0_i32 = arith.constant 0 : i32
    %c0_i32_0 = arith.constant 0 : i32
    return %arg0, %c0_i32 : i32, i32
  }
  func.func @transform_1(%arg0: i32) -> (i32, i32) {
    %c0_i32 = arith.constant 0 : i32
    %c0_i32_0 = arith.constant 0 : i32
    return %arg0, %c0_i32 : i32, i32
  }
  func.func @transform_2(%arg0: i32) -> (i32, i32) {
    %c0_i32 = arith.constant 0 : i32
    %c0_i32_0 = arith.constant 0 : i32
    return %arg0, %c0_i32 : i32, i32
  }
  func.func @transform_3(%arg0: i32) -> (i32, i32) {
    %c0_i32 = arith.constant 0 : i32
    %c0_i32_0 = arith.constant 0 : i32
    return %arg0, %c0_i32 : i32, i32
  }
  func.func @transform_4(%arg0: i32) -> (i32, i32) {
    %c0_i32 = arith.constant 0 : i32
    %c0_i32_0 = arith.constant 0 : i32
    return %arg0, %c0_i32 : i32, i32
  }
  func.func @transform_5(%arg0: i32) -> (i32, i32) {
    %c0_i32 = arith.constant 0 : i32
    %c0_i32_0 = arith.constant 0 : i32
    %c0_i32_1 = arith.constant 0 : i32
    return %c0_i32, %c0_i32_0 : i32, i32
  }
  func.func @transform_6(%arg0: i32) -> (i32, i32) {
    %c0_i32 = arith.constant 0 : i32
    %c0_i32_0 = arith.constant 0 : i32
    %c0_i32_1 = arith.constant 0 : i32
    return %c0_i32, %c0_i32_0 : i32, i32
  }
  func.func @transform_7(%arg0: i32) -> (i32, i32) {
    %c0_i32 = arith.constant 0 : i32
    %c0_i32_0 = arith.constant 0 : i32
    %c0_i32_1 = arith.constant 0 : i32
    return %c0_i32, %c0_i32_0 : i32, i32
  }
  func.func @transform_8(%arg0: i32) -> (i32, i32) {
    %c0_i32 = arith.constant 0 : i32
    %c0_i32_0 = arith.constant 0 : i32
    %c0_i32_1 = arith.constant 0 : i32
    return %c0_i32, %c0_i32_0 : i32, i32
  }
  func.func @transform_9(%arg0: i32) -> (i32, i32) {
    %c0_i32 = arith.constant 0 : i32
    %c0_i32_0 = arith.constant 0 : i32
    %c0_i32_1 = arith.constant 0 : i32
    return %c0_i32, %c0_i32_0 : i32, i32
  }
  func.func @transform_10(%arg0: i32) -> (i32, i32) {
    %c0_i32 = arith.constant 0 : i32
    %c0_i32_0 = arith.constant 0 : i32
    %c0_i32_1 = arith.constant 0 : i32
    return %c0_i32, %c0_i32_0 : i32, i32
  }
  func.func @transform_11(%arg0: i32) -> (i32, i32) {
    %c0_i32 = arith.constant 0 : i32
    %c0_i32_0 = arith.constant 0 : i32
    return %arg0, %c0_i32 : i32, i32
  }
}

module attributes {stable_mosaic.version = 14 : i64} {
  func.func @_final_body(%arg0: i32, %arg1: memref<1024x32xf32, #tpu.memory_space<vmem>>, %arg2: memref<1024x16xf32, #tpu.memory_space<vmem>>, %arg3: memref<1024x16xf32, #tpu.memory_space<vmem>>, %arg4: memref<1024x1xf32, #tpu.memory_space<vmem>>, %arg5: memref<1024x1xf32, #tpu.memory_space<vmem>>, %arg6: memref<16x32xf32, #tpu.memory_space<vmem>>, %arg7: memref<1x32xf32, #tpu.memory_space<vmem>>, %arg8: memref<32x16xf32, #tpu.memory_space<vmem>>, %arg9: memref<1x16xf32, #tpu.memory_space<vmem>>, %arg10: memref<16x1xf32, #tpu.memory_space<vmem>>, %arg11: memref<1x1xf32, #tpu.memory_space<vmem>>, %arg12: memref<1x48xf32, #tpu.memory_space<vmem>>) attributes {dimension_semantics = [#tpu.dimension_semantics<arbitrary>], iteration_bounds = array<i64: 30>, scalar_prefetch = 0 : i64, scratch_operands = 0 : i64, tpu.core_type = #tpu.core_type<tc>, window_params = [{transform_indices = @transform_0, window_bounds = array<i64: 1024, 32>}, {transform_indices = @transform_1, window_bounds = array<i64: 1024, 16>}, {transform_indices = @transform_2, window_bounds = array<i64: 1024, 16>}, {transform_indices = @transform_3, window_bounds = array<i64: 1024, 1>}, {transform_indices = @transform_4, window_bounds = array<i64: 1024, 1>}, {pipeline_mode = #tpu.pipeline_mode<synchronous>, transform_indices = @transform_5, window_bounds = array<i64: 16, 32>}, {pipeline_mode = #tpu.pipeline_mode<synchronous>, transform_indices = @transform_6, window_bounds = array<i64: 1, 32>}, {pipeline_mode = #tpu.pipeline_mode<synchronous>, transform_indices = @transform_7, window_bounds = array<i64: 32, 16>}, {pipeline_mode = #tpu.pipeline_mode<synchronous>, transform_indices = @transform_8, window_bounds = array<i64: 1, 16>}, {pipeline_mode = #tpu.pipeline_mode<synchronous>, transform_indices = @transform_9, window_bounds = array<i64: 16, 1>}, {pipeline_mode = #tpu.pipeline_mode<synchronous>, transform_indices = @transform_10, window_bounds = array<i64: 1, 1>}, {pipeline_mode = #tpu.pipeline_mode<synchronous>, transform_indices = @transform_11, window_bounds = array<i64: 1, 48>}]} {
    %get3A = arith.constant 0 : index
    %get3A_0 = arith.constant 0 : index
    %get3A_1 = vector.load %arg4[%get3A, %get3A_0] : memref<1024x1xf32, #tpu.memory_space<vmem>>, vector<1024x1xf32>
    %max3A = arith.constant 1.000000e+00 : f32
    %max3A_2 = vector.broadcast %max3A : f32 to vector<1024x1xf32>
    %max3A_3 = arith.maximumf %get3A_1, %max3A_2 : vector<1024x1xf32>
    %div3A = arith.constant 1.000000e+00 : f32
    %div3A_4 = vector.broadcast %div3A : f32 to vector<1024x1xf32>
    %div3A_5 = arith.divf %div3A_4, %max3A_3 : vector<1024x1xf32>
    %get3A_6 = arith.constant 0 : index
    %get3A_7 = arith.constant 0 : index
    %get3A_8 = vector.load %arg1[%get3A_6, %get3A_7] : memref<1024x32xf32, #tpu.memory_space<vmem>>, vector<1024x16xf32>
    %get3A_9 = arith.constant 0 : index
    %get3A_10 = arith.constant 0 : index
    %get3A_11 = vector.load %arg2[%get3A_9, %get3A_10] : memref<1024x16xf32, #tpu.memory_space<vmem>>, vector<1024x16xf32>
    %get3A_12 = arith.constant 0 : index
    %get3A_13 = arith.constant 0 : index
    %get3A_14 = vector.load %arg3[%get3A_12, %get3A_13] : memref<1024x16xf32, #tpu.memory_space<vmem>>, vector<1024x16xf32>
    %add3A = arith.addf %get3A_11, %get3A_14 : vector<1024x16xf32>
    %mul3A = vector.broadcast %div3A_5 : vector<1024x1xf32> to vector<1024x16xf32>
    %mul3A_15 = arith.mulf %add3A, %mul3A : vector<1024x16xf32>
    %add3A_16 = arith.addf %get3A_8, %mul3A_15 : vector<1024x16xf32>
    %get3A_17 = arith.constant 0 : index
    %get3A_18 = arith.constant 0 : index
    %get3A_19 = vector.load %arg6[%get3A_17, %get3A_18] : memref<16x32xf32, #tpu.memory_space<vmem>>, vector<16x32xf32>
    %get3A_20 = arith.constant 0 : index
    %get3A_21 = arith.constant 0 : index
    %get3A_22 = vector.load %arg7[%get3A_20, %get3A_21] : memref<1x32xf32, #tpu.memory_space<vmem>>, vector<1x32xf32>
    %dot_general3A = arith.constant dense<0.000000e+00> : vector<1024x32xf32>
    %dot_general3A_23 = tpu.matmul %add3A_16, %get3A_19, %dot_general3A {dimension_numbers = #tpu.dot_dimension_numbers<[1], [0], [0], [1], [0, 0, 1, 1], [], []>, transpose_lhs_hint = false} : vector<1024x16xf32>, vector<16x32xf32>, vector<1024x32xf32> -> vector<1024x32xf32>
    %add3A_24 = vector.broadcast %get3A_22 : vector<1x32xf32> to vector<1024x32xf32>
    %add3A_25 = arith.addf %dot_general3A_23, %add3A_24 : vector<1024x32xf32>
    %max3A_26 = arith.constant 0.000000e+00 : f32
    %max3A_27 = vector.broadcast %max3A_26 : f32 to vector<1024x32xf32>
    %max3A_28 = arith.maximumf %add3A_25, %max3A_27 : vector<1024x32xf32>
    %get3A_29 = arith.constant 0 : index
    %get3A_30 = arith.constant 0 : index
    %get3A_31 = vector.load %arg8[%get3A_29, %get3A_30] : memref<32x16xf32, #tpu.memory_space<vmem>>, vector<32x16xf32>
    %get3A_32 = arith.constant 0 : index
    %get3A_33 = arith.constant 0 : index
    %get3A_34 = vector.load %arg9[%get3A_32, %get3A_33] : memref<1x16xf32, #tpu.memory_space<vmem>>, vector<1x16xf32>
    %dot_general3A_35 = arith.constant dense<0.000000e+00> : vector<1024x16xf32>
    %dot_general3A_36 = tpu.matmul %max3A_28, %get3A_31, %dot_general3A_35 {dimension_numbers = #tpu.dot_dimension_numbers<[1], [0], [0], [1], [0, 0, 1, 1], [], []>, transpose_lhs_hint = false} : vector<1024x32xf32>, vector<32x16xf32>, vector<1024x16xf32> -> vector<1024x16xf32>
    %add3A_37 = vector.broadcast %get3A_34 : vector<1x16xf32> to vector<1024x16xf32>
    %add3A_38 = arith.addf %dot_general3A_36, %add3A_37 : vector<1024x16xf32>
    %max3A_39 = arith.constant 0.000000e+00 : f32
    %max3A_40 = vector.broadcast %max3A_39 : f32 to vector<1024x16xf32>
    %max3A_41 = arith.maximumf %add3A_38, %max3A_40 : vector<1024x16xf32>
    %get3A_42 = arith.constant 0 : index
    %get3A_43 = arith.constant 0 : index
    %get3A_44 = vector.load %arg10[%get3A_42, %get3A_43] : memref<16x1xf32, #tpu.memory_space<vmem>>, vector<16x1xf32>
    %get3A_45 = arith.constant 0 : index
    %get3A_46 = arith.constant 0 : index
    %get3A_47 = vector.load %arg11[%get3A_45, %get3A_46] : memref<1x1xf32, #tpu.memory_space<vmem>>, vector<1x1xf32>
    %dot_general3A_48 = arith.constant dense<0.000000e+00> : vector<1024x1xf32>
    %dot_general3A_49 = tpu.matmul %max3A_41, %get3A_44, %dot_general3A_48 {dimension_numbers = #tpu.dot_dimension_numbers<[1], [0], [0], [1], [0, 0, 1, 1], [], []>, transpose_lhs_hint = false} : vector<1024x16xf32>, vector<16x1xf32>, vector<1024x1xf32> -> vector<1024x1xf32>
    %add3A_50 = vector.broadcast %get3A_47 : vector<1x1xf32> to vector<1024x1xf32>
    %add3A_51 = arith.addf %dot_general3A_49, %add3A_50 : vector<1024x1xf32>
    %iota3A = tpu.iota {dimensions = array<i32: 1>} : vector<1x48xi32>
    %convert_element_type3A = arith.sitofp %iota3A : vector<1x48xi32> to vector<1x48xf32>
    %get3A_52 = arith.constant 0 : index
    %get3A_53 = arith.constant 0 : index
    %get3A_54 = vector.load %arg5[%get3A_52, %get3A_53] : memref<1024x1xf32, #tpu.memory_space<vmem>>, vector<1024x1xf32>
    %eq3A = vector.broadcast %get3A_54 : vector<1024x1xf32> to vector<1024x48xf32>
    %eq3A_55 = vector.broadcast %convert_element_type3A : vector<1x48xf32> to vector<1024x48xf32>
    %eq3A_56 = arith.cmpf oeq, %eq3A, %eq3A_55 : vector<1024x48xf32>
    %convert_element_type3A_57 = arith.extui %eq3A_56 : vector<1024x48xi1> to vector<1024x48xi32>
    %convert_element_type3A_58 = arith.sitofp %convert_element_type3A_57 : vector<1024x48xi32> to vector<1024x48xf32>
    %mul3A_59 = vector.broadcast %add3A_51 : vector<1024x1xf32> to vector<1024x48xf32>
    %mul3A_60 = arith.mulf %convert_element_type3A_58, %mul3A_59 : vector<1024x48xf32>
    %reduce_sum3A = arith.constant dense<0.000000e+00> : vector<48xf32>
    %reduce_sum3A_61 = vector.multi_reduction <add>, %mul3A_60, %reduce_sum3A [0] : vector<1024x48xf32> to vector<48xf32>
    %broadcast_in_dim3A = vector.shape_cast %reduce_sum3A_61 : vector<48xf32> to vector<1x48xf32>
    %eq3A_62 = arith.constant 0 : i32
    %eq3A_63 = arith.cmpi eq, %arg0, %eq3A_62 : i32
    %convert_element_type3A_64 = arith.extui %eq3A_63 : i1 to i32
    %cond3A = arith.constant 0 : i32
    %cond3A_65 = arith.cmpi ne, %convert_element_type3A_64, %cond3A : i32
    scf.if %cond3A_65 {
      %broadcast_in_dim3A_72 = arith.constant 0.000000e+00 : f32
      %broadcast_in_dim3A_73 = vector.broadcast %broadcast_in_dim3A_72 : f32 to vector<1x48xf32>
      %swap3A_74 = arith.constant 0 : index
      %swap3A_75 = arith.constant 0 : index
      %swap3A_76 = vector.load %arg12[%swap3A_74, %swap3A_75] : memref<1x48xf32, #tpu.memory_space<vmem>>, vector<1x48xf32>
      tpu.vector_store %arg12[%swap3A_74, %swap3A_75], %broadcast_in_dim3A_73 {strides = array<i32>} : memref<1x48xf32, #tpu.memory_space<vmem>>, vector<1x48xf32>,
    } else {
    }
    %get3A_66 = arith.constant 0 : index
    %get3A_67 = arith.constant 0 : index
    %get3A_68 = vector.load %arg12[%get3A_66, %get3A_67] : memref<1x48xf32, #tpu.memory_space<vmem>>, vector<1x48xf32>
    %add3A_69 = arith.addf %get3A_68, %broadcast_in_dim3A : vector<1x48xf32>
    %swap3A = arith.constant 0 : index
    %swap3A_70 = arith.constant 0 : index
    %swap3A_71 = vector.load %arg12[%swap3A, %swap3A_70] : memref<1x48xf32, #tpu.memory_space<vmem>>, vector<1x48xf32>
    tpu.vector_store %arg12[%swap3A, %swap3A_70], %add3A_69 {strides = array<i32>} : memref<1x48xf32, #tpu.memory_space<vmem>>, vector<1x48xf32>,
    return
  }
  func.func @transform_0(%arg0: i32) -> (i32, i32) {
    %c0_i32 = arith.constant 0 : i32
    %c0_i32_0 = arith.constant 0 : i32
    return %arg0, %c0_i32 : i32, i32
  }
  func.func @transform_1(%arg0: i32) -> (i32, i32) {
    %c0_i32 = arith.constant 0 : i32
    %c0_i32_0 = arith.constant 0 : i32
    return %arg0, %c0_i32 : i32, i32
  }
  func.func @transform_2(%arg0: i32) -> (i32, i32) {
    %c0_i32 = arith.constant 0 : i32
    %c0_i32_0 = arith.constant 0 : i32
    return %arg0, %c0_i32 : i32, i32
  }
  func.func @transform_3(%arg0: i32) -> (i32, i32) {
    %c0_i32 = arith.constant 0 : i32
    %c0_i32_0 = arith.constant 0 : i32
    return %arg0, %c0_i32 : i32, i32
  }
  func.func @transform_4(%arg0: i32) -> (i32, i32) {
    %c0_i32 = arith.constant 0 : i32
    %c0_i32_0 = arith.constant 0 : i32
    return %arg0, %c0_i32 : i32, i32
  }
  func.func @transform_5(%arg0: i32) -> (i32, i32) {
    %c0_i32 = arith.constant 0 : i32
    %c0_i32_0 = arith.constant 0 : i32
    %c0_i32_1 = arith.constant 0 : i32
    return %c0_i32, %c0_i32_0 : i32, i32
  }
  func.func @transform_6(%arg0: i32) -> (i32, i32) {
    %c0_i32 = arith.constant 0 : i32
    %c0_i32_0 = arith.constant 0 : i32
    %c0_i32_1 = arith.constant 0 : i32
    return %c0_i32, %c0_i32_0 : i32, i32
  }
  func.func @transform_7(%arg0: i32) -> (i32, i32) {
    %c0_i32 = arith.constant 0 : i32
    %c0_i32_0 = arith.constant 0 : i32
    %c0_i32_1 = arith.constant 0 : i32
    return %c0_i32, %c0_i32_0 : i32, i32
  }
  func.func @transform_8(%arg0: i32) -> (i32, i32) {
    %c0_i32 = arith.constant 0 : i32
    %c0_i32_0 = arith.constant 0 : i32
    %c0_i32_1 = arith.constant 0 : i32
    return %c0_i32, %c0_i32_0 : i32, i32
  }
  func.func @transform_9(%arg0: i32) -> (i32, i32) {
    %c0_i32 = arith.constant 0 : i32
    %c0_i32_0 = arith.constant 0 : i32
    %c0_i32_1 = arith.constant 0 : i32
    return %c0_i32, %c0_i32_0 : i32, i32
  }
  func.func @transform_10(%arg0: i32) -> (i32, i32) {
    %c0_i32 = arith.constant 0 : i32
    %c0_i32_0 = arith.constant 0 : i32
    %c0_i32_1 = arith.constant 0 : i32
    return %c0_i32, %c0_i32_0 : i32, i32
  }
  func.func @transform_11(%arg0: i32) -> (i32, i32) {
    %c0_i32 = arith.constant 0 : i32
    %c0_i32_0 = arith.constant 0 : i32
    %c0_i32_1 = arith.constant 0 : i32
    return %c0_i32, %c0_i32_0 : i32, i32
  }
}

</mosaic_0001>

<sc_bundles>
// kernel: kernel.11.cloned.1.call-start
scs
__scs_entry_jumppad:
0x0: {  	(pc) =	sbr.rel $0x88, $3  }
0x1: {  	(tag) =	ssettag $0x0;
	lr =	simm.s32 $0x1  }
0x2: {  	[smem:$0x3F7F] =	sst lr;
	_ =	strace $0xD0000000  }
0x3: {  	_ = 	snop  }
0x4: {  	_ = 	snop  }
0x5: {  	_ = 	snop  }
0x6: {  	_ = 	snop  }
0x7: {  	_ = 	snop  }
__scs_overlays_trampoline_lowered:
0x8: {  	[smem:$0x3F8E] =	sst s0  }
0x9: {  	[smem:$0x3F8F] =	sst s1  }
0xa: {  	[smem:$0x3F90] =	sst s2  }
0xb: {  	[smem:$0x3F91] =	sst s3  }
0xc: {  	[smem:$0x3F92] =	sst s4  }
0xd: {  	[smem:$0x3F93] =	sst s5  }
0xe: {  	[smem:$0x3F94] =	sst s6  }
0xf: {  	[smem:$0x3F95] =	sst s7  }
0x10: {  	[smem:$0x3F96] =	sst s8  }
0x11: {  	[smem:$0x3F97] =	sst s9;
	s0 =	simm.s32 @!p0 $0x0  }
0x12: {  	s1 =	sld [smem:$0x3F7D];
	s0 =	simm.s32 @p0 $0x1  }
0x13: {  	[smem:$0x3F98] =	sst s0;
	s0 =	simm.s32 @!p1 $0x0  }
0x14: {  	s2 =	sld [smem:$0x3F7C];
	s0 =	simm.s32 @p1 $0x1  }
0x15: {  	[smem:$0x3F99] =	sst s0;
	s0 =	simm.s32 @!p2 $0x0  }
0x16: {  	s3 =	sld [smem:$0x3FDB];
	s0 =	simm.s32 @p2 $0x1  }
0x17: {  	s4 =	simm.s32 $0x1BF5;
	[smem:$0x3F9B] =	sst s0  }
0x18: {  	s0 =	sld [smem:$0x3F7E];
	_ =	swait.ge [sflag:s4], $0x0  }
0x19: {  	s7 =	sld [smem:$0x3F7F]  }
0x1a: {  	s8 =	sadd.s32 $0xFFFFE003, lr  }
0x1b: {  	s9 =	sadd.s32 $0xFFFFFEF7, lr;
	s5 =	simm.s32 $0xFFFFFFFF;
	p2 =	slt.u32 s8, $0xFFFFF086  }
0x1c: {  	p1 =	slt.u32 s9, $0xF7A;
	s5 =	simm.s32 @!p2 $0x0  }
0x1d: {  	s5 =	simm.s32 @p1 $0x1;
	p0 =	seq.s32 s7, s2  }
0x1e: {  	s7 =	smul.u32 @!p0 $0xF7A, s2;
	p2 =	seq.s32 @!p0 s5, $0x0  }
0x1f: {  	s9 =	smul.u32 $0xF7A, s1;
	s8 =	simm.s32 @!p0 $0x1BF5;
	p2 =	por !p2, p0  }
0x20: {  	[sflag:s8] =	ssyncset.s32 @!p0 $0xFFFFF086;
	s6 =	sadd.s32 @!p0 s3, s7;
	s7 =	simm.s32 @!p0 $0x108  }
0x21: {  	s3 =	sadd.s32 s3, s9;
	s6 =	sadd.s32 @!p0 $0x88, s6;
	s7 =	simm.s32 @p2 $0x1082  }
0x22: {  	[simem:s7], [sflag:s8] =	dma.local @!p0 [hbm:s6], $0xF7A  }
0x23: {  	s9 =	sor.u32 $0xD0000000, s2;
	s6 =	simm.s32 $0x108;
	_ =	swait.ge @!p0 [sflag:s8], $0x0  }
0x24: {  	s3 =	sadd.s32 $0x88, s3;
	s6 =	simm.s32 @!p1 $0x1082;
	[sflag:s4] =	ssyncset.s32 $0xFFFFF086  }
0x25: {  	[simem:s6], [sflag:s4] =	dma.local [hbm:s3], $0xF7A  }
0x26: {  	[smem:$0x3F7F] =	sst s1;
	(tag) =	ssettag s2;
	_ =	strace s9  }
0x27: {  	s1 =	sld [smem:$0x3F8F]  }
0x28: {  	s2 =	sld [smem:$0x3F90]  }
0x29: {  	s4 =	sld [smem:$0x3F92]  }
0x2a: {  	p0 =	seq.s32 s5, $0x0;
	s5 =	sld [smem:$0x3F93]  }
0x2b: {  	s6 =	sld [smem:$0x3F94]  }
0x2c: {  	s7 =	sld [smem:$0x3F95]  }
0x2d: {  	s3 =	simm.s32 $0x108;
	s8 =	sld [smem:$0x3F96]  }
0x2e: {  	s3 =	simm.s32 @!p0 $0x1082;
	s9 =	sld [smem:$0x3F97]  }
0x2f: {  	lr =	sadd.s32 s0, s3;
	s0 =	sld [smem:$0x3F8E]  }
0x30: {  	s3 =	sld [smem:$0x3F91]  }
0x31: {  	[smem:$0x3F9A] =	sst s10  }
0x32: {  	s10 =	sld [smem:$0x3F98];
	_ =	sdelay $0x3  }
0x33: {  	p0 =	seq.s32 s10, $0x1;
	s10 =	sld [smem:$0x3F9A];
	_ =	sdelay $0x3  }
0x34: {  	[smem:$0x3F9A] =	sst s10  }
0x35: {  	s10 =	sld [smem:$0x3F99];
	_ =	sdelay $0x3  }
0x36: {  	p1 =	seq.s32 s10, $0x1;
	s10 =	sld [smem:$0x3F9A];
	_ =	sdelay $0x3  }
0x37: {  	[smem:$0x3F9A] =	sst s10  }
0x38: {  	s10 =	sld [smem:$0x3F9B]  }
0x39: {  	_ = 	snop;
	(pc) =	sbr.ind lr, $3  }
0x3a: {  	_ = 	snop  }
0x3b: {  	_ = 	snop  }
0x3c: {  	p2 =	seq.s32 s10, $0x1;
	s10 =	sld [smem:$0x3F9A]  }
0x3d: {  	_ =	shalt  }
0x3e: {  	_ =	shalt  }
0x3f: {  	_ =	shalt  }
0x40: {  	_ =	shalt  }
0x41: {  	_ =	shalt  }
0x42: {  	_ =	shalt  }
0x43: {  	_ =	shalt  }
0x44: {  	_ =	shalt  }
0x45: {  	_ =	shalt  }
0x46: {  	_ =	shalt  }
0x47: {  	_ =	shalt  }
0x48: {  	_ =	shalt  }
0x49: {  	_ =	shalt  }
0x4a: {  	_ =	shalt  }
0x4b: {  	_ =	shalt  }
0x4c: {  	_ =	shalt  }
0x4d: {  	_ =	shalt  }
0x4e: {  	_ =	shalt  }
0x4f: {  	_ =	shalt  }
0x50: {  	_ =	shalt  }
0x51: {  	_ =	shalt  }
0x52: {  	_ =	shalt  }
0x53: {  	_ =	shalt  }
0x54: {  	_ =	shalt  }
0x55: {  	_ =	shalt  }
0x56: {  	_ =	shalt  }
0x57: {  	_ =	shalt  }
0x58: {  	_ =	shalt  }
0x59: {  	_ =	shalt  }
0x5a: {  	_ =	shalt  }
0x5b: {  	_ =	shalt  }
0x5c: {  	_ =	shalt  }
0x5d: {  	_ =	shalt  }
0x5e: {  	_ =	shalt  }
0x5f: {  	_ =	shalt  }
0x60: {  	_ =	shalt  }
0x61: {  	_ =	shalt  }
0x62: {  	_ =	shalt  }
0x63: {  	_ =	shalt  }
0x64: {  	_ =	shalt  }
0x65: {  	_ =	shalt  }
0x66: {  	_ =	shalt  }
0x67: {  	_ =	shalt  }
0x68: {  	_ =	shalt  }
0x69: {  	_ =	shalt  }
0x6a: {  	_ =	shalt  }
0x6b: {  	_ =	shalt  }
0x6c: {  	_ =	shalt  }
0x6d: {  	_ =	shalt  }
0x6e: {  	_ =	shalt  }
0x6f: {  	_ =	shalt  }
0x70: {  	_ =	shalt  }
0x71: {  	_ =	shalt  }
0x72: {  	_ =	shalt  }
0x73: {  	_ =	shalt  }
0x74: {  	_ =	shalt  }
0x75: {  	_ =	shalt  }
0x76: {  	_ =	shalt  }
0x77: {  	_ =	shalt  }
0x78: {  	_ =	shalt  }
0x79: {  	_ =	shalt  }
0x7a: {  	_ =	shalt  }
0x7b: {  	_ =	shalt  }
0x7c: {  	_ =	shalt  }
0x7d: {  	_ =	shalt  }
0x7e: {  	_ =	shalt  }
0x7f: {  	_ =	shalt  }
0x80: {  	_ =	shalt  }
0x81: {  	_ =	shalt  }
0x82: {  	_ =	shalt  }
0x83: {  	_ =	shalt  }
0x84: {  	_ =	shalt  }
0x85: {  	_ =	shalt  }
0x86: {  	_ =	shalt  }
0x87: {  	_ =	shalt  }
.Lfunc_end0:
.L_simem_size_0:
called_computation_lowered:
.L_overlay_start_0:
0x88: {  	s2 =	sld [smem:$0x3FD9]  }
0x89: {  	s3 =	sld [smem:$0x3FFE];
	_ =	sdelay $0x1  }
0x8a: {  	s1 =	srdreg.scid  }
0x8b: {  	s0 =	sand.u32 $0x1, s1  }
0x8c: {  	s16 =	sshll.u32 s0, $0xA;
	s2 =	sadd.s32 s3, s2  }
0x8d: {  	s2 =	sadd.s32 s2, s16  }
0x8e: {  	[smem:$0x3FA6] =	sst s2  }
0x8f: {  	_ = 	snop  }
0x90: {  	(tm) =	ssettm $0x1  }
0x91: {  	s17 =	sld [smem:$0x3FFB];
	_ =	sdelay $0x3  }
0x92: {  	_ =	strace s17  }
0x93: {  	s2 =	sld [smem:$0x3FFC];
	_ =	sdelay $0x3  }
0x94: {  	_ =	strace s2  }
0x95: {  	s2 =	sld [smem:$0x3FFD];
	_ =	sdelay $0x3  }
0x96: {  	_ =	strace s2  }
0x97: {  	_ =	strace $0x8FFFFFFF  }
0x98: {  	s18 =	sld [smem:$0x3FDB];
	_ =	sdelay $0x1  }
0x99: {  	s19 =	simm.s32 $_scs_section_size  }
0x9a: {  	s4 =	simm.s32 $_size__tile_overlayer_lowered;
	s5 =	simm.s32 $_tile_overlayer_lowered  }
0x9b: {  	s22 =	simm.s32 $0x1BFF;
	s21 =	sshll.u32 s5, $0x1;
	s2 =	sadd.s32 s19, s18  }
0x9c: {  	s6 =	simm.s32 $0x0;
	s20 =	sshll.u32 s4, $0x1;
	s4 =	sadd.s32 s21, s2  }
0x9d: {  	[timem:s6], [sflag:s22] =	dma.local [hbm:s4], s20  }
0x9e: {  	_ =	swait.ge [sflag:s22], s20  }
0x9f: {  	s3 =	ssub.s32 $0x0, s20;
	[sflag:s22] =	ssyncset.done $0x0  }
0xa0: {  	[sflag:s22] =	ssyncadd.s32 s3;
	_ =	sdelay $0x1  }
0xa1: {  	s23 =	simm.s32 $0x1B8B  }
0xa2: {  	_ =	swait.ge [sflag:s23], $0x1  }
0xa3: {  	[sflag:s23] =	ssyncset.done $0x0  }
0xa4: {  	s25 =	simm.s32 $0x1B8E;
	s24 =	sld [smem:$0x3FFE];
	[sflag:s23] =	ssyncadd.s32 $0xFFFFFFFF  }
0xa5: {  	s26 =	simm.s32 $execute0_lowered;
	[smem:$0x3FD2] =	sst s25  }
0xa6: {  	s4 =	sshll.u32 s26, $0x1;
	_ =	strace $0x80000046;
	[dreg:$0x1] =	wrdreg $0xFFFFFFFF  }
0xa7: {  	s28 =	simm.s32 $_size_execute0_lowered;
	s2 =	sadd.s32 s2, s4;
	[dreg:$0x0] =	wrdreg $0x0  }
0xa8: {  	s4 =	sshll.u32 s28, $0x1;
	[dreg:$0x2] =	wrdreg s2  }
0xa9: {  	[dreg:$0x3] =	wrdreg s4  }
0xaa: {  	[dreg:$0x4] =	wrdreg $0xC0  }
0xab: {  	_ =	task [dreg:s6], $0x5FFFF  }
0xac: {  	[dreg:$0x1] =	wrdreg $0xFFFFFFFF  }
0xad: {  	[dreg:$0x0] =	wrdreg $0x60  }
0xae: {  	[dreg:$0x2] =	wrdreg s24  }
0xaf: {  	[dreg:$0x3] =	wrdreg $0xF7800  }
0xb0: {  	[dreg:$0x4] =	wrdreg $0x9  }
0xb1: {  	_ =	task.clear_ibuf [dreg:s6], $0x5FFFF;
	_ =	strace $0x90000046  }
0xb2: {  	s29 =	simm.s32 $0x9;
	_ =	strace $0x80000048  }
0xb3: {  	_ =	swait.ge [sflag:s29], $0x1  }
0xb4: {  	[sflag:s29] =	ssyncadd.s32 $0xFFFFFFFF  }
0xb5: {  	_ =	strace $0x90000048  }
0xb6: {  	_ =	sfence  }
0xb7: {  	s30 =	sld [smem:$0x0];
	_ =	sdelay $0x2  }
0xb8: {  	s31 =	sshll.u32 s1, $0xD;
	s1 =	sshrl.u32 s1, $0x2  }
0xb9: {  	s3 =	sand.u32 $0x4000, s31;
	s1 =	sadd.s32 s1, s30  }
0xba: {  	s0 =	sor.u32 s3, s0;
	s1 =	sshll.u32 s1, $0x11  }
0xbb: {  	s0 =	sor.u32 s1, s0  }
0xbc: {  	s0 =	sadd.s32 $0x8F2B, s0  }
0xbd: {  	[sflag:s0] =	ssyncadd.remote.s32 $0x1  }
0xbe: {  	_ =	sfence.sel $0xFFFF  }
0xbf: {  	[dreg:$0x0] =	wrdreg $0xFFFFFFFF;
	(pc) =	sbr.abs _section_cstart, $3  }
0xc0: {  	[dreg:$0x1] =	wrdreg $0xFFFFFFFF  }
0xc1: {  	_ =	task.clear_ibuf [dreg:s6], $0x2FFFF;
	_ =	strace $0x9FFFFFFF  }
0xc2: {  	(tm) =	ssettm $0x7FFFFFFF  }
0xc3: {  	_ =	shalt  }
tec
execute0_lowered:
.L_overlay_start_1:
0x0: {  	(tag) =	ssettag $0x1  }
0x1: {  	s0 =	rddreg [dreg:$0x0];
	s9 =	stileid.u32  }
0x2: {  	s1 =	srdreg.scid;
	s2 =	rddreg [dreg:$0x1];
	s3 =	simm.s32 $0x0  }
0x3: {  	s14 =	simm.s32 $0x1680;
	s15 =	simm.s32 $0x438;
	[smem:$0x7FF] =	sst s3  }
0x4: {  	s16 =	simm.s32 $0x8E80;
	_ =	strace $0x80000047;
	[dreg:$0x5] =	wrdreg s14  }
0x5: {  	s17 =	simm.s32 $0xF0;
	s18 =	simm.s32 $0x2580;
	[dreg:$0x6] =	wrdreg s15  }
0x6: {  	s19 =	simm.s32 $0x4B0;
	s21 =	simm.s32 $0x9D80;
	[dreg:$0x7] =	wrdreg s16  }
0x7: {  	s22 =	simm.s32 $0x168;
	s23 =	simm.s32 $0x3480;
	[dreg:$0x8] =	wrdreg s17  }
0x8: {  	s24 =	simm.s32 $0x528;
	s25 =	simm.s32 $0xAC80;
	[dreg:$0x9] =	wrdreg s18  }
0x9: {  	s26 =	simm.s32 $0x1E0;
	s28 =	simm.s32 $0x7080;
	[dreg:$0xa] =	wrdreg s19  }
0xa: {  	s29 =	simm.s32 $0x708;
	s30 =	simm.s32 $0xE880;
	[dreg:$0xb] =	wrdreg s21  }
0xb: {  	s31 =	simm.s32 $0x1;
	s4 =	smul.u32 $0xF000, s9;
	[dreg:$0xc] =	wrdreg s22  }
0xc: {  	s1 =	sand.u32 $0x1, s1;
	s8 =	smul.u32 $0x780, s9;
	[dreg:$0xd] =	wrdreg s23  }
0xd: {  	s13 =	sshll.u32 s9, $0x6;
	s5 =	smul.u32 $0x7800, s1;
	[dreg:$0xe] =	wrdreg s24  }
0xe: {  	s9 =	simm.s32 $0xBB80;
	s6 =	smul.u32 $0xF0000, s1;
	[dreg:$0xf] =	wrdreg s25  }
0xf: {  	s1 =	ssub.s32 $0x2, s1;
	s14 =	simm.s32 $0x7F80;
	[dreg:$0x10] =	wrdreg s26  }
0x10: {  	s15 =	simm.s32 $0x258;
	s19 =	simm.s32 $0x5280;
	s21 =	simm.s32 $0xCA80  }
0x11: {  	s22 =	simm.s32 $0x2D0;
	s23 =	simm.s32 $0x6180;
	s24 =	simm.s32 $0x690  }
0x12: {  	s25 =	simm.s32 $0xD980;
	s26 =	simm.s32 $0x348;
	s18 =	simm.s32 $0x4380  }
0x13: {  	s7 =	sshrl.u32 s4, $0x3;
	s10 =	sshrl.u32 s1, $0x1;
	s11 =	sadd.s32 s4, s2  }
0x14: {  	s7 =	sadd.s32 s7, s0;
	s5 =	sadd.s32 s5, s0;
	s0 =	sadd.s32 s6, s0  }
0x15: {  	s1 =	ssub.s32 s1, s10;
	s6 =	sor.u32 $0x1C02, s13;
	s20 =	sshrl.u32 s11, $0x3  }
0x16: {  	s10 =	simm.s32 $0x2;
	s11 =	simm.s32 $0x3C0;
	[dreg:$0x12] =	wrdreg s6  }
0x17: {  	s13 =	simm.s32 $0x780;
	s7 =	sadd.s32 $0x80400, s7;
	[dreg:$0x16] =	wrdreg s20  }
0x18: {  	s5 =	sadd.s32 s8, s5;
	s1 =	smax.u32 s1, $0x1;
	[dreg:$0x11] =	wrdreg s7  }
0x19: {  	s0 =	sadd.s32 s4, s0;
	s12 =	sadd.s32 $0x9E400, s5;
	[dreg:$0x13] =	wrdreg s1  }
0x1a: {  	s6 =	simm.s32 $0x5A0;
	s5 =	sadd.s32 $0xAD400, s5;
	[dreg:$0x3] =	wrdreg s12  }
0x1b: {  	s20 =	simm.s32 $0x618;
	s4 =	sadd.s32 $0xBC400, s0;
	[dreg:$0x4] =	wrdreg s5  }
0x1c: {  	s0 =	sadd.s32 $0x29C400, s0;
	s1 =	simm.s32 $0x0;
	[dreg:$0x14] =	wrdreg s4  }
0x1d: {  	[dreg:$0x15] =	wrdreg s0;
	s12 =	simm.s32 $0x78;
	s5 =	simm.s32 $0x4380  }
.LBB2_1:
0x1e: {  	[dreg:$0x17] =	wrdreg s1  }
0x1f: {  	s0 =	rddreg [dreg:$0x11]  }
0x20: {  	s17 =	rddreg [dreg:$0x12]  }
0x21: {  	s4 =	rddreg [dreg:$0x16]  }
0x22: {  	[spmem:s4], [sflag:s17] =	dma.local [hbm:s0], $0x1E00  }
0x23: {  	_ =	swait.ge [sflag:s10], $0x1E00  }
0x24: {  	[sflag:s10] =	ssyncset.done $0x0  }
0x25: {  	[sflag:s10] =	ssyncadd.s32 $0xFFFFE200  }
0x26: {  	[bflag:$0x0] =	sbarrier.arrive $0xFFFF  }
0x27: {  	s7 =	rddreg [dreg:$0x3]  }
0x28: {  	s0 =	sadd.s32 $0x0, s7  }
0x29: {  	[tilespmem:s3], [sflag:$0x2] =	stream.linear.gather [hbm4b:s0+s3], $0x3C0, $0x38;
	[tilespmem:$0x1E780] =	vst v63  }
0x2a: {  	_ =	swait.ge [sflag:s10], $0x3C0  }
0x2b: {  	s8 =	rddreg [dreg:$0x4];
	[sflag:s10] =	ssyncset.done $0x0  }
0x2c: {  	[sflag:s10] =	ssyncadd.s32 $0xFFFFFC40;
	s0 =	sadd.s32 $0x0, s8  }
0x2d: {  	[tilespmem:s11], [sflag:$0x2] =	stream.linear.gather [hbm4b:s0+s3], $0x3C0, $0x38;
	[tilespmem:$0x1E780] =	vst v63  }
0x2e: {  	_ =	swait.ge [sflag:s10], $0x3C0  }
0x2f: {  	s16 =	rddreg [dreg:$0x5]  }
0x30: {  	[sflag:s10] =	ssyncset.done $0x0;
	s17 =	rddreg [dreg:$0x7]  }
0x31: {  	s7 =	rddreg [dreg:$0x9];
	[sflag:s10] =	ssyncadd.s32 $0xFFFFFC40  }
0x32: {  	[tilespmem:s13], [sflag:$0x1] =	stream.indirect.gather [spmem:s2], $0x20, s3, s12, $0xb8;
	[tilespmem:$0x1E780] =	vst v63  }
0x33: {  	s8 =	rddreg [dreg:$0x6]  }
0x34: {  	[tilespmem:s14], [sflag:$0x1] =	stream.indirect.gather [spmem:s2], $0x20, s11, s12, $0xb8;
	[tilespmem:$0x1E780] =	vst v63  }
0x35: {  	s1 =	rddreg [dreg:$0x8]  }
0x36: {  	[tilespmem:s16], [sflag:$0x1] =	stream.indirect.gather [spmem:s2], $0x20, s12, s12, $0xb8;
	[tilespmem:$0x1E780] =	vst v63  }
0x37: {  	s16 =	rddreg [dreg:$0xa]  }
0x38: {  	[tilespmem:s17], [sflag:$0x1] =	stream.indirect.gather [spmem:s2], $0x20, s8, s12, $0xb8;
	[tilespmem:$0x1E780] =	vst v63  }
0x39: {  	s8 =	rddreg [dreg:$0xb]  }
0x3a: {  	s17 =	rddreg [dreg:$0xd]  }
0x3b: {  	[tilespmem:s7], [sflag:$0x1] =	stream.indirect.gather [spmem:s2], $0x20, s1, s12, $0xb8;
	[tilespmem:$0x1E780] =	vst v63  }
0x3c: {  	s1 =	rddreg [dreg:$0xc]  }
0x3d: {  	[tilespmem:s8], [sflag:$0x1] =	stream.indirect.gather [spmem:s2], $0x20, s16, s12, $0xb8;
	[tilespmem:$0x1E780] =	vst v63  }
0x3e: {  	s8 =	rddreg [dreg:$0xf]  }
0x3f: {  	[tilespmem:s17], [sflag:$0x1] =	stream.indirect.gather [spmem:s2], $0x20, s1, s12, $0xb8;
	[tilespmem:$0x1E780] =	vst v63  }
0x40: {  	s16 =	rddreg [dreg:$0xe]  }
0x41: {  	[tilespmem:s8], [sflag:$0x1] =	stream.indirect.gather [spmem:s2], $0x20, s16, s12, $0xb8;
	[tilespmem:$0x1E780] =	vst v63  }
0x42: {  	s17 =	rddreg [dreg:$0x10]  }
0x43: {  	[tilespmem:s5], [sflag:$0x1] =	stream.indirect.gather [spmem:s2], $0x20, s17, s12, $0xb8;
	[tilespmem:$0x1E780] =	vst v63  }
0x44: {  	_ = 	snop  }
0x45: {  	[tilespmem:s9], [sflag:$0x1] =	stream.indirect.gather [spmem:s2], $0x20, s6, s12, $0xb8;
	[tilespmem:$0x1E780] =	vst v63  }
0x46: {  	_ = 	snop  }
0x47: {  	[tilespmem:s19], [sflag:$0x1] =	stream.indirect.gather [spmem:s2], $0x20, s15, s12, $0xb8;
	[tilespmem:$0x1E780] =	vst v63  }
0x48: {  	_ = 	snop  }
0x49: {  	[tilespmem:s21], [sflag:$0x1] =	stream.indirect.gather [spmem:s2], $0x20, s20, s12, $0xb8;
	[tilespmem:$0x1E780] =	vst v63  }
0x4a: {  	_ = 	snop  }
0x4b: {  	[tilespmem:s23], [sflag:$0x1] =	stream.indirect.gather [spmem:s2], $0x20, s22, s12, $0xb8;
	[tilespmem:$0x1E780] =	vst v63  }
0x4c: {  	_ = 	snop  }
0x4d: {  	[tilespmem:s25], [sflag:$0x1] =	stream.indirect.gather [spmem:s2], $0x20, s24, s12, $0xb8;
	[tilespmem:$0x1E780] =	vst v63  }
0x4e: {  	_ = 	snop  }
0x4f: {  	[tilespmem:s28], [sflag:$0x1] =	stream.indirect.gather [spmem:s2], $0x20, s26, s12, $0xb8;
	[tilespmem:$0x1E780] =	vst v63  }
0x50: {  	_ = 	snop  }
0x51: {  	[tilespmem:s30], [sflag:$0x1] =	stream.indirect.gather [spmem:s2], $0x20, s29, s12, $0xb8;
	[tilespmem:$0x1E780] =	vst v63  }
0x52: {  	_ =	swait.ge [sflag:s31], $0xF00  }
0x53: {  	[sflag:s31] =	ssyncset.done $0x0  }
0x54: {  	[sflag:s31] =	ssyncadd.s32 $0xFFFFF100  }
0x55: {  	_ =	swait.ge [sflag:s31], $0xF00  }
0x56: {  	[sflag:s31] =	ssyncset.done $0x0  }
0x57: {  	[sflag:s31] =	ssyncadd.s32 $0xFFFFF100  }
0x58: {  	_ =	swait.ge [sflag:s31], $0xF00  }
0x59: {  	[sflag:s31] =	ssyncset.done $0x0  }
0x5a: {  	[sflag:s31] =	ssyncadd.s32 $0xFFFFF100  }
0x5b: {  	_ =	swait.ge [sflag:s31], $0xF00  }
0x5c: {  	[sflag:s31] =	ssyncset.done $0x0  }
0x5d: {  	[sflag:s31] =	ssyncadd.s32 $0xFFFFF100  }
0x5e: {  	_ =	swait.ge [sflag:s31], $0xF00  }
0x5f: {  	[sflag:s31] =	ssyncset.done $0x0  }
0x60: {  	[sflag:s31] =	ssyncadd.s32 $0xFFFFF100  }
0x61: {  	_ =	swait.ge [sflag:s31], $0xF00  }
0x62: {  	[sflag:s31] =	ssyncset.done $0x0  }
0x63: {  	[sflag:s31] =	ssyncadd.s32 $0xFFFFF100  }
0x64: {  	_ =	swait.ge [sflag:s31], $0xF00  }
0x65: {  	[sflag:s31] =	ssyncset.done $0x0  }
0x66: {  	[sflag:s31] =	ssyncadd.s32 $0xFFFFF100  }
0x67: {  	_ =	swait.ge [sflag:s31], $0xF00  }
0x68: {  	[sflag:s31] =	ssyncset.done $0x0  }
0x69: {  	[sflag:s31] =	ssyncadd.s32 $0xFFFFF100  }
0x6a: {  	_ =	swait.ge [sflag:s31], $0xF00  }
0x6b: {  	[sflag:s31] =	ssyncset.done $0x0  }
0x6c: {  	[sflag:s31] =	ssyncadd.s32 $0xFFFFF100  }
0x6d: {  	_ =	swait.ge [sflag:s31], $0xF00  }
0x6e: {  	[sflag:s31] =	ssyncset.done $0x0  }
0x6f: {  	[sflag:s31] =	ssyncadd.s32 $0xFFFFF100  }
0x70: {  	_ =	swait.ge [sflag:s31], $0xF00  }
0x71: {  	[sflag:s31] =	ssyncset.done $0x0  }
0x72: {  	[sflag:s31] =	ssyncadd.s32 $0xFFFFF100  }
0x73: {  	_ =	swait.ge [sflag:s31], $0xF00  }
0x74: {  	[sflag:s31] =	ssyncset.done $0x0  }
0x75: {  	[sflag:s31] =	ssyncadd.s32 $0xFFFFF100  }
0x76: {  	_ =	swait.ge [sflag:s31], $0xF00  }
0x77: {  	[sflag:s31] =	ssyncset.done $0x0  }
0x78: {  	[sflag:s31] =	ssyncadd.s32 $0xFFFFF100  }
0x79: {  	_ =	swait.ge [sflag:s31], $0xF00  }
0x7a: {  	[sflag:s31] =	ssyncset.done $0x0  }
0x7b: {  	[sflag:s31] =	ssyncadd.s32 $0xFFFFF100  }
0x7c: {  	_ =	swait.ge [sflag:s31], $0xF00  }
0x7d: {  	[sflag:s31] =	ssyncset.done $0x0  }
0x7e: {  	[sflag:s31] =	ssyncadd.s32 $0xFFFFF100  }
0x7f: {  	_ =	swait.ge [sflag:s31], $0xF00  }
0x80: {  	[sflag:s31] =	ssyncset.done $0x0  }
0x81: {  	s8 =	rddreg [dreg:$0x15];
	[sflag:s31] =	ssyncadd.s32 $0xFFFFF100  }
0x82: {  	[hbm4b:s8+s3] =	stream.linear.scatter [tilespmem:s13], [sflag:$0x2], $0x7800, $0x38;
	[tilespmem:$0x1E780] =	vst v63  }
0x83: {  	_ =	swait.ge [sflag:s10], $0x7800  }
0x84: {  	s4 =	rddreg [dreg:$0x14]  }
0x85: {  	s0 =	simm.s32 $0x78;
	[sflag:s10] =	ssyncset.done $0x0;
	s7 =	smov.u32 s4  }
.LBB2_2:
0x86: {  	[sflag:s10] =	ssyncadd.s32 $0xFFFF8800  }
0x87: {  	[hbm4b:s4+s3] =	stream.linear.scatter [tilespmem:s14], [sflag:$0x2], $0x7800, $0x38;
	[tilespmem:$0x1E780] =	vst v63  }
0x88: {  	_ =	swait.ge [sflag:s10], $0x7800  }
0x89: {  	s9 =	smov.u32 s0;
	s6 =	rddreg [dreg:$0x3];
	[sflag:s10] =	ssyncset.done $0x0  }
0x8a: {  	[sflag:s10] =	ssyncadd.s32 $0xFFFF8800;
	s6 =	sadd.s32 s9, s6  }
0x8b: {  	[tilespmem:s3], [sflag:$0x2] =	stream.linear.gather [hbm4b:s6+s3], $0x3C0, $0x38;
	[tilespmem:$0x1E780] =	vst v63  }
0x8c: {  	_ =	swait.ge [sflag:s10], $0x3C0  }
0x8d: {  	s16 =	rddreg [dreg:$0x4];
	[sflag:s10] =	ssyncset.done $0x0  }
0x8e: {  	[sflag:s10] =	ssyncadd.s32 $0xFFFFFC40;
	s6 =	sadd.s32 s9, s16  }
0x8f: {  	[tilespmem:s11], [sflag:$0x2] =	stream.linear.gather [hbm4b:s6+s3], $0x3C0, $0x38;
	[tilespmem:$0x1E780] =	vst v63  }
0x90: {  	_ =	swait.ge [sflag:s10], $0x3C0  }
0x91: {  	s6 =	rddreg [dreg:$0xf]  }
0x92: {  	s9 =	rddreg [dreg:$0xd]  }
0x93: {  	s5 =	rddreg [dreg:$0x5];
	[sflag:s10] =	ssyncset.done $0x0  }
0x94: {  	s1 =	rddreg [dreg:$0x7];
	[sflag:s10] =	ssyncadd.s32 $0xFFFFFC40  }
0x95: {  	[tilespmem:s13], [sflag:$0x1] =	stream.indirect.gather [spmem:s2], $0x20, s3, s12, $0xb8;
	[tilespmem:$0x1E780] =	vst v63  }
0x96: {  	s15 =	rddreg [dreg:$0x9]  }
0x97: {  	[tilespmem:s14], [sflag:$0x1] =	stream.indirect.gather [spmem:s2], $0x20, s11, s12, $0xb8;
	[tilespmem:$0x1E780] =	vst v63  }
0x98: {  	s16 =	rddreg [dreg:$0xb]  }
0x99: {  	[tilespmem:s5], [sflag:$0x1] =	stream.indirect.gather [spmem:s2], $0x20, s12, s12, $0xb8;
	[tilespmem:$0x1E780] =	vst v63  }
0x9a: {  	s17 =	rddreg [dreg:$0x6]  }
0x9b: {  	[tilespmem:s1], [sflag:$0x1] =	stream.indirect.gather [spmem:s2], $0x20, s17, s12, $0xb8;
	[tilespmem:$0x1E780] =	vst v63  }
0x9c: {  	s5 =	rddreg [dreg:$0x8]  }
0x9d: {  	[tilespmem:s15], [sflag:$0x1] =	stream.indirect.gather [spmem:s2], $0x20, s5, s12, $0xb8;
	[tilespmem:$0x1E780] =	vst v63  }
0x9e: {  	s1 =	rddreg [dreg:$0xa]  }
0x9f: {  	[tilespmem:s16], [sflag:$0x1] =	stream.indirect.gather [spmem:s2], $0x20, s1, s12, $0xb8;
	[tilespmem:$0x1E780] =	vst v63  }
0xa0: {  	s17 =	rddreg [dreg:$0xc]  }
0xa1: {  	[tilespmem:s9], [sflag:$0x1] =	stream.indirect.gather [spmem:s2], $0x20, s17, s12, $0xb8;
	[tilespmem:$0x1E780] =	vst v63  }
0xa2: {  	s16 =	rddreg [dreg:$0xe]  }
0xa3: {  	[tilespmem:s6], [sflag:$0x1] =	stream.indirect.gather [spmem:s2], $0x20, s16, s12, $0xb8;
	[tilespmem:$0x1E780] =	vst v63  }
0xa4: {  	s17 =	rddreg [dreg:$0x10]  }
0xa5: {  	[tilespmem:s18], [sflag:$0x1] =	stream.indirect.gather [spmem:s2], $0x20, s17, s12, $0xb8;
	[tilespmem:$0x1E780] =	vst v63  }
0xa6: {  	s9 =	simm.s32 $0xBB80;
	s6 =	simm.s32 $0x5A0  }
0xa7: {  	[tilespmem:s9], [sflag:$0x1] =	stream.indirect.gather [spmem:s2], $0x20, s6, s12, $0xb8;
	[tilespmem:$0x1E780] =	vst v63  }
0xa8: {  	s15 =	simm.s32 $0x258  }
0xa9: {  	[tilespmem:s19], [sflag:$0x1] =	stream.indirect.gather [spmem:s2], $0x20, s15, s12, $0xb8;
	[tilespmem:$0x1E780] =	vst v63  }
0xaa: {  	_ = 	snop  }
0xab: {  	[tilespmem:s21], [sflag:$0x1] =	stream.indirect.gather [spmem:s2], $0x20, s20, s12, $0xb8;
	[tilespmem:$0x1E780] =	vst v63  }
0xac: {  	_ = 	snop  }
0xad: {  	[tilespmem:s23], [sflag:$0x1] =	stream.indirect.gather [spmem:s2], $0x20, s22, s12, $0xb8;
	[tilespmem:$0x1E780] =	vst v63  }
0xae: {  	_ = 	snop  }
0xaf: {  	[tilespmem:s25], [sflag:$0x1] =	stream.indirect.gather [spmem:s2], $0x20, s24, s12, $0xb8;
	[tilespmem:$0x1E780] =	vst v63  }
0xb0: {  	_ = 	snop  }
0xb1: {  	[tilespmem:s28], [sflag:$0x1] =	stream.indirect.gather [spmem:s2], $0x20, s26, s12, $0xb8;
	[tilespmem:$0x1E780] =	vst v63  }
0xb2: {  	_ = 	snop  }
0xb3: {  	[tilespmem:s30], [sflag:$0x1] =	stream.indirect.gather [spmem:s2], $0x20, s29, s12, $0xb8;
	[tilespmem:$0x1E780] =	vst v63  }
0xb4: {  	_ =	swait.ge [sflag:s31], $0xF00  }
0xb5: {  	[sflag:s31] =	ssyncset.done $0x0  }
0xb6: {  	[sflag:s31] =	ssyncadd.s32 $0xFFFFF100  }
0xb7: {  	_ =	swait.ge [sflag:s31], $0xF00  }
0xb8: {  	[sflag:s31] =	ssyncset.done $0x0  }
0xb9: {  	[sflag:s31] =	ssyncadd.s32 $0xFFFFF100  }
0xba: {  	_ =	swait.ge [sflag:s31], $0xF00  }
0xbb: {  	[sflag:s31] =	ssyncset.done $0x0  }
0xbc: {  	[sflag:s31] =	ssyncadd.s32 $0xFFFFF100  }
0xbd: {  	_ =	swait.ge [sflag:s31], $0xF00  }
0xbe: {  	[sflag:s31] =	ssyncset.done $0x0  }
0xbf: {  	[sflag:s31] =	ssyncadd.s32 $0xFFFFF100  }
0xc0: {  	_ =	swait.ge [sflag:s31], $0xF00  }
0xc1: {  	[sflag:s31] =	ssyncset.done $0x0  }
0xc2: {  	[sflag:s31] =	ssyncadd.s32 $0xFFFFF100  }
0xc3: {  	_ =	swait.ge [sflag:s31], $0xF00  }
0xc4: {  	[sflag:s31] =	ssyncset.done $0x0  }
0xc5: {  	[sflag:s31] =	ssyncadd.s32 $0xFFFFF100  }
0xc6: {  	_ =	swait.ge [sflag:s31], $0xF00  }
0xc7: {  	[sflag:s31] =	ssyncset.done $0x0  }
0xc8: {  	[sflag:s31] =	ssyncadd.s32 $0xFFFFF100  }
0xc9: {  	_ =	swait.ge [sflag:s31], $0xF00  }
0xca: {  	[sflag:s31] =	ssyncset.done $0x0  }
0xcb: {  	[sflag:s31] =	ssyncadd.s32 $0xFFFFF100  }
0xcc: {  	_ =	swait.ge [sflag:s31], $0xF00  }
0xcd: {  	[sflag:s31] =	ssyncset.done $0x0  }
0xce: {  	[sflag:s31] =	ssyncadd.s32 $0xFFFFF100  }
0xcf: {  	_ =	swait.ge [sflag:s31], $0xF00  }
0xd0: {  	[sflag:s31] =	ssyncset.done $0x0  }
0xd1: {  	[sflag:s31] =	ssyncadd.s32 $0xFFFFF100  }
0xd2: {  	_ =	swait.ge [sflag:s31], $0xF00  }
0xd3: {  	[sflag:s31] =	ssyncset.done $0x0  }
0xd4: {  	[sflag:s31] =	ssyncadd.s32 $0xFFFFF100  }
0xd5: {  	_ =	swait.ge [sflag:s31], $0xF00  }
0xd6: {  	[sflag:s31] =	ssyncset.done $0x0  }
0xd7: {  	[sflag:s31] =	ssyncadd.s32 $0xFFFFF100  }
0xd8: {  	_ =	swait.ge [sflag:s31], $0xF00  }
0xd9: {  	[sflag:s31] =	ssyncset.done $0x0  }
0xda: {  	[sflag:s31] =	ssyncadd.s32 $0xFFFFF100  }
0xdb: {  	_ =	swait.ge [sflag:s31], $0xF00  }
0xdc: {  	[sflag:s31] =	ssyncset.done $0x0  }
0xdd: {  	[sflag:s31] =	ssyncadd.s32 $0xFFFFF100  }
0xde: {  	_ =	swait.ge [sflag:s31], $0xF00  }
0xdf: {  	[sflag:s31] =	ssyncset.done $0x0  }
0xe0: {  	[sflag:s31] =	ssyncadd.s32 $0xFFFFF100  }
0xe1: {  	p0 =	sne.s32 s0, $0x708;
	_ =	swait.ge [sflag:s31], $0xF00  }
.Ltmp0:
0xe2: {  	[sflag:s31] =	ssyncset.done $0x0;
	(pc) =	sbr.rel @p0 .LBB2_2-.Ltmp0, $4  }
0xe3: {  	s8 =	sadd.s32 $0xF00, s8;
	[sflag:s31] =	ssyncadd.s32 $0xFFFFF100  }
0xe4: {  	[hbm4b:s8+s3] =	stream.linear.scatter [tilespmem:s13], [sflag:$0x2], $0x7800, $0x38;
	[tilespmem:$0x1E780] =	vst v63  }
0xe5: {  	s7 =	sadd.s32 $0xF00, s7;
	s0 =	sadd.s32 $0x78, s0;
	_ =	swait.ge [sflag:s10], $0x7800  }
0xe6: {  	s4 =	smov.u32 s7;
	s5 =	simm.s32 $0x4380;
	[sflag:s10] =	ssyncset.done $0x0  }
0xe7: {  	[sflag:s10] =	ssyncadd.s32 $0xFFFF8800  }
0xe8: {  	[hbm4b:s4+s3] =	stream.linear.scatter [tilespmem:s14], [sflag:$0x2], $0x7800, $0x38;
	[tilespmem:$0x1E780] =	vst v63  }
0xe9: {  	_ =	swait.ge [sflag:s10], $0x7800  }
0xea: {  	s1 =	rddreg [dreg:$0x17]  }
0xeb: {  	s0 =	rddreg [dreg:$0x13];
	s1 =	sadd.s32 $0x1, s1  }
0xec: {  	p0 =	sne.s32 s1, s0  }
.Ltmp1:
0xed: {  	_ = 	snop;
	(pc) =	sbr.rel @p0 .LBB2_1-.Ltmp1, $3  }
0xee: {  	_ =	sdelay $0x1  }
0xef: {  	[sflag:s10] =	ssyncset.done $0x0  }
0xf0: {  	[sflag:s10] =	ssyncadd.s32 $0xFFFF8800  }
0xf1: {  	_ =	sfence.sel $0x180000  }
0xf2: {  	[bflag:$0x0] =	sbarrier.arrive $0xFFFF  }
0xf3: {  	_ =	strace $0x90000047  }
0xf4: {  	s0 =	stileid.u32;
	[bflag:$0x2] =	sbarrier.arrive $0xFFFF  }
0xf5: {  	p0 =	sne.s32 s0, $0x0;
	s0 =	rddreg [dreg:$0x2]  }
0xf6: {  	s0 =	sadd.s32 @!p0 $0x100000, s0  }
0xf7: {  	[sflag:s0] =	ssyncadd.tile.s32 @!p0 $0x1;
	_ =	shalt  }
.Lfunc_end2:
_tile_overlayer_lowered:
.L_overlay_start_2:
0xf8: {  	(tag) =	ssettag $0x2  }
0xf9: {  	s0 =	rddreg [dreg:$0x0];
	s2 =	stileid.u32  }
0xfa: {  	s1 =	rddreg [dreg:$0x1];
	p0 =	sne.s32 s2, $0x0  }
0xfb: {  	s3 =	rddreg [dreg:$0x2];
	[bflag:$0x3] =	sbarrier.arrive $0xFFFF;
	s2 =	simm.s32 @!p0 $0x1C02  }
0xfc: {  	[timem:s3], [sflag:s2] =	dma.local @!p0 [hbm:s0], s1  }
0xfd: {  	s0 =	simm.s32 @!p0 $0x2  }
0xfe: {  	_ =	swait.ge @!p0 [sflag:s0], s1  }
0xff: {  	s1 =	ssub.s32 @!p0 $0x0, s1;
	[sflag:s0] =	ssyncset.done @!p0 $0x0  }
0x100: {  	[sflag:s0] =	ssyncadd.s32 @!p0 s1  }
0x101: {  	[bflag:$0x3] =	sbarrier.arrive $0xFFFF  }
0x102: {  	_ =	shalt  }

// kernel: kernel.14.cloned.1.call-start
scs
__scs_entry_jumppad:
0x0: {  	(pc) =	sbr.rel $0x88, $3  }
0x1: {  	(tag) =	ssettag $0x0;
	lr =	simm.s32 $0x1  }
0x2: {  	[smem:$0x3F7F] =	sst lr;
	_ =	strace $0xD0000000  }
0x3: {  	_ = 	snop  }
0x4: {  	_ = 	snop  }
0x5: {  	_ = 	snop  }
0x6: {  	_ = 	snop  }
0x7: {  	_ = 	snop  }
__scs_overlays_trampoline_lowered:
0x8: {  	[smem:$0x3F8E] =	sst s0  }
0x9: {  	[smem:$0x3F8F] =	sst s1  }
0xa: {  	[smem:$0x3F90] =	sst s2  }
0xb: {  	[smem:$0x3F91] =	sst s3  }
0xc: {  	[smem:$0x3F92] =	sst s4  }
0xd: {  	[smem:$0x3F93] =	sst s5  }
0xe: {  	[smem:$0x3F94] =	sst s6  }
0xf: {  	[smem:$0x3F95] =	sst s7  }
0x10: {  	[smem:$0x3F96] =	sst s8  }
0x11: {  	[smem:$0x3F97] =	sst s9;
	s0 =	simm.s32 @!p0 $0x0  }
0x12: {  	s1 =	sld [smem:$0x3F7D];
	s0 =	simm.s32 @p0 $0x1  }
0x13: {  	[smem:$0x3F98] =	sst s0;
	s0 =	simm.s32 @!p1 $0x0  }
0x14: {  	s2 =	sld [smem:$0x3F7C];
	s0 =	simm.s32 @p1 $0x1  }
0x15: {  	[smem:$0x3F99] =	sst s0;
	s0 =	simm.s32 @!p2 $0x0  }
0x16: {  	s3 =	sld [smem:$0x3FDB];
	s0 =	simm.s32 @p2 $0x1  }
0x17: {  	s4 =	simm.s32 $0x1BF5;
	[smem:$0x3F9B] =	sst s0  }
0x18: {  	s0 =	sld [smem:$0x3F7E];
	_ =	swait.ge [sflag:s4], $0x0  }
0x19: {  	s7 =	sld [smem:$0x3F7F]  }
0x1a: {  	s8 =	sadd.s32 $0xFFFFE003, lr  }
0x1b: {  	s9 =	sadd.s32 $0xFFFFFEF7, lr;
	s5 =	simm.s32 $0xFFFFFFFF;
	p2 =	slt.u32 s8, $0xFFFFF086  }
0x1c: {  	p1 =	slt.u32 s9, $0xF7A;
	s5 =	simm.s32 @!p2 $0x0  }
0x1d: {  	s5 =	simm.s32 @p1 $0x1;
	p0 =	seq.s32 s7, s2  }
0x1e: {  	s7 =	smul.u32 @!p0 $0xF7A, s2;
	p2 =	seq.s32 @!p0 s5, $0x0  }
0x1f: {  	s9 =	smul.u32 $0xF7A, s1;
	s8 =	simm.s32 @!p0 $0x1BF5;
	p2 =	por !p2, p0  }
0x20: {  	[sflag:s8] =	ssyncset.s32 @!p0 $0xFFFFF086;
	s6 =	sadd.s32 @!p0 s3, s7;
	s7 =	simm.s32 @!p0 $0x108  }
0x21: {  	s3 =	sadd.s32 s3, s9;
	s6 =	sadd.s32 @!p0 $0x88, s6;
	s7 =	simm.s32 @p2 $0x1082  }
0x22: {  	[simem:s7], [sflag:s8] =	dma.local @!p0 [hbm:s6], $0xF7A  }
0x23: {  	s9 =	sor.u32 $0xD0000000, s2;
	s6 =	simm.s32 $0x108;
	_ =	swait.ge @!p0 [sflag:s8], $0x0  }
0x24: {  	s3 =	sadd.s32 $0x88, s3;
	s6 =	simm.s32 @!p1 $0x1082;
	[sflag:s4] =	ssyncset.s32 $0xFFFFF086  }
0x25: {  	[simem:s6], [sflag:s4] =	dma.local [hbm:s3], $0xF7A  }
0x26: {  	[smem:$0x3F7F] =	sst s1;
	(tag) =	ssettag s2;
	_ =	strace s9  }
0x27: {  	s1 =	sld [smem:$0x3F8F]  }
0x28: {  	s2 =	sld [smem:$0x3F90]  }
0x29: {  	s4 =	sld [smem:$0x3F92]  }
0x2a: {  	p0 =	seq.s32 s5, $0x0;
	s5 =	sld [smem:$0x3F93]  }
0x2b: {  	s6 =	sld [smem:$0x3F94]  }
0x2c: {  	s7 =	sld [smem:$0x3F95]  }
0x2d: {  	s3 =	simm.s32 $0x108;
	s8 =	sld [smem:$0x3F96]  }
0x2e: {  	s3 =	simm.s32 @!p0 $0x1082;
	s9 =	sld [smem:$0x3F97]  }
0x2f: {  	lr =	sadd.s32 s0, s3;
	s0 =	sld [smem:$0x3F8E]  }
0x30: {  	s3 =	sld [smem:$0x3F91]  }
0x31: {  	[smem:$0x3F9A] =	sst s10  }
0x32: {  	s10 =	sld [smem:$0x3F98];
	_ =	sdelay $0x3  }
0x33: {  	p0 =	seq.s32 s10, $0x1;
	s10 =	sld [smem:$0x3F9A];
	_ =	sdelay $0x3  }
0x34: {  	[smem:$0x3F9A] =	sst s10  }
0x35: {  	s10 =	sld [smem:$0x3F99];
	_ =	sdelay $0x3  }
0x36: {  	p1 =	seq.s32 s10, $0x1;
	s10 =	sld [smem:$0x3F9A];
	_ =	sdelay $0x3  }
0x37: {  	[smem:$0x3F9A] =	sst s10  }
0x38: {  	s10 =	sld [smem:$0x3F9B]  }
0x39: {  	_ = 	snop;
	(pc) =	sbr.ind lr, $3  }
0x3a: {  	_ = 	snop  }
0x3b: {  	_ = 	snop  }
0x3c: {  	p2 =	seq.s32 s10, $0x1;
	s10 =	sld [smem:$0x3F9A]  }
0x3d: {  	_ =	shalt  }
0x3e: {  	_ =	shalt  }
0x3f: {  	_ =	shalt  }
0x40: {  	_ =	shalt  }
0x41: {  	_ =	shalt  }
0x42: {  	_ =	shalt  }
0x43: {  	_ =	shalt  }
0x44: {  	_ =	shalt  }
0x45: {  	_ =	shalt  }
0x46: {  	_ =	shalt  }
0x47: {  	_ =	shalt  }
0x48: {  	_ =	shalt  }
0x49: {  	_ =	shalt  }
0x4a: {  	_ =	shalt  }
0x4b: {  	_ =	shalt  }
0x4c: {  	_ =	shalt  }
0x4d: {  	_ =	shalt  }
0x4e: {  	_ =	shalt  }
0x4f: {  	_ =	shalt  }
0x50: {  	_ =	shalt  }
0x51: {  	_ =	shalt  }
0x52: {  	_ =	shalt  }
0x53: {  	_ =	shalt  }
0x54: {  	_ =	shalt  }
0x55: {  	_ =	shalt  }
0x56: {  	_ =	shalt  }
0x57: {  	_ =	shalt  }
0x58: {  	_ =	shalt  }
0x59: {  	_ =	shalt  }
0x5a: {  	_ =	shalt  }
0x5b: {  	_ =	shalt  }
0x5c: {  	_ =	shalt  }
0x5d: {  	_ =	shalt  }
0x5e: {  	_ =	shalt  }
0x5f: {  	_ =	shalt  }
0x60: {  	_ =	shalt  }
0x61: {  	_ =	shalt  }
0x62: {  	_ =	shalt  }
0x63: {  	_ =	shalt  }
0x64: {  	_ =	shalt  }
0x65: {  	_ =	shalt  }
0x66: {  	_ =	shalt  }
0x67: {  	_ =	shalt  }
0x68: {  	_ =	shalt  }
0x69: {  	_ =	shalt  }
0x6a: {  	_ =	shalt  }
0x6b: {  	_ =	shalt  }
0x6c: {  	_ =	shalt  }
0x6d: {  	_ =	shalt  }
0x6e: {  	_ =	shalt  }
0x6f: {  	_ =	shalt  }
0x70: {  	_ =	shalt  }
0x71: {  	_ =	shalt  }
0x72: {  	_ =	shalt  }
0x73: {  	_ =	shalt  }
0x74: {  	_ =	shalt  }
0x75: {  	_ =	shalt  }
0x76: {  	_ =	shalt  }
0x77: {  	_ =	shalt  }
0x78: {  	_ =	shalt  }
0x79: {  	_ =	shalt  }
0x7a: {  	_ =	shalt  }
0x7b: {  	_ =	shalt  }
0x7c: {  	_ =	shalt  }
0x7d: {  	_ =	shalt  }
0x7e: {  	_ =	shalt  }
0x7f: {  	_ =	shalt  }
0x80: {  	_ =	shalt  }
0x81: {  	_ =	shalt  }
0x82: {  	_ =	shalt  }
0x83: {  	_ =	shalt  }
0x84: {  	_ =	shalt  }
0x85: {  	_ =	shalt  }
0x86: {  	_ =	shalt  }
0x87: {  	_ =	shalt  }
.Lfunc_end0:
.L_simem_size_0:
called_computation.1_lowered:
.L_overlay_start_0:
0x88: {  	s2 =	sld [smem:$0x3FD9]  }
0x89: {  	s3 =	sld [smem:$0x3FFE];
	_ =	sdelay $0x1  }
0x8a: {  	s1 =	srdreg.scid  }
0x8b: {  	s0 =	sand.u32 $0x1, s1  }
0x8c: {  	s17 =	sshll.u32 s0, $0xA;
	s2 =	sadd.s32 s3, s2  }
0x8d: {  	s2 =	sadd.s32 s2, s17  }
0x8e: {  	[smem:$0x3FA6] =	sst s2  }
0x8f: {  	_ = 	snop  }
0x90: {  	s2 =	sld [smem:$0x3FD0];
	(tm) =	ssettm $0x1  }
0x91: {  	s18 =	sld [smem:$0x3FFB];
	_ =	sdelay $0x3  }
0x92: {  	_ =	strace s18  }
0x93: {  	s3 =	sld [smem:$0x3FFC];
	_ =	sdelay $0x3  }
0x94: {  	_ =	strace s3  }
0x95: {  	s3 =	sld [smem:$0x3FFD];
	_ =	sdelay $0x3  }
0x96: {  	_ =	strace s3  }
0x97: {  	_ =	strace $0x8FFFFFFF  }
0x98: {  	s19 =	sld [smem:$0x3FDB];
	_ =	sdelay $0x1  }
0x99: {  	s4 =	simm.s32 $_scs_section_size  }
0x9a: {  	s5 =	simm.s32 $_size__tile_overlayer_lowered;
	s6 =	simm.s32 $_tile_overlayer_lowered  }
0x9b: {  	s22 =	simm.s32 $0x1BFF;
	s21 =	sshll.u32 s6, $0x1;
	s3 =	sadd.s32 s4, s19  }
0x9c: {  	s7 =	simm.s32 $0x0;
	s20 =	sshll.u32 s5, $0x1;
	s5 =	sadd.s32 s21, s3  }
0x9d: {  	[timem:s7], [sflag:s22] =	dma.local [hbm:s5], s20  }
0x9e: {  	_ =	swait.ge [sflag:s22], s20  }
0x9f: {  	s4 =	ssub.s32 $0x0, s20;
	[sflag:s22] =	ssyncset.done $0x0  }
0xa0: {  	[sflag:s22] =	ssyncadd.s32 s4;
	_ =	sdelay $0x1  }
0xa1: {  	s23 =	simm.s32 $0x1B8B  }
0xa2: {  	_ =	swait.ge [sflag:s23], $0x1  }
0xa3: {  	[sflag:s23] =	ssyncset.done $0x0  }
0xa4: {  	s25 =	simm.s32 $0x1B8E;
	s24 =	sld [smem:$0x3FFE];
	[sflag:s23] =	ssyncadd.s32 $0xFFFFFFFF  }
0xa5: {  	s26 =	simm.s32 $execute0_lowered;
	[smem:$0x3FD2] =	sst s25  }
0xa6: {  	s5 =	sshll.u32 s26, $0x1;
	_ =	strace $0x80000049;
	[dreg:$0x1] =	wrdreg $0xFFFFFFFF  }
0xa7: {  	s28 =	simm.s32 $_size_execute0_lowered;
	s3 =	sadd.s32 s3, s5;
	[dreg:$0x0] =	wrdreg $0x0  }
0xa8: {  	s5 =	sshll.u32 s28, $0x1;
	[dreg:$0x2] =	wrdreg s3  }
0xa9: {  	[dreg:$0x3] =	wrdreg s5  }
0xaa: {  	[dreg:$0x4] =	wrdreg $0xC0  }
0xab: {  	_ =	task [dreg:s7], $0x5FFFF  }
0xac: {  	[dreg:$0x1] =	wrdreg $0xFFFFFFFF  }
0xad: {  	[dreg:$0x0] =	wrdreg $0x60  }
0xae: {  	[dreg:$0x2] =	wrdreg s24  }
0xaf: {  	[dreg:$0x3] =	wrdreg s2  }
0xb0: {  	[dreg:$0x4] =	wrdreg $0x7C380  }
0xb1: {  	[dreg:$0x5] =	wrdreg $0x16C380  }
0xb2: {  	[dreg:$0x6] =	wrdreg $0x9  }
0xb3: {  	_ =	task.clear_ibuf [dreg:s7], $0x7FFFF;
	_ =	strace $0x90000049  }
0xb4: {  	s29 =	simm.s32 $0x9;
	_ =	strace $0x8000004B  }
0xb5: {  	_ =	swait.ge [sflag:s29], $0x1  }
0xb6: {  	[sflag:s29] =	ssyncadd.s32 $0xFFFFFFFF  }
0xb7: {  	_ =	strace $0x9000004B  }
0xb8: {  	_ =	sfence  }
0xb9: {  	s30 =	sld [smem:$0x0];
	_ =	sdelay $0x2  }
0xba: {  	s31 =	sshll.u32 s1, $0xD;
	s1 =	sshrl.u32 s1, $0x2  }
0xbb: {  	s3 =	sand.u32 $0x4000, s31;
	s1 =	sadd.s32 s1, s30  }
0xbc: {  	s0 =	sor.u32 s3, s0;
	s1 =	sshll.u32 s1, $0x11  }
0xbd: {  	s0 =	sor.u32 s1, s0  }
0xbe: {  	s0 =	sadd.s32 $0x8F2B, s0  }
0xbf: {  	[sflag:s0] =	ssyncadd.remote.s32 $0x1  }
0xc0: {  	_ =	sfence.sel $0xFFFF  }
0xc1: {  	[dreg:$0x0] =	wrdreg $0xFFFFFFFF;
	(pc) =	sbr.abs _section_cstart, $3  }
0xc2: {  	[dreg:$0x1] =	wrdreg $0xFFFFFFFF  }
0xc3: {  	_ =	task.clear_ibuf [dreg:s7], $0x2FFFF;
	_ =	strace $0x9FFFFFFF  }
0xc4: {  	(tm) =	ssettm $0x7FFFFFFF  }
0xc5: {  	_ =	shalt  }
tec
execute0_lowered:
.L_overlay_start_1:
0x0: {  	(tag) =	ssettag $0x1  }
0x1: {  	s0 =	rddreg [dreg:$0x0]  }
0x2: {  	s1 =	srdreg.scid;
	s3 =	rddreg [dreg:$0x2]  }
0x3: {  	s12 =	stileid.u32;
	s4 =	rddreg [dreg:$0x3];
	s5 =	simm.s32 $0x0  }
0x4: {  	s28 =	simm.s32 $0x1E0;
	s29 =	simm.s32 $0x3FC0;
	s30 =	simm.s32 $0x258  }
0x5: {  	s31 =	simm.s32 $0x4EC0;
	s1 =	sand.u32 $0x1, s1;
	s6 =	smul.u32 $0x780, s12  }
0x6: {  	[smem:$0x7FF] =	sst s5;
	s8 =	sadd.s32 $0x80400, s0;
	s10 =	smul.u32 $0x3C000, s12  }
0x7: {  	s17 =	sadd.s32 $0x82200, s0;
	s21 =	sshll.u32 s12, $0x6;
	s22 =	smul.u32 $0xF000, s12  }
0x8: {  	s2 =	smul.u32 $0xF0000, s1;
	_ =	strace $0x8000004A;
	[dreg:$0x5] =	wrdreg s8  }
0x9: {  	s7 =	smul.u32 $0x7800, s1;
	[dreg:$0x6] =	wrdreg s17;
	s1 =	ssub.s32 $0x2, s1  }
0xa: {  	s8 =	sor.u32 $0x1C01, s21;
	s17 =	simm.s32 $0x1;
	s21 =	simm.s32 $0x78  }
0xb: {  	s19 =	sshrl.u32 s1, $0x1;
	s20 =	sshrl.u32 s10, $0x2;
	s2 =	sadd.s32 s2, s0  }
0xc: {  	s7 =	sadd.s32 s6, s7;
	s1 =	ssub.s32 s1, s19;
	s6 =	sadd.s32 s6, s4  }
0xd: {  	s19 =	simm.s32 $0x7BC0;
	s9 =	sadd.s32 s7, s0;
	s18 =	sshll.u32 s7, $0x2  }
0xe: {  	s7 =	sshrl.u32 s7, $0x3;
	s25 =	sadd.s32 s22, s2;
	s1 =	smax.u32 s1, $0x1  }
0xf: {  	s22 =	simm.s32 $0x12C0;
	s2 =	simm.s32 $0x2D0;
	s11 =	sadd.s32 s18, s0  }
0x10: {  	s0 =	sadd.s32 s7, s0;
	s7 =	sadd.s32 s20, s3;
	[dreg:$0xa] =	wrdreg s1  }
0x11: {  	s26 =	sadd.s32 $0x29C400, s25;
	s14 =	sadd.s32 $0xAD400, s9;
	s15 =	sadd.s32 $0xBC400, s25  }
0x12: {  	s18 =	sshrl.u32 s6, $0x3;
	s20 =	simm.s32 $0x3C0;
	s25 =	simm.s32 $0x168  }
0x13: {  	s1 =	simm.s32 $0x5DC0;
	s23 =	sadd.s32 $0x47C400, s11;
	[dreg:$0xb] =	wrdreg s26  }
0x14: {  	s9 =	simm.s32 $0x0;
	s0 =	sadd.s32 $0x82400, s0;
	[dreg:$0x7] =	wrdreg s23  }
0x15: {  	s24 =	sadd.s32 $0x4B8400, s11;
	s16 =	sshrl.u32 s7, $0x3;
	[dreg:$0x8] =	wrdreg s0  }
0x16: {  	s26 =	simm.s32 $0x30C0;
	s7 =	simm.s32 $0x6CC0;
	[dreg:$0x9] =	wrdreg s24  }
0x17: {  	s23 =	simm.s32 $0xF0;
	s24 =	simm.s32 $0x21C0;
	s0 =	simm.s32 $0x348  }
.LBB2_1:
0x18: {  	s6 =	rddreg [dreg:$0x5]  }
0x19: {  	[spmem:s16], [sflag:s8] =	dma.local [hbm:s6], $0x1E00  }
0x1a: {  	_ =	swait.ge [sflag:s17], $0x1E00  }
0x1b: {  	[sflag:s17] =	ssyncset.done $0x0  }
0x1c: {  	s10 =	rddreg [dreg:$0x6];
	[sflag:s17] =	ssyncadd.s32 $0xFFFFE200  }
0x1d: {  	[spmem:s18], [sflag:s8] =	dma.local [hbm:s10], $0xF0  }
0x1e: {  	_ =	swait.ge [sflag:s17], $0xF0  }
0x1f: {  	[sflag:s17] =	ssyncset.done $0x0  }
0x20: {  	[sflag:s17] =	ssyncadd.s32 $0xFFFFFF10  }
0x21: {  	s11 =	rddreg [dreg:$0x1]  }
0x22: {  	[tilespmem:s19], [sflag:$0x1] =	stream.linear.gather [hbm4b:s11+s5], $0x78, $0x38;
	[tilespmem:$0x173B8] =	vst v63  }
0x23: {  	_ =	swait.ge [sflag:s17], $0x78  }
0x24: {  	[sflag:s17] =	ssyncset.done $0x0  }
0x25: {  	[sflag:s17] =	ssyncadd.s32 $0xFFFFFF88  }
0x26: {  	s12 =	sadd.s32 $0x0, s14;
	[bflag:$0x0] =	sbarrier.arrive $0xFFFF  }
0x27: {  	[tilespmem:s5], [sflag:$0x1] =	stream.linear.gather [hbm4b:s12+s5], $0x3C0, $0x38;
	[tilespmem:$0x173B8] =	vst v63  }
0x28: {  	_ =	swait.ge [sflag:s17], $0x3C0  }
0x29: {  	[sflag:s17] =	ssyncset.done $0x0  }
0x2a: {  	s13 =	rddreg [dreg:$0xb];
	[sflag:s17] =	ssyncadd.s32 $0xFFFFFC40  }
0x2b: {  	[tilespmem:s20], [sflag:$0x1] =	stream.linear.gather [hbm4b:s13+s5], $0x7800, $0x38;
	[tilespmem:$0x173B8] =	vst v63  }
0x2c: {  	_ =	swait.ge [sflag:s17], $0x7800  }
0x2d: {  	[sflag:s17] =	ssyncset.done $0x0  }
0x2e: {  	[sflag:s17] =	ssyncadd.s32 $0xFFFF8800  }
0x2f: {  	[spmem:s3] =	stream.indirect.scatter.add.f32 [tilespmem:s20], [sflag:$0x1], $0x20, s5, s21, $0xb8;
	[tilespmem:$0x173B8] =	vst v63  }
0x30: {  	_ =	swait.ge [sflag:s17], $0xF00  }
0x31: {  	[sflag:s17] =	ssyncset.done $0x0  }
0x32: {  	[sflag:s17] =	ssyncadd.s32 $0xFFFFF100  }
0x33: {  	[spmem:s4] =	stream.indirect.scatter.add.f32 [tilespmem:s19], [sflag:$0x1], $0x1, s5, s21, $0xb8;
	[tilespmem:$0x173B8] =	vst v63  }
0x34: {  	_ =	swait.ge [sflag:s17], $0x78  }
0x35: {  	[sflag:s17] =	ssyncset.done $0x0  }
0x36: {  	[sflag:s17] =	ssyncadd.s32 $0xFFFFFF88  }
0x37: {  	[spmem:s3] =	stream.indirect.scatter.add.f32 [tilespmem:s22], [sflag:$0x1], $0x20, s21, s21, $0xb8;
	[tilespmem:$0x173B8] =	vst v63  }
0x38: {  	_ =	swait.ge [sflag:s17], $0xF00  }
0x39: {  	[sflag:s17] =	ssyncset.done $0x0  }
0x3a: {  	[sflag:s17] =	ssyncadd.s32 $0xFFFFF100  }
0x3b: {  	[spmem:s4] =	stream.indirect.scatter.add.f32 [tilespmem:s19], [sflag:$0x1], $0x1, s21, s21, $0xb8;
	[tilespmem:$0x173B8] =	vst v63  }
0x3c: {  	_ =	swait.ge [sflag:s17], $0x78  }
0x3d: {  	[sflag:s17] =	ssyncset.done $0x0  }
0x3e: {  	[sflag:s17] =	ssyncadd.s32 $0xFFFFFF88  }
0x3f: {  	[spmem:s3] =	stream.indirect.scatter.add.f32 [tilespmem:s24], [sflag:$0x1], $0x20, s23, s21, $0xb8;
	[tilespmem:$0x173B8] =	vst v63  }
0x40: {  	_ =	swait.ge [sflag:s17], $0xF00  }
0x41: {  	[sflag:s17] =	ssyncset.done $0x0  }
0x42: {  	[sflag:s17] =	ssyncadd.s32 $0xFFFFF100  }
0x43: {  	[spmem:s4] =	stream.indirect.scatter.add.f32 [tilespmem:s19], [sflag:$0x1], $0x1, s23, s21, $0xb8;
	[tilespmem:$0x173B8] =	vst v63  }
0x44: {  	_ =	swait.ge [sflag:s17], $0x78  }
0x45: {  	[sflag:s17] =	ssyncset.done $0x0  }
0x46: {  	[sflag:s17] =	ssyncadd.s32 $0xFFFFFF88  }
0x47: {  	[spmem:s3] =	stream.indirect.scatter.add.f32 [tilespmem:s26], [sflag:$0x1], $0x20, s25, s21, $0xb8;
	[tilespmem:$0x173B8] =	vst v63  }
0x48: {  	_ =	swait.ge [sflag:s17], $0xF00  }
0x49: {  	[sflag:s17] =	ssyncset.done $0x0  }
0x4a: {  	[sflag:s17] =	ssyncadd.s32 $0xFFFFF100  }
0x4b: {  	[spmem:s4] =	stream.indirect.scatter.add.f32 [tilespmem:s19], [sflag:$0x1], $0x1, s25, s21, $0xb8;
	[tilespmem:$0x173B8] =	vst v63  }
0x4c: {  	_ =	swait.ge [sflag:s17], $0x78  }
0x4d: {  	[sflag:s17] =	ssyncset.done $0x0  }
0x4e: {  	[sflag:s17] =	ssyncadd.s32 $0xFFFFFF88  }
0x4f: {  	[spmem:s3] =	stream.indirect.scatter.add.f32 [tilespmem:s29], [sflag:$0x1], $0x20, s28, s21, $0xb8;
	[tilespmem:$0x173B8] =	vst v63  }
0x50: {  	_ =	swait.ge [sflag:s17], $0xF00  }
0x51: {  	[sflag:s17] =	ssyncset.done $0x0  }
0x52: {  	[sflag:s17] =	ssyncadd.s32 $0xFFFFF100  }
0x53: {  	[spmem:s4] =	stream.indirect.scatter.add.f32 [tilespmem:s19], [sflag:$0x1], $0x1, s28, s21, $0xb8;
	[tilespmem:$0x173B8] =	vst v63  }
0x54: {  	_ =	swait.ge [sflag:s17], $0x78  }
0x55: {  	[sflag:s17] =	ssyncset.done $0x0  }
0x56: {  	[sflag:s17] =	ssyncadd.s32 $0xFFFFFF88  }
0x57: {  	[spmem:s3] =	stream.indirect.scatter.add.f32 [tilespmem:s31], [sflag:$0x1], $0x20, s30, s21, $0xb8;
	[tilespmem:$0x173B8] =	vst v63  }
0x58: {  	_ =	swait.ge [sflag:s17], $0xF00  }
0x59: {  	[sflag:s17] =	ssyncset.done $0x0  }
0x5a: {  	[sflag:s17] =	ssyncadd.s32 $0xFFFFF100  }
0x5b: {  	[spmem:s4] =	stream.indirect.scatter.add.f32 [tilespmem:s19], [sflag:$0x1], $0x1, s30, s21, $0xb8;
	[tilespmem:$0x173B8] =	vst v63  }
0x5c: {  	_ =	swait.ge [sflag:s17], $0x78  }
0x5d: {  	[sflag:s17] =	ssyncset.done $0x0  }
0x5e: {  	[sflag:s17] =	ssyncadd.s32 $0xFFFFFF88  }
0x5f: {  	[spmem:s3] =	stream.indirect.scatter.add.f32 [tilespmem:s1], [sflag:$0x1], $0x20, s2, s21, $0xb8;
	[tilespmem:$0x173B8] =	vst v63  }
0x60: {  	_ =	swait.ge [sflag:s17], $0xF00  }
0x61: {  	[sflag:s17] =	ssyncset.done $0x0  }
0x62: {  	[sflag:s17] =	ssyncadd.s32 $0xFFFFF100  }
0x63: {  	[spmem:s4] =	stream.indirect.scatter.add.f32 [tilespmem:s19], [sflag:$0x1], $0x1, s2, s21, $0xb8;
	[tilespmem:$0x173B8] =	vst v63  }
0x64: {  	_ =	swait.ge [sflag:s17], $0x78  }
0x65: {  	[sflag:s17] =	ssyncset.done $0x0  }
0x66: {  	[sflag:s17] =	ssyncadd.s32 $0xFFFFFF88  }
0x67: {  	[spmem:s3] =	stream.indirect.scatter.add.f32 [tilespmem:s7], [sflag:$0x1], $0x20, s0, s21, $0xb8;
	[tilespmem:$0x173B8] =	vst v63  }
0x68: {  	_ =	swait.ge [sflag:s17], $0xF00  }
0x69: {  	[sflag:s17] =	ssyncset.done $0x0  }
0x6a: {  	[sflag:s17] =	ssyncadd.s32 $0xFFFFF100  }
0x6b: {  	[spmem:s4] =	stream.indirect.scatter.add.f32 [tilespmem:s19], [sflag:$0x1], $0x1, s0, s21, $0xb8;
	[tilespmem:$0x173B8] =	vst v63  }
0x6c: {  	s11 =	simm.s32 $0x78;
	_ =	swait.ge [sflag:s17], $0x78  }
0x6d: {  	s12 =	simm.s32 $0xF0;
	s10 =	sadd.s32 $0xF00, s13;
	[sflag:s17] =	ssyncset.done $0x0  }
.LBB2_2:
0x6e: {  	s13 =	sadd.s32 s11, s14  }
0x6f: {  	[sflag:s17] =	ssyncadd.s32 $0xFFFFFF88;
	s11 =	smov.u32 s12;
	s6 =	sadd.s32 $0x78, s12  }
0x70: {  	[tilespmem:s5], [sflag:$0x1] =	stream.linear.gather [hbm4b:s13+s5], $0x3C0, $0x38;
	[tilespmem:$0x173B8] =	vst v63  }
0x71: {  	p0 =	sne.s32 s12, $0x708;
	_ =	swait.ge [sflag:s17], $0x3C0  }
0x72: {  	[sflag:s17] =	ssyncset.done $0x0  }
0x73: {  	[sflag:s17] =	ssyncadd.s32 $0xFFFFFC40  }
0x74: {  	[tilespmem:s20], [sflag:$0x1] =	stream.linear.gather [hbm4b:s10+s5], $0x7800, $0x38;
	[tilespmem:$0x173B8] =	vst v63  }
0x75: {  	_ =	swait.ge [sflag:s17], $0x7800  }
0x76: {  	[sflag:s17] =	ssyncset.done $0x0  }
0x77: {  	[sflag:s17] =	ssyncadd.s32 $0xFFFF8800  }
0x78: {  	[spmem:s3] =	stream.indirect.scatter.add.f32 [tilespmem:s20], [sflag:$0x1], $0x20, s5, s21, $0xb8;
	[tilespmem:$0x173B8] =	vst v63  }
0x79: {  	_ =	swait.ge [sflag:s17], $0xF00  }
0x7a: {  	[sflag:s17] =	ssyncset.done $0x0  }
0x7b: {  	[sflag:s17] =	ssyncadd.s32 $0xFFFFF100  }
0x7c: {  	[spmem:s4] =	stream.indirect.scatter.add.f32 [tilespmem:s19], [sflag:$0x1], $0x1, s5, s21, $0xb8;
	[tilespmem:$0x173B8] =	vst v63  }
0x7d: {  	_ =	swait.ge [sflag:s17], $0x78  }
0x7e: {  	[sflag:s17] =	ssyncset.done $0x0  }
0x7f: {  	[sflag:s17] =	ssyncadd.s32 $0xFFFFFF88  }
0x80: {  	[spmem:s3] =	stream.indirect.scatter.add.f32 [tilespmem:s22], [sflag:$0x1], $0x20, s21, s21, $0xb8;
	[tilespmem:$0x173B8] =	vst v63  }
0x81: {  	_ =	swait.ge [sflag:s17], $0xF00  }
0x82: {  	[sflag:s17] =	ssyncset.done $0x0  }
0x83: {  	[sflag:s17] =	ssyncadd.s32 $0xFFFFF100  }
0x84: {  	[spmem:s4] =	stream.indirect.scatter.add.f32 [tilespmem:s19], [sflag:$0x1], $0x1, s21, s21, $0xb8;
	[tilespmem:$0x173B8] =	vst v63  }
0x85: {  	_ =	swait.ge [sflag:s17], $0x78  }
0x86: {  	[sflag:s17] =	ssyncset.done $0x0  }
0x87: {  	[sflag:s17] =	ssyncadd.s32 $0xFFFFFF88  }
0x88: {  	[spmem:s3] =	stream.indirect.scatter.add.f32 [tilespmem:s24], [sflag:$0x1], $0x20, s23, s21, $0xb8;
	[tilespmem:$0x173B8] =	vst v63  }
0x89: {  	_ =	swait.ge [sflag:s17], $0xF00  }
0x8a: {  	[sflag:s17] =	ssyncset.done $0x0  }
0x8b: {  	[sflag:s17] =	ssyncadd.s32 $0xFFFFF100  }
0x8c: {  	[spmem:s4] =	stream.indirect.scatter.add.f32 [tilespmem:s19], [sflag:$0x1], $0x1, s23, s21, $0xb8;
	[tilespmem:$0x173B8] =	vst v63  }
0x8d: {  	_ =	swait.ge [sflag:s17], $0x78  }
0x8e: {  	[sflag:s17] =	ssyncset.done $0x0  }
0x8f: {  	[sflag:s17] =	ssyncadd.s32 $0xFFFFFF88  }
0x90: {  	[spmem:s3] =	stream.indirect.scatter.add.f32 [tilespmem:s26], [sflag:$0x1], $0x20, s25, s21, $0xb8;
	[tilespmem:$0x173B8] =	vst v63  }
0x91: {  	_ =	swait.ge [sflag:s17], $0xF00  }
0x92: {  	[sflag:s17] =	ssyncset.done $0x0  }
0x93: {  	[sflag:s17] =	ssyncadd.s32 $0xFFFFF100  }
0x94: {  	[spmem:s4] =	stream.indirect.scatter.add.f32 [tilespmem:s19], [sflag:$0x1], $0x1, s25, s21, $0xb8;
	[tilespmem:$0x173B8] =	vst v63  }
0x95: {  	_ =	swait.ge [sflag:s17], $0x78  }
0x96: {  	[sflag:s17] =	ssyncset.done $0x0  }
0x97: {  	[sflag:s17] =	ssyncadd.s32 $0xFFFFFF88  }
0x98: {  	[spmem:s3] =	stream.indirect.scatter.add.f32 [tilespmem:s29], [sflag:$0x1], $0x20, s28, s21, $0xb8;
	[tilespmem:$0x173B8] =	vst v63  }
0x99: {  	_ =	swait.ge [sflag:s17], $0xF00  }
0x9a: {  	[sflag:s17] =	ssyncset.done $0x0  }
0x9b: {  	[sflag:s17] =	ssyncadd.s32 $0xFFFFF100  }
0x9c: {  	[spmem:s4] =	stream.indirect.scatter.add.f32 [tilespmem:s19], [sflag:$0x1], $0x1, s28, s21, $0xb8;
	[tilespmem:$0x173B8] =	vst v63  }
0x9d: {  	_ =	swait.ge [sflag:s17], $0x78  }
0x9e: {  	[sflag:s17] =	ssyncset.done $0x0  }
0x9f: {  	[sflag:s17] =	ssyncadd.s32 $0xFFFFFF88  }
0xa0: {  	[spmem:s3] =	stream.indirect.scatter.add.f32 [tilespmem:s31], [sflag:$0x1], $0x20, s30, s21, $0xb8;
	[tilespmem:$0x173B8] =	vst v63  }
0xa1: {  	_ =	swait.ge [sflag:s17], $0xF00  }
0xa2: {  	[sflag:s17] =	ssyncset.done $0x0  }
0xa3: {  	[sflag:s17] =	ssyncadd.s32 $0xFFFFF100  }
0xa4: {  	[spmem:s4] =	stream.indirect.scatter.add.f32 [tilespmem:s19], [sflag:$0x1], $0x1, s30, s21, $0xb8;
	[tilespmem:$0x173B8] =	vst v63  }
0xa5: {  	_ =	swait.ge [sflag:s17], $0x78  }
0xa6: {  	[sflag:s17] =	ssyncset.done $0x0  }
0xa7: {  	[sflag:s17] =	ssyncadd.s32 $0xFFFFFF88  }
0xa8: {  	[spmem:s3] =	stream.indirect.scatter.add.f32 [tilespmem:s1], [sflag:$0x1], $0x20, s2, s21, $0xb8;
	[tilespmem:$0x173B8] =	vst v63  }
0xa9: {  	_ =	swait.ge [sflag:s17], $0xF00  }
0xaa: {  	[sflag:s17] =	ssyncset.done $0x0  }
0xab: {  	[sflag:s17] =	ssyncadd.s32 $0xFFFFF100  }
0xac: {  	[spmem:s4] =	stream.indirect.scatter.add.f32 [tilespmem:s19], [sflag:$0x1], $0x1, s2, s21, $0xb8;
	[tilespmem:$0x173B8] =	vst v63  }
0xad: {  	_ =	swait.ge [sflag:s17], $0x78  }
0xae: {  	[sflag:s17] =	ssyncset.done $0x0  }
0xaf: {  	[sflag:s17] =	ssyncadd.s32 $0xFFFFFF88  }
0xb0: {  	[spmem:s3] =	stream.indirect.scatter.add.f32 [tilespmem:s7], [sflag:$0x1], $0x20, s0, s21, $0xb8;
	[tilespmem:$0x173B8] =	vst v63  }
0xb1: {  	_ =	swait.ge [sflag:s17], $0xF00  }
.Ltmp0:
0xb2: {  	[sflag:s17] =	ssyncset.done $0x0;
	(pc) =	sbr.rel @p0 .LBB2_2-.Ltmp0, $4  }
0xb3: {  	[sflag:s17] =	ssyncadd.s32 $0xFFFFF100  }
0xb4: {  	[spmem:s4] =	stream.indirect.scatter.add.f32 [tilespmem:s19], [sflag:$0x1], $0x1, s0, s21, $0xb8;
	[tilespmem:$0x173B8] =	vst v63  }
0xb5: {  	_ =	swait.ge [sflag:s17], $0x78  }
0xb6: {  	s12 =	smov.u32 s6;
	s10 =	sadd.s32 $0xF00, s10;
	[sflag:s17] =	ssyncset.done $0x0  }
0xb7: {  	s6 =	sadd.s32 s11, s14;
	[sflag:s17] =	ssyncadd.s32 $0xFFFFFF88  }
0xb8: {  	[tilespmem:s5], [sflag:$0x1] =	stream.linear.gather [hbm4b:s6+s5], $0x3C0, $0x38;
	[tilespmem:$0x173B8] =	vst v63  }
0xb9: {  	_ =	swait.ge [sflag:s17], $0x3C0  }
0xba: {  	[sflag:s17] =	ssyncset.done $0x0  }
0xbb: {  	[sflag:s17] =	ssyncadd.s32 $0xFFFFFC40  }
0xbc: {  	[tilespmem:s20], [sflag:$0x1] =	stream.linear.gather [hbm4b:s10+s5], $0x7800, $0x38;
	[tilespmem:$0x173B8] =	vst v63  }
0xbd: {  	_ =	swait.ge [sflag:s17], $0x7800  }
0xbe: {  	[sflag:s17] =	ssyncset.done $0x0  }
0xbf: {  	[sflag:s17] =	ssyncadd.s32 $0xFFFF8800  }
0xc0: {  	[spmem:s3] =	stream.indirect.scatter.add.f32 [tilespmem:s20], [sflag:$0x1], $0x20, s5, s21, $0xb8;
	[tilespmem:$0x173B8] =	vst v63  }
0xc1: {  	_ =	swait.ge [sflag:s17], $0xF00  }
0xc2: {  	[sflag:s17] =	ssyncset.done $0x0  }
0xc3: {  	[sflag:s17] =	ssyncadd.s32 $0xFFFFF100  }
0xc4: {  	[spmem:s4] =	stream.indirect.scatter.add.f32 [tilespmem:s19], [sflag:$0x1], $0x1, s5, s21, $0xb8;
	[tilespmem:$0x173B8] =	vst v63  }
0xc5: {  	_ =	swait.ge [sflag:s17], $0x78  }
0xc6: {  	[sflag:s17] =	ssyncset.done $0x0  }
0xc7: {  	[sflag:s17] =	ssyncadd.s32 $0xFFFFFF88  }
0xc8: {  	[spmem:s3] =	stream.indirect.scatter.add.f32 [tilespmem:s22], [sflag:$0x1], $0x20, s21, s21, $0xb8;
	[tilespmem:$0x173B8] =	vst v63  }
0xc9: {  	_ =	swait.ge [sflag:s17], $0xF00  }
0xca: {  	[sflag:s17] =	ssyncset.done $0x0  }
0xcb: {  	[sflag:s17] =	ssyncadd.s32 $0xFFFFF100  }
0xcc: {  	[spmem:s4] =	stream.indirect.scatter.add.f32 [tilespmem:s19], [sflag:$0x1], $0x1, s21, s21, $0xb8;
	[tilespmem:$0x173B8] =	vst v63  }
0xcd: {  	_ =	swait.ge [sflag:s17], $0x78  }
0xce: {  	[sflag:s17] =	ssyncset.done $0x0  }
0xcf: {  	[sflag:s17] =	ssyncadd.s32 $0xFFFFFF88  }
0xd0: {  	[spmem:s3] =	stream.indirect.scatter.add.f32 [tilespmem:s24], [sflag:$0x1], $0x20, s23, s21, $0xb8;
	[tilespmem:$0x173B8] =	vst v63  }
0xd1: {  	_ =	swait.ge [sflag:s17], $0xF00  }
0xd2: {  	[sflag:s17] =	ssyncset.done $0x0  }
0xd3: {  	[sflag:s17] =	ssyncadd.s32 $0xFFFFF100  }
0xd4: {  	[spmem:s4] =	stream.indirect.scatter.add.f32 [tilespmem:s19], [sflag:$0x1], $0x1, s23, s21, $0xb8;
	[tilespmem:$0x173B8] =	vst v63  }
0xd5: {  	_ =	swait.ge [sflag:s17], $0x78  }
0xd6: {  	[sflag:s17] =	ssyncset.done $0x0  }
0xd7: {  	[sflag:s17] =	ssyncadd.s32 $0xFFFFFF88  }
0xd8: {  	[spmem:s3] =	stream.indirect.scatter.add.f32 [tilespmem:s26], [sflag:$0x1], $0x20, s25, s21, $0xb8;
	[tilespmem:$0x173B8] =	vst v63  }
0xd9: {  	_ =	swait.ge [sflag:s17], $0xF00  }
0xda: {  	[sflag:s17] =	ssyncset.done $0x0  }
0xdb: {  	[sflag:s17] =	ssyncadd.s32 $0xFFFFF100  }
0xdc: {  	[spmem:s4] =	stream.indirect.scatter.add.f32 [tilespmem:s19], [sflag:$0x1], $0x1, s25, s21, $0xb8;
	[tilespmem:$0x173B8] =	vst v63  }
0xdd: {  	_ =	swait.ge [sflag:s17], $0x78  }
0xde: {  	[sflag:s17] =	ssyncset.done $0x0  }
0xdf: {  	[sflag:s17] =	ssyncadd.s32 $0xFFFFFF88  }
0xe0: {  	[spmem:s3] =	stream.indirect.scatter.add.f32 [tilespmem:s29], [sflag:$0x1], $0x20, s28, s21, $0xb8;
	[tilespmem:$0x173B8] =	vst v63  }
0xe1: {  	_ =	swait.ge [sflag:s17], $0xF00  }
0xe2: {  	[sflag:s17] =	ssyncset.done $0x0  }
0xe3: {  	[sflag:s17] =	ssyncadd.s32 $0xFFFFF100  }
0xe4: {  	[spmem:s4] =	stream.indirect.scatter.add.f32 [tilespmem:s19], [sflag:$0x1], $0x1, s28, s21, $0xb8;
	[tilespmem:$0x173B8] =	vst v63  }
0xe5: {  	_ =	swait.ge [sflag:s17], $0x78  }
0xe6: {  	[sflag:s17] =	ssyncset.done $0x0  }
0xe7: {  	[sflag:s17] =	ssyncadd.s32 $0xFFFFFF88  }
0xe8: {  	[spmem:s3] =	stream.indirect.scatter.add.f32 [tilespmem:s31], [sflag:$0x1], $0x20, s30, s21, $0xb8;
	[tilespmem:$0x173B8] =	vst v63  }
0xe9: {  	_ =	swait.ge [sflag:s17], $0xF00  }
0xea: {  	[sflag:s17] =	ssyncset.done $0x0  }
0xeb: {  	[sflag:s17] =	ssyncadd.s32 $0xFFFFF100  }
0xec: {  	[spmem:s4] =	stream.indirect.scatter.add.f32 [tilespmem:s19], [sflag:$0x1], $0x1, s30, s21, $0xb8;
	[tilespmem:$0x173B8] =	vst v63  }
0xed: {  	_ =	swait.ge [sflag:s17], $0x78  }
0xee: {  	[sflag:s17] =	ssyncset.done $0x0  }
0xef: {  	[sflag:s17] =	ssyncadd.s32 $0xFFFFFF88  }
0xf0: {  	[spmem:s3] =	stream.indirect.scatter.add.f32 [tilespmem:s1], [sflag:$0x1], $0x20, s2, s21, $0xb8;
	[tilespmem:$0x173B8] =	vst v63  }
0xf1: {  	_ =	swait.ge [sflag:s17], $0xF00  }
0xf2: {  	[sflag:s17] =	ssyncset.done $0x0  }
0xf3: {  	[sflag:s17] =	ssyncadd.s32 $0xFFFFF100  }
0xf4: {  	[spmem:s4] =	stream.indirect.scatter.add.f32 [tilespmem:s19], [sflag:$0x1], $0x1, s2, s21, $0xb8;
	[tilespmem:$0x173B8] =	vst v63  }
0xf5: {  	_ =	swait.ge [sflag:s17], $0x78  }
0xf6: {  	[sflag:s17] =	ssyncset.done $0x0  }
0xf7: {  	[sflag:s17] =	ssyncadd.s32 $0xFFFFFF88  }
0xf8: {  	[spmem:s3] =	stream.indirect.scatter.add.f32 [tilespmem:s7], [sflag:$0x1], $0x20, s0, s21, $0xb8;
	[tilespmem:$0x173B8] =	vst v63  }
0xf9: {  	_ =	swait.ge [sflag:s17], $0xF00  }
0xfa: {  	[sflag:s17] =	ssyncset.done $0x0  }
0xfb: {  	[sflag:s17] =	ssyncadd.s32 $0xFFFFF100  }
0xfc: {  	[spmem:s4] =	stream.indirect.scatter.add.f32 [tilespmem:s19], [sflag:$0x1], $0x1, s0, s21, $0xb8;
	[tilespmem:$0x173B8] =	vst v63  }
0xfd: {  	_ =	swait.ge [sflag:s17], $0x78  }
0xfe: {  	[sflag:s17] =	ssyncset.done $0x0  }
0xff: {  	[sflag:s17] =	ssyncadd.s32 $0xFFFFFF88  }
0x100: {  	[bflag:$0x0] =	sbarrier.arrive $0xFFFF  }
0x101: {  	s10 =	rddreg [dreg:$0x7]  }
0x102: {  	[hbm:s10], [sflag:s8] =	dma.local [spmem:s16], $0x1E00  }
0x103: {  	_ =	swait.ge [sflag:s17], $0x1E00  }
0x104: {  	[sflag:s17] =	ssyncset.done $0x0  }
0x105: {  	s11 =	rddreg [dreg:$0x8];
	[sflag:s17] =	ssyncadd.s32 $0xFFFFE200  }
0x106: {  	[hbm:s11], [sflag:s8] =	dma.local [spmem:s18], $0xF0  }
0x107: {  	_ =	swait.ge [sflag:s17], $0xF0  }
0x108: {  	[sflag:s17] =	ssyncset.done $0x0  }
0x109: {  	s12 =	rddreg [dreg:$0x5];
	[sflag:s17] =	ssyncadd.s32 $0xFFFFFF10  }
0x10a: {  	[spmem:s16], [sflag:s8] =	dma.local [hbm:s12], $0x1E00  }
0x10b: {  	_ =	swait.ge [sflag:s17], $0x1E00  }
0x10c: {  	[sflag:s17] =	ssyncset.done $0x0  }
0x10d: {  	[sflag:s17] =	ssyncadd.s32 $0xFFFFE200  }
0x10e: {  	s13 =	sadd.s32 $0x0, s14;
	[bflag:$0x0] =	sbarrier.arrive $0xFFFF  }
0x10f: {  	[tilespmem:s5], [sflag:$0x1] =	stream.linear.gather [hbm4b:s13+s5], $0x3C0, $0x38;
	[tilespmem:$0x173B8] =	vst v63  }
0x110: {  	_ =	swait.ge [sflag:s17], $0x3C0  }
0x111: {  	[sflag:s17] =	ssyncset.done $0x0  }
0x112: {  	[sflag:s17] =	ssyncadd.s32 $0xFFFFFC40  }
0x113: {  	[tilespmem:s20], [sflag:$0x1] =	stream.linear.gather [hbm4b:s15+s5], $0x7800, $0x38;
	[tilespmem:$0x173B8] =	vst v63  }
0x114: {  	_ =	swait.ge [sflag:s17], $0x7800  }
0x115: {  	[sflag:s17] =	ssyncset.done $0x0  }
0x116: {  	[sflag:s17] =	ssyncadd.s32 $0xFFFF8800  }
0x117: {  	[spmem:s3] =	stream.indirect.scatter.add.f32 [tilespmem:s20], [sflag:$0x1], $0x20, s5, s21, $0xb8;
	[tilespmem:$0x173B8] =	vst v63  }
0x118: {  	_ =	swait.ge [sflag:s17], $0xF00  }
0x119: {  	[sflag:s17] =	ssyncset.done $0x0  }
0x11a: {  	[sflag:s17] =	ssyncadd.s32 $0xFFFFF100  }
0x11b: {  	[spmem:s3] =	stream.indirect.scatter.add.f32 [tilespmem:s22], [sflag:$0x1], $0x20, s21, s21, $0xb8;
	[tilespmem:$0x173B8] =	vst v63  }
0x11c: {  	_ =	swait.ge [sflag:s17], $0xF00  }
0x11d: {  	[sflag:s17] =	ssyncset.done $0x0  }
0x11e: {  	[sflag:s17] =	ssyncadd.s32 $0xFFFFF100  }
0x11f: {  	[spmem:s3] =	stream.indirect.scatter.add.f32 [tilespmem:s24], [sflag:$0x1], $0x20, s23, s21, $0xb8;
	[tilespmem:$0x173B8] =	vst v63  }
0x120: {  	_ =	swait.ge [sflag:s17], $0xF00  }
0x121: {  	[sflag:s17] =	ssyncset.done $0x0  }
0x122: {  	[sflag:s17] =	ssyncadd.s32 $0xFFFFF100  }
0x123: {  	[spmem:s3] =	stream.indirect.scatter.add.f32 [tilespmem:s26], [sflag:$0x1], $0x20, s25, s21, $0xb8;
	[tilespmem:$0x173B8] =	vst v63  }
0x124: {  	_ =	swait.ge [sflag:s17], $0xF00  }
0x125: {  	[sflag:s17] =	ssyncset.done $0x0  }
0x126: {  	[sflag:s17] =	ssyncadd.s32 $0xFFFFF100  }
0x127: {  	[spmem:s3] =	stream.indirect.scatter.add.f32 [tilespmem:s29], [sflag:$0x1], $0x20, s28, s21, $0xb8;
	[tilespmem:$0x173B8] =	vst v63  }
0x128: {  	_ =	swait.ge [sflag:s17], $0xF00  }
0x129: {  	[sflag:s17] =	ssyncset.done $0x0  }
0x12a: {  	[sflag:s17] =	ssyncadd.s32 $0xFFFFF100  }
0x12b: {  	[spmem:s3] =	stream.indirect.scatter.add.f32 [tilespmem:s31], [sflag:$0x1], $0x20, s30, s21, $0xb8;
	[tilespmem:$0x173B8] =	vst v63  }
0x12c: {  	_ =	swait.ge [sflag:s17], $0xF00  }
0x12d: {  	[sflag:s17] =	ssyncset.done $0x0  }
0x12e: {  	[sflag:s17] =	ssyncadd.s32 $0xFFFFF100  }
0x12f: {  	[spmem:s3] =	stream.indirect.scatter.add.f32 [tilespmem:s1], [sflag:$0x1], $0x20, s2, s21, $0xb8;
	[tilespmem:$0x173B8] =	vst v63  }
0x130: {  	_ =	swait.ge [sflag:s17], $0xF00  }
0x131: {  	[sflag:s17] =	ssyncset.done $0x0  }
0x132: {  	[sflag:s17] =	ssyncadd.s32 $0xFFFFF100  }
0x133: {  	[spmem:s3] =	stream.indirect.scatter.add.f32 [tilespmem:s7], [sflag:$0x1], $0x20, s0, s21, $0xb8;
	[tilespmem:$0x173B8] =	vst v63  }
0x134: {  	s6 =	simm.s32 $0xF0;
	_ =	swait.ge [sflag:s17], $0xF00  }
0x135: {  	s10 =	sadd.s32 $0xF00, s15;
	s11 =	simm.s32 $0x78;
	[sflag:s17] =	ssyncset.done $0x0  }
.LBB2_4:
0x136: {  	s13 =	sadd.s32 s11, s14  }
0x137: {  	[sflag:s17] =	ssyncadd.s32 $0xFFFFF100;
	s11 =	smov.u32 s6;
	s12 =	sadd.s32 $0x78, s6  }
0x138: {  	[tilespmem:s5], [sflag:$0x1] =	stream.linear.gather [hbm4b:s13+s5], $0x3C0, $0x38;
	[tilespmem:$0x173B8] =	vst v63  }
0x139: {  	p0 =	sne.s32 s6, $0x708;
	_ =	swait.ge [sflag:s17], $0x3C0  }
0x13a: {  	[sflag:s17] =	ssyncset.done $0x0  }
0x13b: {  	[sflag:s17] =	ssyncadd.s32 $0xFFFFFC40  }
0x13c: {  	[tilespmem:s20], [sflag:$0x1] =	stream.linear.gather [hbm4b:s10+s5], $0x7800, $0x38;
	[tilespmem:$0x173B8] =	vst v63  }
0x13d: {  	_ =	swait.ge [sflag:s17], $0x7800  }
0x13e: {  	[sflag:s17] =	ssyncset.done $0x0  }
0x13f: {  	[sflag:s17] =	ssyncadd.s32 $0xFFFF8800  }
0x140: {  	[spmem:s3] =	stream.indirect.scatter.add.f32 [tilespmem:s20], [sflag:$0x1], $0x20, s5, s21, $0xb8;
	[tilespmem:$0x173B8] =	vst v63  }
0x141: {  	_ =	swait.ge [sflag:s17], $0xF00  }
0x142: {  	[sflag:s17] =	ssyncset.done $0x0  }
0x143: {  	[sflag:s17] =	ssyncadd.s32 $0xFFFFF100  }
0x144: {  	[spmem:s3] =	stream.indirect.scatter.add.f32 [tilespmem:s22], [sflag:$0x1], $0x20, s21, s21, $0xb8;
	[tilespmem:$0x173B8] =	vst v63  }
0x145: {  	_ =	swait.ge [sflag:s17], $0xF00  }
0x146: {  	[sflag:s17] =	ssyncset.done $0x0  }
0x147: {  	[sflag:s17] =	ssyncadd.s32 $0xFFFFF100  }
0x148: {  	[spmem:s3] =	stream.indirect.scatter.add.f32 [tilespmem:s24], [sflag:$0x1], $0x20, s23, s21, $0xb8;
	[tilespmem:$0x173B8] =	vst v63  }
0x149: {  	_ =	swait.ge [sflag:s17], $0xF00  }
0x14a: {  	[sflag:s17] =	ssyncset.done $0x0  }
0x14b: {  	[sflag:s17] =	ssyncadd.s32 $0xFFFFF100  }
0x14c: {  	[spmem:s3] =	stream.indirect.scatter.add.f32 [tilespmem:s26], [sflag:$0x1], $0x20, s25, s21, $0xb8;
	[tilespmem:$0x173B8] =	vst v63  }
0x14d: {  	_ =	swait.ge [sflag:s17], $0xF00  }
0x14e: {  	[sflag:s17] =	ssyncset.done $0x0  }
0x14f: {  	[sflag:s17] =	ssyncadd.s32 $0xFFFFF100  }
0x150: {  	[spmem:s3] =	stream.indirect.scatter.add.f32 [tilespmem:s29], [sflag:$0x1], $0x20, s28, s21, $0xb8;
	[tilespmem:$0x173B8] =	vst v63  }
0x151: {  	_ =	swait.ge [sflag:s17], $0xF00  }
0x152: {  	[sflag:s17] =	ssyncset.done $0x0  }
0x153: {  	[sflag:s17] =	ssyncadd.s32 $0xFFFFF100  }
0x154: {  	[spmem:s3] =	stream.indirect.scatter.add.f32 [tilespmem:s31], [sflag:$0x1], $0x20, s30, s21, $0xb8;
	[tilespmem:$0x173B8] =	vst v63  }
0x155: {  	_ =	swait.ge [sflag:s17], $0xF00  }
0x156: {  	[sflag:s17] =	ssyncset.done $0x0  }
0x157: {  	[sflag:s17] =	ssyncadd.s32 $0xFFFFF100  }
0x158: {  	[spmem:s3] =	stream.indirect.scatter.add.f32 [tilespmem:s1], [sflag:$0x1], $0x20, s2, s21, $0xb8;
	[tilespmem:$0x173B8] =	vst v63  }
0x159: {  	_ =	swait.ge [sflag:s17], $0xF00  }
.Ltmp1:
0x15a: {  	[sflag:s17] =	ssyncset.done $0x0;
	(pc) =	sbr.rel @p0 .LBB2_4-.Ltmp1, $4  }
0x15b: {  	[sflag:s17] =	ssyncadd.s32 $0xFFFFF100  }
0x15c: {  	[spmem:s3] =	stream.indirect.scatter.add.f32 [tilespmem:s7], [sflag:$0x1], $0x20, s0, s21, $0xb8;
	[tilespmem:$0x173B8] =	vst v63  }
0x15d: {  	_ =	swait.ge [sflag:s17], $0xF00  }
0x15e: {  	s6 =	smov.u32 s12;
	s10 =	sadd.s32 $0xF00, s10;
	[sflag:s17] =	ssyncset.done $0x0  }
0x15f: {  	s6 =	sadd.s32 s11, s14;
	[sflag:s17] =	ssyncadd.s32 $0xFFFFF100  }
0x160: {  	[tilespmem:s5], [sflag:$0x1] =	stream.linear.gather [hbm4b:s6+s5], $0x3C0, $0x38;
	[tilespmem:$0x173B8] =	vst v63  }
0x161: {  	_ =	swait.ge [sflag:s17], $0x3C0  }
0x162: {  	[sflag:s17] =	ssyncset.done $0x0  }
0x163: {  	[sflag:s17] =	ssyncadd.s32 $0xFFFFFC40  }
0x164: {  	[tilespmem:s20], [sflag:$0x1] =	stream.linear.gather [hbm4b:s10+s5], $0x7800, $0x38;
	[tilespmem:$0x173B8] =	vst v63  }
0x165: {  	_ =	swait.ge [sflag:s17], $0x7800  }
0x166: {  	[sflag:s17] =	ssyncset.done $0x0  }
0x167: {  	[sflag:s17] =	ssyncadd.s32 $0xFFFF8800  }
0x168: {  	[spmem:s3] =	stream.indirect.scatter.add.f32 [tilespmem:s20], [sflag:$0x1], $0x20, s5, s21, $0xb8;
	[tilespmem:$0x173B8] =	vst v63  }
0x169: {  	_ =	swait.ge [sflag:s17], $0xF00  }
0x16a: {  	[sflag:s17] =	ssyncset.done $0x0  }
0x16b: {  	[sflag:s17] =	ssyncadd.s32 $0xFFFFF100  }
0x16c: {  	[spmem:s3] =	stream.indirect.scatter.add.f32 [tilespmem:s22], [sflag:$0x1], $0x20, s21, s21, $0xb8;
	[tilespmem:$0x173B8] =	vst v63  }
0x16d: {  	_ =	swait.ge [sflag:s17], $0xF00  }
0x16e: {  	[sflag:s17] =	ssyncset.done $0x0  }
0x16f: {  	[sflag:s17] =	ssyncadd.s32 $0xFFFFF100  }
0x170: {  	[spmem:s3] =	stream.indirect.scatter.add.f32 [tilespmem:s24], [sflag:$0x1], $0x20, s23, s21, $0xb8;
	[tilespmem:$0x173B8] =	vst v63  }
0x171: {  	_ =	swait.ge [sflag:s17], $0xF00  }
0x172: {  	[sflag:s17] =	ssyncset.done $0x0  }
0x173: {  	[sflag:s17] =	ssyncadd.s32 $0xFFFFF100  }
0x174: {  	[spmem:s3] =	stream.indirect.scatter.add.f32 [tilespmem:s26], [sflag:$0x1], $0x20, s25, s21, $0xb8;
	[tilespmem:$0x173B8] =	vst v63  }
0x175: {  	_ =	swait.ge [sflag:s17], $0xF00  }
0x176: {  	[sflag:s17] =	ssyncset.done $0x0  }
0x177: {  	[sflag:s17] =	ssyncadd.s32 $0xFFFFF100  }
0x178: {  	[spmem:s3] =	stream.indirect.scatter.add.f32 [tilespmem:s29], [sflag:$0x1], $0x20, s28, s21, $0xb8;
	[tilespmem:$0x173B8] =	vst v63  }
0x179: {  	_ =	swait.ge [sflag:s17], $0xF00  }
0x17a: {  	[sflag:s17] =	ssyncset.done $0x0  }
0x17b: {  	[sflag:s17] =	ssyncadd.s32 $0xFFFFF100  }
0x17c: {  	[spmem:s3] =	stream.indirect.scatter.add.f32 [tilespmem:s31], [sflag:$0x1], $0x20, s30, s21, $0xb8;
	[tilespmem:$0x173B8] =	vst v63  }
0x17d: {  	_ =	swait.ge [sflag:s17], $0xF00  }
0x17e: {  	[sflag:s17] =	ssyncset.done $0x0  }
0x17f: {  	[sflag:s17] =	ssyncadd.s32 $0xFFFFF100  }
0x180: {  	[spmem:s3] =	stream.indirect.scatter.add.f32 [tilespmem:s1], [sflag:$0x1], $0x20, s2, s21, $0xb8;
	[tilespmem:$0x173B8] =	vst v63  }
0x181: {  	_ =	swait.ge [sflag:s17], $0xF00  }
0x182: {  	[sflag:s17] =	ssyncset.done $0x0  }
0x183: {  	[sflag:s17] =	ssyncadd.s32 $0xFFFFF100  }
0x184: {  	[spmem:s3] =	stream.indirect.scatter.add.f32 [tilespmem:s7], [sflag:$0x1], $0x20, s0, s21, $0xb8;
	[tilespmem:$0x173B8] =	vst v63  }
0x185: {  	_ =	swait.ge [sflag:s17], $0xF00  }
0x186: {  	[sflag:s17] =	ssyncset.done $0x0  }
0x187: {  	[sflag:s17] =	ssyncadd.s32 $0xFFFFF100  }
0x188: {  	[bflag:$0x0] =	sbarrier.arrive $0xFFFF  }
0x189: {  	s12 =	rddreg [dreg:$0x9]  }
0x18a: {  	[hbm:s12], [sflag:s8] =	dma.local [spmem:s16], $0x1E00  }
0x18b: {  	_ =	swait.ge [sflag:s17], $0x1E00  }
0x18c: {  	s9 =	sadd.s32 $0x1, s9;
	s13 =	rddreg [dreg:$0xa]  }
0x18d: {  	p0 =	sne.s32 s9, s13  }
.Ltmp2:
0x18e: {  	_ = 	snop;
	(pc) =	sbr.rel @p0 .LBB2_1-.Ltmp2, $3  }
0x18f: {  	_ =	sdelay $0x1  }
0x190: {  	[sflag:s17] =	ssyncset.done $0x0  }
0x191: {  	[sflag:s17] =	ssyncadd.s32 $0xFFFFE200  }
0x192: {  	_ =	sfence.sel $0x180000  }
0x193: {  	[bflag:$0x0] =	sbarrier.arrive $0xFFFF  }
0x194: {  	_ =	strace $0x9000004A  }
0x195: {  	s0 =	stileid.u32;
	[bflag:$0x2] =	sbarrier.arrive $0xFFFF  }
0x196: {  	p0 =	sne.s32 s0, $0x0;
	s0 =	rddreg [dreg:$0x4]  }
0x197: {  	s0 =	sadd.s32 @!p0 $0x100000, s0  }
0x198: {  	[sflag:s0] =	ssyncadd.tile.s32 @!p0 $0x1;
	_ =	shalt  }
.Lfunc_end2:
_tile_overlayer_lowered:
.L_overlay_start_2:
0x199: {  	(tag) =	ssettag $0x2  }
0x19a: {  	s0 =	rddreg [dreg:$0x0];
	s2 =	stileid.u32  }
0x19b: {  	s1 =	rddreg [dreg:$0x1];
	p0 =	sne.s32 s2, $0x0  }
0x19c: {  	s3 =	rddreg [dreg:$0x2];
	[bflag:$0x3] =	sbarrier.arrive $0xFFFF;
	s2 =	simm.s32 @!p0 $0x1C01  }
0x19d: {  	[timem:s3], [sflag:s2] =	dma.local @!p0 [hbm:s0], s1  }
0x19e: {  	s0 =	simm.s32 @!p0 $0x1  }
0x19f: {  	_ =	swait.ge @!p0 [sflag:s0], s1  }
0x1a0: {  	s1 =	ssub.s32 @!p0 $0x0, s1;
	[sflag:s0] =	ssyncset.done @!p0 $0x0  }
0x1a1: {  	[sflag:s0] =	ssyncadd.s32 @!p0 s1  }
0x1a2: {  	[bflag:$0x3] =	sbarrier.arrive $0xFFFF  }
0x1a3: {  	_ =	shalt  }

// kernel: kernel.17.cloned.1.call-start
scs
__scs_entry_jumppad:
0x0: {  	(pc) =	sbr.rel $0x88, $3  }
0x1: {  	(tag) =	ssettag $0x0;
	lr =	simm.s32 $0x1  }
0x2: {  	[smem:$0x3F7F] =	sst lr;
	_ =	strace $0xD0000000  }
0x3: {  	_ = 	snop  }
0x4: {  	_ = 	snop  }
0x5: {  	_ = 	snop  }
0x6: {  	_ = 	snop  }
0x7: {  	_ = 	snop  }
__scs_overlays_trampoline_lowered:
0x8: {  	[smem:$0x3F8E] =	sst s0  }
0x9: {  	[smem:$0x3F8F] =	sst s1  }
0xa: {  	[smem:$0x3F90] =	sst s2  }
0xb: {  	[smem:$0x3F91] =	sst s3  }
0xc: {  	[smem:$0x3F92] =	sst s4  }
0xd: {  	[smem:$0x3F93] =	sst s5  }
0xe: {  	[smem:$0x3F94] =	sst s6  }
0xf: {  	[smem:$0x3F95] =	sst s7  }
0x10: {  	[smem:$0x3F96] =	sst s8  }
0x11: {  	[smem:$0x3F97] =	sst s9;
	s0 =	simm.s32 @!p0 $0x0  }
0x12: {  	s1 =	sld [smem:$0x3F7D];
	s0 =	simm.s32 @p0 $0x1  }
0x13: {  	[smem:$0x3F98] =	sst s0;
	s0 =	simm.s32 @!p1 $0x0  }
0x14: {  	s2 =	sld [smem:$0x3F7C];
	s0 =	simm.s32 @p1 $0x1  }
0x15: {  	[smem:$0x3F99] =	sst s0;
	s0 =	simm.s32 @!p2 $0x0  }
0x16: {  	s3 =	sld [smem:$0x3FDB];
	s0 =	simm.s32 @p2 $0x1  }
0x17: {  	s4 =	simm.s32 $0x1BF5;
	[smem:$0x3F9B] =	sst s0  }
0x18: {  	s0 =	sld [smem:$0x3F7E];
	_ =	swait.ge [sflag:s4], $0x0  }
0x19: {  	s7 =	sld [smem:$0x3F7F]  }
0x1a: {  	s8 =	sadd.s32 $0xFFFFE003, lr  }
0x1b: {  	s9 =	sadd.s32 $0xFFFFFEF7, lr;
	s5 =	simm.s32 $0xFFFFFFFF;
	p2 =	slt.u32 s8, $0xFFFFF086  }
0x1c: {  	p1 =	slt.u32 s9, $0xF7A;
	s5 =	simm.s32 @!p2 $0x0  }
0x1d: {  	s5 =	simm.s32 @p1 $0x1;
	p0 =	seq.s32 s7, s2  }
0x1e: {  	s7 =	smul.u32 @!p0 $0xF7A, s2;
	p2 =	seq.s32 @!p0 s5, $0x0  }
0x1f: {  	s9 =	smul.u32 $0xF7A, s1;
	s8 =	simm.s32 @!p0 $0x1BF5;
	p2 =	por !p2, p0  }
0x20: {  	[sflag:s8] =	ssyncset.s32 @!p0 $0xFFFFF086;
	s6 =	sadd.s32 @!p0 s3, s7;
	s7 =	simm.s32 @!p0 $0x108  }
0x21: {  	s3 =	sadd.s32 s3, s9;
	s6 =	sadd.s32 @!p0 $0x88, s6;
	s7 =	simm.s32 @p2 $0x1082  }
0x22: {  	[simem:s7], [sflag:s8] =	dma.local @!p0 [hbm:s6], $0xF7A  }
0x23: {  	s9 =	sor.u32 $0xD0000000, s2;
	s6 =	simm.s32 $0x108;
	_ =	swait.ge @!p0 [sflag:s8], $0x0  }
0x24: {  	s3 =	sadd.s32 $0x88, s3;
	s6 =	simm.s32 @!p1 $0x1082;
	[sflag:s4] =	ssyncset.s32 $0xFFFFF086  }
0x25: {  	[simem:s6], [sflag:s4] =	dma.local [hbm:s3], $0xF7A  }
0x26: {  	[smem:$0x3F7F] =	sst s1;
	(tag) =	ssettag s2;
	_ =	strace s9  }
0x27: {  	s1 =	sld [smem:$0x3F8F]  }
0x28: {  	s2 =	sld [smem:$0x3F90]  }
0x29: {  	s4 =	sld [smem:$0x3F92]  }
0x2a: {  	p0 =	seq.s32 s5, $0x0;
	s5 =	sld [smem:$0x3F93]  }
0x2b: {  	s6 =	sld [smem:$0x3F94]  }
0x2c: {  	s7 =	sld [smem:$0x3F95]  }
0x2d: {  	s3 =	simm.s32 $0x108;
	s8 =	sld [smem:$0x3F96]  }
0x2e: {  	s3 =	simm.s32 @!p0 $0x1082;
	s9 =	sld [smem:$0x3F97]  }
0x2f: {  	lr =	sadd.s32 s0, s3;
	s0 =	sld [smem:$0x3F8E]  }
0x30: {  	s3 =	sld [smem:$0x3F91]  }
0x31: {  	[smem:$0x3F9A] =	sst s10  }
0x32: {  	s10 =	sld [smem:$0x3F98];
	_ =	sdelay $0x3  }
0x33: {  	p0 =	seq.s32 s10, $0x1;
	s10 =	sld [smem:$0x3F9A];
	_ =	sdelay $0x3  }
0x34: {  	[smem:$0x3F9A] =	sst s10  }
0x35: {  	s10 =	sld [smem:$0x3F99];
	_ =	sdelay $0x3  }
0x36: {  	p1 =	seq.s32 s10, $0x1;
	s10 =	sld [smem:$0x3F9A];
	_ =	sdelay $0x3  }
0x37: {  	[smem:$0x3F9A] =	sst s10  }
0x38: {  	s10 =	sld [smem:$0x3F9B]  }
0x39: {  	_ = 	snop;
	(pc) =	sbr.ind lr, $3  }
0x3a: {  	_ = 	snop  }
0x3b: {  	_ = 	snop  }
0x3c: {  	p2 =	seq.s32 s10, $0x1;
	s10 =	sld [smem:$0x3F9A]  }
0x3d: {  	_ =	shalt  }
0x3e: {  	_ =	shalt  }
0x3f: {  	_ =	shalt  }
0x40: {  	_ =	shalt  }
0x41: {  	_ =	shalt  }
0x42: {  	_ =	shalt  }
0x43: {  	_ =	shalt  }
0x44: {  	_ =	shalt  }
0x45: {  	_ =	shalt  }
0x46: {  	_ =	shalt  }
0x47: {  	_ =	shalt  }
0x48: {  	_ =	shalt  }
0x49: {  	_ =	shalt  }
0x4a: {  	_ =	shalt  }
0x4b: {  	_ =	shalt  }
0x4c: {  	_ =	shalt  }
0x4d: {  	_ =	shalt  }
0x4e: {  	_ =	shalt  }
0x4f: {  	_ =	shalt  }
0x50: {  	_ =	shalt  }
0x51: {  	_ =	shalt  }
0x52: {  	_ =	shalt  }
0x53: {  	_ =	shalt  }
0x54: {  	_ =	shalt  }
0x55: {  	_ =	shalt  }
0x56: {  	_ =	shalt  }
0x57: {  	_ =	shalt  }
0x58: {  	_ =	shalt  }
0x59: {  	_ =	shalt  }
0x5a: {  	_ =	shalt  }
0x5b: {  	_ =	shalt  }
0x5c: {  	_ =	shalt  }
0x5d: {  	_ =	shalt  }
0x5e: {  	_ =	shalt  }
0x5f: {  	_ =	shalt  }
0x60: {  	_ =	shalt  }
0x61: {  	_ =	shalt  }
0x62: {  	_ =	shalt  }
0x63: {  	_ =	shalt  }
0x64: {  	_ =	shalt  }
0x65: {  	_ =	shalt  }
0x66: {  	_ =	shalt  }
0x67: {  	_ =	shalt  }
0x68: {  	_ =	shalt  }
0x69: {  	_ =	shalt  }
0x6a: {  	_ =	shalt  }
0x6b: {  	_ =	shalt  }
0x6c: {  	_ =	shalt  }
0x6d: {  	_ =	shalt  }
0x6e: {  	_ =	shalt  }
0x6f: {  	_ =	shalt  }
0x70: {  	_ =	shalt  }
0x71: {  	_ =	shalt  }
0x72: {  	_ =	shalt  }
0x73: {  	_ =	shalt  }
0x74: {  	_ =	shalt  }
0x75: {  	_ =	shalt  }
0x76: {  	_ =	shalt  }
0x77: {  	_ =	shalt  }
0x78: {  	_ =	shalt  }
0x79: {  	_ =	shalt  }
0x7a: {  	_ =	shalt  }
0x7b: {  	_ =	shalt  }
0x7c: {  	_ =	shalt  }
0x7d: {  	_ =	shalt  }
0x7e: {  	_ =	shalt  }
0x7f: {  	_ =	shalt  }
0x80: {  	_ =	shalt  }
0x81: {  	_ =	shalt  }
0x82: {  	_ =	shalt  }
0x83: {  	_ =	shalt  }
0x84: {  	_ =	shalt  }
0x85: {  	_ =	shalt  }
0x86: {  	_ =	shalt  }
0x87: {  	_ =	shalt  }
.Lfunc_end0:
.L_simem_size_0:
called_computation.2_lowered:
.L_overlay_start_0:
0x88: {  	s2 =	sld [smem:$0x3FD9]  }
0x89: {  	s3 =	sld [smem:$0x3FFE];
	_ =	sdelay $0x1  }
0x8a: {  	s1 =	srdreg.scid  }
0x8b: {  	s0 =	sand.u32 $0x1, s1  }
0x8c: {  	s16 =	sshll.u32 s0, $0xA;
	s2 =	sadd.s32 s3, s2  }
0x8d: {  	s2 =	sadd.s32 s2, s16  }
0x8e: {  	[smem:$0x3FA6] =	sst s2  }
0x8f: {  	_ = 	snop  }
0x90: {  	(tm) =	ssettm $0x1  }
0x91: {  	s17 =	sld [smem:$0x3FFB];
	_ =	sdelay $0x3  }
0x92: {  	_ =	strace s17  }
0x93: {  	s2 =	sld [smem:$0x3FFC];
	_ =	sdelay $0x3  }
0x94: {  	_ =	strace s2  }
0x95: {  	s2 =	sld [smem:$0x3FFD];
	_ =	sdelay $0x3  }
0x96: {  	_ =	strace s2  }
0x97: {  	_ =	strace $0x8FFFFFFF  }
0x98: {  	s18 =	sld [smem:$0x3FDB];
	_ =	sdelay $0x1  }
0x99: {  	s19 =	simm.s32 $_scs_section_size  }
0x9a: {  	s4 =	simm.s32 $_size__tile_overlayer_lowered;
	s5 =	simm.s32 $_tile_overlayer_lowered  }
0x9b: {  	s22 =	simm.s32 $0x1BFF;
	s21 =	sshll.u32 s5, $0x1;
	s2 =	sadd.s32 s19, s18  }
0x9c: {  	s6 =	simm.s32 $0x0;
	s20 =	sshll.u32 s4, $0x1;
	s4 =	sadd.s32 s21, s2  }
0x9d: {  	[timem:s6], [sflag:s22] =	dma.local [hbm:s4], s20  }
0x9e: {  	_ =	swait.ge [sflag:s22], s20  }
0x9f: {  	s3 =	ssub.s32 $0x0, s20;
	[sflag:s22] =	ssyncset.done $0x0  }
0xa0: {  	[sflag:s22] =	ssyncadd.s32 s3;
	_ =	sdelay $0x1  }
0xa1: {  	s23 =	simm.s32 $0x1B8B  }
0xa2: {  	_ =	swait.ge [sflag:s23], $0x1  }
0xa3: {  	[sflag:s23] =	ssyncset.done $0x0  }
0xa4: {  	s25 =	simm.s32 $0x1B8E;
	s24 =	sld [smem:$0x3FFE];
	[sflag:s23] =	ssyncadd.s32 $0xFFFFFFFF  }
0xa5: {  	s26 =	simm.s32 $execute0_lowered;
	[smem:$0x3FD2] =	sst s25  }
0xa6: {  	s4 =	sshll.u32 s26, $0x1;
	_ =	strace $0x8000004C;
	[dreg:$0x1] =	wrdreg $0xFFFFFFFF  }
0xa7: {  	s28 =	simm.s32 $_size_execute0_lowered;
	s2 =	sadd.s32 s2, s4;
	[dreg:$0x0] =	wrdreg $0x0  }
0xa8: {  	s4 =	sshll.u32 s28, $0x1;
	[dreg:$0x2] =	wrdreg s2  }
0xa9: {  	[dreg:$0x3] =	wrdreg s4  }
0xaa: {  	[dreg:$0x4] =	wrdreg $0xC0  }
0xab: {  	_ =	task [dreg:s6], $0x5FFFF  }
0xac: {  	[dreg:$0x1] =	wrdreg $0xFFFFFFFF  }
0xad: {  	[dreg:$0x0] =	wrdreg $0x60  }
0xae: {  	[dreg:$0x2] =	wrdreg s24  }
0xaf: {  	[dreg:$0x3] =	wrdreg $0xF7800  }
0xb0: {  	[dreg:$0x4] =	wrdreg $0x9  }
0xb1: {  	_ =	task.clear_ibuf [dreg:s6], $0x5FFFF;
	_ =	strace $0x9000004C  }
0xb2: {  	s29 =	simm.s32 $0x9;
	_ =	strace $0x8000004E  }
0xb3: {  	_ =	swait.ge [sflag:s29], $0x1  }
0xb4: {  	[sflag:s29] =	ssyncadd.s32 $0xFFFFFFFF  }
0xb5: {  	_ =	strace $0x9000004E  }
0xb6: {  	_ =	sfence  }
0xb7: {  	s30 =	sld [smem:$0x0];
	_ =	sdelay $0x2  }
0xb8: {  	s31 =	sshll.u32 s1, $0xD;
	s1 =	sshrl.u32 s1, $0x2  }
0xb9: {  	s3 =	sand.u32 $0x4000, s31;
	s1 =	sadd.s32 s1, s30  }
0xba: {  	s0 =	sor.u32 s3, s0;
	s1 =	sshll.u32 s1, $0x11  }
0xbb: {  	s0 =	sor.u32 s1, s0  }
0xbc: {  	s0 =	sadd.s32 $0x8F2B, s0  }
0xbd: {  	[sflag:s0] =	ssyncadd.remote.s32 $0x1  }
0xbe: {  	_ =	sfence.sel $0xFFFF  }
0xbf: {  	[dreg:$0x0] =	wrdreg $0xFFFFFFFF;
	(pc) =	sbr.abs _section_cstart, $3  }
0xc0: {  	[dreg:$0x1] =	wrdreg $0xFFFFFFFF  }
0xc1: {  	_ =	task.clear_ibuf [dreg:s6], $0x2FFFF;
	_ =	strace $0x9FFFFFFF  }
0xc2: {  	(tm) =	ssettm $0x7FFFFFFF  }
0xc3: {  	_ =	shalt  }
tec
execute0_lowered:
.L_overlay_start_1:
0x0: {  	(tag) =	ssettag $0x1  }
0x1: {  	s0 =	rddreg [dreg:$0x0]  }
0x2: {  	s2 =	rddreg [dreg:$0x1]  }
0x3: {  	s9 =	stileid.u32;
	s1 =	srdreg.scid;
	s3 =	simm.s32 $0x0  }
0x4: {  	s14 =	simm.s32 $0x438;
	s15 =	simm.s32 $0x8E80;
	s16 =	simm.s32 $0x4B0  }
0x5: {  	s17 =	simm.s32 $0x9D80;
	s18 =	simm.s32 $0x528;
	s19 =	simm.s32 $0xAC80  }
0x6: {  	s20 =	simm.s32 $0x5A0;
	s21 =	simm.s32 $0xBB80;
	s22 =	simm.s32 $0x618  }
0x7: {  	s23 =	simm.s32 $0xCA80;
	s24 =	simm.s32 $0x690;
	[smem:$0x7FF] =	sst s3  }
0x8: {  	s28 =	simm.s32 $0x2D0;
	_ =	strace $0x8000004D;
	[dreg:$0x4] =	wrdreg s14  }
0x9: {  	s29 =	simm.s32 $0x6180;
	s30 =	simm.s32 $0x348;
	[dreg:$0x5] =	wrdreg s15  }
0xa: {  	s4 =	smul.u32 $0xF000, s9;
	s1 =	sand.u32 $0x1, s1;
	[dreg:$0x6] =	wrdreg s16  }
0xb: {  	s26 =	sshll.u32 s9, $0x6;
	s9 =	smul.u32 $0x780, s9;
	[dreg:$0x7] =	wrdreg s17  }
0xc: {  	s31 =	simm.s32 $0x7080;
	s5 =	smul.u32 $0x7800, s1;
	[dreg:$0x8] =	wrdreg s18  }
0xd: {  	s7 =	smul.u32 $0xF0000, s1;
	s1 =	ssub.s32 $0x2, s1;
	[dreg:$0x9] =	wrdreg s19  }
0xe: {  	s11 =	sor.u32 $0x1C02, s26;
	s14 =	simm.s32 $0x3C0;
	[dreg:$0xa] =	wrdreg s20  }
0xf: {  	s15 =	simm.s32 $0x78;
	s16 =	simm.s32 $0x780;
	[dreg:$0xb] =	wrdreg s21  }
0x10: {  	s17 =	simm.s32 $0x7F80;
	s18 =	simm.s32 $0x1680;
	[dreg:$0xc] =	wrdreg s22  }
0x11: {  	s19 =	simm.s32 $0xF0;
	s20 =	simm.s32 $0x2580;
	[dreg:$0xd] =	wrdreg s23  }
0x12: {  	s21 =	simm.s32 $0x168;
	[dreg:$0xe] =	wrdreg s24;
	s22 =	simm.s32 $0x3480  }
0x13: {  	s26 =	simm.s32 $0x708;
	s23 =	simm.s32 $0x1E0;
	s24 =	simm.s32 $0x4380  }
0x14: {  	s6 =	sshrl.u32 s4, $0x3;
	s8 =	sshrl.u32 s1, $0x1;
	[dreg:$0x10] =	wrdreg s26  }
0x15: {  	s25 =	sadd.s32 s4, s2;
	[dreg:$0x12] =	wrdreg s11;
	s6 =	sadd.s32 s6, s0  }
0x16: {  	s5 =	sadd.s32 s5, s0;
	s0 =	sadd.s32 s7, s0;
	s10 =	sadd.s32 $0xBC400, s6  }
0x17: {  	s1 =	ssub.s32 s1, s8;
	s6 =	sadd.s32 $0x80400, s6;
	[dreg:$0x11] =	wrdreg s10  }
0x18: {  	s0 =	sadd.s32 s4, s0;
	s1 =	smax.u32 s1, $0x1;
	[dreg:$0x13] =	wrdreg s6  }
0x19: {  	s26 =	simm.s32 $0x5280;
	s8 =	sadd.s32 $0x314400, s0;
	[dreg:$0x15] =	wrdreg s1  }
0x1a: {  	s4 =	simm.s32 $0x0;
	s12 =	sadd.s32 $0x6D4400, s0;
	[dreg:$0x14] =	wrdreg s8  }
0x1b: {  	s10 =	sadd.s32 s9, s5;
	s0 =	sadd.s32 $0x4F4400, s0;
	[dreg:$0x16] =	wrdreg s12  }
0x1c: {  	s1 =	simm.s32 $0x1;
	s13 =	sadd.s32 $0xAD400, s10;
	[dreg:$0x17] =	wrdreg s0  }
0x1d: {  	s12 =	sshrl.u32 s25, $0x3;
	s25 =	simm.s32 $0xD980;
	[dreg:$0x3] =	wrdreg s13  }
0x1e: {  	s10 =	sadd.s32 $0x9E400, s10;
	s0 =	simm.s32 $0xE880;
	[dreg:$0xf] =	wrdreg s25  }
0x1f: {  	s13 =	simm.s32 $0x2;
	s25 =	simm.s32 $0x258;
	[dreg:$0x18] =	wrdreg s12  }
.LBB2_1:
0x20: {  	s5 =	rddreg [dreg:$0x11]  }
0x21: {  	[spmem:s12], [sflag:s11] =	dma.local [hbm:s5], $0x1E00  }
0x22: {  	_ =	swait.ge [sflag:s13], $0x1E00  }
0x23: {  	[sflag:s13] =	ssyncset.done $0x0  }
0x24: {  	[sflag:s13] =	ssyncadd.s32 $0xFFFFE200  }
0x25: {  	s7 =	sadd.s32 $0x0, s10;
	[bflag:$0x0] =	sbarrier.arrive $0xFFFF  }
0x26: {  	[tilespmem:s3], [sflag:$0x2] =	stream.linear.gather [hbm4b:s7+s3], $0x3C0, $0x38;
	[tilespmem:$0x1E780] =	vst v63  }
0x27: {  	_ =	swait.ge [sflag:s13], $0x3C0  }
0x28: {  	s8 =	rddreg [dreg:$0x3];
	[sflag:s13] =	ssyncset.done $0x0  }
0x29: {  	[sflag:s13] =	ssyncadd.s32 $0xFFFFFC40;
	s5 =	sadd.s32 $0x0, s8  }
0x2a: {  	[tilespmem:s14], [sflag:$0x2] =	stream.linear.gather [hbm4b:s5+s3], $0x3C0, $0x38;
	[tilespmem:$0x1E780] =	vst v63  }
0x2b: {  	_ =	swait.ge [sflag:s13], $0x3C0  }
0x2c: {  	[sflag:s13] =	ssyncset.done $0x0  }
0x2d: {  	[sflag:s13] =	ssyncadd.s32 $0xFFFFFC40  }
0x2e: {  	[tilespmem:s16], [sflag:$0x1] =	stream.indirect.gather [spmem:s2], $0x20, s3, s15, $0xb8;
	[tilespmem:$0x1E780] =	vst v63  }
0x2f: {  	_ = 	snop  }
0x30: {  	[tilespmem:s17], [sflag:$0x1] =	stream.indirect.gather [spmem:s2], $0x20, s14, s15, $0xb8;
	[tilespmem:$0x1E780] =	vst v63  }
0x31: {  	s9 =	rddreg [dreg:$0x5]  }
0x32: {  	[tilespmem:s18], [sflag:$0x1] =	stream.indirect.gather [spmem:s2], $0x20, s15, s15, $0xb8;
	[tilespmem:$0x1E780] =	vst v63  }
0x33: {  	s6 =	rddreg [dreg:$0x4]  }
0x34: {  	[tilespmem:s9], [sflag:$0x1] =	stream.indirect.gather [spmem:s2], $0x20, s6, s15, $0xb8;
	[tilespmem:$0x1E780] =	vst v63  }
0x35: {  	s7 =	rddreg [dreg:$0x7]  }
0x36: {  	[tilespmem:s20], [sflag:$0x1] =	stream.indirect.gather [spmem:s2], $0x20, s19, s15, $0xb8;
	[tilespmem:$0x1E780] =	vst v63  }
0x37: {  	s11 =	rddreg [dreg:$0x6]  }
0x38: {  	[tilespmem:s7], [sflag:$0x1] =	stream.indirect.gather [spmem:s2], $0x20, s11, s15, $0xb8;
	[tilespmem:$0x1E780] =	vst v63  }
0x39: {  	s12 =	rddreg [dreg:$0x9]  }
0x3a: {  	[tilespmem:s22], [sflag:$0x1] =	stream.indirect.gather [spmem:s2], $0x20, s21, s15, $0xb8;
	[tilespmem:$0x1E780] =	vst v63  }
0x3b: {  	s8 =	rddreg [dreg:$0x8]  }
0x3c: {  	[tilespmem:s12], [sflag:$0x1] =	stream.indirect.gather [spmem:s2], $0x20, s8, s15, $0xb8;
	[tilespmem:$0x1E780] =	vst v63  }
0x3d: {  	s9 =	rddreg [dreg:$0xb]  }
0x3e: {  	[tilespmem:s24], [sflag:$0x1] =	stream.indirect.gather [spmem:s2], $0x20, s23, s15, $0xb8;
	[tilespmem:$0x1E780] =	vst v63  }
0x3f: {  	s11 =	rddreg [dreg:$0xa]  }
0x40: {  	[tilespmem:s9], [sflag:$0x1] =	stream.indirect.gather [spmem:s2], $0x20, s11, s15, $0xb8;
	[tilespmem:$0x1E780] =	vst v63  }
0x41: {  	s7 =	rddreg [dreg:$0xc]  }
0x42: {  	[tilespmem:s26], [sflag:$0x1] =	stream.indirect.gather [spmem:s2], $0x20, s25, s15, $0xb8;
	[tilespmem:$0x1E780] =	vst v63  }
0x43: {  	s12 =	rddreg [dreg:$0xd]  }
0x44: {  	[tilespmem:s12], [sflag:$0x1] =	stream.indirect.gather [spmem:s2], $0x20, s7, s15, $0xb8;
	[tilespmem:$0x1E780] =	vst v63  }
0x45: {  	s8 =	rddreg [dreg:$0xf]  }
0x46: {  	[tilespmem:s29], [sflag:$0x1] =	stream.indirect.gather [spmem:s2], $0x20, s28, s15, $0xb8;
	[tilespmem:$0x1E780] =	vst v63  }
0x47: {  	s9 =	rddreg [dreg:$0xe]  }
0x48: {  	[tilespmem:s8], [sflag:$0x1] =	stream.indirect.gather [spmem:s2], $0x20, s9, s15, $0xb8;
	[tilespmem:$0x1E780] =	vst v63  }
0x49: {  	_ = 	snop  }
0x4a: {  	[tilespmem:s31], [sflag:$0x1] =	stream.indirect.gather [spmem:s2], $0x20, s30, s15, $0xb8;
	[tilespmem:$0x1E780] =	vst v63  }
0x4b: {  	s11 =	rddreg [dreg:$0x10]  }
0x4c: {  	[tilespmem:s0], [sflag:$0x1] =	stream.indirect.gather [spmem:s2], $0x20, s11, s15, $0xb8;
	[tilespmem:$0x1E780] =	vst v63  }
0x4d: {  	_ =	swait.ge [sflag:s1], $0xF00  }
0x4e: {  	[sflag:s1] =	ssyncset.done $0x0  }
0x4f: {  	[sflag:s1] =	ssyncadd.s32 $0xFFFFF100  }
0x50: {  	_ =	swait.ge [sflag:s1], $0xF00  }
0x51: {  	[sflag:s1] =	ssyncset.done $0x0  }
0x52: {  	[sflag:s1] =	ssyncadd.s32 $0xFFFFF100  }
0x53: {  	_ =	swait.ge [sflag:s1], $0xF00  }
0x54: {  	[sflag:s1] =	ssyncset.done $0x0  }
0x55: {  	[sflag:s1] =	ssyncadd.s32 $0xFFFFF100  }
0x56: {  	_ =	swait.ge [sflag:s1], $0xF00  }
0x57: {  	[sflag:s1] =	ssyncset.done $0x0  }
0x58: {  	[sflag:s1] =	ssyncadd.s32 $0xFFFFF100  }
0x59: {  	_ =	swait.ge [sflag:s1], $0xF00  }
0x5a: {  	[sflag:s1] =	ssyncset.done $0x0  }
0x5b: {  	[sflag:s1] =	ssyncadd.s32 $0xFFFFF100  }
0x5c: {  	_ =	swait.ge [sflag:s1], $0xF00  }
0x5d: {  	[sflag:s1] =	ssyncset.done $0x0  }
0x5e: {  	[sflag:s1] =	ssyncadd.s32 $0xFFFFF100  }
0x5f: {  	_ =	swait.ge [sflag:s1], $0xF00  }
0x60: {  	[sflag:s1] =	ssyncset.done $0x0  }
0x61: {  	[sflag:s1] =	ssyncadd.s32 $0xFFFFF100  }
0x62: {  	_ =	swait.ge [sflag:s1], $0xF00  }
0x63: {  	[sflag:s1] =	ssyncset.done $0x0  }
0x64: {  	[sflag:s1] =	ssyncadd.s32 $0xFFFFF100  }
0x65: {  	_ =	swait.ge [sflag:s1], $0xF00  }
0x66: {  	[sflag:s1] =	ssyncset.done $0x0  }
0x67: {  	[sflag:s1] =	ssyncadd.s32 $0xFFFFF100  }
0x68: {  	_ =	swait.ge [sflag:s1], $0xF00  }
0x69: {  	[sflag:s1] =	ssyncset.done $0x0  }
0x6a: {  	[sflag:s1] =	ssyncadd.s32 $0xFFFFF100  }
0x6b: {  	_ =	swait.ge [sflag:s1], $0xF00  }
0x6c: {  	[sflag:s1] =	ssyncset.done $0x0  }
0x6d: {  	[sflag:s1] =	ssyncadd.s32 $0xFFFFF100  }
0x6e: {  	_ =	swait.ge [sflag:s1], $0xF00  }
0x6f: {  	[sflag:s1] =	ssyncset.done $0x0  }
0x70: {  	[sflag:s1] =	ssyncadd.s32 $0xFFFFF100  }
0x71: {  	_ =	swait.ge [sflag:s1], $0xF00  }
0x72: {  	[sflag:s1] =	ssyncset.done $0x0  }
0x73: {  	[sflag:s1] =	ssyncadd.s32 $0xFFFFF100  }
0x74: {  	_ =	swait.ge [sflag:s1], $0xF00  }
0x75: {  	[sflag:s1] =	ssyncset.done $0x0  }
0x76: {  	[sflag:s1] =	ssyncadd.s32 $0xFFFFF100  }
0x77: {  	_ =	swait.ge [sflag:s1], $0xF00  }
0x78: {  	[sflag:s1] =	ssyncset.done $0x0  }
0x79: {  	[sflag:s1] =	ssyncadd.s32 $0xFFFFF100  }
0x7a: {  	_ =	swait.ge [sflag:s1], $0xF00  }
0x7b: {  	[sflag:s1] =	ssyncset.done $0x0  }
0x7c: {  	s8 =	rddreg [dreg:$0x16];
	[sflag:s1] =	ssyncadd.s32 $0xFFFFF100  }
0x7d: {  	[hbm4b:s8+s3] =	stream.linear.scatter [tilespmem:s16], [sflag:$0x2], $0x7800, $0x38;
	[tilespmem:$0x1E780] =	vst v63  }
0x7e: {  	_ =	swait.ge [sflag:s13], $0x7800  }
0x7f: {  	[sflag:s13] =	ssyncset.done $0x0  }
0x80: {  	s12 =	rddreg [dreg:$0x14];
	[sflag:s13] =	ssyncadd.s32 $0xFFFF8800  }
0x81: {  	[hbm4b:s12+s3] =	stream.linear.scatter [tilespmem:s17], [sflag:$0x2], $0x7800, $0x38;
	[tilespmem:$0x1E780] =	vst v63  }
0x82: {  	s5 =	simm.s32 $0x78;
	s7 =	simm.s32 $0xF0;
	_ =	swait.ge [sflag:s13], $0x7800  }
0x83: {  	s8 =	sadd.s32 $0xF00, s8;
	s6 =	sadd.s32 $0xF00, s12;
	[sflag:s13] =	ssyncset.done $0x0  }
.LBB2_2:
0x84: {  	s11 =	sadd.s32 s5, s10;
	[sflag:s13] =	ssyncadd.s32 $0xFFFF8800  }
0x85: {  	[tilespmem:s3], [sflag:$0x2] =	stream.linear.gather [hbm4b:s11+s3], $0x3C0, $0x38;
	[tilespmem:$0x1E780] =	vst v63  }
0x86: {  	s12 =	smov.u32 s7;
	_ =	swait.ge [sflag:s13], $0x3C0  }
0x87: {  	s9 =	sadd.s32 $0x78, s7;
	s11 =	rddreg [dreg:$0x3];
	[sflag:s13] =	ssyncset.done $0x0  }
0x88: {  	p0 =	sne.s32 s7, $0x708;
	[sflag:s13] =	ssyncadd.s32 $0xFFFFFC40;
	s7 =	sadd.s32 s5, s11  }
0x89: {  	[tilespmem:s14], [sflag:$0x2] =	stream.linear.gather [hbm4b:s7+s3], $0x3C0, $0x38;
	[tilespmem:$0x1E780] =	vst v63  }
0x8a: {  	_ =	swait.ge [sflag:s13], $0x3C0  }
0x8b: {  	[sflag:s13] =	ssyncset.done $0x0  }
0x8c: {  	[sflag:s13] =	ssyncadd.s32 $0xFFFFFC40  }
0x8d: {  	[tilespmem:s16], [sflag:$0x1] =	stream.indirect.gather [spmem:s2], $0x20, s3, s15, $0xb8;
	[tilespmem:$0x1E780] =	vst v63  }
0x8e: {  	_ = 	snop  }
0x8f: {  	[tilespmem:s17], [sflag:$0x1] =	stream.indirect.gather [spmem:s2], $0x20, s14, s15, $0xb8;
	[tilespmem:$0x1E780] =	vst v63  }
0x90: {  	s7 =	rddreg [dreg:$0x5]  }
0x91: {  	[tilespmem:s18], [sflag:$0x1] =	stream.indirect.gather [spmem:s2], $0x20, s15, s15, $0xb8;
	[tilespmem:$0x1E780] =	vst v63  }
0x92: {  	s11 =	rddreg [dreg:$0x4]  }
0x93: {  	[tilespmem:s7], [sflag:$0x1] =	stream.indirect.gather [spmem:s2], $0x20, s11, s15, $0xb8;
	[tilespmem:$0x1E780] =	vst v63  }
0x94: {  	s5 =	smov.u32 s12;
	s12 =	rddreg [dreg:$0x7]  }
0x95: {  	[tilespmem:s20], [sflag:$0x1] =	stream.indirect.gather [spmem:s2], $0x20, s19, s15, $0xb8;
	[tilespmem:$0x1E780] =	vst v63  }
0x96: {  	s7 =	rddreg [dreg:$0x6]  }
0x97: {  	[tilespmem:s12], [sflag:$0x1] =	stream.indirect.gather [spmem:s2], $0x20, s7, s15, $0xb8;
	[tilespmem:$0x1E780] =	vst v63  }
0x98: {  	s11 =	rddreg [dreg:$0x9]  }
0x99: {  	[tilespmem:s22], [sflag:$0x1] =	stream.indirect.gather [spmem:s2], $0x20, s21, s15, $0xb8;
	[tilespmem:$0x1E780] =	vst v63  }
0x9a: {  	s7 =	rddreg [dreg:$0x8]  }
0x9b: {  	[tilespmem:s11], [sflag:$0x1] =	stream.indirect.gather [spmem:s2], $0x20, s7, s15, $0xb8;
	[tilespmem:$0x1E780] =	vst v63  }
0x9c: {  	s12 =	rddreg [dreg:$0xb]  }
0x9d: {  	[tilespmem:s24], [sflag:$0x1] =	stream.indirect.gather [spmem:s2], $0x20, s23, s15, $0xb8;
	[tilespmem:$0x1E780] =	vst v63  }
0x9e: {  	s7 =	rddreg [dreg:$0xa]  }
0x9f: {  	[tilespmem:s12], [sflag:$0x1] =	stream.indirect.gather [spmem:s2], $0x20, s7, s15, $0xb8;
	[tilespmem:$0x1E780] =	vst v63  }
0xa0: {  	s11 =	rddreg [dreg:$0xd]  }
0xa1: {  	[tilespmem:s26], [sflag:$0x1] =	stream.indirect.gather [spmem:s2], $0x20, s25, s15, $0xb8;
	[tilespmem:$0x1E780] =	vst v63  }
0xa2: {  	s7 =	rddreg [dreg:$0xc]  }
0xa3: {  	[tilespmem:s11], [sflag:$0x1] =	stream.indirect.gather [spmem:s2], $0x20, s7, s15, $0xb8;
	[tilespmem:$0x1E780] =	vst v63  }
0xa4: {  	s12 =	rddreg [dreg:$0xf]  }
0xa5: {  	[tilespmem:s29], [sflag:$0x1] =	stream.indirect.gather [spmem:s2], $0x20, s28, s15, $0xb8;
	[tilespmem:$0x1E780] =	vst v63  }
0xa6: {  	s11 =	rddreg [dreg:$0xe]  }
0xa7: {  	[tilespmem:s12], [sflag:$0x1] =	stream.indirect.gather [spmem:s2], $0x20, s11, s15, $0xb8;
	[tilespmem:$0x1E780] =	vst v63  }
0xa8: {  	_ = 	snop  }
0xa9: {  	[tilespmem:s31], [sflag:$0x1] =	stream.indirect.gather [spmem:s2], $0x20, s30, s15, $0xb8;
	[tilespmem:$0x1E780] =	vst v63  }
0xaa: {  	s12 =	rddreg [dreg:$0x10]  }
0xab: {  	[tilespmem:s0], [sflag:$0x1] =	stream.indirect.gather [spmem:s2], $0x20, s12, s15, $0xb8;
	[tilespmem:$0x1E780] =	vst v63  }
0xac: {  	_ =	swait.ge [sflag:s1], $0xF00  }
0xad: {  	[sflag:s1] =	ssyncset.done $0x0  }
0xae: {  	[sflag:s1] =	ssyncadd.s32 $0xFFFFF100  }
0xaf: {  	_ =	swait.ge [sflag:s1], $0xF00  }
0xb0: {  	[sflag:s1] =	ssyncset.done $0x0  }
0xb1: {  	[sflag:s1] =	ssyncadd.s32 $0xFFFFF100  }
0xb2: {  	_ =	swait.ge [sflag:s1], $0xF00  }
0xb3: {  	[sflag:s1] =	ssyncset.done $0x0  }
0xb4: {  	[sflag:s1] =	ssyncadd.s32 $0xFFFFF100  }
0xb5: {  	_ =	swait.ge [sflag:s1], $0xF00  }
0xb6: {  	[sflag:s1] =	ssyncset.done $0x0  }
0xb7: {  	[sflag:s1] =	ssyncadd.s32 $0xFFFFF100  }
0xb8: {  	_ =	swait.ge [sflag:s1], $0xF00  }
0xb9: {  	[sflag:s1] =	ssyncset.done $0x0  }
0xba: {  	[sflag:s1] =	ssyncadd.s32 $0xFFFFF100  }
0xbb: {  	_ =	swait.ge [sflag:s1], $0xF00  }
0xbc: {  	[sflag:s1] =	ssyncset.done $0x0  }
0xbd: {  	[sflag:s1] =	ssyncadd.s32 $0xFFFFF100  }
0xbe: {  	_ =	swait.ge [sflag:s1], $0xF00  }
0xbf: {  	[sflag:s1] =	ssyncset.done $0x0  }
0xc0: {  	[sflag:s1] =	ssyncadd.s32 $0xFFFFF100  }
0xc1: {  	_ =	swait.ge [sflag:s1], $0xF00  }
0xc2: {  	[sflag:s1] =	ssyncset.done $0x0  }
0xc3: {  	[sflag:s1] =	ssyncadd.s32 $0xFFFFF100  }
0xc4: {  	_ =	swait.ge [sflag:s1], $0xF00  }
0xc5: {  	[sflag:s1] =	ssyncset.done $0x0  }
0xc6: {  	[sflag:s1] =	ssyncadd.s32 $0xFFFFF100  }
0xc7: {  	_ =	swait.ge [sflag:s1], $0xF00  }
0xc8: {  	[sflag:s1] =	ssyncset.done $0x0  }
0xc9: {  	[sflag:s1] =	ssyncadd.s32 $0xFFFFF100  }
0xca: {  	_ =	swait.ge [sflag:s1], $0xF00  }
0xcb: {  	[sflag:s1] =	ssyncset.done $0x0  }
0xcc: {  	[sflag:s1] =	ssyncadd.s32 $0xFFFFF100  }
0xcd: {  	_ =	swait.ge [sflag:s1], $0xF00  }
0xce: {  	[sflag:s1] =	ssyncset.done $0x0  }
0xcf: {  	[sflag:s1] =	ssyncadd.s32 $0xFFFFF100  }
0xd0: {  	_ =	swait.ge [sflag:s1], $0xF00  }
0xd1: {  	[sflag:s1] =	ssyncset.done $0x0  }
0xd2: {  	[sflag:s1] =	ssyncadd.s32 $0xFFFFF100  }
0xd3: {  	_ =	swait.ge [sflag:s1], $0xF00  }
0xd4: {  	[sflag:s1] =	ssyncset.done $0x0  }
0xd5: {  	[sflag:s1] =	ssyncadd.s32 $0xFFFFF100  }
0xd6: {  	_ =	swait.ge [sflag:s1], $0xF00  }
0xd7: {  	[sflag:s1] =	ssyncset.done $0x0  }
0xd8: {  	[sflag:s1] =	ssyncadd.s32 $0xFFFFF100  }
0xd9: {  	_ =	swait.ge [sflag:s1], $0xF00  }
0xda: {  	[sflag:s1] =	ssyncset.done $0x0  }
0xdb: {  	[sflag:s1] =	ssyncadd.s32 $0xFFFFF100  }
0xdc: {  	[hbm4b:s8+s3] =	stream.linear.scatter [tilespmem:s16], [sflag:$0x2], $0x7800, $0x38;
	[tilespmem:$0x1E780] =	vst v63  }
0xdd: {  	_ =	swait.ge [sflag:s13], $0x7800  }
.Ltmp0:
0xde: {  	[sflag:s13] =	ssyncset.done $0x0;
	(pc) =	sbr.rel @p0 .LBB2_2-.Ltmp0, $4  }
0xdf: {  	[sflag:s13] =	ssyncadd.s32 $0xFFFF8800  }
0xe0: {  	[hbm4b:s6+s3] =	stream.linear.scatter [tilespmem:s17], [sflag:$0x2], $0x7800, $0x38;
	[tilespmem:$0x1E780] =	vst v63  }
0xe1: {  	s7 =	smov.u32 s9;
	_ =	swait.ge [sflag:s13], $0x7800  }
0xe2: {  	s8 =	sadd.s32 $0xF00, s8;
	s6 =	sadd.s32 $0xF00, s6;
	[sflag:s13] =	ssyncset.done $0x0  }
0xe3: {  	s7 =	sadd.s32 s5, s10;
	[sflag:s13] =	ssyncadd.s32 $0xFFFF8800  }
0xe4: {  	[tilespmem:s3], [sflag:$0x2] =	stream.linear.gather [hbm4b:s7+s3], $0x3C0, $0x38;
	[tilespmem:$0x1E780] =	vst v63  }
0xe5: {  	_ =	swait.ge [sflag:s13], $0x3C0  }
0xe6: {  	s12 =	rddreg [dreg:$0x3];
	[sflag:s13] =	ssyncset.done $0x0  }
0xe7: {  	[sflag:s13] =	ssyncadd.s32 $0xFFFFFC40;
	s9 =	sadd.s32 s5, s12  }
0xe8: {  	[tilespmem:s14], [sflag:$0x2] =	stream.linear.gather [hbm4b:s9+s3], $0x3C0, $0x38;
	[tilespmem:$0x1E780] =	vst v63  }
0xe9: {  	_ =	swait.ge [sflag:s13], $0x3C0  }
0xea: {  	[sflag:s13] =	ssyncset.done $0x0  }
0xeb: {  	[sflag:s13] =	ssyncadd.s32 $0xFFFFFC40  }
0xec: {  	[tilespmem:s16], [sflag:$0x1] =	stream.indirect.gather [spmem:s2], $0x20, s3, s15, $0xb8;
	[tilespmem:$0x1E780] =	vst v63  }
0xed: {  	_ = 	snop  }
0xee: {  	[tilespmem:s17], [sflag:$0x1] =	stream.indirect.gather [spmem:s2], $0x20, s14, s15, $0xb8;
	[tilespmem:$0x1E780] =	vst v63  }
0xef: {  	s11 =	rddreg [dreg:$0x5]  }
0xf0: {  	[tilespmem:s18], [sflag:$0x1] =	stream.indirect.gather [spmem:s2], $0x20, s15, s15, $0xb8;
	[tilespmem:$0x1E780] =	vst v63  }
0xf1: {  	s12 =	rddreg [dreg:$0x4]  }
0xf2: {  	[tilespmem:s11], [sflag:$0x1] =	stream.indirect.gather [spmem:s2], $0x20, s12, s15, $0xb8;
	[tilespmem:$0x1E780] =	vst v63  }
0xf3: {  	s7 =	rddreg [dreg:$0x7]  }
0xf4: {  	[tilespmem:s20], [sflag:$0x1] =	stream.indirect.gather [spmem:s2], $0x20, s19, s15, $0xb8;
	[tilespmem:$0x1E780] =	vst v63  }
0xf5: {  	s9 =	rddreg [dreg:$0x6]  }
0xf6: {  	[tilespmem:s7], [sflag:$0x1] =	stream.indirect.gather [spmem:s2], $0x20, s9, s15, $0xb8;
	[tilespmem:$0x1E780] =	vst v63  }
0xf7: {  	s11 =	rddreg [dreg:$0x9]  }
0xf8: {  	[tilespmem:s22], [sflag:$0x1] =	stream.indirect.gather [spmem:s2], $0x20, s21, s15, $0xb8;
	[tilespmem:$0x1E780] =	vst v63  }
0xf9: {  	s12 =	rddreg [dreg:$0x8]  }
0xfa: {  	[tilespmem:s11], [sflag:$0x1] =	stream.indirect.gather [spmem:s2], $0x20, s12, s15, $0xb8;
	[tilespmem:$0x1E780] =	vst v63  }
0xfb: {  	s7 =	rddreg [dreg:$0xb]  }
0xfc: {  	[tilespmem:s24], [sflag:$0x1] =	stream.indirect.gather [spmem:s2], $0x20, s23, s15, $0xb8;
	[tilespmem:$0x1E780] =	vst v63  }
0xfd: {  	s9 =	rddreg [dreg:$0xa]  }
0xfe: {  	[tilespmem:s7], [sflag:$0x1] =	stream.indirect.gather [spmem:s2], $0x20, s9, s15, $0xb8;
	[tilespmem:$0x1E780] =	vst v63  }
0xff: {  	s11 =	rddreg [dreg:$0xd]  }
0x100: {  	[tilespmem:s26], [sflag:$0x1] =	stream.indirect.gather [spmem:s2], $0x20, s25, s15, $0xb8;
	[tilespmem:$0x1E780] =	vst v63  }
0x101: {  	s12 =	rddreg [dreg:$0xc]  }
0x102: {  	[tilespmem:s11], [sflag:$0x1] =	stream.indirect.gather [spmem:s2], $0x20, s12, s15, $0xb8;
	[tilespmem:$0x1E780] =	vst v63  }
0x103: {  	s9 =	rddreg [dreg:$0xf]  }
0x104: {  	[tilespmem:s29], [sflag:$0x1] =	stream.indirect.gather [spmem:s2], $0x20, s28, s15, $0xb8;
	[tilespmem:$0x1E780] =	vst v63  }
0x105: {  	s11 =	rddreg [dreg:$0xe]  }
0x106: {  	[tilespmem:s9], [sflag:$0x1] =	stream.indirect.gather [spmem:s2], $0x20, s11, s15, $0xb8;
	[tilespmem:$0x1E780] =	vst v63  }
0x107: {  	_ = 	snop  }
0x108: {  	[tilespmem:s31], [sflag:$0x1] =	stream.indirect.gather [spmem:s2], $0x20, s30, s15, $0xb8;
	[tilespmem:$0x1E780] =	vst v63  }
0x109: {  	s12 =	rddreg [dreg:$0x10]  }
0x10a: {  	[tilespmem:s0], [sflag:$0x1] =	stream.indirect.gather [spmem:s2], $0x20, s12, s15, $0xb8;
	[tilespmem:$0x1E780] =	vst v63  }
0x10b: {  	_ =	swait.ge [sflag:s1], $0xF00  }
0x10c: {  	[sflag:s1] =	ssyncset.done $0x0  }
0x10d: {  	[sflag:s1] =	ssyncadd.s32 $0xFFFFF100  }
0x10e: {  	_ =	swait.ge [sflag:s1], $0xF00  }
0x10f: {  	[sflag:s1] =	ssyncset.done $0x0  }
0x110: {  	[sflag:s1] =	ssyncadd.s32 $0xFFFFF100  }
0x111: {  	_ =	swait.ge [sflag:s1], $0xF00  }
0x112: {  	[sflag:s1] =	ssyncset.done $0x0  }
0x113: {  	[sflag:s1] =	ssyncadd.s32 $0xFFFFF100  }
0x114: {  	_ =	swait.ge [sflag:s1], $0xF00  }
0x115: {  	[sflag:s1] =	ssyncset.done $0x0  }
0x116: {  	[sflag:s1] =	ssyncadd.s32 $0xFFFFF100  }
0x117: {  	_ =	swait.ge [sflag:s1], $0xF00  }
0x118: {  	[sflag:s1] =	ssyncset.done $0x0  }
0x119: {  	[sflag:s1] =	ssyncadd.s32 $0xFFFFF100  }
0x11a: {  	_ =	swait.ge [sflag:s1], $0xF00  }
0x11b: {  	[sflag:s1] =	ssyncset.done $0x0  }
0x11c: {  	[sflag:s1] =	ssyncadd.s32 $0xFFFFF100  }
0x11d: {  	_ =	swait.ge [sflag:s1], $0xF00  }
0x11e: {  	[sflag:s1] =	ssyncset.done $0x0  }
0x11f: {  	[sflag:s1] =	ssyncadd.s32 $0xFFFFF100  }
0x120: {  	_ =	swait.ge [sflag:s1], $0xF00  }
0x121: {  	[sflag:s1] =	ssyncset.done $0x0  }
0x122: {  	[sflag:s1] =	ssyncadd.s32 $0xFFFFF100  }
0x123: {  	_ =	swait.ge [sflag:s1], $0xF00  }
0x124: {  	[sflag:s1] =	ssyncset.done $0x0  }
0x125: {  	[sflag:s1] =	ssyncadd.s32 $0xFFFFF100  }
0x126: {  	_ =	swait.ge [sflag:s1], $0xF00  }
0x127: {  	[sflag:s1] =	ssyncset.done $0x0  }
0x128: {  	[sflag:s1] =	ssyncadd.s32 $0xFFFFF100  }
0x129: {  	_ =	swait.ge [sflag:s1], $0xF00  }
0x12a: {  	[sflag:s1] =	ssyncset.done $0x0  }
0x12b: {  	[sflag:s1] =	ssyncadd.s32 $0xFFFFF100  }
0x12c: {  	_ =	swait.ge [sflag:s1], $0xF00  }
0x12d: {  	[sflag:s1] =	ssyncset.done $0x0  }
0x12e: {  	[sflag:s1] =	ssyncadd.s32 $0xFFFFF100  }
0x12f: {  	_ =	swait.ge [sflag:s1], $0xF00  }
0x130: {  	[sflag:s1] =	ssyncset.done $0x0  }
0x131: {  	[sflag:s1] =	ssyncadd.s32 $0xFFFFF100  }
0x132: {  	_ =	swait.ge [sflag:s1], $0xF00  }
0x133: {  	[sflag:s1] =	ssyncset.done $0x0  }
0x134: {  	[sflag:s1] =	ssyncadd.s32 $0xFFFFF100  }
0x135: {  	_ =	swait.ge [sflag:s1], $0xF00  }
0x136: {  	[sflag:s1] =	ssyncset.done $0x0  }
0x137: {  	[sflag:s1] =	ssyncadd.s32 $0xFFFFF100  }
0x138: {  	_ =	swait.ge [sflag:s1], $0xF00  }
0x139: {  	[sflag:s1] =	ssyncset.done $0x0  }
0x13a: {  	[sflag:s1] =	ssyncadd.s32 $0xFFFFF100  }
0x13b: {  	[hbm4b:s8+s3] =	stream.linear.scatter [tilespmem:s16], [sflag:$0x2], $0x7800, $0x38;
	[tilespmem:$0x1E780] =	vst v63  }
0x13c: {  	_ =	swait.ge [sflag:s13], $0x7800  }
0x13d: {  	[sflag:s13] =	ssyncset.done $0x0  }
0x13e: {  	[sflag:s13] =	ssyncadd.s32 $0xFFFF8800  }
0x13f: {  	[hbm4b:s6+s3] =	stream.linear.scatter [tilespmem:s17], [sflag:$0x2], $0x7800, $0x38;
	[tilespmem:$0x1E780] =	vst v63  }
0x140: {  	_ =	swait.ge [sflag:s13], $0x7800  }
0x141: {  	[sflag:s13] =	ssyncset.done $0x0  }
0x142: {  	[sflag:s13] =	ssyncadd.s32 $0xFFFF8800  }
0x143: {  	[bflag:$0x0] =	sbarrier.arrive $0xFFFF  }
0x144: {  	s11 =	rddreg [dreg:$0x12]  }
0x145: {  	s7 =	rddreg [dreg:$0x13]  }
0x146: {  	s12 =	rddreg [dreg:$0x18]  }
0x147: {  	[spmem:s12], [sflag:s11] =	dma.local [hbm:s7], $0x1E00  }
0x148: {  	_ =	swait.ge [sflag:s13], $0x1E00  }
0x149: {  	[sflag:s13] =	ssyncset.done $0x0  }
0x14a: {  	[sflag:s13] =	ssyncadd.s32 $0xFFFFE200  }
0x14b: {  	s8 =	sadd.s32 $0x0, s10;
	[bflag:$0x0] =	sbarrier.arrive $0xFFFF  }
0x14c: {  	[tilespmem:s3], [sflag:$0x2] =	stream.linear.gather [hbm4b:s8+s3], $0x3C0, $0x38;
	[tilespmem:$0x1E780] =	vst v63  }
0x14d: {  	_ =	swait.ge [sflag:s13], $0x3C0  }
0x14e: {  	[sflag:s13] =	ssyncset.done $0x0  }
0x14f: {  	[sflag:s13] =	ssyncadd.s32 $0xFFFFFC40  }
0x150: {  	[tilespmem:s16], [sflag:$0x1] =	stream.indirect.gather [spmem:s2], $0x20, s3, s15, $0xb8;
	[tilespmem:$0x1E780] =	vst v63  }
0x151: {  	_ = 	snop  }
0x152: {  	[tilespmem:s18], [sflag:$0x1] =	stream.indirect.gather [spmem:s2], $0x20, s15, s15, $0xb8;
	[tilespmem:$0x1E780] =	vst v63  }
0x153: {  	_ = 	snop  }
0x154: {  	[tilespmem:s20], [sflag:$0x1] =	stream.indirect.gather [spmem:s2], $0x20, s19, s15, $0xb8;
	[tilespmem:$0x1E780] =	vst v63  }
0x155: {  	_ = 	snop  }
0x156: {  	[tilespmem:s22], [sflag:$0x1] =	stream.indirect.gather [spmem:s2], $0x20, s21, s15, $0xb8;
	[tilespmem:$0x1E780] =	vst v63  }
0x157: {  	_ = 	snop  }
0x158: {  	[tilespmem:s24], [sflag:$0x1] =	stream.indirect.gather [spmem:s2], $0x20, s23, s15, $0xb8;
	[tilespmem:$0x1E780] =	vst v63  }
0x159: {  	_ = 	snop  }
0x15a: {  	[tilespmem:s26], [sflag:$0x1] =	stream.indirect.gather [spmem:s2], $0x20, s25, s15, $0xb8;
	[tilespmem:$0x1E780] =	vst v63  }
0x15b: {  	_ = 	snop  }
0x15c: {  	[tilespmem:s29], [sflag:$0x1] =	stream.indirect.gather [spmem:s2], $0x20, s28, s15, $0xb8;
	[tilespmem:$0x1E780] =	vst v63  }
0x15d: {  	_ = 	snop  }
0x15e: {  	[tilespmem:s31], [sflag:$0x1] =	stream.indirect.gather [spmem:s2], $0x20, s30, s15, $0xb8;
	[tilespmem:$0x1E780] =	vst v63  }
0x15f: {  	_ =	swait.ge [sflag:s1], $0xF00  }
0x160: {  	[sflag:s1] =	ssyncset.done $0x0  }
0x161: {  	[sflag:s1] =	ssyncadd.s32 $0xFFFFF100  }
0x162: {  	_ =	swait.ge [sflag:s1], $0xF00  }
0x163: {  	[sflag:s1] =	ssyncset.done $0x0  }
0x164: {  	[sflag:s1] =	ssyncadd.s32 $0xFFFFF100  }
0x165: {  	_ =	swait.ge [sflag:s1], $0xF00  }
0x166: {  	[sflag:s1] =	ssyncset.done $0x0  }
0x167: {  	[sflag:s1] =	ssyncadd.s32 $0xFFFFF100  }
0x168: {  	_ =	swait.ge [sflag:s1], $0xF00  }
0x169: {  	[sflag:s1] =	ssyncset.done $0x0  }
0x16a: {  	[sflag:s1] =	ssyncadd.s32 $0xFFFFF100  }
0x16b: {  	_ =	swait.ge [sflag:s1], $0xF00  }
0x16c: {  	[sflag:s1] =	ssyncset.done $0x0  }
0x16d: {  	[sflag:s1] =	ssyncadd.s32 $0xFFFFF100  }
0x16e: {  	_ =	swait.ge [sflag:s1], $0xF00  }
0x16f: {  	[sflag:s1] =	ssyncset.done $0x0  }
0x170: {  	[sflag:s1] =	ssyncadd.s32 $0xFFFFF100  }
0x171: {  	_ =	swait.ge [sflag:s1], $0xF00  }
0x172: {  	[sflag:s1] =	ssyncset.done $0x0  }
0x173: {  	[sflag:s1] =	ssyncadd.s32 $0xFFFFF100  }
0x174: {  	_ =	swait.ge [sflag:s1], $0xF00  }
0x175: {  	[sflag:s1] =	ssyncset.done $0x0  }
0x176: {  	s9 =	rddreg [dreg:$0x17];
	[sflag:s1] =	ssyncadd.s32 $0xFFFFF100  }
0x177: {  	[hbm4b:s9+s3] =	stream.linear.scatter [tilespmem:s16], [sflag:$0x2], $0x7800, $0x38;
	[tilespmem:$0x1E780] =	vst v63  }
0x178: {  	s6 =	simm.s32 $0x78;
	_ =	swait.ge [sflag:s13], $0x7800  }
0x179: {  	s8 =	simm.s32 $0xF0;
	s5 =	sadd.s32 $0xF00, s9;
	[sflag:s13] =	ssyncset.done $0x0  }
.LBB2_4:
0x17a: {  	s9 =	sadd.s32 s6, s10  }
0x17b: {  	[sflag:s13] =	ssyncadd.s32 $0xFFFF8800;
	s6 =	smov.u32 s8;
	s7 =	sadd.s32 $0x78, s8  }
0x17c: {  	[tilespmem:s3], [sflag:$0x2] =	stream.linear.gather [hbm4b:s9+s3], $0x3C0, $0x38;
	[tilespmem:$0x1E780] =	vst v63  }
0x17d: {  	p0 =	sne.s32 s8, $0x708;
	_ =	swait.ge [sflag:s13], $0x3C0  }
0x17e: {  	[sflag:s13] =	ssyncset.done $0x0  }
0x17f: {  	[sflag:s13] =	ssyncadd.s32 $0xFFFFFC40  }
0x180: {  	[tilespmem:s16], [sflag:$0x1] =	stream.indirect.gather [spmem:s2], $0x20, s3, s15, $0xb8;
	[tilespmem:$0x1E780] =	vst v63  }
0x181: {  	_ = 	snop  }
0x182: {  	[tilespmem:s18], [sflag:$0x1] =	stream.indirect.gather [spmem:s2], $0x20, s15, s15, $0xb8;
	[tilespmem:$0x1E780] =	vst v63  }
0x183: {  	_ = 	snop  }
0x184: {  	[tilespmem:s20], [sflag:$0x1] =	stream.indirect.gather [spmem:s2], $0x20, s19, s15, $0xb8;
	[tilespmem:$0x1E780] =	vst v63  }
0x185: {  	_ = 	snop  }
0x186: {  	[tilespmem:s22], [sflag:$0x1] =	stream.indirect.gather [spmem:s2], $0x20, s21, s15, $0xb8;
	[tilespmem:$0x1E780] =	vst v63  }
0x187: {  	_ = 	snop  }
0x188: {  	[tilespmem:s24], [sflag:$0x1] =	stream.indirect.gather [spmem:s2], $0x20, s23, s15, $0xb8;
	[tilespmem:$0x1E780] =	vst v63  }
0x189: {  	_ = 	snop  }
0x18a: {  	[tilespmem:s26], [sflag:$0x1] =	stream.indirect.gather [spmem:s2], $0x20, s25, s15, $0xb8;
	[tilespmem:$0x1E780] =	vst v63  }
0x18b: {  	_ = 	snop  }
0x18c: {  	[tilespmem:s29], [sflag:$0x1] =	stream.indirect.gather [spmem:s2], $0x20, s28, s15, $0xb8;
	[tilespmem:$0x1E780] =	vst v63  }
0x18d: {  	_ = 	snop  }
0x18e: {  	[tilespmem:s31], [sflag:$0x1] =	stream.indirect.gather [spmem:s2], $0x20, s30, s15, $0xb8;
	[tilespmem:$0x1E780] =	vst v63  }
0x18f: {  	_ =	swait.ge [sflag:s1], $0xF00  }
0x190: {  	[sflag:s1] =	ssyncset.done $0x0  }
0x191: {  	[sflag:s1] =	ssyncadd.s32 $0xFFFFF100  }
0x192: {  	_ =	swait.ge [sflag:s1], $0xF00  }
0x193: {  	[sflag:s1] =	ssyncset.done $0x0  }
0x194: {  	[sflag:s1] =	ssyncadd.s32 $0xFFFFF100  }
0x195: {  	_ =	swait.ge [sflag:s1], $0xF00  }
0x196: {  	[sflag:s1] =	ssyncset.done $0x0  }
0x197: {  	[sflag:s1] =	ssyncadd.s32 $0xFFFFF100  }
0x198: {  	_ =	swait.ge [sflag:s1], $0xF00  }
0x199: {  	[sflag:s1] =	ssyncset.done $0x0  }
0x19a: {  	[sflag:s1] =	ssyncadd.s32 $0xFFFFF100  }
0x19b: {  	_ =	swait.ge [sflag:s1], $0xF00  }
0x19c: {  	[sflag:s1] =	ssyncset.done $0x0  }
0x19d: {  	[sflag:s1] =	ssyncadd.s32 $0xFFFFF100  }
0x19e: {  	_ =	swait.ge [sflag:s1], $0xF00  }
0x19f: {  	[sflag:s1] =	ssyncset.done $0x0  }
0x1a0: {  	[sflag:s1] =	ssyncadd.s32 $0xFFFFF100  }
0x1a1: {  	_ =	swait.ge [sflag:s1], $0xF00  }
0x1a2: {  	[sflag:s1] =	ssyncset.done $0x0  }
0x1a3: {  	[sflag:s1] =	ssyncadd.s32 $0xFFFFF100  }
0x1a4: {  	_ =	swait.ge [sflag:s1], $0xF00  }
.Ltmp1:
0x1a5: {  	[sflag:s1] =	ssyncset.done $0x0;
	(pc) =	sbr.rel @p0 .LBB2_4-.Ltmp1, $4  }
0x1a6: {  	[sflag:s1] =	ssyncadd.s32 $0xFFFFF100  }
0x1a7: {  	[hbm4b:s5+s3] =	stream.linear.scatter [tilespmem:s16], [sflag:$0x2], $0x7800, $0x38;
	[tilespmem:$0x1E780] =	vst v63  }
0x1a8: {  	_ =	swait.ge [sflag:s13], $0x7800  }
0x1a9: {  	s8 =	smov.u32 s7;
	s5 =	sadd.s32 $0xF00, s5;
	[sflag:s13] =	ssyncset.done $0x0  }
0x1aa: {  	s6 =	sadd.s32 s6, s10;
	[sflag:s13] =	ssyncadd.s32 $0xFFFF8800  }
0x1ab: {  	[tilespmem:s3], [sflag:$0x2] =	stream.linear.gather [hbm4b:s6+s3], $0x3C0, $0x38;
	[tilespmem:$0x1E780] =	vst v63  }
0x1ac: {  	_ =	swait.ge [sflag:s13], $0x3C0  }
0x1ad: {  	[sflag:s13] =	ssyncset.done $0x0  }
0x1ae: {  	[sflag:s13] =	ssyncadd.s32 $0xFFFFFC40  }
0x1af: {  	[tilespmem:s16], [sflag:$0x1] =	stream.indirect.gather [spmem:s2], $0x20, s3, s15, $0xb8;
	[tilespmem:$0x1E780] =	vst v63  }
0x1b0: {  	_ = 	snop  }
0x1b1: {  	[tilespmem:s18], [sflag:$0x1] =	stream.indirect.gather [spmem:s2], $0x20, s15, s15, $0xb8;
	[tilespmem:$0x1E780] =	vst v63  }
0x1b2: {  	_ = 	snop  }
0x1b3: {  	[tilespmem:s20], [sflag:$0x1] =	stream.indirect.gather [spmem:s2], $0x20, s19, s15, $0xb8;
	[tilespmem:$0x1E780] =	vst v63  }
0x1b4: {  	_ = 	snop  }
0x1b5: {  	[tilespmem:s22], [sflag:$0x1] =	stream.indirect.gather [spmem:s2], $0x20, s21, s15, $0xb8;
	[tilespmem:$0x1E780] =	vst v63  }
0x1b6: {  	_ = 	snop  }
0x1b7: {  	[tilespmem:s24], [sflag:$0x1] =	stream.indirect.gather [spmem:s2], $0x20, s23, s15, $0xb8;
	[tilespmem:$0x1E780] =	vst v63  }
0x1b8: {  	_ = 	snop  }
0x1b9: {  	[tilespmem:s26], [sflag:$0x1] =	stream.indirect.gather [spmem:s2], $0x20, s25, s15, $0xb8;
	[tilespmem:$0x1E780] =	vst v63  }
0x1ba: {  	_ = 	snop  }
0x1bb: {  	[tilespmem:s29], [sflag:$0x1] =	stream.indirect.gather [spmem:s2], $0x20, s28, s15, $0xb8;
	[tilespmem:$0x1E780] =	vst v63  }
0x1bc: {  	_ = 	snop  }
0x1bd: {  	[tilespmem:s31], [sflag:$0x1] =	stream.indirect.gather [spmem:s2], $0x20, s30, s15, $0xb8;
	[tilespmem:$0x1E780] =	vst v63  }
0x1be: {  	_ =	swait.ge [sflag:s1], $0xF00  }
0x1bf: {  	[sflag:s1] =	ssyncset.done $0x0  }
0x1c0: {  	[sflag:s1] =	ssyncadd.s32 $0xFFFFF100  }
0x1c1: {  	_ =	swait.ge [sflag:s1], $0xF00  }
0x1c2: {  	[sflag:s1] =	ssyncset.done $0x0  }
0x1c3: {  	[sflag:s1] =	ssyncadd.s32 $0xFFFFF100  }
0x1c4: {  	_ =	swait.ge [sflag:s1], $0xF00  }
0x1c5: {  	[sflag:s1] =	ssyncset.done $0x0  }
0x1c6: {  	[sflag:s1] =	ssyncadd.s32 $0xFFFFF100  }
0x1c7: {  	_ =	swait.ge [sflag:s1], $0xF00  }
0x1c8: {  	[sflag:s1] =	ssyncset.done $0x0  }
0x1c9: {  	[sflag:s1] =	ssyncadd.s32 $0xFFFFF100  }
0x1ca: {  	_ =	swait.ge [sflag:s1], $0xF00  }
0x1cb: {  	[sflag:s1] =	ssyncset.done $0x0  }
0x1cc: {  	[sflag:s1] =	ssyncadd.s32 $0xFFFFF100  }
0x1cd: {  	_ =	swait.ge [sflag:s1], $0xF00  }
0x1ce: {  	[sflag:s1] =	ssyncset.done $0x0  }
0x1cf: {  	[sflag:s1] =	ssyncadd.s32 $0xFFFFF100  }
0x1d0: {  	_ =	swait.ge [sflag:s1], $0xF00  }
0x1d1: {  	[sflag:s1] =	ssyncset.done $0x0  }
0x1d2: {  	[sflag:s1] =	ssyncadd.s32 $0xFFFFF100  }
0x1d3: {  	_ =	swait.ge [sflag:s1], $0xF00  }
0x1d4: {  	[sflag:s1] =	ssyncset.done $0x0  }
0x1d5: {  	[sflag:s1] =	ssyncadd.s32 $0xFFFFF100  }
0x1d6: {  	[hbm4b:s5+s3] =	stream.linear.scatter [tilespmem:s16], [sflag:$0x2], $0x7800, $0x38;
	[tilespmem:$0x1E780] =	vst v63  }
0x1d7: {  	_ =	swait.ge [sflag:s13], $0x7800  }
0x1d8: {  	s4 =	sadd.s32 $0x1, s4;
	s9 =	rddreg [dreg:$0x15]  }
0x1d9: {  	p0 =	sne.s32 s4, s9  }
.Ltmp2:
0x1da: {  	_ = 	snop;
	(pc) =	sbr.rel @p0 .LBB2_1-.Ltmp2, $3  }
0x1db: {  	_ =	sdelay $0x1  }
0x1dc: {  	[sflag:s13] =	ssyncset.done $0x0  }
0x1dd: {  	[sflag:s13] =	ssyncadd.s32 $0xFFFF8800  }
0x1de: {  	_ =	sfence.sel $0x180000  }
0x1df: {  	[bflag:$0x0] =	sbarrier.arrive $0xFFFF  }
0x1e0: {  	_ =	strace $0x9000004D  }
0x1e1: {  	s0 =	stileid.u32;
	[bflag:$0x2] =	sbarrier.arrive $0xFFFF  }
0x1e2: {  	p0 =	sne.s32 s0, $0x0;
	s0 =	rddreg [dreg:$0x2]  }
0x1e3: {  	s0 =	sadd.s32 @!p0 $0x100000, s0  }
0x1e4: {  	[sflag:s0] =	ssyncadd.tile.s32 @!p0 $0x1;
	_ =	shalt  }
.Lfunc_end2:
_tile_overlayer_lowered:
.L_overlay_start_2:
0x1e5: {  	(tag) =	ssettag $0x2  }
0x1e6: {  	s0 =	rddreg [dreg:$0x0];
	s2 =	stileid.u32  }
0x1e7: {  	s1 =	rddreg [dreg:$0x1];
	p0 =	sne.s32 s2, $0x0  }
0x1e8: {  	s3 =	rddreg [dreg:$0x2];
	[bflag:$0x3] =	sbarrier.arrive $0xFFFF;
	s2 =	simm.s32 @!p0 $0x1C02  }
0x1e9: {  	[timem:s3], [sflag:s2] =	dma.local @!p0 [hbm:s0], s1  }
0x1ea: {  	s0 =	simm.s32 @!p0 $0x2  }
0x1eb: {  	_ =	swait.ge @!p0 [sflag:s0], s1  }
0x1ec: {  	s1 =	ssub.s32 @!p0 $0x0, s1;
	[sflag:s0] =	ssyncset.done @!p0 $0x0  }
0x1ed: {  	[sflag:s0] =	ssyncadd.s32 @!p0 s1  }
0x1ee: {  	[bflag:$0x3] =	sbarrier.arrive $0xFFFF  }
0x1ef: {  	_ =	shalt  }

// kernel: kernel.20.cloned.1.call-start
scs
__scs_entry_jumppad:
0x0: {  	(pc) =	sbr.rel $0x88, $3  }
0x1: {  	(tag) =	ssettag $0x0;
	lr =	simm.s32 $0x1  }
0x2: {  	[smem:$0x3F7F] =	sst lr;
	_ =	strace $0xD0000000  }
0x3: {  	_ = 	snop  }
0x4: {  	_ = 	snop  }
0x5: {  	_ = 	snop  }
0x6: {  	_ = 	snop  }
0x7: {  	_ = 	snop  }
__scs_overlays_trampoline_lowered:
0x8: {  	[smem:$0x3F8E] =	sst s0  }
0x9: {  	[smem:$0x3F8F] =	sst s1  }
0xa: {  	[smem:$0x3F90] =	sst s2  }
0xb: {  	[smem:$0x3F91] =	sst s3  }
0xc: {  	[smem:$0x3F92] =	sst s4  }
0xd: {  	[smem:$0x3F93] =	sst s5  }
0xe: {  	[smem:$0x3F94] =	sst s6  }
0xf: {  	[smem:$0x3F95] =	sst s7  }
0x10: {  	[smem:$0x3F96] =	sst s8  }
0x11: {  	[smem:$0x3F97] =	sst s9;
	s0 =	simm.s32 @!p0 $0x0  }
0x12: {  	s1 =	sld [smem:$0x3F7D];
	s0 =	simm.s32 @p0 $0x1  }
0x13: {  	[smem:$0x3F98] =	sst s0;
	s0 =	simm.s32 @!p1 $0x0  }
0x14: {  	s2 =	sld [smem:$0x3F7C];
	s0 =	simm.s32 @p1 $0x1  }
0x15: {  	[smem:$0x3F99] =	sst s0;
	s0 =	simm.s32 @!p2 $0x0  }
0x16: {  	s3 =	sld [smem:$0x3FDB];
	s0 =	simm.s32 @p2 $0x1  }
0x17: {  	s4 =	simm.s32 $0x1BF5;
	[smem:$0x3F9B] =	sst s0  }
0x18: {  	s0 =	sld [smem:$0x3F7E];
	_ =	swait.ge [sflag:s4], $0x0  }
0x19: {  	s7 =	sld [smem:$0x3F7F]  }
0x1a: {  	s8 =	sadd.s32 $0xFFFFE003, lr  }
0x1b: {  	s9 =	sadd.s32 $0xFFFFFEF7, lr;
	s5 =	simm.s32 $0xFFFFFFFF;
	p2 =	slt.u32 s8, $0xFFFFF086  }
0x1c: {  	p1 =	slt.u32 s9, $0xF7A;
	s5 =	simm.s32 @!p2 $0x0  }
0x1d: {  	s5 =	simm.s32 @p1 $0x1;
	p0 =	seq.s32 s7, s2  }
0x1e: {  	s7 =	smul.u32 @!p0 $0xF7A, s2;
	p2 =	seq.s32 @!p0 s5, $0x0  }
0x1f: {  	s9 =	smul.u32 $0xF7A, s1;
	s8 =	simm.s32 @!p0 $0x1BF5;
	p2 =	por !p2, p0  }
0x20: {  	[sflag:s8] =	ssyncset.s32 @!p0 $0xFFFFF086;
	s6 =	sadd.s32 @!p0 s3, s7;
	s7 =	simm.s32 @!p0 $0x108  }
0x21: {  	s3 =	sadd.s32 s3, s9;
	s6 =	sadd.s32 @!p0 $0x88, s6;
	s7 =	simm.s32 @p2 $0x1082  }
0x22: {  	[simem:s7], [sflag:s8] =	dma.local @!p0 [hbm:s6], $0xF7A  }
0x23: {  	s9 =	sor.u32 $0xD0000000, s2;
	s6 =	simm.s32 $0x108;
	_ =	swait.ge @!p0 [sflag:s8], $0x0  }
0x24: {  	s3 =	sadd.s32 $0x88, s3;
	s6 =	simm.s32 @!p1 $0x1082;
	[sflag:s4] =	ssyncset.s32 $0xFFFFF086  }
0x25: {  	[simem:s6], [sflag:s4] =	dma.local [hbm:s3], $0xF7A  }
0x26: {  	[smem:$0x3F7F] =	sst s1;
	(tag) =	ssettag s2;
	_ =	strace s9  }
0x27: {  	s1 =	sld [smem:$0x3F8F]  }
0x28: {  	s2 =	sld [smem:$0x3F90]  }
0x29: {  	s4 =	sld [smem:$0x3F92]  }
0x2a: {  	p0 =	seq.s32 s5, $0x0;
	s5 =	sld [smem:$0x3F93]  }
0x2b: {  	s6 =	sld [smem:$0x3F94]  }
0x2c: {  	s7 =	sld [smem:$0x3F95]  }
0x2d: {  	s3 =	simm.s32 $0x108;
	s8 =	sld [smem:$0x3F96]  }
0x2e: {  	s3 =	simm.s32 @!p0 $0x1082;
	s9 =	sld [smem:$0x3F97]  }
0x2f: {  	lr =	sadd.s32 s0, s3;
	s0 =	sld [smem:$0x3F8E]  }
0x30: {  	s3 =	sld [smem:$0x3F91]  }
0x31: {  	[smem:$0x3F9A] =	sst s10  }
0x32: {  	s10 =	sld [smem:$0x3F98];
	_ =	sdelay $0x3  }
0x33: {  	p0 =	seq.s32 s10, $0x1;
	s10 =	sld [smem:$0x3F9A];
	_ =	sdelay $0x3  }
0x34: {  	[smem:$0x3F9A] =	sst s10  }
0x35: {  	s10 =	sld [smem:$0x3F99];
	_ =	sdelay $0x3  }
0x36: {  	p1 =	seq.s32 s10, $0x1;
	s10 =	sld [smem:$0x3F9A];
	_ =	sdelay $0x3  }
0x37: {  	[smem:$0x3F9A] =	sst s10  }
0x38: {  	s10 =	sld [smem:$0x3F9B]  }
0x39: {  	_ = 	snop;
	(pc) =	sbr.ind lr, $3  }
0x3a: {  	_ = 	snop  }
0x3b: {  	_ = 	snop  }
0x3c: {  	p2 =	seq.s32 s10, $0x1;
	s10 =	sld [smem:$0x3F9A]  }
0x3d: {  	_ =	shalt  }
0x3e: {  	_ =	shalt  }
0x3f: {  	_ =	shalt  }
0x40: {  	_ =	shalt  }
0x41: {  	_ =	shalt  }
0x42: {  	_ =	shalt  }
0x43: {  	_ =	shalt  }
0x44: {  	_ =	shalt  }
0x45: {  	_ =	shalt  }
0x46: {  	_ =	shalt  }
0x47: {  	_ =	shalt  }
0x48: {  	_ =	shalt  }
0x49: {  	_ =	shalt  }
0x4a: {  	_ =	shalt  }
0x4b: {  	_ =	shalt  }
0x4c: {  	_ =	shalt  }
0x4d: {  	_ =	shalt  }
0x4e: {  	_ =	shalt  }
0x4f: {  	_ =	shalt  }
0x50: {  	_ =	shalt  }
0x51: {  	_ =	shalt  }
0x52: {  	_ =	shalt  }
0x53: {  	_ =	shalt  }
0x54: {  	_ =	shalt  }
0x55: {  	_ =	shalt  }
0x56: {  	_ =	shalt  }
0x57: {  	_ =	shalt  }
0x58: {  	_ =	shalt  }
0x59: {  	_ =	shalt  }
0x5a: {  	_ =	shalt  }
0x5b: {  	_ =	shalt  }
0x5c: {  	_ =	shalt  }
0x5d: {  	_ =	shalt  }
0x5e: {  	_ =	shalt  }
0x5f: {  	_ =	shalt  }
0x60: {  	_ =	shalt  }
0x61: {  	_ =	shalt  }
0x62: {  	_ =	shalt  }
0x63: {  	_ =	shalt  }
0x64: {  	_ =	shalt  }
0x65: {  	_ =	shalt  }
0x66: {  	_ =	shalt  }
0x67: {  	_ =	shalt  }
0x68: {  	_ =	shalt  }
0x69: {  	_ =	shalt  }
0x6a: {  	_ =	shalt  }
0x6b: {  	_ =	shalt  }
0x6c: {  	_ =	shalt  }
0x6d: {  	_ =	shalt  }
0x6e: {  	_ =	shalt  }
0x6f: {  	_ =	shalt  }
0x70: {  	_ =	shalt  }
0x71: {  	_ =	shalt  }
0x72: {  	_ =	shalt  }
0x73: {  	_ =	shalt  }
0x74: {  	_ =	shalt  }
0x75: {  	_ =	shalt  }
0x76: {  	_ =	shalt  }
0x77: {  	_ =	shalt  }
0x78: {  	_ =	shalt  }
0x79: {  	_ =	shalt  }
0x7a: {  	_ =	shalt  }
0x7b: {  	_ =	shalt  }
0x7c: {  	_ =	shalt  }
0x7d: {  	_ =	shalt  }
0x7e: {  	_ =	shalt  }
0x7f: {  	_ =	shalt  }
0x80: {  	_ =	shalt  }
0x81: {  	_ =	shalt  }
0x82: {  	_ =	shalt  }
0x83: {  	_ =	shalt  }
0x84: {  	_ =	shalt  }
0x85: {  	_ =	shalt  }
0x86: {  	_ =	shalt  }
0x87: {  	_ =	shalt  }
.Lfunc_end0:
.L_simem_size_0:
called_computation.3_lowered:
.L_overlay_start_0:
0x88: {  	s2 =	sld [smem:$0x3FD9]  }
0x89: {  	s3 =	sld [smem:$0x3FFE];
	_ =	sdelay $0x1  }
0x8a: {  	s1 =	srdreg.scid  }
0x8b: {  	s0 =	sand.u32 $0x1, s1  }
0x8c: {  	s16 =	sshll.u32 s0, $0xA;
	s2 =	sadd.s32 s3, s2  }
0x8d: {  	s2 =	sadd.s32 s2, s16  }
0x8e: {  	[smem:$0x3FA6] =	sst s2  }
0x8f: {  	_ = 	snop  }
0x90: {  	(tm) =	ssettm $0x1  }
0x91: {  	s17 =	sld [smem:$0x3FFB];
	_ =	sdelay $0x3  }
0x92: {  	_ =	strace s17  }
0x93: {  	s2 =	sld [smem:$0x3FFC];
	_ =	sdelay $0x3  }
0x94: {  	_ =	strace s2  }
0x95: {  	s2 =	sld [smem:$0x3FFD];
	_ =	sdelay $0x3  }
0x96: {  	_ =	strace s2  }
0x97: {  	_ =	strace $0x8FFFFFFF  }
0x98: {  	s18 =	sld [smem:$0x3FDB];
	_ =	sdelay $0x1  }
0x99: {  	s19 =	simm.s32 $_scs_section_size  }
0x9a: {  	s4 =	simm.s32 $_size__tile_overlayer_lowered;
	s5 =	simm.s32 $_tile_overlayer_lowered  }
0x9b: {  	s22 =	simm.s32 $0x1BFF;
	s21 =	sshll.u32 s5, $0x1;
	s2 =	sadd.s32 s19, s18  }
0x9c: {  	s6 =	simm.s32 $0x0;
	s20 =	sshll.u32 s4, $0x1;
	s4 =	sadd.s32 s21, s2  }
0x9d: {  	[timem:s6], [sflag:s22] =	dma.local [hbm:s4], s20  }
0x9e: {  	_ =	swait.ge [sflag:s22], s20  }
0x9f: {  	s3 =	ssub.s32 $0x0, s20;
	[sflag:s22] =	ssyncset.done $0x0  }
0xa0: {  	[sflag:s22] =	ssyncadd.s32 s3;
	_ =	sdelay $0x1  }
0xa1: {  	s23 =	simm.s32 $0x1B8B  }
0xa2: {  	_ =	swait.ge [sflag:s23], $0x1  }
0xa3: {  	[sflag:s23] =	ssyncset.done $0x0  }
0xa4: {  	s25 =	simm.s32 $0x1B8E;
	s24 =	sld [smem:$0x3FFE];
	[sflag:s23] =	ssyncadd.s32 $0xFFFFFFFF  }
0xa5: {  	s26 =	simm.s32 $execute0_lowered;
	[smem:$0x3FD2] =	sst s25  }
0xa6: {  	s4 =	sshll.u32 s26, $0x1;
	_ =	strace $0x8000004F;
	[dreg:$0x1] =	wrdreg $0xFFFFFFFF  }
0xa7: {  	s28 =	simm.s32 $_size_execute0_lowered;
	s2 =	sadd.s32 s2, s4;
	[dreg:$0x0] =	wrdreg $0x0  }
0xa8: {  	s4 =	sshll.u32 s28, $0x1;
	[dreg:$0x2] =	wrdreg s2  }
0xa9: {  	[dreg:$0x3] =	wrdreg s4  }
0xaa: {  	[dreg:$0x4] =	wrdreg $0xC0  }
0xab: {  	_ =	task [dreg:s6], $0x5FFFF  }
0xac: {  	[dreg:$0x1] =	wrdreg $0xFFFFFFFF  }
0xad: {  	[dreg:$0x0] =	wrdreg $0x60  }
0xae: {  	[dreg:$0x2] =	wrdreg s24  }
0xaf: {  	[dreg:$0x3] =	wrdreg $0x3FC00  }
0xb0: {  	[dreg:$0x4] =	wrdreg $0x9  }
0xb1: {  	_ =	task.clear_ibuf [dreg:s6], $0x5FFFF;
	_ =	strace $0x9000004F  }
0xb2: {  	s29 =	simm.s32 $0x9;
	_ =	strace $0x80000051  }
0xb3: {  	_ =	swait.ge [sflag:s29], $0x1  }
0xb4: {  	[sflag:s29] =	ssyncadd.s32 $0xFFFFFFFF  }
0xb5: {  	_ =	strace $0x90000051  }
0xb6: {  	_ =	sfence  }
0xb7: {  	s30 =	sld [smem:$0x0];
	_ =	sdelay $0x2  }
0xb8: {  	s31 =	sshll.u32 s1, $0xD;
	s1 =	sshrl.u32 s1, $0x2  }
0xb9: {  	s3 =	sand.u32 $0x4000, s31;
	s1 =	sadd.s32 s1, s30  }
0xba: {  	s0 =	sor.u32 s3, s0;
	s1 =	sshll.u32 s1, $0x11  }
0xbb: {  	s0 =	sor.u32 s1, s0  }
0xbc: {  	s0 =	sadd.s32 $0x8F2B, s0  }
0xbd: {  	[sflag:s0] =	ssyncadd.remote.s32 $0x1  }
0xbe: {  	_ =	sfence.sel $0xFFFF  }
0xbf: {  	[dreg:$0x0] =	wrdreg $0xFFFFFFFF;
	(pc) =	sbr.abs _section_cstart, $3  }
0xc0: {  	[dreg:$0x1] =	wrdreg $0xFFFFFFFF  }
0xc1: {  	_ =	task.clear_ibuf [dreg:s6], $0x2FFFF;
	_ =	strace $0x9FFFFFFF  }
0xc2: {  	(tm) =	ssettm $0x7FFFFFFF  }
0xc3: {  	_ =	shalt  }
tec
execute0_lowered:
.L_overlay_start_1:
0x0: {  	(tag) =	ssettag $0x1  }
0x1: {  	s0 =	rddreg [dreg:$0x0]  }
0x2: {  	s2 =	srdreg.scid;
	s1 =	rddreg [dreg:$0x1]  }
0x3: {  	s3 =	simm.s32 $0x0;
	s23 =	stileid.u32;
	s15 =	simm.s32 $0xF0  }
0x4: {  	s16 =	simm.s32 $0x12C0;
	s17 =	simm.s32 $0x168;
	s7 =	smul.u32 $0xF00, s23  }
0x5: {  	s18 =	simm.s32 $0x1A40;
	s19 =	simm.s32 $0x1E0;
	s25 =	smul.u32 $0x1E000, s23  }
0x6: {  	s20 =	simm.s32 $0x21C0;
	s21 =	simm.s32 $0x258;
	s29 =	smul.u32 $0x7800, s23  }
0x7: {  	s22 =	simm.s32 $0x2940;
	s5 =	sand.u32 $0x1, s2;
	s12 =	smul.u32 $0x780, s23  }
0x8: {  	s28 =	simm.s32 $0x0;
	[smem:$0x7FF] =	sst s3;
	s4 =	smul.u32 $0x78000, s5  }
0x9: {  	s11 =	sshll.u32 s23, $0x6;
	s23 =	simm.s32 $0x2D0;
	s6 =	smul.u32 $0x7800, s5  }
0xa: {  	_ =	strace $0x80000050;
	s8 =	smul.u32 $0xF000, s5;
	s5 =	ssub.s32 $0x2, s5  }
0xb: {  	s26 =	sshrl.u32 s5, $0x1;
	s9 =	sadd.s32 s4, s0;
	s10 =	sadd.s32 s6, s0  }
0xc: {  	s4 =	sadd.s32 $0x80400, s0;
	s24 =	sadd.s32 s7, s8;
	s7 =	sshrl.u32 s25, $0x2  }
0xd: {  	s13 =	ssub.s32 s5, s26;
	s5 =	sor.u32 $0x1C01, s11;
	s11 =	simm.s32 $0x1  }
0xe: {  	s25 =	simm.s32 $0x348;
	s26 =	simm.s32 $0x3840;
	s0 =	sadd.s32 s24, s0  }
0xf: {  	s14 =	sadd.s32 s7, s1;
	s30 =	sadd.s32 s29, s9;
	s31 =	sadd.s32 s12, s10  }
0x10: {  	s7 =	smax.u32 s13, $0x1;
	s12 =	simm.s32 $0x3C0;
	s13 =	simm.s32 $0x78  }
0x11: {  	s24 =	simm.s32 $0x30C0;
	s6 =	sadd.s32 $0x81400, s0;
	s8 =	sadd.s32 $0xBC400, s30  }
0x12: {  	s9 =	sadd.s32 $0xAD400, s31;
	s10 =	sshrl.u32 s14, $0x3;
	s14 =	simm.s32 $0xB40  }
.LBB2_1:
0x13: {  	[spmem:s10], [sflag:s5] =	dma.local [hbm:s4], $0xF00  }
0x14: {  	_ =	swait.ge [sflag:s11], $0xF00  }
0x15: {  	[sflag:s11] =	ssyncset.done $0x0  }
0x16: {  	[sflag:s11] =	ssyncadd.s32 $0xFFFFF100  }
0x17: {  	s0 =	sadd.s32 $0x0, s9;
	[bflag:$0x0] =	sbarrier.arrive $0xFFFF  }
0x18: {  	[tilespmem:s3], [sflag:$0x1] =	stream.linear.gather [hbm4b:s0+s3], $0x3C0, $0x38;
	[tilespmem:$0xB7C0] =	vst v63  }
0x19: {  	_ =	swait.ge [sflag:s11], $0x3C0  }
0x1a: {  	[sflag:s11] =	ssyncset.done $0x0  }
0x1b: {  	[sflag:s11] =	ssyncadd.s32 $0xFFFFFC40  }
0x1c: {  	[tilespmem:s12], [sflag:$0x1] =	stream.linear.gather [hbm4b:s8+s3], $0x3C00, $0x38;
	[tilespmem:$0xB7C0] =	vst v63  }
0x1d: {  	_ =	swait.ge [sflag:s11], $0x3C00  }
0x1e: {  	[sflag:s11] =	ssyncset.done $0x0  }
0x1f: {  	[sflag:s11] =	ssyncadd.s32 $0xFFFFC400  }
0x20: {  	[spmem:s1] =	stream.indirect.scatter.add.f32 [tilespmem:s12], [sflag:$0x1], $0x10, s3, s13, $0xb8;
	[tilespmem:$0xB7C0] =	vst v63  }
0x21: {  	_ =	swait.ge [sflag:s11], $0x780  }
0x22: {  	[sflag:s11] =	ssyncset.done $0x0  }
0x23: {  	[sflag:s11] =	ssyncadd.s32 $0xFFFFF880  }
0x24: {  	[spmem:s1] =	stream.indirect.scatter.add.f32 [tilespmem:s14], [sflag:$0x1], $0x10, s13, s13, $0xb8;
	[tilespmem:$0xB7C0] =	vst v63  }
0x25: {  	_ =	swait.ge [sflag:s11], $0x780  }
0x26: {  	[sflag:s11] =	ssyncset.done $0x0  }
0x27: {  	[sflag:s11] =	ssyncadd.s32 $0xFFFFF880  }
0x28: {  	[spmem:s1] =	stream.indirect.scatter.add.f32 [tilespmem:s16], [sflag:$0x1], $0x10, s15, s13, $0xb8;
	[tilespmem:$0xB7C0] =	vst v63  }
0x29: {  	_ =	swait.ge [sflag:s11], $0x780  }
0x2a: {  	[sflag:s11] =	ssyncset.done $0x0  }
0x2b: {  	[sflag:s11] =	ssyncadd.s32 $0xFFFFF880  }
0x2c: {  	[spmem:s1] =	stream.indirect.scatter.add.f32 [tilespmem:s18], [sflag:$0x1], $0x10, s17, s13, $0xb8;
	[tilespmem:$0xB7C0] =	vst v63  }
0x2d: {  	_ =	swait.ge [sflag:s11], $0x780  }
0x2e: {  	[sflag:s11] =	ssyncset.done $0x0  }
0x2f: {  	[sflag:s11] =	ssyncadd.s32 $0xFFFFF880  }
0x30: {  	[spmem:s1] =	stream.indirect.scatter.add.f32 [tilespmem:s20], [sflag:$0x1], $0x10, s19, s13, $0xb8;
	[tilespmem:$0xB7C0] =	vst v63  }
0x31: {  	_ =	swait.ge [sflag:s11], $0x780  }
0x32: {  	[sflag:s11] =	ssyncset.done $0x0  }
0x33: {  	[sflag:s11] =	ssyncadd.s32 $0xFFFFF880  }
0x34: {  	[spmem:s1] =	stream.indirect.scatter.add.f32 [tilespmem:s22], [sflag:$0x1], $0x10, s21, s13, $0xb8;
	[tilespmem:$0xB7C0] =	vst v63  }
0x35: {  	_ =	swait.ge [sflag:s11], $0x780  }
0x36: {  	[sflag:s11] =	ssyncset.done $0x0  }
0x37: {  	[sflag:s11] =	ssyncadd.s32 $0xFFFFF880  }
0x38: {  	[spmem:s1] =	stream.indirect.scatter.add.f32 [tilespmem:s24], [sflag:$0x1], $0x10, s23, s13, $0xb8;
	[tilespmem:$0xB7C0] =	vst v63  }
0x39: {  	_ =	swait.ge [sflag:s11], $0x780  }
0x3a: {  	[sflag:s11] =	ssyncset.done $0x0  }
0x3b: {  	[sflag:s11] =	ssyncadd.s32 $0xFFFFF880  }
0x3c: {  	[spmem:s1] =	stream.indirect.scatter.add.f32 [tilespmem:s26], [sflag:$0x1], $0x10, s25, s13, $0xb8;
	[tilespmem:$0xB7C0] =	vst v63  }
0x3d: {  	s30 =	simm.s32 $0x78;
	_ =	swait.ge [sflag:s11], $0x780  }
0x3e: {  	s31 =	simm.s32 $0xF0;
	s29 =	sadd.s32 $0x780, s8;
	[sflag:s11] =	ssyncset.done $0x0  }
.LBB2_2:
0x3f: {  	s2 =	sadd.s32 s30, s9  }
0x40: {  	[sflag:s11] =	ssyncadd.s32 $0xFFFFF880;
	s30 =	smov.u32 s31;
	s0 =	sadd.s32 $0x78, s31  }
0x41: {  	[tilespmem:s3], [sflag:$0x1] =	stream.linear.gather [hbm4b:s2+s3], $0x3C0, $0x38;
	[tilespmem:$0xB7C0] =	vst v63  }
0x42: {  	p0 =	sne.s32 s31, $0x708;
	_ =	swait.ge [sflag:s11], $0x3C0  }
0x43: {  	[sflag:s11] =	ssyncset.done $0x0  }
0x44: {  	[sflag:s11] =	ssyncadd.s32 $0xFFFFFC40  }
0x45: {  	[tilespmem:s12], [sflag:$0x1] =	stream.linear.gather [hbm4b:s29+s3], $0x3C00, $0x38;
	[tilespmem:$0xB7C0] =	vst v63  }
0x46: {  	_ =	swait.ge [sflag:s11], $0x3C00  }
0x47: {  	[sflag:s11] =	ssyncset.done $0x0  }
0x48: {  	[sflag:s11] =	ssyncadd.s32 $0xFFFFC400  }
0x49: {  	[spmem:s1] =	stream.indirect.scatter.add.f32 [tilespmem:s12], [sflag:$0x1], $0x10, s3, s13, $0xb8;
	[tilespmem:$0xB7C0] =	vst v63  }
0x4a: {  	_ =	swait.ge [sflag:s11], $0x780  }
0x4b: {  	[sflag:s11] =	ssyncset.done $0x0  }
0x4c: {  	[sflag:s11] =	ssyncadd.s32 $0xFFFFF880  }
0x4d: {  	[spmem:s1] =	stream.indirect.scatter.add.f32 [tilespmem:s14], [sflag:$0x1], $0x10, s13, s13, $0xb8;
	[tilespmem:$0xB7C0] =	vst v63  }
0x4e: {  	_ =	swait.ge [sflag:s11], $0x780  }
0x4f: {  	[sflag:s11] =	ssyncset.done $0x0  }
0x50: {  	[sflag:s11] =	ssyncadd.s32 $0xFFFFF880  }
0x51: {  	[spmem:s1] =	stream.indirect.scatter.add.f32 [tilespmem:s16], [sflag:$0x1], $0x10, s15, s13, $0xb8;
	[tilespmem:$0xB7C0] =	vst v63  }
0x52: {  	_ =	swait.ge [sflag:s11], $0x780  }
0x53: {  	[sflag:s11] =	ssyncset.done $0x0  }
0x54: {  	[sflag:s11] =	ssyncadd.s32 $0xFFFFF880  }
0x55: {  	[spmem:s1] =	stream.indirect.scatter.add.f32 [tilespmem:s18], [sflag:$0x1], $0x10, s17, s13, $0xb8;
	[tilespmem:$0xB7C0] =	vst v63  }
0x56: {  	_ =	swait.ge [sflag:s11], $0x780  }
0x57: {  	[sflag:s11] =	ssyncset.done $0x0  }
0x58: {  	[sflag:s11] =	ssyncadd.s32 $0xFFFFF880  }
0x59: {  	[spmem:s1] =	stream.indirect.scatter.add.f32 [tilespmem:s20], [sflag:$0x1], $0x10, s19, s13, $0xb8;
	[tilespmem:$0xB7C0] =	vst v63  }
0x5a: {  	_ =	swait.ge [sflag:s11], $0x780  }
0x5b: {  	[sflag:s11] =	ssyncset.done $0x0  }
0x5c: {  	[sflag:s11] =	ssyncadd.s32 $0xFFFFF880  }
0x5d: {  	[spmem:s1] =	stream.indirect.scatter.add.f32 [tilespmem:s22], [sflag:$0x1], $0x10, s21, s13, $0xb8;
	[tilespmem:$0xB7C0] =	vst v63  }
0x5e: {  	_ =	swait.ge [sflag:s11], $0x780  }
0x5f: {  	[sflag:s11] =	ssyncset.done $0x0  }
0x60: {  	[sflag:s11] =	ssyncadd.s32 $0xFFFFF880  }
0x61: {  	[spmem:s1] =	stream.indirect.scatter.add.f32 [tilespmem:s24], [sflag:$0x1], $0x10, s23, s13, $0xb8;
	[tilespmem:$0xB7C0] =	vst v63  }
0x62: {  	_ =	swait.ge [sflag:s11], $0x780  }
.Ltmp0:
0x63: {  	[sflag:s11] =	ssyncset.done $0x0;
	(pc) =	sbr.rel @p0 .LBB2_2-.Ltmp0, $4  }
0x64: {  	[sflag:s11] =	ssyncadd.s32 $0xFFFFF880  }
0x65: {  	[spmem:s1] =	stream.indirect.scatter.add.f32 [tilespmem:s26], [sflag:$0x1], $0x10, s25, s13, $0xb8;
	[tilespmem:$0xB7C0] =	vst v63  }
0x66: {  	_ =	swait.ge [sflag:s11], $0x780  }
0x67: {  	s31 =	smov.u32 s0;
	s29 =	sadd.s32 $0x780, s29;
	[sflag:s11] =	ssyncset.done $0x0  }
0x68: {  	s0 =	sadd.s32 s30, s9;
	[sflag:s11] =	ssyncadd.s32 $0xFFFFF880  }
0x69: {  	[tilespmem:s3], [sflag:$0x1] =	stream.linear.gather [hbm4b:s0+s3], $0x3C0, $0x38;
	[tilespmem:$0xB7C0] =	vst v63  }
0x6a: {  	_ =	swait.ge [sflag:s11], $0x3C0  }
0x6b: {  	[sflag:s11] =	ssyncset.done $0x0  }
0x6c: {  	[sflag:s11] =	ssyncadd.s32 $0xFFFFFC40  }
0x6d: {  	[tilespmem:s12], [sflag:$0x1] =	stream.linear.gather [hbm4b:s29+s3], $0x3C00, $0x38;
	[tilespmem:$0xB7C0] =	vst v63  }
0x6e: {  	_ =	swait.ge [sflag:s11], $0x3C00  }
0x6f: {  	[sflag:s11] =	ssyncset.done $0x0  }
0x70: {  	[sflag:s11] =	ssyncadd.s32 $0xFFFFC400  }
0x71: {  	[spmem:s1] =	stream.indirect.scatter.add.f32 [tilespmem:s12], [sflag:$0x1], $0x10, s3, s13, $0xb8;
	[tilespmem:$0xB7C0] =	vst v63  }
0x72: {  	_ =	swait.ge [sflag:s11], $0x780  }
0x73: {  	[sflag:s11] =	ssyncset.done $0x0  }
0x74: {  	[sflag:s11] =	ssyncadd.s32 $0xFFFFF880  }
0x75: {  	[spmem:s1] =	stream.indirect.scatter.add.f32 [tilespmem:s14], [sflag:$0x1], $0x10, s13, s13, $0xb8;
	[tilespmem:$0xB7C0] =	vst v63  }
0x76: {  	_ =	swait.ge [sflag:s11], $0x780  }
0x77: {  	[sflag:s11] =	ssyncset.done $0x0  }
0x78: {  	[sflag:s11] =	ssyncadd.s32 $0xFFFFF880  }
0x79: {  	[spmem:s1] =	stream.indirect.scatter.add.f32 [tilespmem:s16], [sflag:$0x1], $0x10, s15, s13, $0xb8;
	[tilespmem:$0xB7C0] =	vst v63  }
0x7a: {  	_ =	swait.ge [sflag:s11], $0x780  }
0x7b: {  	[sflag:s11] =	ssyncset.done $0x0  }
0x7c: {  	[sflag:s11] =	ssyncadd.s32 $0xFFFFF880  }
0x7d: {  	[spmem:s1] =	stream.indirect.scatter.add.f32 [tilespmem:s18], [sflag:$0x1], $0x10, s17, s13, $0xb8;
	[tilespmem:$0xB7C0] =	vst v63  }
0x7e: {  	_ =	swait.ge [sflag:s11], $0x780  }
0x7f: {  	[sflag:s11] =	ssyncset.done $0x0  }
0x80: {  	[sflag:s11] =	ssyncadd.s32 $0xFFFFF880  }
0x81: {  	[spmem:s1] =	stream.indirect.scatter.add.f32 [tilespmem:s20], [sflag:$0x1], $0x10, s19, s13, $0xb8;
	[tilespmem:$0xB7C0] =	vst v63  }
0x82: {  	_ =	swait.ge [sflag:s11], $0x780  }
0x83: {  	[sflag:s11] =	ssyncset.done $0x0  }
0x84: {  	[sflag:s11] =	ssyncadd.s32 $0xFFFFF880  }
0x85: {  	[spmem:s1] =	stream.indirect.scatter.add.f32 [tilespmem:s22], [sflag:$0x1], $0x10, s21, s13, $0xb8;
	[tilespmem:$0xB7C0] =	vst v63  }
0x86: {  	_ =	swait.ge [sflag:s11], $0x780  }
0x87: {  	[sflag:s11] =	ssyncset.done $0x0  }
0x88: {  	[sflag:s11] =	ssyncadd.s32 $0xFFFFF880  }
0x89: {  	[spmem:s1] =	stream.indirect.scatter.add.f32 [tilespmem:s24], [sflag:$0x1], $0x10, s23, s13, $0xb8;
	[tilespmem:$0xB7C0] =	vst v63  }
0x8a: {  	_ =	swait.ge [sflag:s11], $0x780  }
0x8b: {  	[sflag:s11] =	ssyncset.done $0x0  }
0x8c: {  	[sflag:s11] =	ssyncadd.s32 $0xFFFFF880  }
0x8d: {  	[spmem:s1] =	stream.indirect.scatter.add.f32 [tilespmem:s26], [sflag:$0x1], $0x10, s25, s13, $0xb8;
	[tilespmem:$0xB7C0] =	vst v63  }
0x8e: {  	_ =	swait.ge [sflag:s11], $0x780  }
0x8f: {  	s28 =	sadd.s32 $0x1, s28;
	[sflag:s11] =	ssyncset.done $0x0  }
0x90: {  	p0 =	sne.s32 s28, s7;
	[sflag:s11] =	ssyncadd.s32 $0xFFFFF880  }
.Ltmp1:
0x91: {  	[bflag:$0x0] =	sbarrier.arrive $0xFFFF;
	(pc) =	sbr.rel @p0 .LBB2_1-.Ltmp1, $4  }
0x92: {  	[hbm:s6], [sflag:s5] =	dma.local [spmem:s10], $0xF00  }
0x93: {  	_ =	swait.ge [sflag:s11], $0xF00  }
0x94: {  	[sflag:s11] =	ssyncset.done $0x0  }
0x95: {  	[sflag:s11] =	ssyncadd.s32 $0xFFFFF100  }
0x96: {  	_ =	sfence.sel $0x180000  }
0x97: {  	[bflag:$0x0] =	sbarrier.arrive $0xFFFF  }
0x98: {  	_ =	strace $0x90000050  }
0x99: {  	s0 =	stileid.u32;
	[bflag:$0x2] =	sbarrier.arrive $0xFFFF  }
0x9a: {  	p0 =	sne.s32 s0, $0x0;
	s0 =	rddreg [dreg:$0x2]  }
0x9b: {  	s0 =	sadd.s32 @!p0 $0x100000, s0  }
0x9c: {  	[sflag:s0] =	ssyncadd.tile.s32 @!p0 $0x1;
	_ =	shalt  }
.Lfunc_end2:
_tile_overlayer_lowered:
.L_overlay_start_2:
0x9d: {  	(tag) =	ssettag $0x2  }
0x9e: {  	s0 =	rddreg [dreg:$0x0];
	s2 =	stileid.u32  }
0x9f: {  	s1 =	rddreg [dreg:$0x1];
	p0 =	sne.s32 s2, $0x0  }
0xa0: {  	s3 =	rddreg [dreg:$0x2];
	[bflag:$0x3] =	sbarrier.arrive $0xFFFF;
	s2 =	simm.s32 @!p0 $0x1C01  }
0xa1: {  	[timem:s3], [sflag:s2] =	dma.local @!p0 [hbm:s0], s1  }
0xa2: {  	s0 =	simm.s32 @!p0 $0x1  }
0xa3: {  	_ =	swait.ge @!p0 [sflag:s0], s1  }
0xa4: {  	s1 =	ssub.s32 @!p0 $0x0, s1;
	[sflag:s0] =	ssyncset.done @!p0 $0x0  }
0xa5: {  	[sflag:s0] =	ssyncadd.s32 @!p0 s1  }
0xa6: {  	[bflag:$0x3] =	sbarrier.arrive $0xFFFF  }
0xa7: {  	_ =	shalt  }

</sc_bundles>
